<compile_context>
chip_gen: v7x
topology: tpu7x:2x2x1
jax: 0.10.2.dev20260603
libtpu: 0.0.44.dev20260713+nightly
codegen_flags: <defaults>
</compile_context>

<pallas_src>
import functools

import jax
import jax.numpy as jnp
from jax import lax
from jax.experimental import pallas as pl
from jax.experimental.pallas import tpu as pltpu
from jax.experimental.pallas import tpu_sc as plsc

N = 10000
D = 128
E = 320000
NP = 10240
C = 80
NSC = 2
NSUB = 16
NW = NSC * NSUB
K = 125
EPW = K * C
RPT = NP // NSUB
KM = 120

_sc_mesh = plsc.VectorSubcoreMesh(core_axis_name="c", subcore_axis_name="s")


@functools.partial(
    pl.kernel,
    out_type=jax.ShapeDtypeStruct((NSC, NP), jnp.float32),
    mesh=_sc_mesh,
    scratch_types=[
        pltpu.VMEM((K, C), jnp.int32),
        pltpu.VMEM((C,), jnp.float32),
        pltpu.VMEM((RPT,), jnp.float32),
        pltpu.VMEM_SHARED((NP,), jnp.float32),
        pltpu.SemaphoreType.DMA,
        pltpu.SemaphoreType.DMA,
    ],
)
def _deg_kernel(edge_hbm, out_hbm, didx_v, ones_v, zrow_v, deg_sh, sem, isem):
    cid = lax.axis_index("c")
    sid = lax.axis_index("s")
    wid = sid * NSC + cid
    base = wid * EPW

    @pl.loop(0, K)
    def _il(j):
        pltpu.async_copy(edge_hbm.at[pl.ds(E + base + j * C, C)],
                         didx_v.at[j], isem)

    for i in range(C // 16):
        ones_v[pl.ds(i * 16, 16)] = jnp.ones((16,), jnp.float32)
    for i in range(RPT // 16):
        zrow_v[pl.ds(i * 16, 16)] = jnp.zeros((16,), jnp.float32)
    r0 = sid * RPT
    pltpu.sync_copy(zrow_v, deg_sh.at[pl.ds(r0, RPT)])

    @pl.loop(0, K)
    def _ilw(j):
        pltpu.make_async_copy(edge_hbm.at[pl.ds(E + base, C)],
                              didx_v.at[0], isem).wait()

    plsc.subcore_barrier()

    @pl.loop(0, K)
    def _fire(j):
        pltpu.async_copy(ones_v, deg_sh.at[didx_v.at[j]], sem, add=True)

    @pl.loop(0, K)
    def _drain(j):
        pltpu.make_async_copy(ones_v, deg_sh.at[didx_v.at[0]], sem).wait()

    plsc.subcore_barrier()
    pltpu.sync_copy(deg_sh.at[pl.ds(r0, RPT)], out_hbm.at[cid, pl.ds(r0, RPT)])


@functools.partial(
    pl.kernel,
    out_type=jax.ShapeDtypeStruct((NSC, NP, D), jnp.float32),
    mesh=_sc_mesh,
    scratch_types=[
        [pltpu.VMEM((1, C), jnp.int32) for _ in range(8)],
        [pltpu.VMEM((1, C), jnp.int32) for _ in range(8)],
        [pltpu.VMEM((C, D), jnp.float32) for _ in range(4)],
        pltpu.VMEM((16, D), jnp.float32),
        pltpu.VMEM_SHARED((NP, D), jnp.float32),
        [pltpu.SemaphoreType.DMA for _ in range(8)],
        [pltpu.SemaphoreType.DMA for _ in range(4)],
        [pltpu.SemaphoreType.DMA for _ in range(4)],
        pltpu.SemaphoreType.DMA,
    ],
)
def _agg_kernel(g_hbm, edge_hbm, out_hbm,
                sidx, didx, rows, zbuf, acc_sh, isem, gsem, ssem, zsem):
    cid = lax.axis_index("c")
    sid = lax.axis_index("s")
    wid = sid * NSC + cid
    r0 = sid * RPT
    base = wid * EPW

    def iload(j, bi):
        pltpu.async_copy(edge_hbm.at[pl.ds(base + j * C, C)],
                         sidx[bi].at[0], isem[bi])
        pltpu.async_copy(edge_hbm.at[pl.ds(E + base + j * C, C)],
                         didx[bi].at[0], isem[bi])

    def iwait(bi):
        pltpu.make_async_copy(edge_hbm.at[pl.ds(base, C)],
                              sidx[bi].at[0], isem[bi]).wait()
        pltpu.make_async_copy(edge_hbm.at[pl.ds(E + base, C)],
                              didx[bi].at[0], isem[bi]).wait()

    def gather(bi, br):
        pltpu.async_copy(g_hbm.at[sidx[bi].at[0]], rows[br], gsem[br])

    def gwait(br):
        pltpu.make_async_copy(g_hbm.at[sidx[0].at[0]], rows[br],
                              gsem[br]).wait()

    def scat(bi, br):
        pltpu.async_copy(rows[br], acc_sh.at[didx[bi].at[0]], ssem[br],
                         add=True)

    def swait(br):
        pltpu.make_async_copy(rows[br], acc_sh.at[didx[0].at[0]],
                              ssem[br]).wait()

    for j in range(8):
        iload(j, j)
    for b in range(4):
        iwait(b)
        gather(b, b)

    for i in range(16):
        for k in range(D // 16):
            zbuf[i, pl.ds(k * 16, 16)] = jnp.zeros((16,), jnp.float32)
    for i in range(RPT // 16):
        pltpu.async_copy(zbuf, acc_sh.at[pl.ds(r0 + i * 16, 16)], zsem)
    for i in range(RPT // 16):
        pltpu.make_async_copy(zbuf, acc_sh.at[pl.ds(r0, 16)], zsem).wait()
    plsc.subcore_barrier()

    @pl.loop(0, KM, step=8)
    def _edges(j):
        for b in range(8):
            br = b % 4
            gwait(br)
            scat(b, br)
            swait(br)

            @pl.when(j + b + 8 < K)
            def _():
                iload(j + b + 8, b)

            @pl.when(j + b + 4 < K)
            def _():
                iwait((b + 4) % 8)
                gather((b + 4) % 8, br)

    for jj in range(KM, K):
        br = jj % 4
        gwait(br)
        scat(jj % 8, br)
        swait(br)
        if jj + 4 < K:
            iwait((jj + 4) % 8)
            gather((jj + 4) % 8, br)

    plsc.subcore_barrier()
    pltpu.sync_copy(acc_sh.at[pl.ds(r0, RPT)],
                    out_hbm.at[cid, pl.ds(r0, RPT)])


_BM = 1024


def _g_body(x_ref, w_ref, dg_ref, g_ref):
    d = dg_ref[0] + dg_ref[1] + 1.0
    dinv = lax.rsqrt(d)
    h = jnp.dot(x_ref[:, :], w_ref[:, :], preferred_element_type=jnp.float32)
    g_ref[:, :] = h * dinv[:, None]


_g_call = pl.pallas_call(
    _g_body,
    grid=(NP // _BM,),
    in_specs=[
        pl.BlockSpec((_BM, D), lambda i: (i, 0)),
        pl.BlockSpec((D, D), lambda i: (0, 0)),
        pl.BlockSpec((NSC, _BM), lambda i: (0, i)),
    ],
    out_specs=pl.BlockSpec((_BM, D), lambda i: (i, 0)),
    out_shape=jax.ShapeDtypeStruct((NP, D), jnp.float32),
)


def _fin_body(acc_ref, g_ref, dg_ref, b_ref, o_ref):
    d = dg_ref[0] + dg_ref[1] + 1.0
    dinv = lax.rsqrt(d)
    s = acc_ref[0] + acc_ref[1] + g_ref[:, :]
    o_ref[:, :] = s * dinv[:, None] + b_ref[0]


_fin_call = pl.pallas_call(
    _fin_body,
    grid=(NP // _BM,),
    in_specs=[
        pl.BlockSpec((NSC, _BM, D), lambda i: (0, i, 0)),
        pl.BlockSpec((_BM, D), lambda i: (i, 0)),
        pl.BlockSpec((NSC, _BM), lambda i: (0, i)),
        pl.BlockSpec((1, D), lambda i: (0, 0)),
    ],
    out_specs=pl.BlockSpec((_BM, D), lambda i: (i, 0)),
    out_shape=jax.ShapeDtypeStruct((N, D), jnp.float32),
)


def kernel(x, edge_index, W, b):
    e_flat = edge_index.reshape(2 * E)
    degp = _deg_kernel(e_flat)
    g = _g_call(x, W, degp)
    accs = _agg_kernel(g, e_flat)
    out = _fin_call(accs, g, degp, b.reshape(1, D))
    return out

# --- scband reference (transcript-rebuilt; emitter-appended) ---
"""Pipeline reference for scband-dy-vgrnn-73452530696417 (READ-ONLY COPY).

The authoritative reference and input builder live on the scoring server;
editing this copy changes nothing except your own understanding.
"""

import jax, jax.numpy as jnp
import numpy as np

N_NODES = 10000
N_EDGES = 320000
D_FEAT = 128


def setup_inputs(seed: int = 0) -> dict:
    key = jax.random.key(seed)
    k1, k2, k3, k4 = jax.random.split(key, 4)
    x = jax.random.normal(k1, (N_NODES, D_FEAT), dtype=jnp.float32)
    edge_index = jax.random.randint(k2, (2, N_EDGES), 0, N_NODES, dtype=jnp.int32)
    # glorot-initialized weight as in GCNConv (the core message-passing layer of DyVGRNN)
    stdv = np.sqrt(6.0 / (D_FEAT + D_FEAT))
    W = jax.random.uniform(k3, (D_FEAT, D_FEAT), dtype=jnp.float32, minval=-stdv, maxval=stdv)
    b = jnp.zeros((D_FEAT,), dtype=jnp.float32)
    return {"x": x, "edge_index": edge_index, "W": W, "b": b}


def reference(x, edge_index, W, b):
    # GCNConv forward: add self-loops, symmetric normalization, gather-transform-scatter
    n = x.shape[0]
    src = edge_index[0]
    dst = edge_index[1]
    loop = jnp.arange(n, dtype=edge_index.dtype)
    src_f = jnp.concatenate([src, loop], axis=0)
    dst_f = jnp.concatenate([dst, loop], axis=0)
    # degree computed by scatter-add of ones on destination nodes
    deg = jnp.zeros((n,), dtype=x.dtype).at[dst_f].add(jnp.ones_like(dst_f, dtype=x.dtype))
    deg_inv_sqrt = jnp.where(deg > 0, deg ** -0.5, 0.0)
    norm = deg_inv_sqrt[src_f] * deg_inv_sqrt[dst_f]
    # linear transform then propagate
    h = x @ W
    msgs = jnp.take(h, src_f, axis=0) * norm[:, None]
    out = jnp.zeros((n, h.shape[1]), dtype=x.dtype).at[dst_f].add(msgs)
    out = out + b
    return out


if False:  # reference __main__ guard neutralized (emitter)
    inp = setup_inputs()
    o = reference(**inp)
    print(o.shape, o.dtype)

if __name__ == "__main__":
    import jax
    _d = setup_inputs()
    print(jax.jit(kernel)(*tuple(_d.values())))

</pallas_src>

<mosaic_0001>
#map = affine_map<(d0, d1) -> (0)>
#map1 = affine_map<(d0, d1) -> (0, 0)>
module attributes {stable_mosaic.version = 14 : i64} {
  func.func @_deg_kernel(%arg0: i32, %arg1: i32, %arg2: memref<640000xi32, #tpu.memory_space<hbm>>, %arg3: memref<2x10240xf32, #tpu.memory_space<hbm>>, %arg4: memref<125x80xi32, #tpu.memory_space<vmem>>, %arg5: memref<80xf32, #tpu.memory_space<vmem>>, %arg6: memref<640xf32, #tpu.memory_space<vmem>>, %arg7: memref<10240xf32, #tpu.memory_space<vmem_shared>>, %arg8: memref<!tpu.dma_semaphore, #tpu.memory_space<semaphore_mem>>, %arg9: memref<!tpu.dma_semaphore, #tpu.memory_space<semaphore_mem>>) attributes {dimension_semantics = [#tpu.dimension_semantics<core_parallel>, #tpu.dimension_semantics<subcore_parallel>], iteration_bounds = array<i64: 2, 16>, scalar_prefetch = 0 : i64, scratch_operands = 6 : i64, tpu.core_type = #tpu.core_type<sc_vector_subcore>, window_params = [{transform_indices = #map}, {transform_indices = #map1}]} {
    %mul3A = arith.constant 2 : i32
    %mul3A_0 = arith.muli %arg1, %mul3A : i32
    %add3A = arith.addi %mul3A_0, %arg0 : i32
    %mul3A_1 = arith.constant 10000 : i32
    %mul3A_2 = arith.muli %add3A, %mul3A_1 : i32
    %scan3A = arith.constant 0 : i32
    %scan3A_3 = arith.constant 125 : i32
    %scan3A_4 = arith.addi %scan3A, %scan3A_3 : i32
    %scan3A_5 = arith.constant 1 : i32
    scf.for %scan3A_293 = %scan3A to %scan3A_4 step %scan3A_5  : i32 {
      %mul3A_294 = arith.constant 1 : i32
      %mul3A_295 = arith.muli %scan3A_293, %mul3A_294 : i32
      %add3A_296 = arith.constant 0 : i32
      %add3A_297 = arith.addi %add3A_296, %mul3A_295 : i32
      %add3A_298 = arith.constant 320000 : i32
      %add3A_299 = arith.addi %add3A_298, %mul3A_2 : i32
      %mul3A_300 = arith.constant 80 : i32
      %mul3A_301 = arith.muli %add3A_297, %mul3A_300 : i32
      %add3A_302 = arith.addi %add3A_299, %mul3A_301 : i32
      %dma_start3A = arith.constant 0 : i32
      %dma_start3A_303 = tpu.memref_slice %arg4[%add3A_297, %dma_start3A] : memref<125x80xi32, #tpu.memory_space<vmem>> -> memref<1x80xi32, #tpu.memory_space<vmem>>
      %dma_start3A_304 = tpu.memref_squeeze %dma_start3A_303 : memref<1x80xi32, #tpu.memory_space<vmem>> -> memref<80xi32, #tpu.memory_space<vmem>>
      %dma_start3A_305 = tpu.memref_slice %arg2[%add3A_302] : memref<640000xi32, #tpu.memory_space<hbm>> -> memref<80xi32, #tpu.memory_space<hbm>>
      %dma_start3A_306 = arith.constant 0 : i32
      %dma_start3A_307 = tpu.memref_slice %arg4[%add3A_297, %dma_start3A_306] : memref<125x80xi32, #tpu.memory_space<vmem>> -> memref<1x80xi32, #tpu.memory_space<vmem>>
      %dma_start3A_308 = tpu.memref_squeeze %dma_start3A_307 : memref<1x80xi32, #tpu.memory_space<vmem>> -> memref<80xi32, #tpu.memory_space<vmem>>
      %dma_start3A_309 = tpu.memref_slice %arg2[%add3A_302] : memref<640000xi32, #tpu.memory_space<hbm>> -> memref<80xi32, #tpu.memory_space<hbm>>
      tpu.enqueue_dma source(%dma_start3A_309 : memref<80xi32, #tpu.memory_space<hbm>>) target(%dma_start3A_308 : memref<80xi32, #tpu.memory_space<vmem>>) target_semaphore(%arg9 : memref<!tpu.dma_semaphore, #tpu.memory_space<semaphore_mem>>)
    }
    %scan3A_6 = arith.constant 125 : i32
    %broadcast_in_dim3A = arith.constant 1.000000e+00 : f32
    %broadcast_in_dim3A_7 = vector.broadcast %broadcast_in_dim3A : f32 to vector<16xf32>
    %swap3A = arith.constant 0 : index
    %swap3A_8 = tpu.vector_load %arg5[%swap3A] {strides = array<i32>} : memref<80xf32, #tpu.memory_space<vmem>>, vector<16xf32>,
    %swap3A_9 = vector.shape_cast %swap3A_8 : vector<16xf32> to vector<16xf32>
    %swap3A_10 = vector.shape_cast %broadcast_in_dim3A_7 : vector<16xf32> to vector<16xf32>
    tpu.vector_store %arg5[%swap3A], %swap3A_10 {strides = array<i32>} : memref<80xf32, #tpu.memory_space<vmem>>, vector<16xf32>,
    %broadcast_in_dim3A_11 = arith.constant 1.000000e+00 : f32
    %broadcast_in_dim3A_12 = vector.broadcast %broadcast_in_dim3A_11 : f32 to vector<16xf32>
    %swap3A_13 = arith.constant 16 : index
    %swap3A_14 = tpu.vector_load %arg5[%swap3A_13] {strides = array<i32>} : memref<80xf32, #tpu.memory_space<vmem>>, vector<16xf32>,
    %swap3A_15 = vector.shape_cast %swap3A_14 : vector<16xf32> to vector<16xf32>
    %swap3A_16 = vector.shape_cast %broadcast_in_dim3A_12 : vector<16xf32> to vector<16xf32>
    tpu.vector_store %arg5[%swap3A_13], %swap3A_16 {strides = array<i32>} : memref<80xf32, #tpu.memory_space<vmem>>, vector<16xf32>,
    %broadcast_in_dim3A_17 = arith.constant 1.000000e+00 : f32
    %broadcast_in_dim3A_18 = vector.broadcast %broadcast_in_dim3A_17 : f32 to vector<16xf32>
    %swap3A_19 = arith.constant 32 : index
    %swap3A_20 = tpu.vector_load %arg5[%swap3A_19] {strides = array<i32>} : memref<80xf32, #tpu.memory_space<vmem>>, vector<16xf32>,
    %swap3A_21 = vector.shape_cast %swap3A_20 : vector<16xf32> to vector<16xf32>
    %swap3A_22 = vector.shape_cast %broadcast_in_dim3A_18 : vector<16xf32> to vector<16xf32>
    tpu.vector_store %arg5[%swap3A_19], %swap3A_22 {strides = array<i32>} : memref<80xf32, #tpu.memory_space<vmem>>, vector<16xf32>,
    %broadcast_in_dim3A_23 = arith.constant 1.000000e+00 : f32
    %broadcast_in_dim3A_24 = vector.broadcast %broadcast_in_dim3A_23 : f32 to vector<16xf32>
    %swap3A_25 = arith.constant 48 : index
    %swap3A_26 = tpu.vector_load %arg5[%swap3A_25] {strides = array<i32>} : memref<80xf32, #tpu.memory_space<vmem>>, vector<16xf32>,
    %swap3A_27 = vector.shape_cast %swap3A_26 : vector<16xf32> to vector<16xf32>
    %swap3A_28 = vector.shape_cast %broadcast_in_dim3A_24 : vector<16xf32> to vector<16xf32>
    tpu.vector_store %arg5[%swap3A_25], %swap3A_28 {strides = array<i32>} : memref<80xf32, #tpu.memory_space<vmem>>, vector<16xf32>,
    %broadcast_in_dim3A_29 = arith.constant 1.000000e+00 : f32
    %broadcast_in_dim3A_30 = vector.broadcast %broadcast_in_dim3A_29 : f32 to vector<16xf32>
    %swap3A_31 = arith.constant 64 : index
    %swap3A_32 = tpu.vector_load %arg5[%swap3A_31] {strides = array<i32>} : memref<80xf32, #tpu.memory_space<vmem>>, vector<16xf32>,
    %swap3A_33 = vector.shape_cast %swap3A_32 : vector<16xf32> to vector<16xf32>
    %swap3A_34 = vector.shape_cast %broadcast_in_dim3A_30 : vector<16xf32> to vector<16xf32>
    tpu.vector_store %arg5[%swap3A_31], %swap3A_34 {strides = array<i32>} : memref<80xf32, #tpu.memory_space<vmem>>, vector<16xf32>,
    %broadcast_in_dim3A_35 = arith.constant 0.000000e+00 : f32
    %broadcast_in_dim3A_36 = vector.broadcast %broadcast_in_dim3A_35 : f32 to vector<16xf32>
    %swap3A_37 = arith.constant 0 : index
    %swap3A_38 = tpu.vector_load %arg6[%swap3A_37] {strides = array<i32>} : memref<640xf32, #tpu.memory_space<vmem>>, vector<16xf32>,
    %swap3A_39 = vector.shape_cast %swap3A_38 : vector<16xf32> to vector<16xf32>
    %swap3A_40 = vector.shape_cast %broadcast_in_dim3A_36 : vector<16xf32> to vector<16xf32>
    tpu.vector_store %arg6[%swap3A_37], %swap3A_40 {strides = array<i32>} : memref<640xf32, #tpu.memory_space<vmem>>, vector<16xf32>,
    %broadcast_in_dim3A_41 = arith.constant 0.000000e+00 : f32
    %broadcast_in_dim3A_42 = vector.broadcast %broadcast_in_dim3A_41 : f32 to vector<16xf32>
    %swap3A_43 = arith.constant 16 : index
    %swap3A_44 = tpu.vector_load %arg6[%swap3A_43] {strides = array<i32>} : memref<640xf32, #tpu.memory_space<vmem>>, vector<16xf32>,
    %swap3A_45 = vector.shape_cast %swap3A_44 : vector<16xf32> to vector<16xf32>
    %swap3A_46 = vector.shape_cast %broadcast_in_dim3A_42 : vector<16xf32> to vector<16xf32>
    tpu.vector_store %arg6[%swap3A_43], %swap3A_46 {strides = array<i32>} : memref<640xf32, #tpu.memory_space<vmem>>, vector<16xf32>,
    %broadcast_in_dim3A_47 = arith.constant 0.000000e+00 : f32
    %broadcast_in_dim3A_48 = vector.broadcast %broadcast_in_dim3A_47 : f32 to vector<16xf32>
    %swap3A_49 = arith.constant 32 : index
    %swap3A_50 = tpu.vector_load %arg6[%swap3A_49] {strides = array<i32>} : memref<640xf32, #tpu.memory_space<vmem>>, vector<16xf32>,
    %swap3A_51 = vector.shape_cast %swap3A_50 : vector<16xf32> to vector<16xf32>
    %swap3A_52 = vector.shape_cast %broadcast_in_dim3A_48 : vector<16xf32> to vector<16xf32>
    tpu.vector_store %arg6[%swap3A_49], %swap3A_52 {strides = array<i32>} : memref<640xf32, #tpu.memory_space<vmem>>, vector<16xf32>,
    %broadcast_in_dim3A_53 = arith.constant 0.000000e+00 : f32
    %broadcast_in_dim3A_54 = vector.broadcast %broadcast_in_dim3A_53 : f32 to vector<16xf32>
    %swap3A_55 = arith.constant 48 : index
    %swap3A_56 = tpu.vector_load %arg6[%swap3A_55] {strides = array<i32>} : memref<640xf32, #tpu.memory_space<vmem>>, vector<16xf32>,
    %swap3A_57 = vector.shape_cast %swap3A_56 : vector<16xf32> to vector<16xf32>
    %swap3A_58 = vector.shape_cast %broadcast_in_dim3A_54 : vector<16xf32> to vector<16xf32>
    tpu.vector_store %arg6[%swap3A_55], %swap3A_58 {strides = array<i32>} : memref<640xf32, #tpu.memory_space<vmem>>, vector<16xf32>,
    %broadcast_in_dim3A_59 = arith.constant 0.000000e+00 : f32
    %broadcast_in_dim3A_60 = vector.broadcast %broadcast_in_dim3A_59 : f32 to vector<16xf32>
    %swap3A_61 = arith.constant 64 : index
    %swap3A_62 = tpu.vector_load %arg6[%swap3A_61] {strides = array<i32>} : memref<640xf32, #tpu.memory_space<vmem>>, vector<16xf32>,
    %swap3A_63 = vector.shape_cast %swap3A_62 : vector<16xf32> to vector<16xf32>
    %swap3A_64 = vector.shape_cast %broadcast_in_dim3A_60 : vector<16xf32> to vector<16xf32>
    tpu.vector_store %arg6[%swap3A_61], %swap3A_64 {strides = array<i32>} : memref<640xf32, #tpu.memory_space<vmem>>, vector<16xf32>,
    %broadcast_in_dim3A_65 = arith.constant 0.000000e+00 : f32
    %broadcast_in_dim3A_66 = vector.broadcast %broadcast_in_dim3A_65 : f32 to vector<16xf32>
    %swap3A_67 = arith.constant 80 : index
    %swap3A_68 = tpu.vector_load %arg6[%swap3A_67] {strides = array<i32>} : memref<640xf32, #tpu.memory_space<vmem>>, vector<16xf32>,
    %swap3A_69 = vector.shape_cast %swap3A_68 : vector<16xf32> to vector<16xf32>
    %swap3A_70 = vector.shape_cast %broadcast_in_dim3A_66 : vector<16xf32> to vector<16xf32>
    tpu.vector_store %arg6[%swap3A_67], %swap3A_70 {strides = array<i32>} : memref<640xf32, #tpu.memory_space<vmem>>, vector<16xf32>,
    %broadcast_in_dim3A_71 = arith.constant 0.000000e+00 : f32
    %broadcast_in_dim3A_72 = vector.broadcast %broadcast_in_dim3A_71 : f32 to vector<16xf32>
    %swap3A_73 = arith.constant 96 : index
    %swap3A_74 = tpu.vector_load %arg6[%swap3A_73] {strides = array<i32>} : memref<640xf32, #tpu.memory_space<vmem>>, vector<16xf32>,
    %swap3A_75 = vector.shape_cast %swap3A_74 : vector<16xf32> to vector<16xf32>
    %swap3A_76 = vector.shape_cast %broadcast_in_dim3A_72 : vector<16xf32> to vector<16xf32>
    tpu.vector_store %arg6[%swap3A_73], %swap3A_76 {strides = array<i32>} : memref<640xf32, #tpu.memory_space<vmem>>, vector<16xf32>,
    %broadcast_in_dim3A_77 = arith.constant 0.000000e+00 : f32
    %broadcast_in_dim3A_78 = vector.broadcast %broadcast_in_dim3A_77 : f32 to vector<16xf32>
    %swap3A_79 = arith.constant 112 : index
    %swap3A_80 = tpu.vector_load %arg6[%swap3A_79] {strides = array<i32>} : memref<640xf32, #tpu.memory_space<vmem>>, vector<16xf32>,
    %swap3A_81 = vector.shape_cast %swap3A_80 : vector<16xf32> to vector<16xf32>
    %swap3A_82 = vector.shape_cast %broadcast_in_dim3A_78 : vector<16xf32> to vector<16xf32>
    tpu.vector_store %arg6[%swap3A_79], %swap3A_82 {strides = array<i32>} : memref<640xf32, #tpu.memory_space<vmem>>, vector<16xf32>,
    %broadcast_in_dim3A_83 = arith.constant 0.000000e+00 : f32
    %broadcast_in_dim3A_84 = vector.broadcast %broadcast_in_dim3A_83 : f32 to vector<16xf32>
    %swap3A_85 = arith.constant 128 : index
    %swap3A_86 = tpu.vector_load %arg6[%swap3A_85] {strides = array<i32>} : memref<640xf32, #tpu.memory_space<vmem>>, vector<16xf32>,
    %swap3A_87 = vector.shape_cast %swap3A_86 : vector<16xf32> to vector<16xf32>
    %swap3A_88 = vector.shape_cast %broadcast_in_dim3A_84 : vector<16xf32> to vector<16xf32>
    tpu.vector_store %arg6[%swap3A_85], %swap3A_88 {strides = array<i32>} : memref<640xf32, #tpu.memory_space<vmem>>, vector<16xf32>,
    %broadcast_in_dim3A_89 = arith.constant 0.000000e+00 : f32
    %broadcast_in_dim3A_90 = vector.broadcast %broadcast_in_dim3A_89 : f32 to vector<16xf32>
    %swap3A_91 = arith.constant 144 : index
    %swap3A_92 = tpu.vector_load %arg6[%swap3A_91] {strides = array<i32>} : memref<640xf32, #tpu.memory_space<vmem>>, vector<16xf32>,
    %swap3A_93 = vector.shape_cast %swap3A_92 : vector<16xf32> to vector<16xf32>
    %swap3A_94 = vector.shape_cast %broadcast_in_dim3A_90 : vector<16xf32> to vector<16xf32>
    tpu.vector_store %arg6[%swap3A_91], %swap3A_94 {strides = array<i32>} : memref<640xf32, #tpu.memory_space<vmem>>, vector<16xf32>,
    %broadcast_in_dim3A_95 = arith.constant 0.000000e+00 : f32
    %broadcast_in_dim3A_96 = vector.broadcast %broadcast_in_dim3A_95 : f32 to vector<16xf32>
    %swap3A_97 = arith.constant 160 : index
    %swap3A_98 = tpu.vector_load %arg6[%swap3A_97] {strides = array<i32>} : memref<640xf32, #tpu.memory_space<vmem>>, vector<16xf32>,
    %swap3A_99 = vector.shape_cast %swap3A_98 : vector<16xf32> to vector<16xf32>
    %swap3A_100 = vector.shape_cast %broadcast_in_dim3A_96 : vector<16xf32> to vector<16xf32>
    tpu.vector_store %arg6[%swap3A_97], %swap3A_100 {strides = array<i32>} : memref<640xf32, #tpu.memory_space<vmem>>, vector<16xf32>,
    %broadcast_in_dim3A_101 = arith.constant 0.000000e+00 : f32
    %broadcast_in_dim3A_102 = vector.broadcast %broadcast_in_dim3A_101 : f32 to vector<16xf32>
    %swap3A_103 = arith.constant 176 : index
    %swap3A_104 = tpu.vector_load %arg6[%swap3A_103] {strides = array<i32>} : memref<640xf32, #tpu.memory_space<vmem>>, vector<16xf32>,
    %swap3A_105 = vector.shape_cast %swap3A_104 : vector<16xf32> to vector<16xf32>
    %swap3A_106 = vector.shape_cast %broadcast_in_dim3A_102 : vector<16xf32> to vector<16xf32>
    tpu.vector_store %arg6[%swap3A_103], %swap3A_106 {strides = array<i32>} : memref<640xf32, #tpu.memory_space<vmem>>, vector<16xf32>,
    %broadcast_in_dim3A_107 = arith.constant 0.000000e+00 : f32
    %broadcast_in_dim3A_108 = vector.broadcast %broadcast_in_dim3A_107 : f32 to vector<16xf32>
    %swap3A_109 = arith.constant 192 : index
    %swap3A_110 = tpu.vector_load %arg6[%swap3A_109] {strides = array<i32>} : memref<640xf32, #tpu.memory_space<vmem>>, vector<16xf32>,
    %swap3A_111 = vector.shape_cast %swap3A_110 : vector<16xf32> to vector<16xf32>
    %swap3A_112 = vector.shape_cast %broadcast_in_dim3A_108 : vector<16xf32> to vector<16xf32>
    tpu.vector_store %arg6[%swap3A_109], %swap3A_112 {strides = array<i32>} : memref<640xf32, #tpu.memory_space<vmem>>, vector<16xf32>,
    %broadcast_in_dim3A_113 = arith.constant 0.000000e+00 : f32
    %broadcast_in_dim3A_114 = vector.broadcast %broadcast_in_dim3A_113 : f32 to vector<16xf32>
    %swap3A_115 = arith.constant 208 : index
    %swap3A_116 = tpu.vector_load %arg6[%swap3A_115] {strides = array<i32>} : memref<640xf32, #tpu.memory_space<vmem>>, vector<16xf32>,
    %swap3A_117 = vector.shape_cast %swap3A_116 : vector<16xf32> to vector<16xf32>
    %swap3A_118 = vector.shape_cast %broadcast_in_dim3A_114 : vector<16xf32> to vector<16xf32>
    tpu.vector_store %arg6[%swap3A_115], %swap3A_118 {strides = array<i32>} : memref<640xf32, #tpu.memory_space<vmem>>, vector<16xf32>,
    %broadcast_in_dim3A_119 = arith.constant 0.000000e+00 : f32
    %broadcast_in_dim3A_120 = vector.broadcast %broadcast_in_dim3A_119 : f32 to vector<16xf32>
    %swap3A_121 = arith.constant 224 : index
    %swap3A_122 = tpu.vector_load %arg6[%swap3A_121] {strides = array<i32>} : memref<640xf32, #tpu.memory_space<vmem>>, vector<16xf32>,
    %swap3A_123 = vector.shape_cast %swap3A_122 : vector<16xf32> to vector<16xf32>
    %swap3A_124 = vector.shape_cast %broadcast_in_dim3A_120 : vector<16xf32> to vector<16xf32>
    tpu.vector_store %arg6[%swap3A_121], %swap3A_124 {strides = array<i32>} : memref<640xf32, #tpu.memory_space<vmem>>, vector<16xf32>,
    %broadcast_in_dim3A_125 = arith.constant 0.000000e+00 : f32
    %broadcast_in_dim3A_126 = vector.broadcast %broadcast_in_dim3A_125 : f32 to vector<16xf32>
    %swap3A_127 = arith.constant 240 : index
    %swap3A_128 = tpu.vector_load %arg6[%swap3A_127] {strides = array<i32>} : memref<640xf32, #tpu.memory_space<vmem>>, vector<16xf32>,
    %swap3A_129 = vector.shape_cast %swap3A_128 : vector<16xf32> to vector<16xf32>
    %swap3A_130 = vector.shape_cast %broadcast_in_dim3A_126 : vector<16xf32> to vector<16xf32>
    tpu.vector_store %arg6[%swap3A_127], %swap3A_130 {strides = array<i32>} : memref<640xf32, #tpu.memory_space<vmem>>, vector<16xf32>,
    %broadcast_in_dim3A_131 = arith.constant 0.000000e+00 : f32
    %broadcast_in_dim3A_132 = vector.broadcast %broadcast_in_dim3A_131 : f32 to vector<16xf32>
    %swap3A_133 = arith.constant 256 : index
    %swap3A_134 = tpu.vector_load %arg6[%swap3A_133] {strides = array<i32>} : memref<640xf32, #tpu.memory_space<vmem>>, vector<16xf32>,
    %swap3A_135 = vector.shape_cast %swap3A_134 : vector<16xf32> to vector<16xf32>
    %swap3A_136 = vector.shape_cast %broadcast_in_dim3A_132 : vector<16xf32> to vector<16xf32>
    tpu.vector_store %arg6[%swap3A_133], %swap3A_136 {strides = array<i32>} : memref<640xf32, #tpu.memory_space<vmem>>, vector<16xf32>,
    %broadcast_in_dim3A_137 = arith.constant 0.000000e+00 : f32
    %broadcast_in_dim3A_138 = vector.broadcast %broadcast_in_dim3A_137 : f32 to vector<16xf32>
    %swap3A_139 = arith.constant 272 : index
    %swap3A_140 = tpu.vector_load %arg6[%swap3A_139] {strides = array<i32>} : memref<640xf32, #tpu.memory_space<vmem>>, vector<16xf32>,
    %swap3A_141 = vector.shape_cast %swap3A_140 : vector<16xf32> to vector<16xf32>
    %swap3A_142 = vector.shape_cast %broadcast_in_dim3A_138 : vector<16xf32> to vector<16xf32>
    tpu.vector_store %arg6[%swap3A_139], %swap3A_142 {strides = array<i32>} : memref<640xf32, #tpu.memory_space<vmem>>, vector<16xf32>,
    %broadcast_in_dim3A_143 = arith.constant 0.000000e+00 : f32
    %broadcast_in_dim3A_144 = vector.broadcast %broadcast_in_dim3A_143 : f32 to vector<16xf32>
    %swap3A_145 = arith.constant 288 : index
    %swap3A_146 = tpu.vector_load %arg6[%swap3A_145] {strides = array<i32>} : memref<640xf32, #tpu.memory_space<vmem>>, vector<16xf32>,
    %swap3A_147 = vector.shape_cast %swap3A_146 : vector<16xf32> to vector<16xf32>
    %swap3A_148 = vector.shape_cast %broadcast_in_dim3A_144 : vector<16xf32> to vector<16xf32>
    tpu.vector_store %arg6[%swap3A_145], %swap3A_148 {strides = array<i32>} : memref<640xf32, #tpu.memory_space<vmem>>, vector<16xf32>,
    %broadcast_in_dim3A_149 = arith.constant 0.000000e+00 : f32
    %broadcast_in_dim3A_150 = vector.broadcast %broadcast_in_dim3A_149 : f32 to vector<16xf32>
    %swap3A_151 = arith.constant 304 : index
    %swap3A_152 = tpu.vector_load %arg6[%swap3A_151] {strides = array<i32>} : memref<640xf32, #tpu.memory_space<vmem>>, vector<16xf32>,
    %swap3A_153 = vector.shape_cast %swap3A_152 : vector<16xf32> to vector<16xf32>
    %swap3A_154 = vector.shape_cast %broadcast_in_dim3A_150 : vector<16xf32> to vector<16xf32>
    tpu.vector_store %arg6[%swap3A_151], %swap3A_154 {strides = array<i32>} : memref<640xf32, #tpu.memory_space<vmem>>, vector<16xf32>,
    %broadcast_in_dim3A_155 = arith.constant 0.000000e+00 : f32
    %broadcast_in_dim3A_156 = vector.broadcast %broadcast_in_dim3A_155 : f32 to vector<16xf32>
    %swap3A_157 = arith.constant 320 : index
    %swap3A_158 = tpu.vector_load %arg6[%swap3A_157] {strides = array<i32>} : memref<640xf32, #tpu.memory_space<vmem>>, vector<16xf32>,
    %swap3A_159 = vector.shape_cast %swap3A_158 : vector<16xf32> to vector<16xf32>
    %swap3A_160 = vector.shape_cast %broadcast_in_dim3A_156 : vector<16xf32> to vector<16xf32>
    tpu.vector_store %arg6[%swap3A_157], %swap3A_160 {strides = array<i32>} : memref<640xf32, #tpu.memory_space<vmem>>, vector<16xf32>,
    %broadcast_in_dim3A_161 = arith.constant 0.000000e+00 : f32
    %broadcast_in_dim3A_162 = vector.broadcast %broadcast_in_dim3A_161 : f32 to vector<16xf32>
    %swap3A_163 = arith.constant 336 : index
    %swap3A_164 = tpu.vector_load %arg6[%swap3A_163] {strides = array<i32>} : memref<640xf32, #tpu.memory_space<vmem>>, vector<16xf32>,
    %swap3A_165 = vector.shape_cast %swap3A_164 : vector<16xf32> to vector<16xf32>
    %swap3A_166 = vector.shape_cast %broadcast_in_dim3A_162 : vector<16xf32> to vector<16xf32>
    tpu.vector_store %arg6[%swap3A_163], %swap3A_166 {strides = array<i32>} : memref<640xf32, #tpu.memory_space<vmem>>, vector<16xf32>,
    %broadcast_in_dim3A_167 = arith.constant 0.000000e+00 : f32
    %broadcast_in_dim3A_168 = vector.broadcast %broadcast_in_dim3A_167 : f32 to vector<16xf32>
    %swap3A_169 = arith.constant 352 : index
    %swap3A_170 = tpu.vector_load %arg6[%swap3A_169] {strides = array<i32>} : memref<640xf32, #tpu.memory_space<vmem>>, vector<16xf32>,
    %swap3A_171 = vector.shape_cast %swap3A_170 : vector<16xf32> to vector<16xf32>
    %swap3A_172 = vector.shape_cast %broadcast_in_dim3A_168 : vector<16xf32> to vector<16xf32>
    tpu.vector_store %arg6[%swap3A_169], %swap3A_172 {strides = array<i32>} : memref<640xf32, #tpu.memory_space<vmem>>, vector<16xf32>,
    %broadcast_in_dim3A_173 = arith.constant 0.000000e+00 : f32
    %broadcast_in_dim3A_174 = vector.broadcast %broadcast_in_dim3A_173 : f32 to vector<16xf32>
    %swap3A_175 = arith.constant 368 : index
    %swap3A_176 = tpu.vector_load %arg6[%swap3A_175] {strides = array<i32>} : memref<640xf32, #tpu.memory_space<vmem>>, vector<16xf32>,
    %swap3A_177 = vector.shape_cast %swap3A_176 : vector<16xf32> to vector<16xf32>
    %swap3A_178 = vector.shape_cast %broadcast_in_dim3A_174 : vector<16xf32> to vector<16xf32>
    tpu.vector_store %arg6[%swap3A_175], %swap3A_178 {strides = array<i32>} : memref<640xf32, #tpu.memory_space<vmem>>, vector<16xf32>,
    %broadcast_in_dim3A_179 = arith.constant 0.000000e+00 : f32
    %broadcast_in_dim3A_180 = vector.broadcast %broadcast_in_dim3A_179 : f32 to vector<16xf32>
    %swap3A_181 = arith.constant 384 : index
    %swap3A_182 = tpu.vector_load %arg6[%swap3A_181] {strides = array<i32>} : memref<640xf32, #tpu.memory_space<vmem>>, vector<16xf32>,
    %swap3A_183 = vector.shape_cast %swap3A_182 : vector<16xf32> to vector<16xf32>
    %swap3A_184 = vector.shape_cast %broadcast_in_dim3A_180 : vector<16xf32> to vector<16xf32>
    tpu.vector_store %arg6[%swap3A_181], %swap3A_184 {strides = array<i32>} : memref<640xf32, #tpu.memory_space<vmem>>, vector<16xf32>,
    %broadcast_in_dim3A_185 = arith.constant 0.000000e+00 : f32
    %broadcast_in_dim3A_186 = vector.broadcast %broadcast_in_dim3A_185 : f32 to vector<16xf32>
    %swap3A_187 = arith.constant 400 : index
    %swap3A_188 = tpu.vector_load %arg6[%swap3A_187] {strides = array<i32>} : memref<640xf32, #tpu.memory_space<vmem>>, vector<16xf32>,
    %swap3A_189 = vector.shape_cast %swap3A_188 : vector<16xf32> to vector<16xf32>
    %swap3A_190 = vector.shape_cast %broadcast_in_dim3A_186 : vector<16xf32> to vector<16xf32>
    tpu.vector_store %arg6[%swap3A_187], %swap3A_190 {strides = array<i32>} : memref<640xf32, #tpu.memory_space<vmem>>, vector<16xf32>,
    %broadcast_in_dim3A_191 = arith.constant 0.000000e+00 : f32
    %broadcast_in_dim3A_192 = vector.broadcast %broadcast_in_dim3A_191 : f32 to vector<16xf32>
    %swap3A_193 = arith.constant 416 : index
    %swap3A_194 = tpu.vector_load %arg6[%swap3A_193] {strides = array<i32>} : memref<640xf32, #tpu.memory_space<vmem>>, vector<16xf32>,
    %swap3A_195 = vector.shape_cast %swap3A_194 : vector<16xf32> to vector<16xf32>
    %swap3A_196 = vector.shape_cast %broadcast_in_dim3A_192 : vector<16xf32> to vector<16xf32>
    tpu.vector_store %arg6[%swap3A_193], %swap3A_196 {strides = array<i32>} : memref<640xf32, #tpu.memory_space<vmem>>, vector<16xf32>,
    %broadcast_in_dim3A_197 = arith.constant 0.000000e+00 : f32
    %broadcast_in_dim3A_198 = vector.broadcast %broadcast_in_dim3A_197 : f32 to vector<16xf32>
    %swap3A_199 = arith.constant 432 : index
    %swap3A_200 = tpu.vector_load %arg6[%swap3A_199] {strides = array<i32>} : memref<640xf32, #tpu.memory_space<vmem>>, vector<16xf32>,
    %swap3A_201 = vector.shape_cast %swap3A_200 : vector<16xf32> to vector<16xf32>
    %swap3A_202 = vector.shape_cast %broadcast_in_dim3A_198 : vector<16xf32> to vector<16xf32>
    tpu.vector_store %arg6[%swap3A_199], %swap3A_202 {strides = array<i32>} : memref<640xf32, #tpu.memory_space<vmem>>, vector<16xf32>,
    %broadcast_in_dim3A_203 = arith.constant 0.000000e+00 : f32
    %broadcast_in_dim3A_204 = vector.broadcast %broadcast_in_dim3A_203 : f32 to vector<16xf32>
    %swap3A_205 = arith.constant 448 : index
    %swap3A_206 = tpu.vector_load %arg6[%swap3A_205] {strides = array<i32>} : memref<640xf32, #tpu.memory_space<vmem>>, vector<16xf32>,
    %swap3A_207 = vector.shape_cast %swap3A_206 : vector<16xf32> to vector<16xf32>
    %swap3A_208 = vector.shape_cast %broadcast_in_dim3A_204 : vector<16xf32> to vector<16xf32>
    tpu.vector_store %arg6[%swap3A_205], %swap3A_208 {strides = array<i32>} : memref<640xf32, #tpu.memory_space<vmem>>, vector<16xf32>,
    %broadcast_in_dim3A_209 = arith.constant 0.000000e+00 : f32
    %broadcast_in_dim3A_210 = vector.broadcast %broadcast_in_dim3A_209 : f32 to vector<16xf32>
    %swap3A_211 = arith.constant 464 : index
    %swap3A_212 = tpu.vector_load %arg6[%swap3A_211] {strides = array<i32>} : memref<640xf32, #tpu.memory_space<vmem>>, vector<16xf32>,
    %swap3A_213 = vector.shape_cast %swap3A_212 : vector<16xf32> to vector<16xf32>
    %swap3A_214 = vector.shape_cast %broadcast_in_dim3A_210 : vector<16xf32> to vector<16xf32>
    tpu.vector_store %arg6[%swap3A_211], %swap3A_214 {strides = array<i32>} : memref<640xf32, #tpu.memory_space<vmem>>, vector<16xf32>,
    %broadcast_in_dim3A_215 = arith.constant 0.000000e+00 : f32
    %broadcast_in_dim3A_216 = vector.broadcast %broadcast_in_dim3A_215 : f32 to vector<16xf32>
    %swap3A_217 = arith.constant 480 : index
    %swap3A_218 = tpu.vector_load %arg6[%swap3A_217] {strides = array<i32>} : memref<640xf32, #tpu.memory_space<vmem>>, vector<16xf32>,
    %swap3A_219 = vector.shape_cast %swap3A_218 : vector<16xf32> to vector<16xf32>
    %swap3A_220 = vector.shape_cast %broadcast_in_dim3A_216 : vector<16xf32> to vector<16xf32>
    tpu.vector_store %arg6[%swap3A_217], %swap3A_220 {strides = array<i32>} : memref<640xf32, #tpu.memory_space<vmem>>, vector<16xf32>,
    %broadcast_in_dim3A_221 = arith.constant 0.000000e+00 : f32
    %broadcast_in_dim3A_222 = vector.broadcast %broadcast_in_dim3A_221 : f32 to vector<16xf32>
    %swap3A_223 = arith.constant 496 : index
    %swap3A_224 = tpu.vector_load %arg6[%swap3A_223] {strides = array<i32>} : memref<640xf32, #tpu.memory_space<vmem>>, vector<16xf32>,
    %swap3A_225 = vector.shape_cast %swap3A_224 : vector<16xf32> to vector<16xf32>
    %swap3A_226 = vector.shape_cast %broadcast_in_dim3A_222 : vector<16xf32> to vector<16xf32>
    tpu.vector_store %arg6[%swap3A_223], %swap3A_226 {strides = array<i32>} : memref<640xf32, #tpu.memory_space<vmem>>, vector<16xf32>,
    %broadcast_in_dim3A_227 = arith.constant 0.000000e+00 : f32
    %broadcast_in_dim3A_228 = vector.broadcast %broadcast_in_dim3A_227 : f32 to vector<16xf32>
    %swap3A_229 = arith.constant 512 : index
    %swap3A_230 = tpu.vector_load %arg6[%swap3A_229] {strides = array<i32>} : memref<640xf32, #tpu.memory_space<vmem>>, vector<16xf32>,
    %swap3A_231 = vector.shape_cast %swap3A_230 : vector<16xf32> to vector<16xf32>
    %swap3A_232 = vector.shape_cast %broadcast_in_dim3A_228 : vector<16xf32> to vector<16xf32>
    tpu.vector_store %arg6[%swap3A_229], %swap3A_232 {strides = array<i32>} : memref<640xf32, #tpu.memory_space<vmem>>, vector<16xf32>,
    %broadcast_in_dim3A_233 = arith.constant 0.000000e+00 : f32
    %broadcast_in_dim3A_234 = vector.broadcast %broadcast_in_dim3A_233 : f32 to vector<16xf32>
    %swap3A_235 = arith.constant 528 : index
    %swap3A_236 = tpu.vector_load %arg6[%swap3A_235] {strides = array<i32>} : memref<640xf32, #tpu.memory_space<vmem>>, vector<16xf32>,
    %swap3A_237 = vector.shape_cast %swap3A_236 : vector<16xf32> to vector<16xf32>
    %swap3A_238 = vector.shape_cast %broadcast_in_dim3A_234 : vector<16xf32> to vector<16xf32>
    tpu.vector_store %arg6[%swap3A_235], %swap3A_238 {strides = array<i32>} : memref<640xf32, #tpu.memory_space<vmem>>, vector<16xf32>,
    %broadcast_in_dim3A_239 = arith.constant 0.000000e+00 : f32
    %broadcast_in_dim3A_240 = vector.broadcast %broadcast_in_dim3A_239 : f32 to vector<16xf32>
    %swap3A_241 = arith.constant 544 : index
    %swap3A_242 = tpu.vector_load %arg6[%swap3A_241] {strides = array<i32>} : memref<640xf32, #tpu.memory_space<vmem>>, vector<16xf32>,
    %swap3A_243 = vector.shape_cast %swap3A_242 : vector<16xf32> to vector<16xf32>
    %swap3A_244 = vector.shape_cast %broadcast_in_dim3A_240 : vector<16xf32> to vector<16xf32>
    tpu.vector_store %arg6[%swap3A_241], %swap3A_244 {strides = array<i32>} : memref<640xf32, #tpu.memory_space<vmem>>, vector<16xf32>,
    %broadcast_in_dim3A_245 = arith.constant 0.000000e+00 : f32
    %broadcast_in_dim3A_246 = vector.broadcast %broadcast_in_dim3A_245 : f32 to vector<16xf32>
    %swap3A_247 = arith.constant 560 : index
    %swap3A_248 = tpu.vector_load %arg6[%swap3A_247] {strides = array<i32>} : memref<640xf32, #tpu.memory_space<vmem>>, vector<16xf32>,
    %swap3A_249 = vector.shape_cast %swap3A_248 : vector<16xf32> to vector<16xf32>
    %swap3A_250 = vector.shape_cast %broadcast_in_dim3A_246 : vector<16xf32> to vector<16xf32>
    tpu.vector_store %arg6[%swap3A_247], %swap3A_250 {strides = array<i32>} : memref<640xf32, #tpu.memory_space<vmem>>, vector<16xf32>,
    %broadcast_in_dim3A_251 = arith.constant 0.000000e+00 : f32
    %broadcast_in_dim3A_252 = vector.broadcast %broadcast_in_dim3A_251 : f32 to vector<16xf32>
    %swap3A_253 = arith.constant 576 : index
    %swap3A_254 = tpu.vector_load %arg6[%swap3A_253] {strides = array<i32>} : memref<640xf32, #tpu.memory_space<vmem>>, vector<16xf32>,
    %swap3A_255 = vector.shape_cast %swap3A_254 : vector<16xf32> to vector<16xf32>
    %swap3A_256 = vector.shape_cast %broadcast_in_dim3A_252 : vector<16xf32> to vector<16xf32>
    tpu.vector_store %arg6[%swap3A_253], %swap3A_256 {strides = array<i32>} : memref<640xf32, #tpu.memory_space<vmem>>, vector<16xf32>,
    %broadcast_in_dim3A_257 = arith.constant 0.000000e+00 : f32
    %broadcast_in_dim3A_258 = vector.broadcast %broadcast_in_dim3A_257 : f32 to vector<16xf32>
    %swap3A_259 = arith.constant 592 : index
    %swap3A_260 = tpu.vector_load %arg6[%swap3A_259] {strides = array<i32>} : memref<640xf32, #tpu.memory_space<vmem>>, vector<16xf32>,
    %swap3A_261 = vector.shape_cast %swap3A_260 : vector<16xf32> to vector<16xf32>
    %swap3A_262 = vector.shape_cast %broadcast_in_dim3A_258 : vector<16xf32> to vector<16xf32>
    tpu.vector_store %arg6[%swap3A_259], %swap3A_262 {strides = array<i32>} : memref<640xf32, #tpu.memory_space<vmem>>, vector<16xf32>,
    %broadcast_in_dim3A_263 = arith.constant 0.000000e+00 : f32
    %broadcast_in_dim3A_264 = vector.broadcast %broadcast_in_dim3A_263 : f32 to vector<16xf32>
    %swap3A_265 = arith.constant 608 : index
    %swap3A_266 = tpu.vector_load %arg6[%swap3A_265] {strides = array<i32>} : memref<640xf32, #tpu.memory_space<vmem>>, vector<16xf32>,
    %swap3A_267 = vector.shape_cast %swap3A_266 : vector<16xf32> to vector<16xf32>
    %swap3A_268 = vector.shape_cast %broadcast_in_dim3A_264 : vector<16xf32> to vector<16xf32>
    tpu.vector_store %arg6[%swap3A_265], %swap3A_268 {strides = array<i32>} : memref<640xf32, #tpu.memory_space<vmem>>, vector<16xf32>,
    %broadcast_in_dim3A_269 = arith.constant 0.000000e+00 : f32
    %broadcast_in_dim3A_270 = vector.broadcast %broadcast_in_dim3A_269 : f32 to vector<16xf32>
    %swap3A_271 = arith.constant 624 : index
    %swap3A_272 = tpu.vector_load %arg6[%swap3A_271] {strides = array<i32>} : memref<640xf32, #tpu.memory_space<vmem>>, vector<16xf32>,
    %swap3A_273 = vector.shape_cast %swap3A_272 : vector<16xf32> to vector<16xf32>
    %swap3A_274 = vector.shape_cast %broadcast_in_dim3A_270 : vector<16xf32> to vector<16xf32>
    tpu.vector_store %arg6[%swap3A_271], %swap3A_274 {strides = array<i32>} : memref<640xf32, #tpu.memory_space<vmem>>, vector<16xf32>,
    %mul3A_275 = arith.constant 640 : i32
    %mul3A_276 = arith.muli %arg1, %mul3A_275 : i32
    "tpu.region"() ({
      %run_scoped3A = tpu.sem_alloc : memref<!tpu.dma_semaphore, #tpu.memory_space<semaphore_mem>>
      %dma_start3A = tpu.memref_slice %arg7[%mul3A_276] : memref<10240xf32, #tpu.memory_space<vmem_shared>> -> memref<640xf32, #tpu.memory_space<vmem_shared>>
      %dma_start3A_293 = tpu.memref_slice %arg7[%mul3A_276] : memref<10240xf32, #tpu.memory_space<vmem_shared>> -> memref<640xf32, #tpu.memory_space<vmem_shared>>
      tpu.enqueue_dma source(%arg6 : memref<640xf32, #tpu.memory_space<vmem>>) target(%dma_start3A_293 : memref<640xf32, #tpu.memory_space<vmem_shared>>) target_semaphore(%run_scoped3A : memref<!tpu.dma_semaphore, #tpu.memory_space<semaphore_mem>>)
      %dma_wait3A = tpu.memref_slice %arg7[%mul3A_276] : memref<10240xf32, #tpu.memory_space<vmem_shared>> -> memref<640xf32, #tpu.memory_space<vmem_shared>>
      %dma_wait3A_294 = tpu.memref_slice %arg7[%mul3A_276] : memref<10240xf32, #tpu.memory_space<vmem_shared>> -> memref<640xf32, #tpu.memory_space<vmem_shared>>
      tpu.wait_dma2 semaphore(%run_scoped3A : memref<!tpu.dma_semaphore, #tpu.memory_space<semaphore_mem>>) src(%arg6 : memref<640xf32, #tpu.memory_space<vmem>>) dst(%dma_wait3A_294 : memref<640xf32, #tpu.memory_space<vmem_shared>>)
      tpu.yield
    }) : () -> ()
    %scan3A_277 = arith.constant 0 : i32
    %scan3A_278 = arith.constant 125 : i32
    %scan3A_279 = arith.addi %scan3A_277, %scan3A_278 : i32
    %scan3A_280 = arith.constant 1 : i32
    scf.for %scan3A_293 = %scan3A_277 to %scan3A_279 step %scan3A_280  : i32 {
      %mul3A_294 = arith.constant 1 : i32
      %mul3A_295 = arith.muli %scan3A_293, %mul3A_294 : i32
      %add3A_296 = arith.constant 0 : i32
      %add3A_297 = arith.addi %add3A_296, %mul3A_295 : i32
      %add3A_298 = arith.constant 320000 : i32
      %add3A_299 = arith.addi %add3A_298, %mul3A_2 : i32
      %dma_wait3A = arith.constant 0 : i32
      %dma_wait3A_300 = arith.constant 0 : i32
      %dma_wait3A_301 = tpu.memref_slice %arg4[%dma_wait3A, %dma_wait3A_300] : memref<125x80xi32, #tpu.memory_space<vmem>> -> memref<1x80xi32, #tpu.memory_space<vmem>>
      %dma_wait3A_302 = tpu.memref_squeeze %dma_wait3A_301 : memref<1x80xi32, #tpu.memory_space<vmem>> -> memref<80xi32, #tpu.memory_space<vmem>>
      %dma_wait3A_303 = tpu.memref_slice %arg2[%add3A_299] : memref<640000xi32, #tpu.memory_space<hbm>> -> memref<80xi32, #tpu.memory_space<hbm>>
      %dma_wait3A_304 = arith.constant 0 : i32
      %dma_wait3A_305 = tpu.memref_slice %arg4[%dma_wait3A, %dma_wait3A_304] : memref<125x80xi32, #tpu.memory_space<vmem>> -> memref<1x80xi32, #tpu.memory_space<vmem>>
      %dma_wait3A_306 = tpu.memref_squeeze %dma_wait3A_305 : memref<1x80xi32, #tpu.memory_space<vmem>> -> memref<80xi32, #tpu.memory_space<vmem>>
      %dma_wait3A_307 = tpu.memref_slice %arg2[%add3A_299] : memref<640000xi32, #tpu.memory_space<hbm>> -> memref<80xi32, #tpu.memory_space<hbm>>
      tpu.wait_dma2 semaphore(%arg9 : memref<!tpu.dma_semaphore, #tpu.memory_space<semaphore_mem>>) src(%dma_wait3A_307 : memref<80xi32, #tpu.memory_space<hbm>>) dst(%dma_wait3A_306 : memref<80xi32, #tpu.memory_space<vmem>>)
    }
    %scan3A_281 = arith.constant 125 : i32
    %barrier3A = arith.constant 0 : index
    tpu.barrier barrier_id(%barrier3A)
    %scan3A_282 = arith.constant 0 : i32
    %scan3A_283 = arith.constant 125 : i32
    %scan3A_284 = arith.addi %scan3A_282, %scan3A_283 : i32
    %scan3A_285 = arith.constant 1 : i32
    scf.for %scan3A_293 = %scan3A_282 to %scan3A_284 step %scan3A_285  : i32 {
      %mul3A_294 = arith.constant 1 : i32
      %mul3A_295 = arith.muli %scan3A_293, %mul3A_294 : i32
      %add3A_296 = arith.constant 0 : i32
      %add3A_297 = arith.addi %add3A_296, %mul3A_295 : i32
      %dma_start3A = arith.constant 0 : i32
      %dma_start3A_298 = tpu.memref_slice %arg4[%add3A_297, %dma_start3A] : memref<125x80xi32, #tpu.memory_space<vmem>> -> memref<1x80xi32, #tpu.memory_space<vmem>>
      %dma_start3A_299 = tpu.memref_squeeze %dma_start3A_298 : memref<1x80xi32, #tpu.memory_space<vmem>> -> memref<80xi32, #tpu.memory_space<vmem>>
      %dma_start3A_300 = arith.constant 0 : i32
      %dma_start3A_301 = tpu.memref_slice %arg7[%dma_start3A_300] : memref<10240xf32, #tpu.memory_space<vmem_shared>> -> memref<10240xf32, #tpu.memory_space<vmem_shared>>
      tpu.enqueue_indirect_dma source(%arg5 : memref<80xf32, #tpu.memory_space<vmem>>) target(%dma_start3A_301 : memref<10240xf32, #tpu.memory_space<vmem_shared>>) offsets(%dma_start3A_299 : memref<80xi32, #tpu.memory_space<vmem>>) semaphore(%arg8 : memref<!tpu.dma_semaphore, #tpu.memory_space<semaphore_mem>>) {add = true}
    }
    %scan3A_286 = arith.constant 125 : i32
    %scan3A_287 = arith.constant 0 : i32
    %scan3A_288 = arith.constant 125 : i32
    %scan3A_289 = arith.addi %scan3A_287, %scan3A_288 : i32
    %scan3A_290 = arith.constant 1 : i32
    scf.for %scan3A_293 = %scan3A_287 to %scan3A_289 step %scan3A_290  : i32 {
      %mul3A_294 = arith.constant 1 : i32
      %mul3A_295 = arith.muli %scan3A_293, %mul3A_294 : i32
      %add3A_296 = arith.constant 0 : i32
      %add3A_297 = arith.addi %add3A_296, %mul3A_295 : i32
      %dma_wait3A = arith.constant 0 : i32
      %dma_wait3A_298 = arith.constant 0 : i32
      %dma_wait3A_299 = tpu.memref_slice %arg4[%dma_wait3A, %dma_wait3A_298] : memref<125x80xi32, #tpu.memory_space<vmem>> -> memref<1x80xi32, #tpu.memory_space<vmem>>
      %dma_wait3A_300 = tpu.memref_squeeze %dma_wait3A_299 : memref<1x80xi32, #tpu.memory_space<vmem>> -> memref<80xi32, #tpu.memory_space<vmem>>
      %dma_wait3A_301 = arith.constant 0 : i32
      %dma_wait3A_302 = tpu.memref_slice %arg7[%dma_wait3A_301] : memref<10240xf32, #tpu.memory_space<vmem_shared>> -> memref<10240xf32, #tpu.memory_space<vmem_shared>>
      tpu.wait_indirect_dma semaphore(%arg8 : memref<!tpu.dma_semaphore, #tpu.memory_space<semaphore_mem>>) src(%arg5 : memref<80xf32, #tpu.memory_space<vmem>>) dst(%dma_wait3A_302 : memref<10240xf32, #tpu.memory_space<vmem_shared>>)
    }
    %scan3A_291 = arith.constant 125 : i32
    %barrier3A_292 = arith.constant 0 : index
    tpu.barrier barrier_id(%barrier3A_292)
    "tpu.region"() ({
      %run_scoped3A = tpu.sem_alloc : memref<!tpu.dma_semaphore, #tpu.memory_space<semaphore_mem>>
      %dma_start3A = tpu.memref_slice %arg3[%arg0, %mul3A_276] : memref<2x10240xf32, #tpu.memory_space<hbm>> -> memref<1x640xf32, #tpu.memory_space<hbm>>
      %dma_start3A_293 = tpu.memref_squeeze %dma_start3A : memref<1x640xf32, #tpu.memory_space<hbm>> -> memref<640xf32, #tpu.memory_space<hbm>>
      %dma_start3A_294 = tpu.memref_slice %arg7[%mul3A_276] : memref<10240xf32, #tpu.memory_space<vmem_shared>> -> memref<640xf32, #tpu.memory_space<vmem_shared>>
      tpu.enqueue_dma source(%dma_start3A_294 : memref<640xf32, #tpu.memory_space<vmem_shared>>) target(%dma_start3A_293 : memref<640xf32, #tpu.memory_space<hbm>>) target_semaphore(%run_scoped3A : memref<!tpu.dma_semaphore, #tpu.memory_space<semaphore_mem>>)
      %dma_wait3A = tpu.memref_slice %arg3[%arg0, %mul3A_276] : memref<2x10240xf32, #tpu.memory_space<hbm>> -> memref<1x640xf32, #tpu.memory_space<hbm>>
      %dma_wait3A_295 = tpu.memref_squeeze %dma_wait3A : memref<1x640xf32, #tpu.memory_space<hbm>> -> memref<640xf32, #tpu.memory_space<hbm>>
      %dma_wait3A_296 = tpu.memref_slice %arg7[%mul3A_276] : memref<10240xf32, #tpu.memory_space<vmem_shared>> -> memref<640xf32, #tpu.memory_space<vmem_shared>>
      tpu.wait_dma2 semaphore(%run_scoped3A : memref<!tpu.dma_semaphore, #tpu.memory_space<semaphore_mem>>) src(%dma_wait3A_296 : memref<640xf32, #tpu.memory_space<vmem_shared>>) dst(%dma_wait3A_295 : memref<640xf32, #tpu.memory_space<hbm>>)
      tpu.yield
    }) : () -> ()
    return
  }
}

#map = affine_map<(d0, d1) -> (0, 0)>
#map1 = affine_map<(d0, d1) -> (0)>
#map2 = affine_map<(d0, d1) -> (0, 0, 0)>
module attributes {stable_mosaic.version = 14 : i64} {
  func.func @_agg_kernel(%arg0: i32, %arg1: i32, %arg2: memref<10240x128xf32, #tpu.memory_space<hbm>>, %arg3: memref<640000xi32, #tpu.memory_space<hbm>>, %arg4: memref<2x10240x128xf32, #tpu.memory_space<hbm>>, %arg5: memref<1x80xi32, #tpu.memory_space<vmem>>, %arg6: memref<1x80xi32, #tpu.memory_space<vmem>>, %arg7: memref<1x80xi32, #tpu.memory_space<vmem>>, %arg8: memref<1x80xi32, #tpu.memory_space<vmem>>, %arg9: memref<1x80xi32, #tpu.memory_space<vmem>>, %arg10: memref<1x80xi32, #tpu.memory_space<vmem>>, %arg11: memref<1x80xi32, #tpu.memory_space<vmem>>, %arg12: memref<1x80xi32, #tpu.memory_space<vmem>>, %arg13: memref<1x80xi32, #tpu.memory_space<vmem>>, %arg14: memref<1x80xi32, #tpu.memory_space<vmem>>, %arg15: memref<1x80xi32, #tpu.memory_space<vmem>>, %arg16: memref<1x80xi32, #tpu.memory_space<vmem>>, %arg17: memref<1x80xi32, #tpu.memory_space<vmem>>, %arg18: memref<1x80xi32, #tpu.memory_space<vmem>>, %arg19: memref<1x80xi32, #tpu.memory_space<vmem>>, %arg20: memref<1x80xi32, #tpu.memory_space<vmem>>, %arg21: memref<80x128xf32, #tpu.memory_space<vmem>>, %arg22: memref<80x128xf32, #tpu.memory_space<vmem>>, %arg23: memref<80x128xf32, #tpu.memory_space<vmem>>, %arg24: memref<80x128xf32, #tpu.memory_space<vmem>>, %arg25: memref<16x128xf32, #tpu.memory_space<vmem>>, %arg26: memref<10240x128xf32, #tpu.memory_space<vmem_shared>>, %arg27: memref<!tpu.dma_semaphore, #tpu.memory_space<semaphore_mem>>, %arg28: memref<!tpu.dma_semaphore, #tpu.memory_space<semaphore_mem>>, %arg29: memref<!tpu.dma_semaphore, #tpu.memory_space<semaphore_mem>>, %arg30: memref<!tpu.dma_semaphore, #tpu.memory_space<semaphore_mem>>, %arg31: memref<!tpu.dma_semaphore, #tpu.memory_space<semaphore_mem>>, %arg32: memref<!tpu.dma_semaphore, #tpu.memory_space<semaphore_mem>>, %arg33: memref<!tpu.dma_semaphore, #tpu.memory_space<semaphore_mem>>, %arg34: memref<!tpu.dma_semaphore, #tpu.memory_space<semaphore_mem>>, %arg35: memref<!tpu.dma_semaphore, #tpu.memory_space<semaphore_mem>>, %arg36: memref<!tpu.dma_semaphore, #tpu.memory_space<semaphore_mem>>, %arg37: memref<!tpu.dma_semaphore, #tpu.memory_space<semaphore_mem>>, %arg38: memref<!tpu.dma_semaphore, #tpu.memory_space<semaphore_mem>>, %arg39: memref<!tpu.dma_semaphore, #tpu.memory_space<semaphore_mem>>, %arg40: memref<!tpu.dma_semaphore, #tpu.memory_space<semaphore_mem>>, %arg41: memref<!tpu.dma_semaphore, #tpu.memory_space<semaphore_mem>>, %arg42: memref<!tpu.dma_semaphore, #tpu.memory_space<semaphore_mem>>, %arg43: memref<!tpu.dma_semaphore, #tpu.memory_space<semaphore_mem>>) attributes {dimension_semantics = [#tpu.dimension_semantics<core_parallel>, #tpu.dimension_semantics<subcore_parallel>], iteration_bounds = array<i64: 2, 16>, scalar_prefetch = 0 : i64, scratch_operands = 39 : i64, tpu.core_type = #tpu.core_type<sc_vector_subcore>, window_params = [{transform_indices = #map}, {transform_indices = #map1}, {transform_indices = #map2}]} {
    %mul3A = arith.constant 2 : i32
    %mul3A_0 = arith.muli %arg1, %mul3A : i32
    %add3A = arith.addi %mul3A_0, %arg0 : i32
    %mul3A_1 = arith.constant 640 : i32
    %mul3A_2 = arith.muli %arg1, %mul3A_1 : i32
    %mul3A_3 = arith.constant 10000 : i32
    %mul3A_4 = arith.muli %add3A, %mul3A_3 : i32
    %add3A_5 = arith.constant 0 : i32
    %add3A_6 = arith.addi %mul3A_4, %add3A_5 : i32
    %dma_start3A = arith.constant 0 : i32
    %dma_start3A_7 = arith.constant 0 : i32
    %dma_start3A_8 = tpu.memref_slice %arg5[%dma_start3A, %dma_start3A_7] : memref<1x80xi32, #tpu.memory_space<vmem>> -> memref<1x80xi32, #tpu.memory_space<vmem>>
    %dma_start3A_9 = tpu.memref_squeeze %dma_start3A_8 : memref<1x80xi32, #tpu.memory_space<vmem>> -> memref<80xi32, #tpu.memory_space<vmem>>
    %dma_start3A_10 = tpu.memref_slice %arg3[%add3A_6] : memref<640000xi32, #tpu.memory_space<hbm>> -> memref<80xi32, #tpu.memory_space<hbm>>
    %dma_start3A_11 = arith.constant 0 : i32
    %dma_start3A_12 = tpu.memref_slice %arg5[%dma_start3A, %dma_start3A_11] : memref<1x80xi32, #tpu.memory_space<vmem>> -> memref<1x80xi32, #tpu.memory_space<vmem>>
    %dma_start3A_13 = tpu.memref_squeeze %dma_start3A_12 : memref<1x80xi32, #tpu.memory_space<vmem>> -> memref<80xi32, #tpu.memory_space<vmem>>
    %dma_start3A_14 = tpu.memref_slice %arg3[%add3A_6] : memref<640000xi32, #tpu.memory_space<hbm>> -> memref<80xi32, #tpu.memory_space<hbm>>
    tpu.enqueue_dma source(%dma_start3A_14 : memref<80xi32, #tpu.memory_space<hbm>>) target(%dma_start3A_13 : memref<80xi32, #tpu.memory_space<vmem>>) target_semaphore(%arg27 : memref<!tpu.dma_semaphore, #tpu.memory_space<semaphore_mem>>)
    %add3A_15 = arith.constant 320000 : i32
    %add3A_16 = arith.addi %add3A_15, %mul3A_4 : i32
    %add3A_17 = arith.constant 0 : i32
    %add3A_18 = arith.addi %add3A_16, %add3A_17 : i32
    %dma_start3A_19 = arith.constant 0 : i32
    %dma_start3A_20 = arith.constant 0 : i32
    %dma_start3A_21 = tpu.memref_slice %arg13[%dma_start3A_19, %dma_start3A_20] : memref<1x80xi32, #tpu.memory_space<vmem>> -> memref<1x80xi32, #tpu.memory_space<vmem>>
    %dma_start3A_22 = tpu.memref_squeeze %dma_start3A_21 : memref<1x80xi32, #tpu.memory_space<vmem>> -> memref<80xi32, #tpu.memory_space<vmem>>
    %dma_start3A_23 = tpu.memref_slice %arg3[%add3A_18] : memref<640000xi32, #tpu.memory_space<hbm>> -> memref<80xi32, #tpu.memory_space<hbm>>
    %dma_start3A_24 = arith.constant 0 : i32
    %dma_start3A_25 = tpu.memref_slice %arg13[%dma_start3A_19, %dma_start3A_24] : memref<1x80xi32, #tpu.memory_space<vmem>> -> memref<1x80xi32, #tpu.memory_space<vmem>>
    %dma_start3A_26 = tpu.memref_squeeze %dma_start3A_25 : memref<1x80xi32, #tpu.memory_space<vmem>> -> memref<80xi32, #tpu.memory_space<vmem>>
    %dma_start3A_27 = tpu.memref_slice %arg3[%add3A_18] : memref<640000xi32, #tpu.memory_space<hbm>> -> memref<80xi32, #tpu.memory_space<hbm>>
    tpu.enqueue_dma source(%dma_start3A_27 : memref<80xi32, #tpu.memory_space<hbm>>) target(%dma_start3A_26 : memref<80xi32, #tpu.memory_space<vmem>>) target_semaphore(%arg27 : memref<!tpu.dma_semaphore, #tpu.memory_space<semaphore_mem>>)
    %add3A_28 = arith.constant 80 : i32
    %add3A_29 = arith.addi %mul3A_4, %add3A_28 : i32
    %dma_start3A_30 = arith.constant 0 : i32
    %dma_start3A_31 = arith.constant 0 : i32
    %dma_start3A_32 = tpu.memref_slice %arg6[%dma_start3A_30, %dma_start3A_31] : memref<1x80xi32, #tpu.memory_space<vmem>> -> memref<1x80xi32, #tpu.memory_space<vmem>>
    %dma_start3A_33 = tpu.memref_squeeze %dma_start3A_32 : memref<1x80xi32, #tpu.memory_space<vmem>> -> memref<80xi32, #tpu.memory_space<vmem>>
    %dma_start3A_34 = tpu.memref_slice %arg3[%add3A_29] : memref<640000xi32, #tpu.memory_space<hbm>> -> memref<80xi32, #tpu.memory_space<hbm>>
    %dma_start3A_35 = arith.constant 0 : i32
    %dma_start3A_36 = tpu.memref_slice %arg6[%dma_start3A_30, %dma_start3A_35] : memref<1x80xi32, #tpu.memory_space<vmem>> -> memref<1x80xi32, #tpu.memory_space<vmem>>
    %dma_start3A_37 = tpu.memref_squeeze %dma_start3A_36 : memref<1x80xi32, #tpu.memory_space<vmem>> -> memref<80xi32, #tpu.memory_space<vmem>>
    %dma_start3A_38 = tpu.memref_slice %arg3[%add3A_29] : memref<640000xi32, #tpu.memory_space<hbm>> -> memref<80xi32, #tpu.memory_space<hbm>>
    tpu.enqueue_dma source(%dma_start3A_38 : memref<80xi32, #tpu.memory_space<hbm>>) target(%dma_start3A_37 : memref<80xi32, #tpu.memory_space<vmem>>) target_semaphore(%arg28 : memref<!tpu.dma_semaphore, #tpu.memory_space<semaphore_mem>>)
    %add3A_39 = arith.constant 320000 : i32
    %add3A_40 = arith.addi %add3A_39, %mul3A_4 : i32
    %add3A_41 = arith.constant 80 : i32
    %add3A_42 = arith.addi %add3A_40, %add3A_41 : i32
    %dma_start3A_43 = arith.constant 0 : i32
    %dma_start3A_44 = arith.constant 0 : i32
    %dma_start3A_45 = tpu.memref_slice %arg14[%dma_start3A_43, %dma_start3A_44] : memref<1x80xi32, #tpu.memory_space<vmem>> -> memref<1x80xi32, #tpu.memory_space<vmem>>
    %dma_start3A_46 = tpu.memref_squeeze %dma_start3A_45 : memref<1x80xi32, #tpu.memory_space<vmem>> -> memref<80xi32, #tpu.memory_space<vmem>>
    %dma_start3A_47 = tpu.memref_slice %arg3[%add3A_42] : memref<640000xi32, #tpu.memory_space<hbm>> -> memref<80xi32, #tpu.memory_space<hbm>>
    %dma_start3A_48 = arith.constant 0 : i32
    %dma_start3A_49 = tpu.memref_slice %arg14[%dma_start3A_43, %dma_start3A_48] : memref<1x80xi32, #tpu.memory_space<vmem>> -> memref<1x80xi32, #tpu.memory_space<vmem>>
    %dma_start3A_50 = tpu.memref_squeeze %dma_start3A_49 : memref<1x80xi32, #tpu.memory_space<vmem>> -> memref<80xi32, #tpu.memory_space<vmem>>
    %dma_start3A_51 = tpu.memref_slice %arg3[%add3A_42] : memref<640000xi32, #tpu.memory_space<hbm>> -> memref<80xi32, #tpu.memory_space<hbm>>
    tpu.enqueue_dma source(%dma_start3A_51 : memref<80xi32, #tpu.memory_space<hbm>>) target(%dma_start3A_50 : memref<80xi32, #tpu.memory_space<vmem>>) target_semaphore(%arg28 : memref<!tpu.dma_semaphore, #tpu.memory_space<semaphore_mem>>)
    %add3A_52 = arith.constant 160 : i32
    %add3A_53 = arith.addi %mul3A_4, %add3A_52 : i32
    %dma_start3A_54 = arith.constant 0 : i32
    %dma_start3A_55 = arith.constant 0 : i32
    %dma_start3A_56 = tpu.memref_slice %arg7[%dma_start3A_54, %dma_start3A_55] : memref<1x80xi32, #tpu.memory_space<vmem>> -> memref<1x80xi32, #tpu.memory_space<vmem>>
    %dma_start3A_57 = tpu.memref_squeeze %dma_start3A_56 : memref<1x80xi32, #tpu.memory_space<vmem>> -> memref<80xi32, #tpu.memory_space<vmem>>
    %dma_start3A_58 = tpu.memref_slice %arg3[%add3A_53] : memref<640000xi32, #tpu.memory_space<hbm>> -> memref<80xi32, #tpu.memory_space<hbm>>
    %dma_start3A_59 = arith.constant 0 : i32
    %dma_start3A_60 = tpu.memref_slice %arg7[%dma_start3A_54, %dma_start3A_59] : memref<1x80xi32, #tpu.memory_space<vmem>> -> memref<1x80xi32, #tpu.memory_space<vmem>>
    %dma_start3A_61 = tpu.memref_squeeze %dma_start3A_60 : memref<1x80xi32, #tpu.memory_space<vmem>> -> memref<80xi32, #tpu.memory_space<vmem>>
    %dma_start3A_62 = tpu.memref_slice %arg3[%add3A_53] : memref<640000xi32, #tpu.memory_space<hbm>> -> memref<80xi32, #tpu.memory_space<hbm>>
    tpu.enqueue_dma source(%dma_start3A_62 : memref<80xi32, #tpu.memory_space<hbm>>) target(%dma_start3A_61 : memref<80xi32, #tpu.memory_space<vmem>>) target_semaphore(%arg29 : memref<!tpu.dma_semaphore, #tpu.memory_space<semaphore_mem>>)
    %add3A_63 = arith.constant 320000 : i32
    %add3A_64 = arith.addi %add3A_63, %mul3A_4 : i32
    %add3A_65 = arith.constant 160 : i32
    %add3A_66 = arith.addi %add3A_64, %add3A_65 : i32
    %dma_start3A_67 = arith.constant 0 : i32
    %dma_start3A_68 = arith.constant 0 : i32
    %dma_start3A_69 = tpu.memref_slice %arg15[%dma_start3A_67, %dma_start3A_68] : memref<1x80xi32, #tpu.memory_space<vmem>> -> memref<1x80xi32, #tpu.memory_space<vmem>>
    %dma_start3A_70 = tpu.memref_squeeze %dma_start3A_69 : memref<1x80xi32, #tpu.memory_space<vmem>> -> memref<80xi32, #tpu.memory_space<vmem>>
    %dma_start3A_71 = tpu.memref_slice %arg3[%add3A_66] : memref<640000xi32, #tpu.memory_space<hbm>> -> memref<80xi32, #tpu.memory_space<hbm>>
    %dma_start3A_72 = arith.constant 0 : i32
    %dma_start3A_73 = tpu.memref_slice %arg15[%dma_start3A_67, %dma_start3A_72] : memref<1x80xi32, #tpu.memory_space<vmem>> -> memref<1x80xi32, #tpu.memory_space<vmem>>
    %dma_start3A_74 = tpu.memref_squeeze %dma_start3A_73 : memref<1x80xi32, #tpu.memory_space<vmem>> -> memref<80xi32, #tpu.memory_space<vmem>>
    %dma_start3A_75 = tpu.memref_slice %arg3[%add3A_66] : memref<640000xi32, #tpu.memory_space<hbm>> -> memref<80xi32, #tpu.memory_space<hbm>>
    tpu.enqueue_dma source(%dma_start3A_75 : memref<80xi32, #tpu.memory_space<hbm>>) target(%dma_start3A_74 : memref<80xi32, #tpu.memory_space<vmem>>) target_semaphore(%arg29 : memref<!tpu.dma_semaphore, #tpu.memory_space<semaphore_mem>>)
    %add3A_76 = arith.constant 240 : i32
    %add3A_77 = arith.addi %mul3A_4, %add3A_76 : i32
    %dma_start3A_78 = arith.constant 0 : i32
    %dma_start3A_79 = arith.constant 0 : i32
    %dma_start3A_80 = tpu.memref_slice %arg8[%dma_start3A_78, %dma_start3A_79] : memref<1x80xi32, #tpu.memory_space<vmem>> -> memref<1x80xi32, #tpu.memory_space<vmem>>
    %dma_start3A_81 = tpu.memref_squeeze %dma_start3A_80 : memref<1x80xi32, #tpu.memory_space<vmem>> -> memref<80xi32, #tpu.memory_space<vmem>>
    %dma_start3A_82 = tpu.memref_slice %arg3[%add3A_77] : memref<640000xi32, #tpu.memory_space<hbm>> -> memref<80xi32, #tpu.memory_space<hbm>>
    %dma_start3A_83 = arith.constant 0 : i32
    %dma_start3A_84 = tpu.memref_slice %arg8[%dma_start3A_78, %dma_start3A_83] : memref<1x80xi32, #tpu.memory_space<vmem>> -> memref<1x80xi32, #tpu.memory_space<vmem>>
    %dma_start3A_85 = tpu.memref_squeeze %dma_start3A_84 : memref<1x80xi32, #tpu.memory_space<vmem>> -> memref<80xi32, #tpu.memory_space<vmem>>
    %dma_start3A_86 = tpu.memref_slice %arg3[%add3A_77] : memref<640000xi32, #tpu.memory_space<hbm>> -> memref<80xi32, #tpu.memory_space<hbm>>
    tpu.enqueue_dma source(%dma_start3A_86 : memref<80xi32, #tpu.memory_space<hbm>>) target(%dma_start3A_85 : memref<80xi32, #tpu.memory_space<vmem>>) target_semaphore(%arg30 : memref<!tpu.dma_semaphore, #tpu.memory_space<semaphore_mem>>)
    %add3A_87 = arith.constant 320000 : i32
    %add3A_88 = arith.addi %add3A_87, %mul3A_4 : i32
    %add3A_89 = arith.constant 240 : i32
    %add3A_90 = arith.addi %add3A_88, %add3A_89 : i32
    %dma_start3A_91 = arith.constant 0 : i32
    %dma_start3A_92 = arith.constant 0 : i32
    %dma_start3A_93 = tpu.memref_slice %arg16[%dma_start3A_91, %dma_start3A_92] : memref<1x80xi32, #tpu.memory_space<vmem>> -> memref<1x80xi32, #tpu.memory_space<vmem>>
    %dma_start3A_94 = tpu.memref_squeeze %dma_start3A_93 : memref<1x80xi32, #tpu.memory_space<vmem>> -> memref<80xi32, #tpu.memory_space<vmem>>
    %dma_start3A_95 = tpu.memref_slice %arg3[%add3A_90] : memref<640000xi32, #tpu.memory_space<hbm>> -> memref<80xi32, #tpu.memory_space<hbm>>
    %dma_start3A_96 = arith.constant 0 : i32
    %dma_start3A_97 = tpu.memref_slice %arg16[%dma_start3A_91, %dma_start3A_96] : memref<1x80xi32, #tpu.memory_space<vmem>> -> memref<1x80xi32, #tpu.memory_space<vmem>>
    %dma_start3A_98 = tpu.memref_squeeze %dma_start3A_97 : memref<1x80xi32, #tpu.memory_space<vmem>> -> memref<80xi32, #tpu.memory_space<vmem>>
    %dma_start3A_99 = tpu.memref_slice %arg3[%add3A_90] : memref<640000xi32, #tpu.memory_space<hbm>> -> memref<80xi32, #tpu.memory_space<hbm>>
    tpu.enqueue_dma source(%dma_start3A_99 : memref<80xi32, #tpu.memory_space<hbm>>) target(%dma_start3A_98 : memref<80xi32, #tpu.memory_space<vmem>>) target_semaphore(%arg30 : memref<!tpu.dma_semaphore, #tpu.memory_space<semaphore_mem>>)
    %add3A_100 = arith.constant 320 : i32
    %add3A_101 = arith.addi %mul3A_4, %add3A_100 : i32
    %dma_start3A_102 = arith.constant 0 : i32
    %dma_start3A_103 = arith.constant 0 : i32
    %dma_start3A_104 = tpu.memref_slice %arg9[%dma_start3A_102, %dma_start3A_103] : memref<1x80xi32, #tpu.memory_space<vmem>> -> memref<1x80xi32, #tpu.memory_space<vmem>>
    %dma_start3A_105 = tpu.memref_squeeze %dma_start3A_104 : memref<1x80xi32, #tpu.memory_space<vmem>> -> memref<80xi32, #tpu.memory_space<vmem>>
    %dma_start3A_106 = tpu.memref_slice %arg3[%add3A_101] : memref<640000xi32, #tpu.memory_space<hbm>> -> memref<80xi32, #tpu.memory_space<hbm>>
    %dma_start3A_107 = arith.constant 0 : i32
    %dma_start3A_108 = tpu.memref_slice %arg9[%dma_start3A_102, %dma_start3A_107] : memref<1x80xi32, #tpu.memory_space<vmem>> -> memref<1x80xi32, #tpu.memory_space<vmem>>
    %dma_start3A_109 = tpu.memref_squeeze %dma_start3A_108 : memref<1x80xi32, #tpu.memory_space<vmem>> -> memref<80xi32, #tpu.memory_space<vmem>>
    %dma_start3A_110 = tpu.memref_slice %arg3[%add3A_101] : memref<640000xi32, #tpu.memory_space<hbm>> -> memref<80xi32, #tpu.memory_space<hbm>>
    tpu.enqueue_dma source(%dma_start3A_110 : memref<80xi32, #tpu.memory_space<hbm>>) target(%dma_start3A_109 : memref<80xi32, #tpu.memory_space<vmem>>) target_semaphore(%arg31 : memref<!tpu.dma_semaphore, #tpu.memory_space<semaphore_mem>>)
    %add3A_111 = arith.constant 320000 : i32
    %add3A_112 = arith.addi %add3A_111, %mul3A_4 : i32
    %add3A_113 = arith.constant 320 : i32
    %add3A_114 = arith.addi %add3A_112, %add3A_113 : i32
    %dma_start3A_115 = arith.constant 0 : i32
    %dma_start3A_116 = arith.constant 0 : i32
    %dma_start3A_117 = tpu.memref_slice %arg17[%dma_start3A_115, %dma_start3A_116] : memref<1x80xi32, #tpu.memory_space<vmem>> -> memref<1x80xi32, #tpu.memory_space<vmem>>
    %dma_start3A_118 = tpu.memref_squeeze %dma_start3A_117 : memref<1x80xi32, #tpu.memory_space<vmem>> -> memref<80xi32, #tpu.memory_space<vmem>>
    %dma_start3A_119 = tpu.memref_slice %arg3[%add3A_114] : memref<640000xi32, #tpu.memory_space<hbm>> -> memref<80xi32, #tpu.memory_space<hbm>>
    %dma_start3A_120 = arith.constant 0 : i32
    %dma_start3A_121 = tpu.memref_slice %arg17[%dma_start3A_115, %dma_start3A_120] : memref<1x80xi32, #tpu.memory_space<vmem>> -> memref<1x80xi32, #tpu.memory_space<vmem>>
    %dma_start3A_122 = tpu.memref_squeeze %dma_start3A_121 : memref<1x80xi32, #tpu.memory_space<vmem>> -> memref<80xi32, #tpu.memory_space<vmem>>
    %dma_start3A_123 = tpu.memref_slice %arg3[%add3A_114] : memref<640000xi32, #tpu.memory_space<hbm>> -> memref<80xi32, #tpu.memory_space<hbm>>
    tpu.enqueue_dma source(%dma_start3A_123 : memref<80xi32, #tpu.memory_space<hbm>>) target(%dma_start3A_122 : memref<80xi32, #tpu.memory_space<vmem>>) target_semaphore(%arg31 : memref<!tpu.dma_semaphore, #tpu.memory_space<semaphore_mem>>)
    %add3A_124 = arith.constant 400 : i32
    %add3A_125 = arith.addi %mul3A_4, %add3A_124 : i32
    %dma_start3A_126 = arith.constant 0 : i32
    %dma_start3A_127 = arith.constant 0 : i32
    %dma_start3A_128 = tpu.memref_slice %arg10[%dma_start3A_126, %dma_start3A_127] : memref<1x80xi32, #tpu.memory_space<vmem>> -> memref<1x80xi32, #tpu.memory_space<vmem>>
    %dma_start3A_129 = tpu.memref_squeeze %dma_start3A_128 : memref<1x80xi32, #tpu.memory_space<vmem>> -> memref<80xi32, #tpu.memory_space<vmem>>
    %dma_start3A_130 = tpu.memref_slice %arg3[%add3A_125] : memref<640000xi32, #tpu.memory_space<hbm>> -> memref<80xi32, #tpu.memory_space<hbm>>
    %dma_start3A_131 = arith.constant 0 : i32
    %dma_start3A_132 = tpu.memref_slice %arg10[%dma_start3A_126, %dma_start3A_131] : memref<1x80xi32, #tpu.memory_space<vmem>> -> memref<1x80xi32, #tpu.memory_space<vmem>>
    %dma_start3A_133 = tpu.memref_squeeze %dma_start3A_132 : memref<1x80xi32, #tpu.memory_space<vmem>> -> memref<80xi32, #tpu.memory_space<vmem>>
    %dma_start3A_134 = tpu.memref_slice %arg3[%add3A_125] : memref<640000xi32, #tpu.memory_space<hbm>> -> memref<80xi32, #tpu.memory_space<hbm>>
    tpu.enqueue_dma source(%dma_start3A_134 : memref<80xi32, #tpu.memory_space<hbm>>) target(%dma_start3A_133 : memref<80xi32, #tpu.memory_space<vmem>>) target_semaphore(%arg32 : memref<!tpu.dma_semaphore, #tpu.memory_space<semaphore_mem>>)
    %add3A_135 = arith.constant 320000 : i32
    %add3A_136 = arith.addi %add3A_135, %mul3A_4 : i32
    %add3A_137 = arith.constant 400 : i32
    %add3A_138 = arith.addi %add3A_136, %add3A_137 : i32
    %dma_start3A_139 = arith.constant 0 : i32
    %dma_start3A_140 = arith.constant 0 : i32
    %dma_start3A_141 = tpu.memref_slice %arg18[%dma_start3A_139, %dma_start3A_140] : memref<1x80xi32, #tpu.memory_space<vmem>> -> memref<1x80xi32, #tpu.memory_space<vmem>>
    %dma_start3A_142 = tpu.memref_squeeze %dma_start3A_141 : memref<1x80xi32, #tpu.memory_space<vmem>> -> memref<80xi32, #tpu.memory_space<vmem>>
    %dma_start3A_143 = tpu.memref_slice %arg3[%add3A_138] : memref<640000xi32, #tpu.memory_space<hbm>> -> memref<80xi32, #tpu.memory_space<hbm>>
    %dma_start3A_144 = arith.constant 0 : i32
    %dma_start3A_145 = tpu.memref_slice %arg18[%dma_start3A_139, %dma_start3A_144] : memref<1x80xi32, #tpu.memory_space<vmem>> -> memref<1x80xi32, #tpu.memory_space<vmem>>
    %dma_start3A_146 = tpu.memref_squeeze %dma_start3A_145 : memref<1x80xi32, #tpu.memory_space<vmem>> -> memref<80xi32, #tpu.memory_space<vmem>>
    %dma_start3A_147 = tpu.memref_slice %arg3[%add3A_138] : memref<640000xi32, #tpu.memory_space<hbm>> -> memref<80xi32, #tpu.memory_space<hbm>>
    tpu.enqueue_dma source(%dma_start3A_147 : memref<80xi32, #tpu.memory_space<hbm>>) target(%dma_start3A_146 : memref<80xi32, #tpu.memory_space<vmem>>) target_semaphore(%arg32 : memref<!tpu.dma_semaphore, #tpu.memory_space<semaphore_mem>>)
    %add3A_148 = arith.constant 480 : i32
    %add3A_149 = arith.addi %mul3A_4, %add3A_148 : i32
    %dma_start3A_150 = arith.constant 0 : i32
    %dma_start3A_151 = arith.constant 0 : i32
    %dma_start3A_152 = tpu.memref_slice %arg11[%dma_start3A_150, %dma_start3A_151] : memref<1x80xi32, #tpu.memory_space<vmem>> -> memref<1x80xi32, #tpu.memory_space<vmem>>
    %dma_start3A_153 = tpu.memref_squeeze %dma_start3A_152 : memref<1x80xi32, #tpu.memory_space<vmem>> -> memref<80xi32, #tpu.memory_space<vmem>>
    %dma_start3A_154 = tpu.memref_slice %arg3[%add3A_149] : memref<640000xi32, #tpu.memory_space<hbm>> -> memref<80xi32, #tpu.memory_space<hbm>>
    %dma_start3A_155 = arith.constant 0 : i32
    %dma_start3A_156 = tpu.memref_slice %arg11[%dma_start3A_150, %dma_start3A_155] : memref<1x80xi32, #tpu.memory_space<vmem>> -> memref<1x80xi32, #tpu.memory_space<vmem>>
    %dma_start3A_157 = tpu.memref_squeeze %dma_start3A_156 : memref<1x80xi32, #tpu.memory_space<vmem>> -> memref<80xi32, #tpu.memory_space<vmem>>
    %dma_start3A_158 = tpu.memref_slice %arg3[%add3A_149] : memref<640000xi32, #tpu.memory_space<hbm>> -> memref<80xi32, #tpu.memory_space<hbm>>
    tpu.enqueue_dma source(%dma_start3A_158 : memref<80xi32, #tpu.memory_space<hbm>>) target(%dma_start3A_157 : memref<80xi32, #tpu.memory_space<vmem>>) target_semaphore(%arg33 : memref<!tpu.dma_semaphore, #tpu.memory_space<semaphore_mem>>)
    %add3A_159 = arith.constant 320000 : i32
    %add3A_160 = arith.addi %add3A_159, %mul3A_4 : i32
    %add3A_161 = arith.constant 480 : i32
    %add3A_162 = arith.addi %add3A_160, %add3A_161 : i32
    %dma_start3A_163 = arith.constant 0 : i32
    %dma_start3A_164 = arith.constant 0 : i32
    %dma_start3A_165 = tpu.memref_slice %arg19[%dma_start3A_163, %dma_start3A_164] : memref<1x80xi32, #tpu.memory_space<vmem>> -> memref<1x80xi32, #tpu.memory_space<vmem>>
    %dma_start3A_166 = tpu.memref_squeeze %dma_start3A_165 : memref<1x80xi32, #tpu.memory_space<vmem>> -> memref<80xi32, #tpu.memory_space<vmem>>
    %dma_start3A_167 = tpu.memref_slice %arg3[%add3A_162] : memref<640000xi32, #tpu.memory_space<hbm>> -> memref<80xi32, #tpu.memory_space<hbm>>
    %dma_start3A_168 = arith.constant 0 : i32
    %dma_start3A_169 = tpu.memref_slice %arg19[%dma_start3A_163, %dma_start3A_168] : memref<1x80xi32, #tpu.memory_space<vmem>> -> memref<1x80xi32, #tpu.memory_space<vmem>>
    %dma_start3A_170 = tpu.memref_squeeze %dma_start3A_169 : memref<1x80xi32, #tpu.memory_space<vmem>> -> memref<80xi32, #tpu.memory_space<vmem>>
    %dma_start3A_171 = tpu.memref_slice %arg3[%add3A_162] : memref<640000xi32, #tpu.memory_space<hbm>> -> memref<80xi32, #tpu.memory_space<hbm>>
    tpu.enqueue_dma source(%dma_start3A_171 : memref<80xi32, #tpu.memory_space<hbm>>) target(%dma_start3A_170 : memref<80xi32, #tpu.memory_space<vmem>>) target_semaphore(%arg33 : memref<!tpu.dma_semaphore, #tpu.memory_space<semaphore_mem>>)
    %add3A_172 = arith.constant 560 : i32
    %add3A_173 = arith.addi %mul3A_4, %add3A_172 : i32
    %dma_start3A_174 = arith.constant 0 : i32
    %dma_start3A_175 = arith.constant 0 : i32
    %dma_start3A_176 = tpu.memref_slice %arg12[%dma_start3A_174, %dma_start3A_175] : memref<1x80xi32, #tpu.memory_space<vmem>> -> memref<1x80xi32, #tpu.memory_space<vmem>>
    %dma_start3A_177 = tpu.memref_squeeze %dma_start3A_176 : memref<1x80xi32, #tpu.memory_space<vmem>> -> memref<80xi32, #tpu.memory_space<vmem>>
    %dma_start3A_178 = tpu.memref_slice %arg3[%add3A_173] : memref<640000xi32, #tpu.memory_space<hbm>> -> memref<80xi32, #tpu.memory_space<hbm>>
    %dma_start3A_179 = arith.constant 0 : i32
    %dma_start3A_180 = tpu.memref_slice %arg12[%dma_start3A_174, %dma_start3A_179] : memref<1x80xi32, #tpu.memory_space<vmem>> -> memref<1x80xi32, #tpu.memory_space<vmem>>
    %dma_start3A_181 = tpu.memref_squeeze %dma_start3A_180 : memref<1x80xi32, #tpu.memory_space<vmem>> -> memref<80xi32, #tpu.memory_space<vmem>>
    %dma_start3A_182 = tpu.memref_slice %arg3[%add3A_173] : memref<640000xi32, #tpu.memory_space<hbm>> -> memref<80xi32, #tpu.memory_space<hbm>>
    tpu.enqueue_dma source(%dma_start3A_182 : memref<80xi32, #tpu.memory_space<hbm>>) target(%dma_start3A_181 : memref<80xi32, #tpu.memory_space<vmem>>) target_semaphore(%arg34 : memref<!tpu.dma_semaphore, #tpu.memory_space<semaphore_mem>>)
    %add3A_183 = arith.constant 320000 : i32
    %add3A_184 = arith.addi %add3A_183, %mul3A_4 : i32
    %add3A_185 = arith.constant 560 : i32
    %add3A_186 = arith.addi %add3A_184, %add3A_185 : i32
    %dma_start3A_187 = arith.constant 0 : i32
    %dma_start3A_188 = arith.constant 0 : i32
    %dma_start3A_189 = tpu.memref_slice %arg20[%dma_start3A_187, %dma_start3A_188] : memref<1x80xi32, #tpu.memory_space<vmem>> -> memref<1x80xi32, #tpu.memory_space<vmem>>
    %dma_start3A_190 = tpu.memref_squeeze %dma_start3A_189 : memref<1x80xi32, #tpu.memory_space<vmem>> -> memref<80xi32, #tpu.memory_space<vmem>>
    %dma_start3A_191 = tpu.memref_slice %arg3[%add3A_186] : memref<640000xi32, #tpu.memory_space<hbm>> -> memref<80xi32, #tpu.memory_space<hbm>>
    %dma_start3A_192 = arith.constant 0 : i32
    %dma_start3A_193 = tpu.memref_slice %arg20[%dma_start3A_187, %dma_start3A_192] : memref<1x80xi32, #tpu.memory_space<vmem>> -> memref<1x80xi32, #tpu.memory_space<vmem>>
    %dma_start3A_194 = tpu.memref_squeeze %dma_start3A_193 : memref<1x80xi32, #tpu.memory_space<vmem>> -> memref<80xi32, #tpu.memory_space<vmem>>
    %dma_start3A_195 = tpu.memref_slice %arg3[%add3A_186] : memref<640000xi32, #tpu.memory_space<hbm>> -> memref<80xi32, #tpu.memory_space<hbm>>
    tpu.enqueue_dma source(%dma_start3A_195 : memref<80xi32, #tpu.memory_space<hbm>>) target(%dma_start3A_194 : memref<80xi32, #tpu.memory_space<vmem>>) target_semaphore(%arg34 : memref<!tpu.dma_semaphore, #tpu.memory_space<semaphore_mem>>)
    %dma_wait3A = arith.constant 0 : i32
    %dma_wait3A_196 = arith.constant 0 : i32
    %dma_wait3A_197 = tpu.memref_slice %arg5[%dma_wait3A, %dma_wait3A_196] : memref<1x80xi32, #tpu.memory_space<vmem>> -> memref<1x80xi32, #tpu.memory_space<vmem>>
    %dma_wait3A_198 = tpu.memref_squeeze %dma_wait3A_197 : memref<1x80xi32, #tpu.memory_space<vmem>> -> memref<80xi32, #tpu.memory_space<vmem>>
    %dma_wait3A_199 = tpu.memref_slice %arg3[%mul3A_4] : memref<640000xi32, #tpu.memory_space<hbm>> -> memref<80xi32, #tpu.memory_space<hbm>>
    %dma_wait3A_200 = arith.constant 0 : i32
    %dma_wait3A_201 = tpu.memref_slice %arg5[%dma_wait3A, %dma_wait3A_200] : memref<1x80xi32, #tpu.memory_space<vmem>> -> memref<1x80xi32, #tpu.memory_space<vmem>>
    %dma_wait3A_202 = tpu.memref_squeeze %dma_wait3A_201 : memref<1x80xi32, #tpu.memory_space<vmem>> -> memref<80xi32, #tpu.memory_space<vmem>>
    %dma_wait3A_203 = tpu.memref_slice %arg3[%mul3A_4] : memref<640000xi32, #tpu.memory_space<hbm>> -> memref<80xi32, #tpu.memory_space<hbm>>
    tpu.wait_dma2 semaphore(%arg27 : memref<!tpu.dma_semaphore, #tpu.memory_space<semaphore_mem>>) src(%dma_wait3A_203 : memref<80xi32, #tpu.memory_space<hbm>>) dst(%dma_wait3A_202 : memref<80xi32, #tpu.memory_space<vmem>>)
    %add3A_204 = arith.constant 320000 : i32
    %add3A_205 = arith.addi %add3A_204, %mul3A_4 : i32
    %dma_wait3A_206 = arith.constant 0 : i32
    %dma_wait3A_207 = arith.constant 0 : i32
    %dma_wait3A_208 = tpu.memref_slice %arg13[%dma_wait3A_206, %dma_wait3A_207] : memref<1x80xi32, #tpu.memory_space<vmem>> -> memref<1x80xi32, #tpu.memory_space<vmem>>
    %dma_wait3A_209 = tpu.memref_squeeze %dma_wait3A_208 : memref<1x80xi32, #tpu.memory_space<vmem>> -> memref<80xi32, #tpu.memory_space<vmem>>
    %dma_wait3A_210 = tpu.memref_slice %arg3[%add3A_205] : memref<640000xi32, #tpu.memory_space<hbm>> -> memref<80xi32, #tpu.memory_space<hbm>>
    %dma_wait3A_211 = arith.constant 0 : i32
    %dma_wait3A_212 = tpu.memref_slice %arg13[%dma_wait3A_206, %dma_wait3A_211] : memref<1x80xi32, #tpu.memory_space<vmem>> -> memref<1x80xi32, #tpu.memory_space<vmem>>
    %dma_wait3A_213 = tpu.memref_squeeze %dma_wait3A_212 : memref<1x80xi32, #tpu.memory_space<vmem>> -> memref<80xi32, #tpu.memory_space<vmem>>
    %dma_wait3A_214 = tpu.memref_slice %arg3[%add3A_205] : memref<640000xi32, #tpu.memory_space<hbm>> -> memref<80xi32, #tpu.memory_space<hbm>>
    tpu.wait_dma2 semaphore(%arg27 : memref<!tpu.dma_semaphore, #tpu.memory_space<semaphore_mem>>) src(%dma_wait3A_214 : memref<80xi32, #tpu.memory_space<hbm>>) dst(%dma_wait3A_213 : memref<80xi32, #tpu.memory_space<vmem>>)
    %dma_start3A_215 = arith.constant 0 : i32
    %dma_start3A_216 = arith.constant 0 : i32
    %dma_start3A_217 = tpu.memref_slice %arg5[%dma_start3A_215, %dma_start3A_216] : memref<1x80xi32, #tpu.memory_space<vmem>> -> memref<1x80xi32, #tpu.memory_space<vmem>>
    %dma_start3A_218 = tpu.memref_squeeze %dma_start3A_217 : memref<1x80xi32, #tpu.memory_space<vmem>> -> memref<80xi32, #tpu.memory_space<vmem>>
    %dma_start3A_219 = arith.constant 0 : i32
    %dma_start3A_220 = arith.constant 0 : i32
    %dma_start3A_221 = tpu.memref_slice %arg2[%dma_start3A_219, %dma_start3A_220] : memref<10240x128xf32, #tpu.memory_space<hbm>> -> memref<10240x128xf32, #tpu.memory_space<hbm>>
    tpu.enqueue_indirect_dma source(%dma_start3A_221 : memref<10240x128xf32, #tpu.memory_space<hbm>>) target(%arg21 : memref<80x128xf32, #tpu.memory_space<vmem>>) offsets(%dma_start3A_218 : memref<80xi32, #tpu.memory_space<vmem>>) semaphore(%arg35 : memref<!tpu.dma_semaphore, #tpu.memory_space<semaphore_mem>>)
    %dma_wait3A_222 = arith.constant 0 : i32
    %dma_wait3A_223 = arith.constant 0 : i32
    %dma_wait3A_224 = tpu.memref_slice %arg6[%dma_wait3A_222, %dma_wait3A_223] : memref<1x80xi32, #tpu.memory_space<vmem>> -> memref<1x80xi32, #tpu.memory_space<vmem>>
    %dma_wait3A_225 = tpu.memref_squeeze %dma_wait3A_224 : memref<1x80xi32, #tpu.memory_space<vmem>> -> memref<80xi32, #tpu.memory_space<vmem>>
    %dma_wait3A_226 = tpu.memref_slice %arg3[%mul3A_4] : memref<640000xi32, #tpu.memory_space<hbm>> -> memref<80xi32, #tpu.memory_space<hbm>>
    %dma_wait3A_227 = arith.constant 0 : i32
    %dma_wait3A_228 = tpu.memref_slice %arg6[%dma_wait3A_222, %dma_wait3A_227] : memref<1x80xi32, #tpu.memory_space<vmem>> -> memref<1x80xi32, #tpu.memory_space<vmem>>
    %dma_wait3A_229 = tpu.memref_squeeze %dma_wait3A_228 : memref<1x80xi32, #tpu.memory_space<vmem>> -> memref<80xi32, #tpu.memory_space<vmem>>
    %dma_wait3A_230 = tpu.memref_slice %arg3[%mul3A_4] : memref<640000xi32, #tpu.memory_space<hbm>> -> memref<80xi32, #tpu.memory_space<hbm>>
    tpu.wait_dma2 semaphore(%arg28 : memref<!tpu.dma_semaphore, #tpu.memory_space<semaphore_mem>>) src(%dma_wait3A_230 : memref<80xi32, #tpu.memory_space<hbm>>) dst(%dma_wait3A_229 : memref<80xi32, #tpu.memory_space<vmem>>)
    %add3A_231 = arith.constant 320000 : i32
    %add3A_232 = arith.addi %add3A_231, %mul3A_4 : i32
    %dma_wait3A_233 = arith.constant 0 : i32
    %dma_wait3A_234 = arith.constant 0 : i32
    %dma_wait3A_235 = tpu.memref_slice %arg14[%dma_wait3A_233, %dma_wait3A_234] : memref<1x80xi32, #tpu.memory_space<vmem>> -> memref<1x80xi32, #tpu.memory_space<vmem>>
    %dma_wait3A_236 = tpu.memref_squeeze %dma_wait3A_235 : memref<1x80xi32, #tpu.memory_space<vmem>> -> memref<80xi32, #tpu.memory_space<vmem>>
    %dma_wait3A_237 = tpu.memref_slice %arg3[%add3A_232] : memref<640000xi32, #tpu.memory_space<hbm>> -> memref<80xi32, #tpu.memory_space<hbm>>
    %dma_wait3A_238 = arith.constant 0 : i32
    %dma_wait3A_239 = tpu.memref_slice %arg14[%dma_wait3A_233, %dma_wait3A_238] : memref<1x80xi32, #tpu.memory_space<vmem>> -> memref<1x80xi32, #tpu.memory_space<vmem>>
    %dma_wait3A_240 = tpu.memref_squeeze %dma_wait3A_239 : memref<1x80xi32, #tpu.memory_space<vmem>> -> memref<80xi32, #tpu.memory_space<vmem>>
    %dma_wait3A_241 = tpu.memref_slice %arg3[%add3A_232] : memref<640000xi32, #tpu.memory_space<hbm>> -> memref<80xi32, #tpu.memory_space<hbm>>
    tpu.wait_dma2 semaphore(%arg28 : memref<!tpu.dma_semaphore, #tpu.memory_space<semaphore_mem>>) src(%dma_wait3A_241 : memref<80xi32, #tpu.memory_space<hbm>>) dst(%dma_wait3A_240 : memref<80xi32, #tpu.memory_space<vmem>>)
    %dma_start3A_242 = arith.constant 0 : i32
    %dma_start3A_243 = arith.constant 0 : i32
    %dma_start3A_244 = tpu.memref_slice %arg6[%dma_start3A_242, %dma_start3A_243] : memref<1x80xi32, #tpu.memory_space<vmem>> -> memref<1x80xi32, #tpu.memory_space<vmem>>
    %dma_start3A_245 = tpu.memref_squeeze %dma_start3A_244 : memref<1x80xi32, #tpu.memory_space<vmem>> -> memref<80xi32, #tpu.memory_space<vmem>>
    %dma_start3A_246 = arith.constant 0 : i32
    %dma_start3A_247 = arith.constant 0 : i32
    %dma_start3A_248 = tpu.memref_slice %arg2[%dma_start3A_246, %dma_start3A_247] : memref<10240x128xf32, #tpu.memory_space<hbm>> -> memref<10240x128xf32, #tpu.memory_space<hbm>>
    tpu.enqueue_indirect_dma source(%dma_start3A_248 : memref<10240x128xf32, #tpu.memory_space<hbm>>) target(%arg22 : memref<80x128xf32, #tpu.memory_space<vmem>>) offsets(%dma_start3A_245 : memref<80xi32, #tpu.memory_space<vmem>>) semaphore(%arg36 : memref<!tpu.dma_semaphore, #tpu.memory_space<semaphore_mem>>)
    %dma_wait3A_249 = arith.constant 0 : i32
    %dma_wait3A_250 = arith.constant 0 : i32
    %dma_wait3A_251 = tpu.memref_slice %arg7[%dma_wait3A_249, %dma_wait3A_250] : memref<1x80xi32, #tpu.memory_space<vmem>> -> memref<1x80xi32, #tpu.memory_space<vmem>>
    %dma_wait3A_252 = tpu.memref_squeeze %dma_wait3A_251 : memref<1x80xi32, #tpu.memory_space<vmem>> -> memref<80xi32, #tpu.memory_space<vmem>>
    %dma_wait3A_253 = tpu.memref_slice %arg3[%mul3A_4] : memref<640000xi32, #tpu.memory_space<hbm>> -> memref<80xi32, #tpu.memory_space<hbm>>
    %dma_wait3A_254 = arith.constant 0 : i32
    %dma_wait3A_255 = tpu.memref_slice %arg7[%dma_wait3A_249, %dma_wait3A_254] : memref<1x80xi32, #tpu.memory_space<vmem>> -> memref<1x80xi32, #tpu.memory_space<vmem>>
    %dma_wait3A_256 = tpu.memref_squeeze %dma_wait3A_255 : memref<1x80xi32, #tpu.memory_space<vmem>> -> memref<80xi32, #tpu.memory_space<vmem>>
    %dma_wait3A_257 = tpu.memref_slice %arg3[%mul3A_4] : memref<640000xi32, #tpu.memory_space<hbm>> -> memref<80xi32, #tpu.memory_space<hbm>>
    tpu.wait_dma2 semaphore(%arg29 : memref<!tpu.dma_semaphore, #tpu.memory_space<semaphore_mem>>) src(%dma_wait3A_257 : memref<80xi32, #tpu.memory_space<hbm>>) dst(%dma_wait3A_256 : memref<80xi32, #tpu.memory_space<vmem>>)
    %add3A_258 = arith.constant 320000 : i32
    %add3A_259 = arith.addi %add3A_258, %mul3A_4 : i32
    %dma_wait3A_260 = arith.constant 0 : i32
    %dma_wait3A_261 = arith.constant 0 : i32
    %dma_wait3A_262 = tpu.memref_slice %arg15[%dma_wait3A_260, %dma_wait3A_261] : memref<1x80xi32, #tpu.memory_space<vmem>> -> memref<1x80xi32, #tpu.memory_space<vmem>>
    %dma_wait3A_263 = tpu.memref_squeeze %dma_wait3A_262 : memref<1x80xi32, #tpu.memory_space<vmem>> -> memref<80xi32, #tpu.memory_space<vmem>>
    %dma_wait3A_264 = tpu.memref_slice %arg3[%add3A_259] : memref<640000xi32, #tpu.memory_space<hbm>> -> memref<80xi32, #tpu.memory_space<hbm>>
    %dma_wait3A_265 = arith.constant 0 : i32
    %dma_wait3A_266 = tpu.memref_slice %arg15[%dma_wait3A_260, %dma_wait3A_265] : memref<1x80xi32, #tpu.memory_space<vmem>> -> memref<1x80xi32, #tpu.memory_space<vmem>>
    %dma_wait3A_267 = tpu.memref_squeeze %dma_wait3A_266 : memref<1x80xi32, #tpu.memory_space<vmem>> -> memref<80xi32, #tpu.memory_space<vmem>>
    %dma_wait3A_268 = tpu.memref_slice %arg3[%add3A_259] : memref<640000xi32, #tpu.memory_space<hbm>> -> memref<80xi32, #tpu.memory_space<hbm>>
    tpu.wait_dma2 semaphore(%arg29 : memref<!tpu.dma_semaphore, #tpu.memory_space<semaphore_mem>>) src(%dma_wait3A_268 : memref<80xi32, #tpu.memory_space<hbm>>) dst(%dma_wait3A_267 : memref<80xi32, #tpu.memory_space<vmem>>)
    %dma_start3A_269 = arith.constant 0 : i32
    %dma_start3A_270 = arith.constant 0 : i32
    %dma_start3A_271 = tpu.memref_slice %arg7[%dma_start3A_269, %dma_start3A_270] : memref<1x80xi32, #tpu.memory_space<vmem>> -> memref<1x80xi32, #tpu.memory_space<vmem>>
    %dma_start3A_272 = tpu.memref_squeeze %dma_start3A_271 : memref<1x80xi32, #tpu.memory_space<vmem>> -> memref<80xi32, #tpu.memory_space<vmem>>
    %dma_start3A_273 = arith.constant 0 : i32
    %dma_start3A_274 = arith.constant 0 : i32
    %dma_start3A_275 = tpu.memref_slice %arg2[%dma_start3A_273, %dma_start3A_274] : memref<10240x128xf32, #tpu.memory_space<hbm>> -> memref<10240x128xf32, #tpu.memory_space<hbm>>
    tpu.enqueue_indirect_dma source(%dma_start3A_275 : memref<10240x128xf32, #tpu.memory_space<hbm>>) target(%arg23 : memref<80x128xf32, #tpu.memory_space<vmem>>) offsets(%dma_start3A_272 : memref<80xi32, #tpu.memory_space<vmem>>) semaphore(%arg37 : memref<!tpu.dma_semaphore, #tpu.memory_space<semaphore_mem>>)
    %dma_wait3A_276 = arith.constant 0 : i32
    %dma_wait3A_277 = arith.constant 0 : i32
    %dma_wait3A_278 = tpu.memref_slice %arg8[%dma_wait3A_276, %dma_wait3A_277] : memref<1x80xi32, #tpu.memory_space<vmem>> -> memref<1x80xi32, #tpu.memory_space<vmem>>
    %dma_wait3A_279 = tpu.memref_squeeze %dma_wait3A_278 : memref<1x80xi32, #tpu.memory_space<vmem>> -> memref<80xi32, #tpu.memory_space<vmem>>
    %dma_wait3A_280 = tpu.memref_slice %arg3[%mul3A_4] : memref<640000xi32, #tpu.memory_space<hbm>> -> memref<80xi32, #tpu.memory_space<hbm>>
    %dma_wait3A_281 = arith.constant 0 : i32
    %dma_wait3A_282 = tpu.memref_slice %arg8[%dma_wait3A_276, %dma_wait3A_281] : memref<1x80xi32, #tpu.memory_space<vmem>> -> memref<1x80xi32, #tpu.memory_space<vmem>>
    %dma_wait3A_283 = tpu.memref_squeeze %dma_wait3A_282 : memref<1x80xi32, #tpu.memory_space<vmem>> -> memref<80xi32, #tpu.memory_space<vmem>>
    %dma_wait3A_284 = tpu.memref_slice %arg3[%mul3A_4] : memref<640000xi32, #tpu.memory_space<hbm>> -> memref<80xi32, #tpu.memory_space<hbm>>
    tpu.wait_dma2 semaphore(%arg30 : memref<!tpu.dma_semaphore, #tpu.memory_space<semaphore_mem>>) src(%dma_wait3A_284 : memref<80xi32, #tpu.memory_space<hbm>>) dst(%dma_wait3A_283 : memref<80xi32, #tpu.memory_space<vmem>>)
    %add3A_285 = arith.constant 320000 : i32
    %add3A_286 = arith.addi %add3A_285, %mul3A_4 : i32
    %dma_wait3A_287 = arith.constant 0 : i32
    %dma_wait3A_288 = arith.constant 0 : i32
    %dma_wait3A_289 = tpu.memref_slice %arg16[%dma_wait3A_287, %dma_wait3A_288] : memref<1x80xi32, #tpu.memory_space<vmem>> -> memref<1x80xi32, #tpu.memory_space<vmem>>
    %dma_wait3A_290 = tpu.memref_squeeze %dma_wait3A_289 : memref<1x80xi32, #tpu.memory_space<vmem>> -> memref<80xi32, #tpu.memory_space<vmem>>
    %dma_wait3A_291 = tpu.memref_slice %arg3[%add3A_286] : memref<640000xi32, #tpu.memory_space<hbm>> -> memref<80xi32, #tpu.memory_space<hbm>>
    %dma_wait3A_292 = arith.constant 0 : i32
    %dma_wait3A_293 = tpu.memref_slice %arg16[%dma_wait3A_287, %dma_wait3A_292] : memref<1x80xi32, #tpu.memory_space<vmem>> -> memref<1x80xi32, #tpu.memory_space<vmem>>
    %dma_wait3A_294 = tpu.memref_squeeze %dma_wait3A_293 : memref<1x80xi32, #tpu.memory_space<vmem>> -> memref<80xi32, #tpu.memory_space<vmem>>
    %dma_wait3A_295 = tpu.memref_slice %arg3[%add3A_286] : memref<640000xi32, #tpu.memory_space<hbm>> -> memref<80xi32, #tpu.memory_space<hbm>>
    tpu.wait_dma2 semaphore(%arg30 : memref<!tpu.dma_semaphore, #tpu.memory_space<semaphore_mem>>) src(%dma_wait3A_295 : memref<80xi32, #tpu.memory_space<hbm>>) dst(%dma_wait3A_294 : memref<80xi32, #tpu.memory_space<vmem>>)
    %dma_start3A_296 = arith.constant 0 : i32
    %dma_start3A_297 = arith.constant 0 : i32
    %dma_start3A_298 = tpu.memref_slice %arg8[%dma_start3A_296, %dma_start3A_297] : memref<1x80xi32, #tpu.memory_space<vmem>> -> memref<1x80xi32, #tpu.memory_space<vmem>>
    %dma_start3A_299 = tpu.memref_squeeze %dma_start3A_298 : memref<1x80xi32, #tpu.memory_space<vmem>> -> memref<80xi32, #tpu.memory_space<vmem>>
    %dma_start3A_300 = arith.constant 0 : i32
    %dma_start3A_301 = arith.constant 0 : i32
    %dma_start3A_302 = tpu.memref_slice %arg2[%dma_start3A_300, %dma_start3A_301] : memref<10240x128xf32, #tpu.memory_space<hbm>> -> memref<10240x128xf32, #tpu.memory_space<hbm>>
    tpu.enqueue_indirect_dma source(%dma_start3A_302 : memref<10240x128xf32, #tpu.memory_space<hbm>>) target(%arg24 : memref<80x128xf32, #tpu.memory_space<vmem>>) offsets(%dma_start3A_299 : memref<80xi32, #tpu.memory_space<vmem>>) semaphore(%arg38 : memref<!tpu.dma_semaphore, #tpu.memory_space<semaphore_mem>>)
    %broadcast_in_dim3A = arith.constant 0.000000e+00 : f32
    %broadcast_in_dim3A_303 = vector.broadcast %broadcast_in_dim3A : f32 to vector<16xf32>
    %swap3A = arith.constant 0 : i32
    %swap3A_304 = arith.index_cast %swap3A : i32 to index
    %swap3A_305 = arith.constant 0 : index
    %swap3A_306 = tpu.vector_load %arg25[%swap3A_304, %swap3A_305] {strides = array<i32>} : memref<16x128xf32, #tpu.memory_space<vmem>>, vector<1x16xf32>,
    %swap3A_307 = vector.shape_cast %swap3A_306 : vector<1x16xf32> to vector<16xf32>
    %swap3A_308 = vector.shape_cast %broadcast_in_dim3A_303 : vector<16xf32> to vector<1x16xf32>
    tpu.vector_store %arg25[%swap3A_304, %swap3A_305], %swap3A_308 {strides = array<i32>} : memref<16x128xf32, #tpu.memory_space<vmem>>, vector<1x16xf32>,
    %broadcast_in_dim3A_309 = arith.constant 0.000000e+00 : f32
    %broadcast_in_dim3A_310 = vector.broadcast %broadcast_in_dim3A_309 : f32 to vector<16xf32>
    %swap3A_311 = arith.constant 0 : i32
    %swap3A_312 = arith.index_cast %swap3A_311 : i32 to index
    %swap3A_313 = arith.constant 16 : index
    %swap3A_314 = tpu.vector_load %arg25[%swap3A_312, %swap3A_313] {strides = array<i32>} : memref<16x128xf32, #tpu.memory_space<vmem>>, vector<1x16xf32>,
    %swap3A_315 = vector.shape_cast %swap3A_314 : vector<1x16xf32> to vector<16xf32>
    %swap3A_316 = vector.shape_cast %broadcast_in_dim3A_310 : vector<16xf32> to vector<1x16xf32>
    tpu.vector_store %arg25[%swap3A_312, %swap3A_313], %swap3A_316 {strides = array<i32>} : memref<16x128xf32, #tpu.memory_space<vmem>>, vector<1x16xf32>,
    %broadcast_in_dim3A_317 = arith.constant 0.000000e+00 : f32
    %broadcast_in_dim3A_318 = vector.broadcast %broadcast_in_dim3A_317 : f32 to vector<16xf32>
    %swap3A_319 = arith.constant 0 : i32
    %swap3A_320 = arith.index_cast %swap3A_319 : i32 to index
    %swap3A_321 = arith.constant 32 : index
    %swap3A_322 = tpu.vector_load %arg25[%swap3A_320, %swap3A_321] {strides = array<i32>} : memref<16x128xf32, #tpu.memory_space<vmem>>, vector<1x16xf32>,
    %swap3A_323 = vector.shape_cast %swap3A_322 : vector<1x16xf32> to vector<16xf32>
    %swap3A_324 = vector.shape_cast %broadcast_in_dim3A_318 : vector<16xf32> to vector<1x16xf32>
    tpu.vector_store %arg25[%swap3A_320, %swap3A_321], %swap3A_324 {strides = array<i32>} : memref<16x128xf32, #tpu.memory_space<vmem>>, vector<1x16xf32>,
    %broadcast_in_dim3A_325 = arith.constant 0.000000e+00 : f32
    %broadcast_in_dim3A_326 = vector.broadcast %broadcast_in_dim3A_325 : f32 to vector<16xf32>
    %swap3A_327 = arith.constant 0 : i32
    %swap3A_328 = arith.index_cast %swap3A_327 : i32 to index
    %swap3A_329 = arith.constant 48 : index
    %swap3A_330 = tpu.vector_load %arg25[%swap3A_328, %swap3A_329] {strides = array<i32>} : memref<16x128xf32, #tpu.memory_space<vmem>>, vector<1x16xf32>,
    %swap3A_331 = vector.shape_cast %swap3A_330 : vector<1x16xf32> to vector<16xf32>
    %swap3A_332 = vector.shape_cast %broadcast_in_dim3A_326 : vector<16xf32> to vector<1x16xf32>
    tpu.vector_store %arg25[%swap3A_328, %swap3A_329], %swap3A_332 {strides = array<i32>} : memref<16x128xf32, #tpu.memory_space<vmem>>, vector<1x16xf32>,
    %broadcast_in_dim3A_333 = arith.constant 0.000000e+00 : f32
    %broadcast_in_dim3A_334 = vector.broadcast %broadcast_in_dim3A_333 : f32 to vector<16xf32>
    %swap3A_335 = arith.constant 0 : i32
    %swap3A_336 = arith.index_cast %swap3A_335 : i32 to index
    %swap3A_337 = arith.constant 64 : index
    %swap3A_338 = tpu.vector_load %arg25[%swap3A_336, %swap3A_337] {strides = array<i32>} : memref<16x128xf32, #tpu.memory_space<vmem>>, vector<1x16xf32>,
    %swap3A_339 = vector.shape_cast %swap3A_338 : vector<1x16xf32> to vector<16xf32>
    %swap3A_340 = vector.shape_cast %broadcast_in_dim3A_334 : vector<16xf32> to vector<1x16xf32>
    tpu.vector_store %arg25[%swap3A_336, %swap3A_337], %swap3A_340 {strides = array<i32>} : memref<16x128xf32, #tpu.memory_space<vmem>>, vector<1x16xf32>,
    %broadcast_in_dim3A_341 = arith.constant 0.000000e+00 : f32
    %broadcast_in_dim3A_342 = vector.broadcast %broadcast_in_dim3A_341 : f32 to vector<16xf32>
    %swap3A_343 = arith.constant 0 : i32
    %swap3A_344 = arith.index_cast %swap3A_343 : i32 to index
    %swap3A_345 = arith.constant 80 : index
    %swap3A_346 = tpu.vector_load %arg25[%swap3A_344, %swap3A_345] {strides = array<i32>} : memref<16x128xf32, #tpu.memory_space<vmem>>, vector<1x16xf32>,
    %swap3A_347 = vector.shape_cast %swap3A_346 : vector<1x16xf32> to vector<16xf32>
    %swap3A_348 = vector.shape_cast %broadcast_in_dim3A_342 : vector<16xf32> to vector<1x16xf32>
    tpu.vector_store %arg25[%swap3A_344, %swap3A_345], %swap3A_348 {strides = array<i32>} : memref<16x128xf32, #tpu.memory_space<vmem>>, vector<1x16xf32>,
    %broadcast_in_dim3A_349 = arith.constant 0.000000e+00 : f32
    %broadcast_in_dim3A_350 = vector.broadcast %broadcast_in_dim3A_349 : f32 to vector<16xf32>
    %swap3A_351 = arith.constant 0 : i32
    %swap3A_352 = arith.index_cast %swap3A_351 : i32 to index
    %swap3A_353 = arith.constant 96 : index
    %swap3A_354 = tpu.vector_load %arg25[%swap3A_352, %swap3A_353] {strides = array<i32>} : memref<16x128xf32, #tpu.memory_space<vmem>>, vector<1x16xf32>,
    %swap3A_355 = vector.shape_cast %swap3A_354 : vector<1x16xf32> to vector<16xf32>
    %swap3A_356 = vector.shape_cast %broadcast_in_dim3A_350 : vector<16xf32> to vector<1x16xf32>
    tpu.vector_store %arg25[%swap3A_352, %swap3A_353], %swap3A_356 {strides = array<i32>} : memref<16x128xf32, #tpu.memory_space<vmem>>, vector<1x16xf32>,
    %broadcast_in_dim3A_357 = arith.constant 0.000000e+00 : f32
    %broadcast_in_dim3A_358 = vector.broadcast %broadcast_in_dim3A_357 : f32 to vector<16xf32>
    %swap3A_359 = arith.constant 0 : i32
    %swap3A_360 = arith.index_cast %swap3A_359 : i32 to index
    %swap3A_361 = arith.constant 112 : index
    %swap3A_362 = tpu.vector_load %arg25[%swap3A_360, %swap3A_361] {strides = array<i32>} : memref<16x128xf32, #tpu.memory_space<vmem>>, vector<1x16xf32>,
    %swap3A_363 = vector.shape_cast %swap3A_362 : vector<1x16xf32> to vector<16xf32>
    %swap3A_364 = vector.shape_cast %broadcast_in_dim3A_358 : vector<16xf32> to vector<1x16xf32>
    tpu.vector_store %arg25[%swap3A_360, %swap3A_361], %swap3A_364 {strides = array<i32>} : memref<16x128xf32, #tpu.memory_space<vmem>>, vector<1x16xf32>,
    %broadcast_in_dim3A_365 = arith.constant 0.000000e+00 : f32
    %broadcast_in_dim3A_366 = vector.broadcast %broadcast_in_dim3A_365 : f32 to vector<16xf32>
    %swap3A_367 = arith.constant 1 : i32
    %swap3A_368 = arith.index_cast %swap3A_367 : i32 to index
    %swap3A_369 = arith.constant 0 : index
    %swap3A_370 = tpu.vector_load %arg25[%swap3A_368, %swap3A_369] {strides = array<i32>} : memref<16x128xf32, #tpu.memory_space<vmem>>, vector<1x16xf32>,
    %swap3A_371 = vector.shape_cast %swap3A_370 : vector<1x16xf32> to vector<16xf32>
    %swap3A_372 = vector.shape_cast %broadcast_in_dim3A_366 : vector<16xf32> to vector<1x16xf32>
    tpu.vector_store %arg25[%swap3A_368, %swap3A_369], %swap3A_372 {strides = array<i32>} : memref<16x128xf32, #tpu.memory_space<vmem>>, vector<1x16xf32>,
    %broadcast_in_dim3A_373 = arith.constant 0.000000e+00 : f32
    %broadcast_in_dim3A_374 = vector.broadcast %broadcast_in_dim3A_373 : f32 to vector<16xf32>
    %swap3A_375 = arith.constant 1 : i32
    %swap3A_376 = arith.index_cast %swap3A_375 : i32 to index
    %swap3A_377 = arith.constant 16 : index
    %swap3A_378 = tpu.vector_load %arg25[%swap3A_376, %swap3A_377] {strides = array<i32>} : memref<16x128xf32, #tpu.memory_space<vmem>>, vector<1x16xf32>,
    %swap3A_379 = vector.shape_cast %swap3A_378 : vector<1x16xf32> to vector<16xf32>
    %swap3A_380 = vector.shape_cast %broadcast_in_dim3A_374 : vector<16xf32> to vector<1x16xf32>
    tpu.vector_store %arg25[%swap3A_376, %swap3A_377], %swap3A_380 {strides = array<i32>} : memref<16x128xf32, #tpu.memory_space<vmem>>, vector<1x16xf32>,
    %broadcast_in_dim3A_381 = arith.constant 0.000000e+00 : f32
    %broadcast_in_dim3A_382 = vector.broadcast %broadcast_in_dim3A_381 : f32 to vector<16xf32>
    %swap3A_383 = arith.constant 1 : i32
    %swap3A_384 = arith.index_cast %swap3A_383 : i32 to index
    %swap3A_385 = arith.constant 32 : index
    %swap3A_386 = tpu.vector_load %arg25[%swap3A_384, %swap3A_385] {strides = array<i32>} : memref<16x128xf32, #tpu.memory_space<vmem>>, vector<1x16xf32>,
    %swap3A_387 = vector.shape_cast %swap3A_386 : vector<1x16xf32> to vector<16xf32>
    %swap3A_388 = vector.shape_cast %broadcast_in_dim3A_382 : vector<16xf32> to vector<1x16xf32>
    tpu.vector_store %arg25[%swap3A_384, %swap3A_385], %swap3A_388 {strides = array<i32>} : memref<16x128xf32, #tpu.memory_space<vmem>>, vector<1x16xf32>,
    %broadcast_in_dim3A_389 = arith.constant 0.000000e+00 : f32
    %broadcast_in_dim3A_390 = vector.broadcast %broadcast_in_dim3A_389 : f32 to vector<16xf32>
    %swap3A_391 = arith.constant 1 : i32
    %swap3A_392 = arith.index_cast %swap3A_391 : i32 to index
    %swap3A_393 = arith.constant 48 : index
    %swap3A_394 = tpu.vector_load %arg25[%swap3A_392, %swap3A_393] {strides = array<i32>} : memref<16x128xf32, #tpu.memory_space<vmem>>, vector<1x16xf32>,
    %swap3A_395 = vector.shape_cast %swap3A_394 : vector<1x16xf32> to vector<16xf32>
    %swap3A_396 = vector.shape_cast %broadcast_in_dim3A_390 : vector<16xf32> to vector<1x16xf32>
    tpu.vector_store %arg25[%swap3A_392, %swap3A_393], %swap3A_396 {strides = array<i32>} : memref<16x128xf32, #tpu.memory_space<vmem>>, vector<1x16xf32>,
    %broadcast_in_dim3A_397 = arith.constant 0.000000e+00 : f32
    %broadcast_in_dim3A_398 = vector.broadcast %broadcast_in_dim3A_397 : f32 to vector<16xf32>
    %swap3A_399 = arith.constant 1 : i32
    %swap3A_400 = arith.index_cast %swap3A_399 : i32 to index
    %swap3A_401 = arith.constant 64 : index
    %swap3A_402 = tpu.vector_load %arg25[%swap3A_400, %swap3A_401] {strides = array<i32>} : memref<16x128xf32, #tpu.memory_space<vmem>>, vector<1x16xf32>,
    %swap3A_403 = vector.shape_cast %swap3A_402 : vector<1x16xf32> to vector<16xf32>
    %swap3A_404 = vector.shape_cast %broadcast_in_dim3A_398 : vector<16xf32> to vector<1x16xf32>
    tpu.vector_store %arg25[%swap3A_400, %swap3A_401], %swap3A_404 {strides = array<i32>} : memref<16x128xf32, #tpu.memory_space<vmem>>, vector<1x16xf32>,
    %broadcast_in_dim3A_405 = arith.constant 0.000000e+00 : f32
    %broadcast_in_dim3A_406 = vector.broadcast %broadcast_in_dim3A_405 : f32 to vector<16xf32>
    %swap3A_407 = arith.constant 1 : i32
    %swap3A_408 = arith.index_cast %swap3A_407 : i32 to index
    %swap3A_409 = arith.constant 80 : index
    %swap3A_410 = tpu.vector_load %arg25[%swap3A_408, %swap3A_409] {strides = array<i32>} : memref<16x128xf32, #tpu.memory_space<vmem>>, vector<1x16xf32>,
    %swap3A_411 = vector.shape_cast %swap3A_410 : vector<1x16xf32> to vector<16xf32>
    %swap3A_412 = vector.shape_cast %broadcast_in_dim3A_406 : vector<16xf32> to vector<1x16xf32>
    tpu.vector_store %arg25[%swap3A_408, %swap3A_409], %swap3A_412 {strides = array<i32>} : memref<16x128xf32, #tpu.memory_space<vmem>>, vector<1x16xf32>,
    %broadcast_in_dim3A_413 = arith.constant 0.000000e+00 : f32
    %broadcast_in_dim3A_414 = vector.broadcast %broadcast_in_dim3A_413 : f32 to vector<16xf32>
    %swap3A_415 = arith.constant 1 : i32
    %swap3A_416 = arith.index_cast %swap3A_415 : i32 to index
    %swap3A_417 = arith.constant 96 : index
    %swap3A_418 = tpu.vector_load %arg25[%swap3A_416, %swap3A_417] {strides = array<i32>} : memref<16x128xf32, #tpu.memory_space<vmem>>, vector<1x16xf32>,
    %swap3A_419 = vector.shape_cast %swap3A_418 : vector<1x16xf32> to vector<16xf32>
    %swap3A_420 = vector.shape_cast %broadcast_in_dim3A_414 : vector<16xf32> to vector<1x16xf32>
    tpu.vector_store %arg25[%swap3A_416, %swap3A_417], %swap3A_420 {strides = array<i32>} : memref<16x128xf32, #tpu.memory_space<vmem>>, vector<1x16xf32>,
    %broadcast_in_dim3A_421 = arith.constant 0.000000e+00 : f32
    %broadcast_in_dim3A_422 = vector.broadcast %broadcast_in_dim3A_421 : f32 to vector<16xf32>
    %swap3A_423 = arith.constant 1 : i32
    %swap3A_424 = arith.index_cast %swap3A_423 : i32 to index
    %swap3A_425 = arith.constant 112 : index
    %swap3A_426 = tpu.vector_load %arg25[%swap3A_424, %swap3A_425] {strides = array<i32>} : memref<16x128xf32, #tpu.memory_space<vmem>>, vector<1x16xf32>,
    %swap3A_427 = vector.shape_cast %swap3A_426 : vector<1x16xf32> to vector<16xf32>
    %swap3A_428 = vector.shape_cast %broadcast_in_dim3A_422 : vector<16xf32> to vector<1x16xf32>
    tpu.vector_store %arg25[%swap3A_424, %swap3A_425], %swap3A_428 {strides = array<i32>} : memref<16x128xf32, #tpu.memory_space<vmem>>, vector<1x16xf32>,
    %broadcast_in_dim3A_429 = arith.constant 0.000000e+00 : f32
    %broadcast_in_dim3A_430 = vector.broadcast %broadcast_in_dim3A_429 : f32 to vector<16xf32>
    %swap3A_431 = arith.constant 2 : i32
    %swap3A_432 = arith.index_cast %swap3A_431 : i32 to index
    %swap3A_433 = arith.constant 0 : index
    %swap3A_434 = tpu.vector_load %arg25[%swap3A_432, %swap3A_433] {strides = array<i32>} : memref<16x128xf32, #tpu.memory_space<vmem>>, vector<1x16xf32>,
    %swap3A_435 = vector.shape_cast %swap3A_434 : vector<1x16xf32> to vector<16xf32>
    %swap3A_436 = vector.shape_cast %broadcast_in_dim3A_430 : vector<16xf32> to vector<1x16xf32>
    tpu.vector_store %arg25[%swap3A_432, %swap3A_433], %swap3A_436 {strides = array<i32>} : memref<16x128xf32, #tpu.memory_space<vmem>>, vector<1x16xf32>,
    %broadcast_in_dim3A_437 = arith.constant 0.000000e+00 : f32
    %broadcast_in_dim3A_438 = vector.broadcast %broadcast_in_dim3A_437 : f32 to vector<16xf32>
    %swap3A_439 = arith.constant 2 : i32
    %swap3A_440 = arith.index_cast %swap3A_439 : i32 to index
    %swap3A_441 = arith.constant 16 : index
    %swap3A_442 = tpu.vector_load %arg25[%swap3A_440, %swap3A_441] {strides = array<i32>} : memref<16x128xf32, #tpu.memory_space<vmem>>, vector<1x16xf32>,
    %swap3A_443 = vector.shape_cast %swap3A_442 : vector<1x16xf32> to vector<16xf32>
    %swap3A_444 = vector.shape_cast %broadcast_in_dim3A_438 : vector<16xf32> to vector<1x16xf32>
    tpu.vector_store %arg25[%swap3A_440, %swap3A_441], %swap3A_444 {strides = array<i32>} : memref<16x128xf32, #tpu.memory_space<vmem>>, vector<1x16xf32>,
    %broadcast_in_dim3A_445 = arith.constant 0.000000e+00 : f32
    %broadcast_in_dim3A_446 = vector.broadcast %broadcast_in_dim3A_445 : f32 to vector<16xf32>
    %swap3A_447 = arith.constant 2 : i32
    %swap3A_448 = arith.index_cast %swap3A_447 : i32 to index
    %swap3A_449 = arith.constant 32 : index
    %swap3A_450 = tpu.vector_load %arg25[%swap3A_448, %swap3A_449] {strides = array<i32>} : memref<16x128xf32, #tpu.memory_space<vmem>>, vector<1x16xf32>,
    %swap3A_451 = vector.shape_cast %swap3A_450 : vector<1x16xf32> to vector<16xf32>
    %swap3A_452 = vector.shape_cast %broadcast_in_dim3A_446 : vector<16xf32> to vector<1x16xf32>
    tpu.vector_store %arg25[%swap3A_448, %swap3A_449], %swap3A_452 {strides = array<i32>} : memref<16x128xf32, #tpu.memory_space<vmem>>, vector<1x16xf32>,
    %broadcast_in_dim3A_453 = arith.constant 0.000000e+00 : f32
    %broadcast_in_dim3A_454 = vector.broadcast %broadcast_in_dim3A_453 : f32 to vector<16xf32>
    %swap3A_455 = arith.constant 2 : i32
    %swap3A_456 = arith.index_cast %swap3A_455 : i32 to index
    %swap3A_457 = arith.constant 48 : index
    %swap3A_458 = tpu.vector_load %arg25[%swap3A_456, %swap3A_457] {strides = array<i32>} : memref<16x128xf32, #tpu.memory_space<vmem>>, vector<1x16xf32>,
    %swap3A_459 = vector.shape_cast %swap3A_458 : vector<1x16xf32> to vector<16xf32>
    %swap3A_460 = vector.shape_cast %broadcast_in_dim3A_454 : vector<16xf32> to vector<1x16xf32>
    tpu.vector_store %arg25[%swap3A_456, %swap3A_457], %swap3A_460 {strides = array<i32>} : memref<16x128xf32, #tpu.memory_space<vmem>>, vector<1x16xf32>,
    %broadcast_in_dim3A_461 = arith.constant 0.000000e+00 : f32
    %broadcast_in_dim3A_462 = vector.broadcast %broadcast_in_dim3A_461 : f32 to vector<16xf32>
    %swap3A_463 = arith.constant 2 : i32
    %swap3A_464 = arith.index_cast %swap3A_463 : i32 to index
    %swap3A_465 = arith.constant 64 : index
    %swap3A_466 = tpu.vector_load %arg25[%swap3A_464, %swap3A_465] {strides = array<i32>} : memref<16x128xf32, #tpu.memory_space<vmem>>, vector<1x16xf32>,
    %swap3A_467 = vector.shape_cast %swap3A_466 : vector<1x16xf32> to vector<16xf32>
    %swap3A_468 = vector.shape_cast %broadcast_in_dim3A_462 : vector<16xf32> to vector<1x16xf32>
    tpu.vector_store %arg25[%swap3A_464, %swap3A_465], %swap3A_468 {strides = array<i32>} : memref<16x128xf32, #tpu.memory_space<vmem>>, vector<1x16xf32>,
    %broadcast_in_dim3A_469 = arith.constant 0.000000e+00 : f32
    %broadcast_in_dim3A_470 = vector.broadcast %broadcast_in_dim3A_469 : f32 to vector<16xf32>
    %swap3A_471 = arith.constant 2 : i32
    %swap3A_472 = arith.index_cast %swap3A_471 : i32 to index
    %swap3A_473 = arith.constant 80 : index
    %swap3A_474 = tpu.vector_load %arg25[%swap3A_472, %swap3A_473] {strides = array<i32>} : memref<16x128xf32, #tpu.memory_space<vmem>>, vector<1x16xf32>,
    %swap3A_475 = vector.shape_cast %swap3A_474 : vector<1x16xf32> to vector<16xf32>
    %swap3A_476 = vector.shape_cast %broadcast_in_dim3A_470 : vector<16xf32> to vector<1x16xf32>
    tpu.vector_store %arg25[%swap3A_472, %swap3A_473], %swap3A_476 {strides = array<i32>} : memref<16x128xf32, #tpu.memory_space<vmem>>, vector<1x16xf32>,
    %broadcast_in_dim3A_477 = arith.constant 0.000000e+00 : f32
    %broadcast_in_dim3A_478 = vector.broadcast %broadcast_in_dim3A_477 : f32 to vector<16xf32>
    %swap3A_479 = arith.constant 2 : i32
    %swap3A_480 = arith.index_cast %swap3A_479 : i32 to index
    %swap3A_481 = arith.constant 96 : index
    %swap3A_482 = tpu.vector_load %arg25[%swap3A_480, %swap3A_481] {strides = array<i32>} : memref<16x128xf32, #tpu.memory_space<vmem>>, vector<1x16xf32>,
    %swap3A_483 = vector.shape_cast %swap3A_482 : vector<1x16xf32> to vector<16xf32>
    %swap3A_484 = vector.shape_cast %broadcast_in_dim3A_478 : vector<16xf32> to vector<1x16xf32>
    tpu.vector_store %arg25[%swap3A_480, %swap3A_481], %swap3A_484 {strides = array<i32>} : memref<16x128xf32, #tpu.memory_space<vmem>>, vector<1x16xf32>,
    %broadcast_in_dim3A_485 = arith.constant 0.000000e+00 : f32
    %broadcast_in_dim3A_486 = vector.broadcast %broadcast_in_dim3A_485 : f32 to vector<16xf32>
    %swap3A_487 = arith.constant 2 : i32
    %swap3A_488 = arith.index_cast %swap3A_487 : i32 to index
    %swap3A_489 = arith.constant 112 : index
    %swap3A_490 = tpu.vector_load %arg25[%swap3A_488, %swap3A_489] {strides = array<i32>} : memref<16x128xf32, #tpu.memory_space<vmem>>, vector<1x16xf32>,
    %swap3A_491 = vector.shape_cast %swap3A_490 : vector<1x16xf32> to vector<16xf32>
    %swap3A_492 = vector.shape_cast %broadcast_in_dim3A_486 : vector<16xf32> to vector<1x16xf32>
    tpu.vector_store %arg25[%swap3A_488, %swap3A_489], %swap3A_492 {strides = array<i32>} : memref<16x128xf32, #tpu.memory_space<vmem>>, vector<1x16xf32>,
    %broadcast_in_dim3A_493 = arith.constant 0.000000e+00 : f32
    %broadcast_in_dim3A_494 = vector.broadcast %broadcast_in_dim3A_493 : f32 to vector<16xf32>
    %swap3A_495 = arith.constant 3 : i32
    %swap3A_496 = arith.index_cast %swap3A_495 : i32 to index
    %swap3A_497 = arith.constant 0 : index
    %swap3A_498 = tpu.vector_load %arg25[%swap3A_496, %swap3A_497] {strides = array<i32>} : memref<16x128xf32, #tpu.memory_space<vmem>>, vector<1x16xf32>,
    %swap3A_499 = vector.shape_cast %swap3A_498 : vector<1x16xf32> to vector<16xf32>
    %swap3A_500 = vector.shape_cast %broadcast_in_dim3A_494 : vector<16xf32> to vector<1x16xf32>
    tpu.vector_store %arg25[%swap3A_496, %swap3A_497], %swap3A_500 {strides = array<i32>} : memref<16x128xf32, #tpu.memory_space<vmem>>, vector<1x16xf32>,
    %broadcast_in_dim3A_501 = arith.constant 0.000000e+00 : f32
    %broadcast_in_dim3A_502 = vector.broadcast %broadcast_in_dim3A_501 : f32 to vector<16xf32>
    %swap3A_503 = arith.constant 3 : i32
    %swap3A_504 = arith.index_cast %swap3A_503 : i32 to index
    %swap3A_505 = arith.constant 16 : index
    %swap3A_506 = tpu.vector_load %arg25[%swap3A_504, %swap3A_505] {strides = array<i32>} : memref<16x128xf32, #tpu.memory_space<vmem>>, vector<1x16xf32>,
    %swap3A_507 = vector.shape_cast %swap3A_506 : vector<1x16xf32> to vector<16xf32>
    %swap3A_508 = vector.shape_cast %broadcast_in_dim3A_502 : vector<16xf32> to vector<1x16xf32>
    tpu.vector_store %arg25[%swap3A_504, %swap3A_505], %swap3A_508 {strides = array<i32>} : memref<16x128xf32, #tpu.memory_space<vmem>>, vector<1x16xf32>,
    %broadcast_in_dim3A_509 = arith.constant 0.000000e+00 : f32
    %broadcast_in_dim3A_510 = vector.broadcast %broadcast_in_dim3A_509 : f32 to vector<16xf32>
    %swap3A_511 = arith.constant 3 : i32
    %swap3A_512 = arith.index_cast %swap3A_511 : i32 to index
    %swap3A_513 = arith.constant 32 : index
    %swap3A_514 = tpu.vector_load %arg25[%swap3A_512, %swap3A_513] {strides = array<i32>} : memref<16x128xf32, #tpu.memory_space<vmem>>, vector<1x16xf32>,
    %swap3A_515 = vector.shape_cast %swap3A_514 : vector<1x16xf32> to vector<16xf32>
    %swap3A_516 = vector.shape_cast %broadcast_in_dim3A_510 : vector<16xf32> to vector<1x16xf32>
    tpu.vector_store %arg25[%swap3A_512, %swap3A_513], %swap3A_516 {strides = array<i32>} : memref<16x128xf32, #tpu.memory_space<vmem>>, vector<1x16xf32>,
    %broadcast_in_dim3A_517 = arith.constant 0.000000e+00 : f32
    %broadcast_in_dim3A_518 = vector.broadcast %broadcast_in_dim3A_517 : f32 to vector<16xf32>
    %swap3A_519 = arith.constant 3 : i32
    %swap3A_520 = arith.index_cast %swap3A_519 : i32 to index
    %swap3A_521 = arith.constant 48 : index
    %swap3A_522 = tpu.vector_load %arg25[%swap3A_520, %swap3A_521] {strides = array<i32>} : memref<16x128xf32, #tpu.memory_space<vmem>>, vector<1x16xf32>,
    %swap3A_523 = vector.shape_cast %swap3A_522 : vector<1x16xf32> to vector<16xf32>
    %swap3A_524 = vector.shape_cast %broadcast_in_dim3A_518 : vector<16xf32> to vector<1x16xf32>
    tpu.vector_store %arg25[%swap3A_520, %swap3A_521], %swap3A_524 {strides = array<i32>} : memref<16x128xf32, #tpu.memory_space<vmem>>, vector<1x16xf32>,
    %broadcast_in_dim3A_525 = arith.constant 0.000000e+00 : f32
    %broadcast_in_dim3A_526 = vector.broadcast %broadcast_in_dim3A_525 : f32 to vector<16xf32>
    %swap3A_527 = arith.constant 3 : i32
    %swap3A_528 = arith.index_cast %swap3A_527 : i32 to index
    %swap3A_529 = arith.constant 64 : index
    %swap3A_530 = tpu.vector_load %arg25[%swap3A_528, %swap3A_529] {strides = array<i32>} : memref<16x128xf32, #tpu.memory_space<vmem>>, vector<1x16xf32>,
    %swap3A_531 = vector.shape_cast %swap3A_530 : vector<1x16xf32> to vector<16xf32>
    %swap3A_532 = vector.shape_cast %broadcast_in_dim3A_526 : vector<16xf32> to vector<1x16xf32>
    tpu.vector_store %arg25[%swap3A_528, %swap3A_529], %swap3A_532 {strides = array<i32>} : memref<16x128xf32, #tpu.memory_space<vmem>>, vector<1x16xf32>,
    %broadcast_in_dim3A_533 = arith.constant 0.000000e+00 : f32
    %broadcast_in_dim3A_534 = vector.broadcast %broadcast_in_dim3A_533 : f32 to vector<16xf32>
    %swap3A_535 = arith.constant 3 : i32
    %swap3A_536 = arith.index_cast %swap3A_535 : i32 to index
    %swap3A_537 = arith.constant 80 : index
    %swap3A_538 = tpu.vector_load %arg25[%swap3A_536, %swap3A_537] {strides = array<i32>} : memref<16x128xf32, #tpu.memory_space<vmem>>, vector<1x16xf32>,
    %swap3A_539 = vector.shape_cast %swap3A_538 : vector<1x16xf32> to vector<16xf32>
    %swap3A_540 = vector.shape_cast %broadcast_in_dim3A_534 : vector<16xf32> to vector<1x16xf32>
    tpu.vector_store %arg25[%swap3A_536, %swap3A_537], %swap3A_540 {strides = array<i32>} : memref<16x128xf32, #tpu.memory_space<vmem>>, vector<1x16xf32>,
    %broadcast_in_dim3A_541 = arith.constant 0.000000e+00 : f32
    %broadcast_in_dim3A_542 = vector.broadcast %broadcast_in_dim3A_541 : f32 to vector<16xf32>
    %swap3A_543 = arith.constant 3 : i32
    %swap3A_544 = arith.index_cast %swap3A_543 : i32 to index
    %swap3A_545 = arith.constant 96 : index
    %swap3A_546 = tpu.vector_load %arg25[%swap3A_544, %swap3A_545] {strides = array<i32>} : memref<16x128xf32, #tpu.memory_space<vmem>>, vector<1x16xf32>,
    %swap3A_547 = vector.shape_cast %swap3A_546 : vector<1x16xf32> to vector<16xf32>
    %swap3A_548 = vector.shape_cast %broadcast_in_dim3A_542 : vector<16xf32> to vector<1x16xf32>
    tpu.vector_store %arg25[%swap3A_544, %swap3A_545], %swap3A_548 {strides = array<i32>} : memref<16x128xf32, #tpu.memory_space<vmem>>, vector<1x16xf32>,
    %broadcast_in_dim3A_549 = arith.constant 0.000000e+00 : f32
    %broadcast_in_dim3A_550 = vector.broadcast %broadcast_in_dim3A_549 : f32 to vector<16xf32>
    %swap3A_551 = arith.constant 3 : i32
    %swap3A_552 = arith.index_cast %swap3A_551 : i32 to index
    %swap3A_553 = arith.constant 112 : index
    %swap3A_554 = tpu.vector_load %arg25[%swap3A_552, %swap3A_553] {strides = array<i32>} : memref<16x128xf32, #tpu.memory_space<vmem>>, vector<1x16xf32>,
    %swap3A_555 = vector.shape_cast %swap3A_554 : vector<1x16xf32> to vector<16xf32>
    %swap3A_556 = vector.shape_cast %broadcast_in_dim3A_550 : vector<16xf32> to vector<1x16xf32>
    tpu.vector_store %arg25[%swap3A_552, %swap3A_553], %swap3A_556 {strides = array<i32>} : memref<16x128xf32, #tpu.memory_space<vmem>>, vector<1x16xf32>,
    %broadcast_in_dim3A_557 = arith.constant 0.000000e+00 : f32
    %broadcast_in_dim3A_558 = vector.broadcast %broadcast_in_dim3A_557 : f32 to vector<16xf32>
    %swap3A_559 = arith.constant 4 : i32
    %swap3A_560 = arith.index_cast %swap3A_559 : i32 to index
    %swap3A_561 = arith.constant 0 : index
    %swap3A_562 = tpu.vector_load %arg25[%swap3A_560, %swap3A_561] {strides = array<i32>} : memref<16x128xf32, #tpu.memory_space<vmem>>, vector<1x16xf32>,
    %swap3A_563 = vector.shape_cast %swap3A_562 : vector<1x16xf32> to vector<16xf32>
    %swap3A_564 = vector.shape_cast %broadcast_in_dim3A_558 : vector<16xf32> to vector<1x16xf32>
    tpu.vector_store %arg25[%swap3A_560, %swap3A_561], %swap3A_564 {strides = array<i32>} : memref<16x128xf32, #tpu.memory_space<vmem>>, vector<1x16xf32>,
    %broadcast_in_dim3A_565 = arith.constant 0.000000e+00 : f32
    %broadcast_in_dim3A_566 = vector.broadcast %broadcast_in_dim3A_565 : f32 to vector<16xf32>
    %swap3A_567 = arith.constant 4 : i32
    %swap3A_568 = arith.index_cast %swap3A_567 : i32 to index
    %swap3A_569 = arith.constant 16 : index
    %swap3A_570 = tpu.vector_load %arg25[%swap3A_568, %swap3A_569] {strides = array<i32>} : memref<16x128xf32, #tpu.memory_space<vmem>>, vector<1x16xf32>,
    %swap3A_571 = vector.shape_cast %swap3A_570 : vector<1x16xf32> to vector<16xf32>
    %swap3A_572 = vector.shape_cast %broadcast_in_dim3A_566 : vector<16xf32> to vector<1x16xf32>
    tpu.vector_store %arg25[%swap3A_568, %swap3A_569], %swap3A_572 {strides = array<i32>} : memref<16x128xf32, #tpu.memory_space<vmem>>, vector<1x16xf32>,
    %broadcast_in_dim3A_573 = arith.constant 0.000000e+00 : f32
    %broadcast_in_dim3A_574 = vector.broadcast %broadcast_in_dim3A_573 : f32 to vector<16xf32>
    %swap3A_575 = arith.constant 4 : i32
    %swap3A_576 = arith.index_cast %swap3A_575 : i32 to index
    %swap3A_577 = arith.constant 32 : index
    %swap3A_578 = tpu.vector_load %arg25[%swap3A_576, %swap3A_577] {strides = array<i32>} : memref<16x128xf32, #tpu.memory_space<vmem>>, vector<1x16xf32>,
    %swap3A_579 = vector.shape_cast %swap3A_578 : vector<1x16xf32> to vector<16xf32>
    %swap3A_580 = vector.shape_cast %broadcast_in_dim3A_574 : vector<16xf32> to vector<1x16xf32>
    tpu.vector_store %arg25[%swap3A_576, %swap3A_577], %swap3A_580 {strides = array<i32>} : memref<16x128xf32, #tpu.memory_space<vmem>>, vector<1x16xf32>,
    %broadcast_in_dim3A_581 = arith.constant 0.000000e+00 : f32
    %broadcast_in_dim3A_582 = vector.broadcast %broadcast_in_dim3A_581 : f32 to vector<16xf32>
    %swap3A_583 = arith.constant 4 : i32
    %swap3A_584 = arith.index_cast %swap3A_583 : i32 to index
    %swap3A_585 = arith.constant 48 : index
    %swap3A_586 = tpu.vector_load %arg25[%swap3A_584, %swap3A_585] {strides = array<i32>} : memref<16x128xf32, #tpu.memory_space<vmem>>, vector<1x16xf32>,
    %swap3A_587 = vector.shape_cast %swap3A_586 : vector<1x16xf32> to vector<16xf32>
    %swap3A_588 = vector.shape_cast %broadcast_in_dim3A_582 : vector<16xf32> to vector<1x16xf32>
    tpu.vector_store %arg25[%swap3A_584, %swap3A_585], %swap3A_588 {strides = array<i32>} : memref<16x128xf32, #tpu.memory_space<vmem>>, vector<1x16xf32>,
    %broadcast_in_dim3A_589 = arith.constant 0.000000e+00 : f32
    %broadcast_in_dim3A_590 = vector.broadcast %broadcast_in_dim3A_589 : f32 to vector<16xf32>
    %swap3A_591 = arith.constant 4 : i32
    %swap3A_592 = arith.index_cast %swap3A_591 : i32 to index
    %swap3A_593 = arith.constant 64 : index
    %swap3A_594 = tpu.vector_load %arg25[%swap3A_592, %swap3A_593] {strides = array<i32>} : memref<16x128xf32, #tpu.memory_space<vmem>>, vector<1x16xf32>,
    %swap3A_595 = vector.shape_cast %swap3A_594 : vector<1x16xf32> to vector<16xf32>
    %swap3A_596 = vector.shape_cast %broadcast_in_dim3A_590 : vector<16xf32> to vector<1x16xf32>
    tpu.vector_store %arg25[%swap3A_592, %swap3A_593], %swap3A_596 {strides = array<i32>} : memref<16x128xf32, #tpu.memory_space<vmem>>, vector<1x16xf32>,
    %broadcast_in_dim3A_597 = arith.constant 0.000000e+00 : f32
    %broadcast_in_dim3A_598 = vector.broadcast %broadcast_in_dim3A_597 : f32 to vector<16xf32>
    %swap3A_599 = arith.constant 4 : i32
    %swap3A_600 = arith.index_cast %swap3A_599 : i32 to index
    %swap3A_601 = arith.constant 80 : index
    %swap3A_602 = tpu.vector_load %arg25[%swap3A_600, %swap3A_601] {strides = array<i32>} : memref<16x128xf32, #tpu.memory_space<vmem>>, vector<1x16xf32>,
    %swap3A_603 = vector.shape_cast %swap3A_602 : vector<1x16xf32> to vector<16xf32>
    %swap3A_604 = vector.shape_cast %broadcast_in_dim3A_598 : vector<16xf32> to vector<1x16xf32>
    tpu.vector_store %arg25[%swap3A_600, %swap3A_601], %swap3A_604 {strides = array<i32>} : memref<16x128xf32, #tpu.memory_space<vmem>>, vector<1x16xf32>,
    %broadcast_in_dim3A_605 = arith.constant 0.000000e+00 : f32
    %broadcast_in_dim3A_606 = vector.broadcast %broadcast_in_dim3A_605 : f32 to vector<16xf32>
    %swap3A_607 = arith.constant 4 : i32
    %swap3A_608 = arith.index_cast %swap3A_607 : i32 to index
    %swap3A_609 = arith.constant 96 : index
    %swap3A_610 = tpu.vector_load %arg25[%swap3A_608, %swap3A_609] {strides = array<i32>} : memref<16x128xf32, #tpu.memory_space<vmem>>, vector<1x16xf32>,
    %swap3A_611 = vector.shape_cast %swap3A_610 : vector<1x16xf32> to vector<16xf32>
    %swap3A_612 = vector.shape_cast %broadcast_in_dim3A_606 : vector<16xf32> to vector<1x16xf32>
    tpu.vector_store %arg25[%swap3A_608, %swap3A_609], %swap3A_612 {strides = array<i32>} : memref<16x128xf32, #tpu.memory_space<vmem>>, vector<1x16xf32>,
    %broadcast_in_dim3A_613 = arith.constant 0.000000e+00 : f32
    %broadcast_in_dim3A_614 = vector.broadcast %broadcast_in_dim3A_613 : f32 to vector<16xf32>
    %swap3A_615 = arith.constant 4 : i32
    %swap3A_616 = arith.index_cast %swap3A_615 : i32 to index
    %swap3A_617 = arith.constant 112 : index
    %swap3A_618 = tpu.vector_load %arg25[%swap3A_616, %swap3A_617] {strides = array<i32>} : memref<16x128xf32, #tpu.memory_space<vmem>>, vector<1x16xf32>,
    %swap3A_619 = vector.shape_cast %swap3A_618 : vector<1x16xf32> to vector<16xf32>
    %swap3A_620 = vector.shape_cast %broadcast_in_dim3A_614 : vector<16xf32> to vector<1x16xf32>
    tpu.vector_store %arg25[%swap3A_616, %swap3A_617], %swap3A_620 {strides = array<i32>} : memref<16x128xf32, #tpu.memory_space<vmem>>, vector<1x16xf32>,
    %broadcast_in_dim3A_621 = arith.constant 0.000000e+00 : f32
    %broadcast_in_dim3A_622 = vector.broadcast %broadcast_in_dim3A_621 : f32 to vector<16xf32>
    %swap3A_623 = arith.constant 5 : i32
    %swap3A_624 = arith.index_cast %swap3A_623 : i32 to index
    %swap3A_625 = arith.constant 0 : index
    %swap3A_626 = tpu.vector_load %arg25[%swap3A_624, %swap3A_625] {strides = array<i32>} : memref<16x128xf32, #tpu.memory_space<vmem>>, vector<1x16xf32>,
    %swap3A_627 = vector.shape_cast %swap3A_626 : vector<1x16xf32> to vector<16xf32>
    %swap3A_628 = vector.shape_cast %broadcast_in_dim3A_622 : vector<16xf32> to vector<1x16xf32>
    tpu.vector_store %arg25[%swap3A_624, %swap3A_625], %swap3A_628 {strides = array<i32>} : memref<16x128xf32, #tpu.memory_space<vmem>>, vector<1x16xf32>,
    %broadcast_in_dim3A_629 = arith.constant 0.000000e+00 : f32
    %broadcast_in_dim3A_630 = vector.broadcast %broadcast_in_dim3A_629 : f32 to vector<16xf32>
    %swap3A_631 = arith.constant 5 : i32
    %swap3A_632 = arith.index_cast %swap3A_631 : i32 to index
    %swap3A_633 = arith.constant 16 : index
    %swap3A_634 = tpu.vector_load %arg25[%swap3A_632, %swap3A_633] {strides = array<i32>} : memref<16x128xf32, #tpu.memory_space<vmem>>, vector<1x16xf32>,
    %swap3A_635 = vector.shape_cast %swap3A_634 : vector<1x16xf32> to vector<16xf32>
    %swap3A_636 = vector.shape_cast %broadcast_in_dim3A_630 : vector<16xf32> to vector<1x16xf32>
    tpu.vector_store %arg25[%swap3A_632, %swap3A_633], %swap3A_636 {strides = array<i32>} : memref<16x128xf32, #tpu.memory_space<vmem>>, vector<1x16xf32>,
    %broadcast_in_dim3A_637 = arith.constant 0.000000e+00 : f32
    %broadcast_in_dim3A_638 = vector.broadcast %broadcast_in_dim3A_637 : f32 to vector<16xf32>
    %swap3A_639 = arith.constant 5 : i32
    %swap3A_640 = arith.index_cast %swap3A_639 : i32 to index
    %swap3A_641 = arith.constant 32 : index
    %swap3A_642 = tpu.vector_load %arg25[%swap3A_640, %swap3A_641] {strides = array<i32>} : memref<16x128xf32, #tpu.memory_space<vmem>>, vector<1x16xf32>,
    %swap3A_643 = vector.shape_cast %swap3A_642 : vector<1x16xf32> to vector<16xf32>
    %swap3A_644 = vector.shape_cast %broadcast_in_dim3A_638 : vector<16xf32> to vector<1x16xf32>
    tpu.vector_store %arg25[%swap3A_640, %swap3A_641], %swap3A_644 {strides = array<i32>} : memref<16x128xf32, #tpu.memory_space<vmem>>, vector<1x16xf32>,
    %broadcast_in_dim3A_645 = arith.constant 0.000000e+00 : f32
    %broadcast_in_dim3A_646 = vector.broadcast %broadcast_in_dim3A_645 : f32 to vector<16xf32>
    %swap3A_647 = arith.constant 5 : i32
    %swap3A_648 = arith.index_cast %swap3A_647 : i32 to index
    %swap3A_649 = arith.constant 48 : index
    %swap3A_650 = tpu.vector_load %arg25[%swap3A_648, %swap3A_649] {strides = array<i32>} : memref<16x128xf32, #tpu.memory_space<vmem>>, vector<1x16xf32>,
    %swap3A_651 = vector.shape_cast %swap3A_650 : vector<1x16xf32> to vector<16xf32>
    %swap3A_652 = vector.shape_cast %broadcast_in_dim3A_646 : vector<16xf32> to vector<1x16xf32>
    tpu.vector_store %arg25[%swap3A_648, %swap3A_649], %swap3A_652 {strides = array<i32>} : memref<16x128xf32, #tpu.memory_space<vmem>>, vector<1x16xf32>,
    %broadcast_in_dim3A_653 = arith.constant 0.000000e+00 : f32
    %broadcast_in_dim3A_654 = vector.broadcast %broadcast_in_dim3A_653 : f32 to vector<16xf32>
    %swap3A_655 = arith.constant 5 : i32
    %swap3A_656 = arith.index_cast %swap3A_655 : i32 to index
    %swap3A_657 = arith.constant 64 : index
    %swap3A_658 = tpu.vector_load %arg25[%swap3A_656, %swap3A_657] {strides = array<i32>} : memref<16x128xf32, #tpu.memory_space<vmem>>, vector<1x16xf32>,
    %swap3A_659 = vector.shape_cast %swap3A_658 : vector<1x16xf32> to vector<16xf32>
    %swap3A_660 = vector.shape_cast %broadcast_in_dim3A_654 : vector<16xf32> to vector<1x16xf32>
    tpu.vector_store %arg25[%swap3A_656, %swap3A_657], %swap3A_660 {strides = array<i32>} : memref<16x128xf32, #tpu.memory_space<vmem>>, vector<1x16xf32>,
    %broadcast_in_dim3A_661 = arith.constant 0.000000e+00 : f32
    %broadcast_in_dim3A_662 = vector.broadcast %broadcast_in_dim3A_661 : f32 to vector<16xf32>
    %swap3A_663 = arith.constant 5 : i32
    %swap3A_664 = arith.index_cast %swap3A_663 : i32 to index
    %swap3A_665 = arith.constant 80 : index
    %swap3A_666 = tpu.vector_load %arg25[%swap3A_664, %swap3A_665] {strides = array<i32>} : memref<16x128xf32, #tpu.memory_space<vmem>>, vector<1x16xf32>,
    %swap3A_667 = vector.shape_cast %swap3A_666 : vector<1x16xf32> to vector<16xf32>
    %swap3A_668 = vector.shape_cast %broadcast_in_dim3A_662 : vector<16xf32> to vector<1x16xf32>
    tpu.vector_store %arg25[%swap3A_664, %swap3A_665], %swap3A_668 {strides = array<i32>} : memref<16x128xf32, #tpu.memory_space<vmem>>, vector<1x16xf32>,
    %broadcast_in_dim3A_669 = arith.constant 0.000000e+00 : f32
    %broadcast_in_dim3A_670 = vector.broadcast %broadcast_in_dim3A_669 : f32 to vector<16xf32>
    %swap3A_671 = arith.constant 5 : i32
    %swap3A_672 = arith.index_cast %swap3A_671 : i32 to index
    %swap3A_673 = arith.constant 96 : index
    %swap3A_674 = tpu.vector_load %arg25[%swap3A_672, %swap3A_673] {strides = array<i32>} : memref<16x128xf32, #tpu.memory_space<vmem>>, vector<1x16xf32>,
    %swap3A_675 = vector.shape_cast %swap3A_674 : vector<1x16xf32> to vector<16xf32>
    %swap3A_676 = vector.shape_cast %broadcast_in_dim3A_670 : vector<16xf32> to vector<1x16xf32>
    tpu.vector_store %arg25[%swap3A_672, %swap3A_673], %swap3A_676 {strides = array<i32>} : memref<16x128xf32, #tpu.memory_space<vmem>>, vector<1x16xf32>,
    %broadcast_in_dim3A_677 = arith.constant 0.000000e+00 : f32
    %broadcast_in_dim3A_678 = vector.broadcast %broadcast_in_dim3A_677 : f32 to vector<16xf32>
    %swap3A_679 = arith.constant 5 : i32
    %swap3A_680 = arith.index_cast %swap3A_679 : i32 to index
    %swap3A_681 = arith.constant 112 : index
    %swap3A_682 = tpu.vector_load %arg25[%swap3A_680, %swap3A_681] {strides = array<i32>} : memref<16x128xf32, #tpu.memory_space<vmem>>, vector<1x16xf32>,
    %swap3A_683 = vector.shape_cast %swap3A_682 : vector<1x16xf32> to vector<16xf32>
    %swap3A_684 = vector.shape_cast %broadcast_in_dim3A_678 : vector<16xf32> to vector<1x16xf32>
    tpu.vector_store %arg25[%swap3A_680, %swap3A_681], %swap3A_684 {strides = array<i32>} : memref<16x128xf32, #tpu.memory_space<vmem>>, vector<1x16xf32>,
    %broadcast_in_dim3A_685 = arith.constant 0.000000e+00 : f32
    %broadcast_in_dim3A_686 = vector.broadcast %broadcast_in_dim3A_685 : f32 to vector<16xf32>
    %swap3A_687 = arith.constant 6 : i32
    %swap3A_688 = arith.index_cast %swap3A_687 : i32 to index
    %swap3A_689 = arith.constant 0 : index
    %swap3A_690 = tpu.vector_load %arg25[%swap3A_688, %swap3A_689] {strides = array<i32>} : memref<16x128xf32, #tpu.memory_space<vmem>>, vector<1x16xf32>,
    %swap3A_691 = vector.shape_cast %swap3A_690 : vector<1x16xf32> to vector<16xf32>
    %swap3A_692 = vector.shape_cast %broadcast_in_dim3A_686 : vector<16xf32> to vector<1x16xf32>
    tpu.vector_store %arg25[%swap3A_688, %swap3A_689], %swap3A_692 {strides = array<i32>} : memref<16x128xf32, #tpu.memory_space<vmem>>, vector<1x16xf32>,
    %broadcast_in_dim3A_693 = arith.constant 0.000000e+00 : f32
    %broadcast_in_dim3A_694 = vector.broadcast %broadcast_in_dim3A_693 : f32 to vector<16xf32>
    %swap3A_695 = arith.constant 6 : i32
    %swap3A_696 = arith.index_cast %swap3A_695 : i32 to index
    %swap3A_697 = arith.constant 16 : index
    %swap3A_698 = tpu.vector_load %arg25[%swap3A_696, %swap3A_697] {strides = array<i32>} : memref<16x128xf32, #tpu.memory_space<vmem>>, vector<1x16xf32>,
    %swap3A_699 = vector.shape_cast %swap3A_698 : vector<1x16xf32> to vector<16xf32>
    %swap3A_700 = vector.shape_cast %broadcast_in_dim3A_694 : vector<16xf32> to vector<1x16xf32>
    tpu.vector_store %arg25[%swap3A_696, %swap3A_697], %swap3A_700 {strides = array<i32>} : memref<16x128xf32, #tpu.memory_space<vmem>>, vector<1x16xf32>,
    %broadcast_in_dim3A_701 = arith.constant 0.000000e+00 : f32
    %broadcast_in_dim3A_702 = vector.broadcast %broadcast_in_dim3A_701 : f32 to vector<16xf32>
    %swap3A_703 = arith.constant 6 : i32
    %swap3A_704 = arith.index_cast %swap3A_703 : i32 to index
    %swap3A_705 = arith.constant 32 : index
    %swap3A_706 = tpu.vector_load %arg25[%swap3A_704, %swap3A_705] {strides = array<i32>} : memref<16x128xf32, #tpu.memory_space<vmem>>, vector<1x16xf32>,
    %swap3A_707 = vector.shape_cast %swap3A_706 : vector<1x16xf32> to vector<16xf32>
    %swap3A_708 = vector.shape_cast %broadcast_in_dim3A_702 : vector<16xf32> to vector<1x16xf32>
    tpu.vector_store %arg25[%swap3A_704, %swap3A_705], %swap3A_708 {strides = array<i32>} : memref<16x128xf32, #tpu.memory_space<vmem>>, vector<1x16xf32>,
    %broadcast_in_dim3A_709 = arith.constant 0.000000e+00 : f32
    %broadcast_in_dim3A_710 = vector.broadcast %broadcast_in_dim3A_709 : f32 to vector<16xf32>
    %swap3A_711 = arith.constant 6 : i32
    %swap3A_712 = arith.index_cast %swap3A_711 : i32 to index
    %swap3A_713 = arith.constant 48 : index
    %swap3A_714 = tpu.vector_load %arg25[%swap3A_712, %swap3A_713] {strides = array<i32>} : memref<16x128xf32, #tpu.memory_space<vmem>>, vector<1x16xf32>,
    %swap3A_715 = vector.shape_cast %swap3A_714 : vector<1x16xf32> to vector<16xf32>
    %swap3A_716 = vector.shape_cast %broadcast_in_dim3A_710 : vector<16xf32> to vector<1x16xf32>
    tpu.vector_store %arg25[%swap3A_712, %swap3A_713], %swap3A_716 {strides = array<i32>} : memref<16x128xf32, #tpu.memory_space<vmem>>, vector<1x16xf32>,
    %broadcast_in_dim3A_717 = arith.constant 0.000000e+00 : f32
    %broadcast_in_dim3A_718 = vector.broadcast %broadcast_in_dim3A_717 : f32 to vector<16xf32>
    %swap3A_719 = arith.constant 6 : i32
    %swap3A_720 = arith.index_cast %swap3A_719 : i32 to index
    %swap3A_721 = arith.constant 64 : index
    %swap3A_722 = tpu.vector_load %arg25[%swap3A_720, %swap3A_721] {strides = array<i32>} : memref<16x128xf32, #tpu.memory_space<vmem>>, vector<1x16xf32>,
    %swap3A_723 = vector.shape_cast %swap3A_722 : vector<1x16xf32> to vector<16xf32>
    %swap3A_724 = vector.shape_cast %broadcast_in_dim3A_718 : vector<16xf32> to vector<1x16xf32>
    tpu.vector_store %arg25[%swap3A_720, %swap3A_721], %swap3A_724 {strides = array<i32>} : memref<16x128xf32, #tpu.memory_space<vmem>>, vector<1x16xf32>,
    %broadcast_in_dim3A_725 = arith.constant 0.000000e+00 : f32
    %broadcast_in_dim3A_726 = vector.broadcast %broadcast_in_dim3A_725 : f32 to vector<16xf32>
    %swap3A_727 = arith.constant 6 : i32
    %swap3A_728 = arith.index_cast %swap3A_727 : i32 to index
    %swap3A_729 = arith.constant 80 : index
    %swap3A_730 = tpu.vector_load %arg25[%swap3A_728, %swap3A_729] {strides = array<i32>} : memref<16x128xf32, #tpu.memory_space<vmem>>, vector<1x16xf32>,
    %swap3A_731 = vector.shape_cast %swap3A_730 : vector<1x16xf32> to vector<16xf32>
    %swap3A_732 = vector.shape_cast %broadcast_in_dim3A_726 : vector<16xf32> to vector<1x16xf32>
    tpu.vector_store %arg25[%swap3A_728, %swap3A_729], %swap3A_732 {strides = array<i32>} : memref<16x128xf32, #tpu.memory_space<vmem>>, vector<1x16xf32>,
    %broadcast_in_dim3A_733 = arith.constant 0.000000e+00 : f32
    %broadcast_in_dim3A_734 = vector.broadcast %broadcast_in_dim3A_733 : f32 to vector<16xf32>
    %swap3A_735 = arith.constant 6 : i32
    %swap3A_736 = arith.index_cast %swap3A_735 : i32 to index
    %swap3A_737 = arith.constant 96 : index
    %swap3A_738 = tpu.vector_load %arg25[%swap3A_736, %swap3A_737] {strides = array<i32>} : memref<16x128xf32, #tpu.memory_space<vmem>>, vector<1x16xf32>,
    %swap3A_739 = vector.shape_cast %swap3A_738 : vector<1x16xf32> to vector<16xf32>
    %swap3A_740 = vector.shape_cast %broadcast_in_dim3A_734 : vector<16xf32> to vector<1x16xf32>
    tpu.vector_store %arg25[%swap3A_736, %swap3A_737], %swap3A_740 {strides = array<i32>} : memref<16x128xf32, #tpu.memory_space<vmem>>, vector<1x16xf32>,
    %broadcast_in_dim3A_741 = arith.constant 0.000000e+00 : f32
    %broadcast_in_dim3A_742 = vector.broadcast %broadcast_in_dim3A_741 : f32 to vector<16xf32>
    %swap3A_743 = arith.constant 6 : i32
    %swap3A_744 = arith.index_cast %swap3A_743 : i32 to index
    %swap3A_745 = arith.constant 112 : index
    %swap3A_746 = tpu.vector_load %arg25[%swap3A_744, %swap3A_745] {strides = array<i32>} : memref<16x128xf32, #tpu.memory_space<vmem>>, vector<1x16xf32>,
    %swap3A_747 = vector.shape_cast %swap3A_746 : vector<1x16xf32> to vector<16xf32>
    %swap3A_748 = vector.shape_cast %broadcast_in_dim3A_742 : vector<16xf32> to vector<1x16xf32>
    tpu.vector_store %arg25[%swap3A_744, %swap3A_745], %swap3A_748 {strides = array<i32>} : memref<16x128xf32, #tpu.memory_space<vmem>>, vector<1x16xf32>,
    %broadcast_in_dim3A_749 = arith.constant 0.000000e+00 : f32
    %broadcast_in_dim3A_750 = vector.broadcast %broadcast_in_dim3A_749 : f32 to vector<16xf32>
    %swap3A_751 = arith.constant 7 : i32
    %swap3A_752 = arith.index_cast %swap3A_751 : i32 to index
    %swap3A_753 = arith.constant 0 : index
    %swap3A_754 = tpu.vector_load %arg25[%swap3A_752, %swap3A_753] {strides = array<i32>} : memref<16x128xf32, #tpu.memory_space<vmem>>, vector<1x16xf32>,
    %swap3A_755 = vector.shape_cast %swap3A_754 : vector<1x16xf32> to vector<16xf32>
    %swap3A_756 = vector.shape_cast %broadcast_in_dim3A_750 : vector<16xf32> to vector<1x16xf32>
    tpu.vector_store %arg25[%swap3A_752, %swap3A_753], %swap3A_756 {strides = array<i32>} : memref<16x128xf32, #tpu.memory_space<vmem>>, vector<1x16xf32>,
    %broadcast_in_dim3A_757 = arith.constant 0.000000e+00 : f32
    %broadcast_in_dim3A_758 = vector.broadcast %broadcast_in_dim3A_757 : f32 to vector<16xf32>
    %swap3A_759 = arith.constant 7 : i32
    %swap3A_760 = arith.index_cast %swap3A_759 : i32 to index
    %swap3A_761 = arith.constant 16 : index
    %swap3A_762 = tpu.vector_load %arg25[%swap3A_760, %swap3A_761] {strides = array<i32>} : memref<16x128xf32, #tpu.memory_space<vmem>>, vector<1x16xf32>,
    %swap3A_763 = vector.shape_cast %swap3A_762 : vector<1x16xf32> to vector<16xf32>
    %swap3A_764 = vector.shape_cast %broadcast_in_dim3A_758 : vector<16xf32> to vector<1x16xf32>
    tpu.vector_store %arg25[%swap3A_760, %swap3A_761], %swap3A_764 {strides = array<i32>} : memref<16x128xf32, #tpu.memory_space<vmem>>, vector<1x16xf32>,
    %broadcast_in_dim3A_765 = arith.constant 0.000000e+00 : f32
    %broadcast_in_dim3A_766 = vector.broadcast %broadcast_in_dim3A_765 : f32 to vector<16xf32>
    %swap3A_767 = arith.constant 7 : i32
    %swap3A_768 = arith.index_cast %swap3A_767 : i32 to index
    %swap3A_769 = arith.constant 32 : index
    %swap3A_770 = tpu.vector_load %arg25[%swap3A_768, %swap3A_769] {strides = array<i32>} : memref<16x128xf32, #tpu.memory_space<vmem>>, vector<1x16xf32>,
    %swap3A_771 = vector.shape_cast %swap3A_770 : vector<1x16xf32> to vector<16xf32>
    %swap3A_772 = vector.shape_cast %broadcast_in_dim3A_766 : vector<16xf32> to vector<1x16xf32>
    tpu.vector_store %arg25[%swap3A_768, %swap3A_769], %swap3A_772 {strides = array<i32>} : memref<16x128xf32, #tpu.memory_space<vmem>>, vector<1x16xf32>,
    %broadcast_in_dim3A_773 = arith.constant 0.000000e+00 : f32
    %broadcast_in_dim3A_774 = vector.broadcast %broadcast_in_dim3A_773 : f32 to vector<16xf32>
    %swap3A_775 = arith.constant 7 : i32
    %swap3A_776 = arith.index_cast %swap3A_775 : i32 to index
    %swap3A_777 = arith.constant 48 : index
    %swap3A_778 = tpu.vector_load %arg25[%swap3A_776, %swap3A_777] {strides = array<i32>} : memref<16x128xf32, #tpu.memory_space<vmem>>, vector<1x16xf32>,
    %swap3A_779 = vector.shape_cast %swap3A_778 : vector<1x16xf32> to vector<16xf32>
    %swap3A_780 = vector.shape_cast %broadcast_in_dim3A_774 : vector<16xf32> to vector<1x16xf32>
    tpu.vector_store %arg25[%swap3A_776, %swap3A_777], %swap3A_780 {strides = array<i32>} : memref<16x128xf32, #tpu.memory_space<vmem>>, vector<1x16xf32>,
    %broadcast_in_dim3A_781 = arith.constant 0.000000e+00 : f32
    %broadcast_in_dim3A_782 = vector.broadcast %broadcast_in_dim3A_781 : f32 to vector<16xf32>
    %swap3A_783 = arith.constant 7 : i32
    %swap3A_784 = arith.index_cast %swap3A_783 : i32 to index
    %swap3A_785 = arith.constant 64 : index
    %swap3A_786 = tpu.vector_load %arg25[%swap3A_784, %swap3A_785] {strides = array<i32>} : memref<16x128xf32, #tpu.memory_space<vmem>>, vector<1x16xf32>,
    %swap3A_787 = vector.shape_cast %swap3A_786 : vector<1x16xf32> to vector<16xf32>
    %swap3A_788 = vector.shape_cast %broadcast_in_dim3A_782 : vector<16xf32> to vector<1x16xf32>
    tpu.vector_store %arg25[%swap3A_784, %swap3A_785], %swap3A_788 {strides = array<i32>} : memref<16x128xf32, #tpu.memory_space<vmem>>, vector<1x16xf32>,
    %broadcast_in_dim3A_789 = arith.constant 0.000000e+00 : f32
    %broadcast_in_dim3A_790 = vector.broadcast %broadcast_in_dim3A_789 : f32 to vector<16xf32>
    %swap3A_791 = arith.constant 7 : i32
    %swap3A_792 = arith.index_cast %swap3A_791 : i32 to index
    %swap3A_793 = arith.constant 80 : index
    %swap3A_794 = tpu.vector_load %arg25[%swap3A_792, %swap3A_793] {strides = array<i32>} : memref<16x128xf32, #tpu.memory_space<vmem>>, vector<1x16xf32>,
    %swap3A_795 = vector.shape_cast %swap3A_794 : vector<1x16xf32> to vector<16xf32>
    %swap3A_796 = vector.shape_cast %broadcast_in_dim3A_790 : vector<16xf32> to vector<1x16xf32>
    tpu.vector_store %arg25[%swap3A_792, %swap3A_793], %swap3A_796 {strides = array<i32>} : memref<16x128xf32, #tpu.memory_space<vmem>>, vector<1x16xf32>,
    %broadcast_in_dim3A_797 = arith.constant 0.000000e+00 : f32
    %broadcast_in_dim3A_798 = vector.broadcast %broadcast_in_dim3A_797 : f32 to vector<16xf32>
    %swap3A_799 = arith.constant 7 : i32
    %swap3A_800 = arith.index_cast %swap3A_799 : i32 to index
    %swap3A_801 = arith.constant 96 : index
    %swap3A_802 = tpu.vector_load %arg25[%swap3A_800, %swap3A_801] {strides = array<i32>} : memref<16x128xf32, #tpu.memory_space<vmem>>, vector<1x16xf32>,
    %swap3A_803 = vector.shape_cast %swap3A_802 : vector<1x16xf32> to vector<16xf32>
    %swap3A_804 = vector.shape_cast %broadcast_in_dim3A_798 : vector<16xf32> to vector<1x16xf32>
    tpu.vector_store %arg25[%swap3A_800, %swap3A_801], %swap3A_804 {strides = array<i32>} : memref<16x128xf32, #tpu.memory_space<vmem>>, vector<1x16xf32>,
    %broadcast_in_dim3A_805 = arith.constant 0.000000e+00 : f32
    %broadcast_in_dim3A_806 = vector.broadcast %broadcast_in_dim3A_805 : f32 to vector<16xf32>
    %swap3A_807 = arith.constant 7 : i32
    %swap3A_808 = arith.index_cast %swap3A_807 : i32 to index
    %swap3A_809 = arith.constant 112 : index
    %swap3A_810 = tpu.vector_load %arg25[%swap3A_808, %swap3A_809] {strides = array<i32>} : memref<16x128xf32, #tpu.memory_space<vmem>>, vector<1x16xf32>,
    %swap3A_811 = vector.shape_cast %swap3A_810 : vector<1x16xf32> to vector<16xf32>
    %swap3A_812 = vector.shape_cast %broadcast_in_dim3A_806 : vector<16xf32> to vector<1x16xf32>
    tpu.vector_store %arg25[%swap3A_808, %swap3A_809], %swap3A_812 {strides = array<i32>} : memref<16x128xf32, #tpu.memory_space<vmem>>, vector<1x16xf32>,
    %broadcast_in_dim3A_813 = arith.constant 0.000000e+00 : f32
    %broadcast_in_dim3A_814 = vector.broadcast %broadcast_in_dim3A_813 : f32 to vector<16xf32>
    %swap3A_815 = arith.constant 8 : i32
    %swap3A_816 = arith.index_cast %swap3A_815 : i32 to index
    %swap3A_817 = arith.constant 0 : index
    %swap3A_818 = tpu.vector_load %arg25[%swap3A_816, %swap3A_817] {strides = array<i32>} : memref<16x128xf32, #tpu.memory_space<vmem>>, vector<1x16xf32>,
    %swap3A_819 = vector.shape_cast %swap3A_818 : vector<1x16xf32> to vector<16xf32>
    %swap3A_820 = vector.shape_cast %broadcast_in_dim3A_814 : vector<16xf32> to vector<1x16xf32>
    tpu.vector_store %arg25[%swap3A_816, %swap3A_817], %swap3A_820 {strides = array<i32>} : memref<16x128xf32, #tpu.memory_space<vmem>>, vector<1x16xf32>,
    %broadcast_in_dim3A_821 = arith.constant 0.000000e+00 : f32
    %broadcast_in_dim3A_822 = vector.broadcast %broadcast_in_dim3A_821 : f32 to vector<16xf32>
    %swap3A_823 = arith.constant 8 : i32
    %swap3A_824 = arith.index_cast %swap3A_823 : i32 to index
    %swap3A_825 = arith.constant 16 : index
    %swap3A_826 = tpu.vector_load %arg25[%swap3A_824, %swap3A_825] {strides = array<i32>} : memref<16x128xf32, #tpu.memory_space<vmem>>, vector<1x16xf32>,
    %swap3A_827 = vector.shape_cast %swap3A_826 : vector<1x16xf32> to vector<16xf32>
    %swap3A_828 = vector.shape_cast %broadcast_in_dim3A_822 : vector<16xf32> to vector<1x16xf32>
    tpu.vector_store %arg25[%swap3A_824, %swap3A_825], %swap3A_828 {strides = array<i32>} : memref<16x128xf32, #tpu.memory_space<vmem>>, vector<1x16xf32>,
    %broadcast_in_dim3A_829 = arith.constant 0.000000e+00 : f32
    %broadcast_in_dim3A_830 = vector.broadcast %broadcast_in_dim3A_829 : f32 to vector<16xf32>
    %swap3A_831 = arith.constant 8 : i32
    %swap3A_832 = arith.index_cast %swap3A_831 : i32 to index
    %swap3A_833 = arith.constant 32 : index
    %swap3A_834 = tpu.vector_load %arg25[%swap3A_832, %swap3A_833] {strides = array<i32>} : memref<16x128xf32, #tpu.memory_space<vmem>>, vector<1x16xf32>,
    %swap3A_835 = vector.shape_cast %swap3A_834 : vector<1x16xf32> to vector<16xf32>
    %swap3A_836 = vector.shape_cast %broadcast_in_dim3A_830 : vector<16xf32> to vector<1x16xf32>
    tpu.vector_store %arg25[%swap3A_832, %swap3A_833], %swap3A_836 {strides = array<i32>} : memref<16x128xf32, #tpu.memory_space<vmem>>, vector<1x16xf32>,
    %broadcast_in_dim3A_837 = arith.constant 0.000000e+00 : f32
    %broadcast_in_dim3A_838 = vector.broadcast %broadcast_in_dim3A_837 : f32 to vector<16xf32>
    %swap3A_839 = arith.constant 8 : i32
    %swap3A_840 = arith.index_cast %swap3A_839 : i32 to index
    %swap3A_841 = arith.constant 48 : index
    %swap3A_842 = tpu.vector_load %arg25[%swap3A_840, %swap3A_841] {strides = array<i32>} : memref<16x128xf32, #tpu.memory_space<vmem>>, vector<1x16xf32>,
    %swap3A_843 = vector.shape_cast %swap3A_842 : vector<1x16xf32> to vector<16xf32>
    %swap3A_844 = vector.shape_cast %broadcast_in_dim3A_838 : vector<16xf32> to vector<1x16xf32>
    tpu.vector_store %arg25[%swap3A_840, %swap3A_841], %swap3A_844 {strides = array<i32>} : memref<16x128xf32, #tpu.memory_space<vmem>>, vector<1x16xf32>,
    %broadcast_in_dim3A_845 = arith.constant 0.000000e+00 : f32
    %broadcast_in_dim3A_846 = vector.broadcast %broadcast_in_dim3A_845 : f32 to vector<16xf32>
    %swap3A_847 = arith.constant 8 : i32
    %swap3A_848 = arith.index_cast %swap3A_847 : i32 to index
    %swap3A_849 = arith.constant 64 : index
    %swap3A_850 = tpu.vector_load %arg25[%swap3A_848, %swap3A_849] {strides = array<i32>} : memref<16x128xf32, #tpu.memory_space<vmem>>, vector<1x16xf32>,
    %swap3A_851 = vector.shape_cast %swap3A_850 : vector<1x16xf32> to vector<16xf32>
    %swap3A_852 = vector.shape_cast %broadcast_in_dim3A_846 : vector<16xf32> to vector<1x16xf32>
    tpu.vector_store %arg25[%swap3A_848, %swap3A_849], %swap3A_852 {strides = array<i32>} : memref<16x128xf32, #tpu.memory_space<vmem>>, vector<1x16xf32>,
    %broadcast_in_dim3A_853 = arith.constant 0.000000e+00 : f32
    %broadcast_in_dim3A_854 = vector.broadcast %broadcast_in_dim3A_853 : f32 to vector<16xf32>
    %swap3A_855 = arith.constant 8 : i32
    %swap3A_856 = arith.index_cast %swap3A_855 : i32 to index
    %swap3A_857 = arith.constant 80 : index
    %swap3A_858 = tpu.vector_load %arg25[%swap3A_856, %swap3A_857] {strides = array<i32>} : memref<16x128xf32, #tpu.memory_space<vmem>>, vector<1x16xf32>,
    %swap3A_859 = vector.shape_cast %swap3A_858 : vector<1x16xf32> to vector<16xf32>
    %swap3A_860 = vector.shape_cast %broadcast_in_dim3A_854 : vector<16xf32> to vector<1x16xf32>
    tpu.vector_store %arg25[%swap3A_856, %swap3A_857], %swap3A_860 {strides = array<i32>} : memref<16x128xf32, #tpu.memory_space<vmem>>, vector<1x16xf32>,
    %broadcast_in_dim3A_861 = arith.constant 0.000000e+00 : f32
    %broadcast_in_dim3A_862 = vector.broadcast %broadcast_in_dim3A_861 : f32 to vector<16xf32>
    %swap3A_863 = arith.constant 8 : i32
    %swap3A_864 = arith.index_cast %swap3A_863 : i32 to index
    %swap3A_865 = arith.constant 96 : index
    %swap3A_866 = tpu.vector_load %arg25[%swap3A_864, %swap3A_865] {strides = array<i32>} : memref<16x128xf32, #tpu.memory_space<vmem>>, vector<1x16xf32>,
    %swap3A_867 = vector.shape_cast %swap3A_866 : vector<1x16xf32> to vector<16xf32>
    %swap3A_868 = vector.shape_cast %broadcast_in_dim3A_862 : vector<16xf32> to vector<1x16xf32>
    tpu.vector_store %arg25[%swap3A_864, %swap3A_865], %swap3A_868 {strides = array<i32>} : memref<16x128xf32, #tpu.memory_space<vmem>>, vector<1x16xf32>,
    %broadcast_in_dim3A_869 = arith.constant 0.000000e+00 : f32
    %broadcast_in_dim3A_870 = vector.broadcast %broadcast_in_dim3A_869 : f32 to vector<16xf32>
    %swap3A_871 = arith.constant 8 : i32
    %swap3A_872 = arith.index_cast %swap3A_871 : i32 to index
    %swap3A_873 = arith.constant 112 : index
    %swap3A_874 = tpu.vector_load %arg25[%swap3A_872, %swap3A_873] {strides = array<i32>} : memref<16x128xf32, #tpu.memory_space<vmem>>, vector<1x16xf32>,
    %swap3A_875 = vector.shape_cast %swap3A_874 : vector<1x16xf32> to vector<16xf32>
    %swap3A_876 = vector.shape_cast %broadcast_in_dim3A_870 : vector<16xf32> to vector<1x16xf32>
    tpu.vector_store %arg25[%swap3A_872, %swap3A_873], %swap3A_876 {strides = array<i32>} : memref<16x128xf32, #tpu.memory_space<vmem>>, vector<1x16xf32>,
    %broadcast_in_dim3A_877 = arith.constant 0.000000e+00 : f32
    %broadcast_in_dim3A_878 = vector.broadcast %broadcast_in_dim3A_877 : f32 to vector<16xf32>
    %swap3A_879 = arith.constant 9 : i32
    %swap3A_880 = arith.index_cast %swap3A_879 : i32 to index
    %swap3A_881 = arith.constant 0 : index
    %swap3A_882 = tpu.vector_load %arg25[%swap3A_880, %swap3A_881] {strides = array<i32>} : memref<16x128xf32, #tpu.memory_space<vmem>>, vector<1x16xf32>,
    %swap3A_883 = vector.shape_cast %swap3A_882 : vector<1x16xf32> to vector<16xf32>
    %swap3A_884 = vector.shape_cast %broadcast_in_dim3A_878 : vector<16xf32> to vector<1x16xf32>
    tpu.vector_store %arg25[%swap3A_880, %swap3A_881], %swap3A_884 {strides = array<i32>} : memref<16x128xf32, #tpu.memory_space<vmem>>, vector<1x16xf32>,
    %broadcast_in_dim3A_885 = arith.constant 0.000000e+00 : f32
    %broadcast_in_dim3A_886 = vector.broadcast %broadcast_in_dim3A_885 : f32 to vector<16xf32>
    %swap3A_887 = arith.constant 9 : i32
    %swap3A_888 = arith.index_cast %swap3A_887 : i32 to index
    %swap3A_889 = arith.constant 16 : index
    %swap3A_890 = tpu.vector_load %arg25[%swap3A_888, %swap3A_889] {strides = array<i32>} : memref<16x128xf32, #tpu.memory_space<vmem>>, vector<1x16xf32>,
    %swap3A_891 = vector.shape_cast %swap3A_890 : vector<1x16xf32> to vector<16xf32>
    %swap3A_892 = vector.shape_cast %broadcast_in_dim3A_886 : vector<16xf32> to vector<1x16xf32>
    tpu.vector_store %arg25[%swap3A_888, %swap3A_889], %swap3A_892 {strides = array<i32>} : memref<16x128xf32, #tpu.memory_space<vmem>>, vector<1x16xf32>,
    %broadcast_in_dim3A_893 = arith.constant 0.000000e+00 : f32
    %broadcast_in_dim3A_894 = vector.broadcast %broadcast_in_dim3A_893 : f32 to vector<16xf32>
    %swap3A_895 = arith.constant 9 : i32
    %swap3A_896 = arith.index_cast %swap3A_895 : i32 to index
    %swap3A_897 = arith.constant 32 : index
    %swap3A_898 = tpu.vector_load %arg25[%swap3A_896, %swap3A_897] {strides = array<i32>} : memref<16x128xf32, #tpu.memory_space<vmem>>, vector<1x16xf32>,
    %swap3A_899 = vector.shape_cast %swap3A_898 : vector<1x16xf32> to vector<16xf32>
    %swap3A_900 = vector.shape_cast %broadcast_in_dim3A_894 : vector<16xf32> to vector<1x16xf32>
    tpu.vector_store %arg25[%swap3A_896, %swap3A_897], %swap3A_900 {strides = array<i32>} : memref<16x128xf32, #tpu.memory_space<vmem>>, vector<1x16xf32>,
    %broadcast_in_dim3A_901 = arith.constant 0.000000e+00 : f32
    %broadcast_in_dim3A_902 = vector.broadcast %broadcast_in_dim3A_901 : f32 to vector<16xf32>
    %swap3A_903 = arith.constant 9 : i32
    %swap3A_904 = arith.index_cast %swap3A_903 : i32 to index
    %swap3A_905 = arith.constant 48 : index
    %swap3A_906 = tpu.vector_load %arg25[%swap3A_904, %swap3A_905] {strides = array<i32>} : memref<16x128xf32, #tpu.memory_space<vmem>>, vector<1x16xf32>,
    %swap3A_907 = vector.shape_cast %swap3A_906 : vector<1x16xf32> to vector<16xf32>
    %swap3A_908 = vector.shape_cast %broadcast_in_dim3A_902 : vector<16xf32> to vector<1x16xf32>
    tpu.vector_store %arg25[%swap3A_904, %swap3A_905], %swap3A_908 {strides = array<i32>} : memref<16x128xf32, #tpu.memory_space<vmem>>, vector<1x16xf32>,
    %broadcast_in_dim3A_909 = arith.constant 0.000000e+00 : f32
    %broadcast_in_dim3A_910 = vector.broadcast %broadcast_in_dim3A_909 : f32 to vector<16xf32>
    %swap3A_911 = arith.constant 9 : i32
    %swap3A_912 = arith.index_cast %swap3A_911 : i32 to index
    %swap3A_913 = arith.constant 64 : index
    %swap3A_914 = tpu.vector_load %arg25[%swap3A_912, %swap3A_913] {strides = array<i32>} : memref<16x128xf32, #tpu.memory_space<vmem>>, vector<1x16xf32>,
    %swap3A_915 = vector.shape_cast %swap3A_914 : vector<1x16xf32> to vector<16xf32>
    %swap3A_916 = vector.shape_cast %broadcast_in_dim3A_910 : vector<16xf32> to vector<1x16xf32>
    tpu.vector_store %arg25[%swap3A_912, %swap3A_913], %swap3A_916 {strides = array<i32>} : memref<16x128xf32, #tpu.memory_space<vmem>>, vector<1x16xf32>,
    %broadcast_in_dim3A_917 = arith.constant 0.000000e+00 : f32
    %broadcast_in_dim3A_918 = vector.broadcast %broadcast_in_dim3A_917 : f32 to vector<16xf32>
    %swap3A_919 = arith.constant 9 : i32
    %swap3A_920 = arith.index_cast %swap3A_919 : i32 to index
    %swap3A_921 = arith.constant 80 : index
    %swap3A_922 = tpu.vector_load %arg25[%swap3A_920, %swap3A_921] {strides = array<i32>} : memref<16x128xf32, #tpu.memory_space<vmem>>, vector<1x16xf32>,
    %swap3A_923 = vector.shape_cast %swap3A_922 : vector<1x16xf32> to vector<16xf32>
    %swap3A_924 = vector.shape_cast %broadcast_in_dim3A_918 : vector<16xf32> to vector<1x16xf32>
    tpu.vector_store %arg25[%swap3A_920, %swap3A_921], %swap3A_924 {strides = array<i32>} : memref<16x128xf32, #tpu.memory_space<vmem>>, vector<1x16xf32>,
    %broadcast_in_dim3A_925 = arith.constant 0.000000e+00 : f32
    %broadcast_in_dim3A_926 = vector.broadcast %broadcast_in_dim3A_925 : f32 to vector<16xf32>
    %swap3A_927 = arith.constant 9 : i32
    %swap3A_928 = arith.index_cast %swap3A_927 : i32 to index
    %swap3A_929 = arith.constant 96 : index
    %swap3A_930 = tpu.vector_load %arg25[%swap3A_928, %swap3A_929] {strides = array<i32>} : memref<16x128xf32, #tpu.memory_space<vmem>>, vector<1x16xf32>,
    %swap3A_931 = vector.shape_cast %swap3A_930 : vector<1x16xf32> to vector<16xf32>
    %swap3A_932 = vector.shape_cast %broadcast_in_dim3A_926 : vector<16xf32> to vector<1x16xf32>
    tpu.vector_store %arg25[%swap3A_928, %swap3A_929], %swap3A_932 {strides = array<i32>} : memref<16x128xf32, #tpu.memory_space<vmem>>, vector<1x16xf32>,
    %broadcast_in_dim3A_933 = arith.constant 0.000000e+00 : f32
    %broadcast_in_dim3A_934 = vector.broadcast %broadcast_in_dim3A_933 : f32 to vector<16xf32>
    %swap3A_935 = arith.constant 9 : i32
    %swap3A_936 = arith.index_cast %swap3A_935 : i32 to index
    %swap3A_937 = arith.constant 112 : index
    %swap3A_938 = tpu.vector_load %arg25[%swap3A_936, %swap3A_937] {strides = array<i32>} : memref<16x128xf32, #tpu.memory_space<vmem>>, vector<1x16xf32>,
    %swap3A_939 = vector.shape_cast %swap3A_938 : vector<1x16xf32> to vector<16xf32>
    %swap3A_940 = vector.shape_cast %broadcast_in_dim3A_934 : vector<16xf32> to vector<1x16xf32>
    tpu.vector_store %arg25[%swap3A_936, %swap3A_937], %swap3A_940 {strides = array<i32>} : memref<16x128xf32, #tpu.memory_space<vmem>>, vector<1x16xf32>,
    %broadcast_in_dim3A_941 = arith.constant 0.000000e+00 : f32
    %broadcast_in_dim3A_942 = vector.broadcast %broadcast_in_dim3A_941 : f32 to vector<16xf32>
    %swap3A_943 = arith.constant 10 : i32
    %swap3A_944 = arith.index_cast %swap3A_943 : i32 to index
    %swap3A_945 = arith.constant 0 : index
    %swap3A_946 = tpu.vector_load %arg25[%swap3A_944, %swap3A_945] {strides = array<i32>} : memref<16x128xf32, #tpu.memory_space<vmem>>, vector<1x16xf32>,
    %swap3A_947 = vector.shape_cast %swap3A_946 : vector<1x16xf32> to vector<16xf32>
    %swap3A_948 = vector.shape_cast %broadcast_in_dim3A_942 : vector<16xf32> to vector<1x16xf32>
    tpu.vector_store %arg25[%swap3A_944, %swap3A_945], %swap3A_948 {strides = array<i32>} : memref<16x128xf32, #tpu.memory_space<vmem>>, vector<1x16xf32>,
    %broadcast_in_dim3A_949 = arith.constant 0.000000e+00 : f32
    %broadcast_in_dim3A_950 = vector.broadcast %broadcast_in_dim3A_949 : f32 to vector<16xf32>
    %swap3A_951 = arith.constant 10 : i32
    %swap3A_952 = arith.index_cast %swap3A_951 : i32 to index
    %swap3A_953 = arith.constant 16 : index
    %swap3A_954 = tpu.vector_load %arg25[%swap3A_952, %swap3A_953] {strides = array<i32>} : memref<16x128xf32, #tpu.memory_space<vmem>>, vector<1x16xf32>,
    %swap3A_955 = vector.shape_cast %swap3A_954 : vector<1x16xf32> to vector<16xf32>
    %swap3A_956 = vector.shape_cast %broadcast_in_dim3A_950 : vector<16xf32> to vector<1x16xf32>
    tpu.vector_store %arg25[%swap3A_952, %swap3A_953], %swap3A_956 {strides = array<i32>} : memref<16x128xf32, #tpu.memory_space<vmem>>, vector<1x16xf32>,
    %broadcast_in_dim3A_957 = arith.constant 0.000000e+00 : f32
    %broadcast_in_dim3A_958 = vector.broadcast %broadcast_in_dim3A_957 : f32 to vector<16xf32>
    %swap3A_959 = arith.constant 10 : i32
    %swap3A_960 = arith.index_cast %swap3A_959 : i32 to index
    %swap3A_961 = arith.constant 32 : index
    %swap3A_962 = tpu.vector_load %arg25[%swap3A_960, %swap3A_961] {strides = array<i32>} : memref<16x128xf32, #tpu.memory_space<vmem>>, vector<1x16xf32>,
    %swap3A_963 = vector.shape_cast %swap3A_962 : vector<1x16xf32> to vector<16xf32>
    %swap3A_964 = vector.shape_cast %broadcast_in_dim3A_958 : vector<16xf32> to vector<1x16xf32>
    tpu.vector_store %arg25[%swap3A_960, %swap3A_961], %swap3A_964 {strides = array<i32>} : memref<16x128xf32, #tpu.memory_space<vmem>>, vector<1x16xf32>,
    %broadcast_in_dim3A_965 = arith.constant 0.000000e+00 : f32
    %broadcast_in_dim3A_966 = vector.broadcast %broadcast_in_dim3A_965 : f32 to vector<16xf32>
    %swap3A_967 = arith.constant 10 : i32
    %swap3A_968 = arith.index_cast %swap3A_967 : i32 to index
    %swap3A_969 = arith.constant 48 : index
    %swap3A_970 = tpu.vector_load %arg25[%swap3A_968, %swap3A_969] {strides = array<i32>} : memref<16x128xf32, #tpu.memory_space<vmem>>, vector<1x16xf32>,
    %swap3A_971 = vector.shape_cast %swap3A_970 : vector<1x16xf32> to vector<16xf32>
    %swap3A_972 = vector.shape_cast %broadcast_in_dim3A_966 : vector<16xf32> to vector<1x16xf32>
    tpu.vector_store %arg25[%swap3A_968, %swap3A_969], %swap3A_972 {strides = array<i32>} : memref<16x128xf32, #tpu.memory_space<vmem>>, vector<1x16xf32>,
    %broadcast_in_dim3A_973 = arith.constant 0.000000e+00 : f32
    %broadcast_in_dim3A_974 = vector.broadcast %broadcast_in_dim3A_973 : f32 to vector<16xf32>
    %swap3A_975 = arith.constant 10 : i32
    %swap3A_976 = arith.index_cast %swap3A_975 : i32 to index
    %swap3A_977 = arith.constant 64 : index
    %swap3A_978 = tpu.vector_load %arg25[%swap3A_976, %swap3A_977] {strides = array<i32>} : memref<16x128xf32, #tpu.memory_space<vmem>>, vector<1x16xf32>,
    %swap3A_979 = vector.shape_cast %swap3A_978 : vector<1x16xf32> to vector<16xf32>
    %swap3A_980 = vector.shape_cast %broadcast_in_dim3A_974 : vector<16xf32> to vector<1x16xf32>
    tpu.vector_store %arg25[%swap3A_976, %swap3A_977], %swap3A_980 {strides = array<i32>} : memref<16x128xf32, #tpu.memory_space<vmem>>, vector<1x16xf32>,
    %broadcast_in_dim3A_981 = arith.constant 0.000000e+00 : f32
    %broadcast_in_dim3A_982 = vector.broadcast %broadcast_in_dim3A_981 : f32 to vector<16xf32>
    %swap3A_983 = arith.constant 10 : i32
    %swap3A_984 = arith.index_cast %swap3A_983 : i32 to index
    %swap3A_985 = arith.constant 80 : index
    %swap3A_986 = tpu.vector_load %arg25[%swap3A_984, %swap3A_985] {strides = array<i32>} : memref<16x128xf32, #tpu.memory_space<vmem>>, vector<1x16xf32>,
    %swap3A_987 = vector.shape_cast %swap3A_986 : vector<1x16xf32> to vector<16xf32>
    %swap3A_988 = vector.shape_cast %broadcast_in_dim3A_982 : vector<16xf32> to vector<1x16xf32>
    tpu.vector_store %arg25[%swap3A_984, %swap3A_985], %swap3A_988 {strides = array<i32>} : memref<16x128xf32, #tpu.memory_space<vmem>>, vector<1x16xf32>,
    %broadcast_in_dim3A_989 = arith.constant 0.000000e+00 : f32
    %broadcast_in_dim3A_990 = vector.broadcast %broadcast_in_dim3A_989 : f32 to vector<16xf32>
    %swap3A_991 = arith.constant 10 : i32
    %swap3A_992 = arith.index_cast %swap3A_991 : i32 to index
    %swap3A_993 = arith.constant 96 : index
    %swap3A_994 = tpu.vector_load %arg25[%swap3A_992, %swap3A_993] {strides = array<i32>} : memref<16x128xf32, #tpu.memory_space<vmem>>, vector<1x16xf32>,
    %swap3A_995 = vector.shape_cast %swap3A_994 : vector<1x16xf32> to vector<16xf32>
    %swap3A_996 = vector.shape_cast %broadcast_in_dim3A_990 : vector<16xf32> to vector<1x16xf32>
    tpu.vector_store %arg25[%swap3A_992, %swap3A_993], %swap3A_996 {strides = array<i32>} : memref<16x128xf32, #tpu.memory_space<vmem>>, vector<1x16xf32>,
    %broadcast_in_dim3A_997 = arith.constant 0.000000e+00 : f32
    %broadcast_in_dim3A_998 = vector.broadcast %broadcast_in_dim3A_997 : f32 to vector<16xf32>
    %swap3A_999 = arith.constant 10 : i32
    %swap3A_1000 = arith.index_cast %swap3A_999 : i32 to index
    %swap3A_1001 = arith.constant 112 : index
    %swap3A_1002 = tpu.vector_load %arg25[%swap3A_1000, %swap3A_1001] {strides = array<i32>} : memref<16x128xf32, #tpu.memory_space<vmem>>, vector<1x16xf32>,
    %swap3A_1003 = vector.shape_cast %swap3A_1002 : vector<1x16xf32> to vector<16xf32>
    %swap3A_1004 = vector.shape_cast %broadcast_in_dim3A_998 : vector<16xf32> to vector<1x16xf32>
    tpu.vector_store %arg25[%swap3A_1000, %swap3A_1001], %swap3A_1004 {strides = array<i32>} : memref<16x128xf32, #tpu.memory_space<vmem>>, vector<1x16xf32>,
    %broadcast_in_dim3A_1005 = arith.constant 0.000000e+00 : f32
    %broadcast_in_dim3A_1006 = vector.broadcast %broadcast_in_dim3A_1005 : f32 to vector<16xf32>
    %swap3A_1007 = arith.constant 11 : i32
    %swap3A_1008 = arith.index_cast %swap3A_1007 : i32 to index
    %swap3A_1009 = arith.constant 0 : index
    %swap3A_1010 = tpu.vector_load %arg25[%swap3A_1008, %swap3A_1009] {strides = array<i32>} : memref<16x128xf32, #tpu.memory_space<vmem>>, vector<1x16xf32>,
    %swap3A_1011 = vector.shape_cast %swap3A_1010 : vector<1x16xf32> to vector<16xf32>
    %swap3A_1012 = vector.shape_cast %broadcast_in_dim3A_1006 : vector<16xf32> to vector<1x16xf32>
    tpu.vector_store %arg25[%swap3A_1008, %swap3A_1009], %swap3A_1012 {strides = array<i32>} : memref<16x128xf32, #tpu.memory_space<vmem>>, vector<1x16xf32>,
    %broadcast_in_dim3A_1013 = arith.constant 0.000000e+00 : f32
    %broadcast_in_dim3A_1014 = vector.broadcast %broadcast_in_dim3A_1013 : f32 to vector<16xf32>
    %swap3A_1015 = arith.constant 11 : i32
    %swap3A_1016 = arith.index_cast %swap3A_1015 : i32 to index
    %swap3A_1017 = arith.constant 16 : index
    %swap3A_1018 = tpu.vector_load %arg25[%swap3A_1016, %swap3A_1017] {strides = array<i32>} : memref<16x128xf32, #tpu.memory_space<vmem>>, vector<1x16xf32>,
    %swap3A_1019 = vector.shape_cast %swap3A_1018 : vector<1x16xf32> to vector<16xf32>
    %swap3A_1020 = vector.shape_cast %broadcast_in_dim3A_1014 : vector<16xf32> to vector<1x16xf32>
    tpu.vector_store %arg25[%swap3A_1016, %swap3A_1017], %swap3A_1020 {strides = array<i32>} : memref<16x128xf32, #tpu.memory_space<vmem>>, vector<1x16xf32>,
    %broadcast_in_dim3A_1021 = arith.constant 0.000000e+00 : f32
    %broadcast_in_dim3A_1022 = vector.broadcast %broadcast_in_dim3A_1021 : f32 to vector<16xf32>
    %swap3A_1023 = arith.constant 11 : i32
    %swap3A_1024 = arith.index_cast %swap3A_1023 : i32 to index
    %swap3A_1025 = arith.constant 32 : index
    %swap3A_1026 = tpu.vector_load %arg25[%swap3A_1024, %swap3A_1025] {strides = array<i32>} : memref<16x128xf32, #tpu.memory_space<vmem>>, vector<1x16xf32>,
    %swap3A_1027 = vector.shape_cast %swap3A_1026 : vector<1x16xf32> to vector<16xf32>
    %swap3A_1028 = vector.shape_cast %broadcast_in_dim3A_1022 : vector<16xf32> to vector<1x16xf32>
    tpu.vector_store %arg25[%swap3A_1024, %swap3A_1025], %swap3A_1028 {strides = array<i32>} : memref<16x128xf32, #tpu.memory_space<vmem>>, vector<1x16xf32>,
    %broadcast_in_dim3A_1029 = arith.constant 0.000000e+00 : f32
    %broadcast_in_dim3A_1030 = vector.broadcast %broadcast_in_dim3A_1029 : f32 to vector<16xf32>
    %swap3A_1031 = arith.constant 11 : i32
    %swap3A_1032 = arith.index_cast %swap3A_1031 : i32 to index
    %swap3A_1033 = arith.constant 48 : index
    %swap3A_1034 = tpu.vector_load %arg25[%swap3A_1032, %swap3A_1033] {strides = array<i32>} : memref<16x128xf32, #tpu.memory_space<vmem>>, vector<1x16xf32>,
    %swap3A_1035 = vector.shape_cast %swap3A_1034 : vector<1x16xf32> to vector<16xf32>
    %swap3A_1036 = vector.shape_cast %broadcast_in_dim3A_1030 : vector<16xf32> to vector<1x16xf32>
    tpu.vector_store %arg25[%swap3A_1032, %swap3A_1033], %swap3A_1036 {strides = array<i32>} : memref<16x128xf32, #tpu.memory_space<vmem>>, vector<1x16xf32>,
    %broadcast_in_dim3A_1037 = arith.constant 0.000000e+00 : f32
    %broadcast_in_dim3A_1038 = vector.broadcast %broadcast_in_dim3A_1037 : f32 to vector<16xf32>
    %swap3A_1039 = arith.constant 11 : i32
    %swap3A_1040 = arith.index_cast %swap3A_1039 : i32 to index
    %swap3A_1041 = arith.constant 64 : index
    %swap3A_1042 = tpu.vector_load %arg25[%swap3A_1040, %swap3A_1041] {strides = array<i32>} : memref<16x128xf32, #tpu.memory_space<vmem>>, vector<1x16xf32>,
    %swap3A_1043 = vector.shape_cast %swap3A_1042 : vector<1x16xf32> to vector<16xf32>
    %swap3A_1044 = vector.shape_cast %broadcast_in_dim3A_1038 : vector<16xf32> to vector<1x16xf32>
    tpu.vector_store %arg25[%swap3A_1040, %swap3A_1041], %swap3A_1044 {strides = array<i32>} : memref<16x128xf32, #tpu.memory_space<vmem>>, vector<1x16xf32>,
    %broadcast_in_dim3A_1045 = arith.constant 0.000000e+00 : f32
    %broadcast_in_dim3A_1046 = vector.broadcast %broadcast_in_dim3A_1045 : f32 to vector<16xf32>
    %swap3A_1047 = arith.constant 11 : i32
    %swap3A_1048 = arith.index_cast %swap3A_1047 : i32 to index
    %swap3A_1049 = arith.constant 80 : index
    %swap3A_1050 = tpu.vector_load %arg25[%swap3A_1048, %swap3A_1049] {strides = array<i32>} : memref<16x128xf32, #tpu.memory_space<vmem>>, vector<1x16xf32>,
    %swap3A_1051 = vector.shape_cast %swap3A_1050 : vector<1x16xf32> to vector<16xf32>
    %swap3A_1052 = vector.shape_cast %broadcast_in_dim3A_1046 : vector<16xf32> to vector<1x16xf32>
    tpu.vector_store %arg25[%swap3A_1048, %swap3A_1049], %swap3A_1052 {strides = array<i32>} : memref<16x128xf32, #tpu.memory_space<vmem>>, vector<1x16xf32>,
    %broadcast_in_dim3A_1053 = arith.constant 0.000000e+00 : f32
    %broadcast_in_dim3A_1054 = vector.broadcast %broadcast_in_dim3A_1053 : f32 to vector<16xf32>
    %swap3A_1055 = arith.constant 11 : i32
    %swap3A_1056 = arith.index_cast %swap3A_1055 : i32 to index
    %swap3A_1057 = arith.constant 96 : index
    %swap3A_1058 = tpu.vector_load %arg25[%swap3A_1056, %swap3A_1057] {strides = array<i32>} : memref<16x128xf32, #tpu.memory_space<vmem>>, vector<1x16xf32>,
    %swap3A_1059 = vector.shape_cast %swap3A_1058 : vector<1x16xf32> to vector<16xf32>
    %swap3A_1060 = vector.shape_cast %broadcast_in_dim3A_1054 : vector<16xf32> to vector<1x16xf32>
    tpu.vector_store %arg25[%swap3A_1056, %swap3A_1057], %swap3A_1060 {strides = array<i32>} : memref<16x128xf32, #tpu.memory_space<vmem>>, vector<1x16xf32>,
    %broadcast_in_dim3A_1061 = arith.constant 0.000000e+00 : f32
    %broadcast_in_dim3A_1062 = vector.broadcast %broadcast_in_dim3A_1061 : f32 to vector<16xf32>
    %swap3A_1063 = arith.constant 11 : i32
    %swap3A_1064 = arith.index_cast %swap3A_1063 : i32 to index
    %swap3A_1065 = arith.constant 112 : index
    %swap3A_1066 = tpu.vector_load %arg25[%swap3A_1064, %swap3A_1065] {strides = array<i32>} : memref<16x128xf32, #tpu.memory_space<vmem>>, vector<1x16xf32>,
    %swap3A_1067 = vector.shape_cast %swap3A_1066 : vector<1x16xf32> to vector<16xf32>
    %swap3A_1068 = vector.shape_cast %broadcast_in_dim3A_1062 : vector<16xf32> to vector<1x16xf32>
    tpu.vector_store %arg25[%swap3A_1064, %swap3A_1065], %swap3A_1068 {strides = array<i32>} : memref<16x128xf32, #tpu.memory_space<vmem>>, vector<1x16xf32>,
    %broadcast_in_dim3A_1069 = arith.constant 0.000000e+00 : f32
    %broadcast_in_dim3A_1070 = vector.broadcast %broadcast_in_dim3A_1069 : f32 to vector<16xf32>
    %swap3A_1071 = arith.constant 12 : i32
    %swap3A_1072 = arith.index_cast %swap3A_1071 : i32 to index
    %swap3A_1073 = arith.constant 0 : index
    %swap3A_1074 = tpu.vector_load %arg25[%swap3A_1072, %swap3A_1073] {strides = array<i32>} : memref<16x128xf32, #tpu.memory_space<vmem>>, vector<1x16xf32>,
    %swap3A_1075 = vector.shape_cast %swap3A_1074 : vector<1x16xf32> to vector<16xf32>
    %swap3A_1076 = vector.shape_cast %broadcast_in_dim3A_1070 : vector<16xf32> to vector<1x16xf32>
    tpu.vector_store %arg25[%swap3A_1072, %swap3A_1073], %swap3A_1076 {strides = array<i32>} : memref<16x128xf32, #tpu.memory_space<vmem>>, vector<1x16xf32>,
    %broadcast_in_dim3A_1077 = arith.constant 0.000000e+00 : f32
    %broadcast_in_dim3A_1078 = vector.broadcast %broadcast_in_dim3A_1077 : f32 to vector<16xf32>
    %swap3A_1079 = arith.constant 12 : i32
    %swap3A_1080 = arith.index_cast %swap3A_1079 : i32 to index
    %swap3A_1081 = arith.constant 16 : index
    %swap3A_1082 = tpu.vector_load %arg25[%swap3A_1080, %swap3A_1081] {strides = array<i32>} : memref<16x128xf32, #tpu.memory_space<vmem>>, vector<1x16xf32>,
    %swap3A_1083 = vector.shape_cast %swap3A_1082 : vector<1x16xf32> to vector<16xf32>
    %swap3A_1084 = vector.shape_cast %broadcast_in_dim3A_1078 : vector<16xf32> to vector<1x16xf32>
    tpu.vector_store %arg25[%swap3A_1080, %swap3A_1081], %swap3A_1084 {strides = array<i32>} : memref<16x128xf32, #tpu.memory_space<vmem>>, vector<1x16xf32>,
    %broadcast_in_dim3A_1085 = arith.constant 0.000000e+00 : f32
    %broadcast_in_dim3A_1086 = vector.broadcast %broadcast_in_dim3A_1085 : f32 to vector<16xf32>
    %swap3A_1087 = arith.constant 12 : i32
    %swap3A_1088 = arith.index_cast %swap3A_1087 : i32 to index
    %swap3A_1089 = arith.constant 32 : index
    %swap3A_1090 = tpu.vector_load %arg25[%swap3A_1088, %swap3A_1089] {strides = array<i32>} : memref<16x128xf32, #tpu.memory_space<vmem>>, vector<1x16xf32>,
    %swap3A_1091 = vector.shape_cast %swap3A_1090 : vector<1x16xf32> to vector<16xf32>
    %swap3A_1092 = vector.shape_cast %broadcast_in_dim3A_1086 : vector<16xf32> to vector<1x16xf32>
    tpu.vector_store %arg25[%swap3A_1088, %swap3A_1089], %swap3A_1092 {strides = array<i32>} : memref<16x128xf32, #tpu.memory_space<vmem>>, vector<1x16xf32>,
    %broadcast_in_dim3A_1093 = arith.constant 0.000000e+00 : f32
    %broadcast_in_dim3A_1094 = vector.broadcast %broadcast_in_dim3A_1093 : f32 to vector<16xf32>
    %swap3A_1095 = arith.constant 12 : i32
    %swap3A_1096 = arith.index_cast %swap3A_1095 : i32 to index
    %swap3A_1097 = arith.constant 48 : index
    %swap3A_1098 = tpu.vector_load %arg25[%swap3A_1096, %swap3A_1097] {strides = array<i32>} : memref<16x128xf32, #tpu.memory_space<vmem>>, vector<1x16xf32>,
    %swap3A_1099 = vector.shape_cast %swap3A_1098 : vector<1x16xf32> to vector<16xf32>
    %swap3A_1100 = vector.shape_cast %broadcast_in_dim3A_1094 : vector<16xf32> to vector<1x16xf32>
    tpu.vector_store %arg25[%swap3A_1096, %swap3A_1097], %swap3A_1100 {strides = array<i32>} : memref<16x128xf32, #tpu.memory_space<vmem>>, vector<1x16xf32>,
    %broadcast_in_dim3A_1101 = arith.constant 0.000000e+00 : f32
    %broadcast_in_dim3A_1102 = vector.broadcast %broadcast_in_dim3A_1101 : f32 to vector<16xf32>
    %swap3A_1103 = arith.constant 12 : i32
    %swap3A_1104 = arith.index_cast %swap3A_1103 : i32 to index
    %swap3A_1105 = arith.constant 64 : index
    %swap3A_1106 = tpu.vector_load %arg25[%swap3A_1104, %swap3A_1105] {strides = array<i32>} : memref<16x128xf32, #tpu.memory_space<vmem>>, vector<1x16xf32>,
    %swap3A_1107 = vector.shape_cast %swap3A_1106 : vector<1x16xf32> to vector<16xf32>
    %swap3A_1108 = vector.shape_cast %broadcast_in_dim3A_1102 : vector<16xf32> to vector<1x16xf32>
    tpu.vector_store %arg25[%swap3A_1104, %swap3A_1105], %swap3A_1108 {strides = array<i32>} : memref<16x128xf32, #tpu.memory_space<vmem>>, vector<1x16xf32>,
    %broadcast_in_dim3A_1109 = arith.constant 0.000000e+00 : f32
    %broadcast_in_dim3A_1110 = vector.broadcast %broadcast_in_dim3A_1109 : f32 to vector<16xf32>
    %swap3A_1111 = arith.constant 12 : i32
    %swap3A_1112 = arith.index_cast %swap3A_1111 : i32 to index
    %swap3A_1113 = arith.constant 80 : index
    %swap3A_1114 = tpu.vector_load %arg25[%swap3A_1112, %swap3A_1113] {strides = array<i32>} : memref<16x128xf32, #tpu.memory_space<vmem>>, vector<1x16xf32>,
    %swap3A_1115 = vector.shape_cast %swap3A_1114 : vector<1x16xf32> to vector<16xf32>
    %swap3A_1116 = vector.shape_cast %broadcast_in_dim3A_1110 : vector<16xf32> to vector<1x16xf32>
    tpu.vector_store %arg25[%swap3A_1112, %swap3A_1113], %swap3A_1116 {strides = array<i32>} : memref<16x128xf32, #tpu.memory_space<vmem>>, vector<1x16xf32>,
    %broadcast_in_dim3A_1117 = arith.constant 0.000000e+00 : f32
    %broadcast_in_dim3A_1118 = vector.broadcast %broadcast_in_dim3A_1117 : f32 to vector<16xf32>
    %swap3A_1119 = arith.constant 12 : i32
    %swap3A_1120 = arith.index_cast %swap3A_1119 : i32 to index
    %swap3A_1121 = arith.constant 96 : index
    %swap3A_1122 = tpu.vector_load %arg25[%swap3A_1120, %swap3A_1121] {strides = array<i32>} : memref<16x128xf32, #tpu.memory_space<vmem>>, vector<1x16xf32>,
    %swap3A_1123 = vector.shape_cast %swap3A_1122 : vector<1x16xf32> to vector<16xf32>
    %swap3A_1124 = vector.shape_cast %broadcast_in_dim3A_1118 : vector<16xf32> to vector<1x16xf32>
    tpu.vector_store %arg25[%swap3A_1120, %swap3A_1121], %swap3A_1124 {strides = array<i32>} : memref<16x128xf32, #tpu.memory_space<vmem>>, vector<1x16xf32>,
    %broadcast_in_dim3A_1125 = arith.constant 0.000000e+00 : f32
    %broadcast_in_dim3A_1126 = vector.broadcast %broadcast_in_dim3A_1125 : f32 to vector<16xf32>
    %swap3A_1127 = arith.constant 12 : i32
    %swap3A_1128 = arith.index_cast %swap3A_1127 : i32 to index
    %swap3A_1129 = arith.constant 112 : index
    %swap3A_1130 = tpu.vector_load %arg25[%swap3A_1128, %swap3A_1129] {strides = array<i32>} : memref<16x128xf32, #tpu.memory_space<vmem>>, vector<1x16xf32>,
    %swap3A_1131 = vector.shape_cast %swap3A_1130 : vector<1x16xf32> to vector<16xf32>
    %swap3A_1132 = vector.shape_cast %broadcast_in_dim3A_1126 : vector<16xf32> to vector<1x16xf32>
    tpu.vector_store %arg25[%swap3A_1128, %swap3A_1129], %swap3A_1132 {strides = array<i32>} : memref<16x128xf32, #tpu.memory_space<vmem>>, vector<1x16xf32>,
    %broadcast_in_dim3A_1133 = arith.constant 0.000000e+00 : f32
    %broadcast_in_dim3A_1134 = vector.broadcast %broadcast_in_dim3A_1133 : f32 to vector<16xf32>
    %swap3A_1135 = arith.constant 13 : i32
    %swap3A_1136 = arith.index_cast %swap3A_1135 : i32 to index
    %swap3A_1137 = arith.constant 0 : index
    %swap3A_1138 = tpu.vector_load %arg25[%swap3A_1136, %swap3A_1137] {strides = array<i32>} : memref<16x128xf32, #tpu.memory_space<vmem>>, vector<1x16xf32>,
    %swap3A_1139 = vector.shape_cast %swap3A_1138 : vector<1x16xf32> to vector<16xf32>
    %swap3A_1140 = vector.shape_cast %broadcast_in_dim3A_1134 : vector<16xf32> to vector<1x16xf32>
    tpu.vector_store %arg25[%swap3A_1136, %swap3A_1137], %swap3A_1140 {strides = array<i32>} : memref<16x128xf32, #tpu.memory_space<vmem>>, vector<1x16xf32>,
    %broadcast_in_dim3A_1141 = arith.constant 0.000000e+00 : f32
    %broadcast_in_dim3A_1142 = vector.broadcast %broadcast_in_dim3A_1141 : f32 to vector<16xf32>
    %swap3A_1143 = arith.constant 13 : i32
    %swap3A_1144 = arith.index_cast %swap3A_1143 : i32 to index
    %swap3A_1145 = arith.constant 16 : index
    %swap3A_1146 = tpu.vector_load %arg25[%swap3A_1144, %swap3A_1145] {strides = array<i32>} : memref<16x128xf32, #tpu.memory_space<vmem>>, vector<1x16xf32>,
    %swap3A_1147 = vector.shape_cast %swap3A_1146 : vector<1x16xf32> to vector<16xf32>
    %swap3A_1148 = vector.shape_cast %broadcast_in_dim3A_1142 : vector<16xf32> to vector<1x16xf32>
    tpu.vector_store %arg25[%swap3A_1144, %swap3A_1145], %swap3A_1148 {strides = array<i32>} : memref<16x128xf32, #tpu.memory_space<vmem>>, vector<1x16xf32>,
    %broadcast_in_dim3A_1149 = arith.constant 0.000000e+00 : f32
    %broadcast_in_dim3A_1150 = vector.broadcast %broadcast_in_dim3A_1149 : f32 to vector<16xf32>
    %swap3A_1151 = arith.constant 13 : i32
    %swap3A_1152 = arith.index_cast %swap3A_1151 : i32 to index
    %swap3A_1153 = arith.constant 32 : index
    %swap3A_1154 = tpu.vector_load %arg25[%swap3A_1152, %swap3A_1153] {strides = array<i32>} : memref<16x128xf32, #tpu.memory_space<vmem>>, vector<1x16xf32>,
    %swap3A_1155 = vector.shape_cast %swap3A_1154 : vector<1x16xf32> to vector<16xf32>
    %swap3A_1156 = vector.shape_cast %broadcast_in_dim3A_1150 : vector<16xf32> to vector<1x16xf32>
    tpu.vector_store %arg25[%swap3A_1152, %swap3A_1153], %swap3A_1156 {strides = array<i32>} : memref<16x128xf32, #tpu.memory_space<vmem>>, vector<1x16xf32>,
    %broadcast_in_dim3A_1157 = arith.constant 0.000000e+00 : f32
    %broadcast_in_dim3A_1158 = vector.broadcast %broadcast_in_dim3A_1157 : f32 to vector<16xf32>
    %swap3A_1159 = arith.constant 13 : i32
    %swap3A_1160 = arith.index_cast %swap3A_1159 : i32 to index
    %swap3A_1161 = arith.constant 48 : index
    %swap3A_1162 = tpu.vector_load %arg25[%swap3A_1160, %swap3A_1161] {strides = array<i32>} : memref<16x128xf32, #tpu.memory_space<vmem>>, vector<1x16xf32>,
    %swap3A_1163 = vector.shape_cast %swap3A_1162 : vector<1x16xf32> to vector<16xf32>
    %swap3A_1164 = vector.shape_cast %broadcast_in_dim3A_1158 : vector<16xf32> to vector<1x16xf32>
    tpu.vector_store %arg25[%swap3A_1160, %swap3A_1161], %swap3A_1164 {strides = array<i32>} : memref<16x128xf32, #tpu.memory_space<vmem>>, vector<1x16xf32>,
    %broadcast_in_dim3A_1165 = arith.constant 0.000000e+00 : f32
    %broadcast_in_dim3A_1166 = vector.broadcast %broadcast_in_dim3A_1165 : f32 to vector<16xf32>
    %swap3A_1167 = arith.constant 13 : i32
    %swap3A_1168 = arith.index_cast %swap3A_1167 : i32 to index
    %swap3A_1169 = arith.constant 64 : index
    %swap3A_1170 = tpu.vector_load %arg25[%swap3A_1168, %swap3A_1169] {strides = array<i32>} : memref<16x128xf32, #tpu.memory_space<vmem>>, vector<1x16xf32>,
    %swap3A_1171 = vector.shape_cast %swap3A_1170 : vector<1x16xf32> to vector<16xf32>
    %swap3A_1172 = vector.shape_cast %broadcast_in_dim3A_1166 : vector<16xf32> to vector<1x16xf32>
    tpu.vector_store %arg25[%swap3A_1168, %swap3A_1169], %swap3A_1172 {strides = array<i32>} : memref<16x128xf32, #tpu.memory_space<vmem>>, vector<1x16xf32>,
    %broadcast_in_dim3A_1173 = arith.constant 0.000000e+00 : f32
    %broadcast_in_dim3A_1174 = vector.broadcast %broadcast_in_dim3A_1173 : f32 to vector<16xf32>
    %swap3A_1175 = arith.constant 13 : i32
    %swap3A_1176 = arith.index_cast %swap3A_1175 : i32 to index
    %swap3A_1177 = arith.constant 80 : index
    %swap3A_1178 = tpu.vector_load %arg25[%swap3A_1176, %swap3A_1177] {strides = array<i32>} : memref<16x128xf32, #tpu.memory_space<vmem>>, vector<1x16xf32>,
    %swap3A_1179 = vector.shape_cast %swap3A_1178 : vector<1x16xf32> to vector<16xf32>
    %swap3A_1180 = vector.shape_cast %broadcast_in_dim3A_1174 : vector<16xf32> to vector<1x16xf32>
    tpu.vector_store %arg25[%swap3A_1176, %swap3A_1177], %swap3A_1180 {strides = array<i32>} : memref<16x128xf32, #tpu.memory_space<vmem>>, vector<1x16xf32>,
    %broadcast_in_dim3A_1181 = arith.constant 0.000000e+00 : f32
    %broadcast_in_dim3A_1182 = vector.broadcast %broadcast_in_dim3A_1181 : f32 to vector<16xf32>
    %swap3A_1183 = arith.constant 13 : i32
    %swap3A_1184 = arith.index_cast %swap3A_1183 : i32 to index
    %swap3A_1185 = arith.constant 96 : index
    %swap3A_1186 = tpu.vector_load %arg25[%swap3A_1184, %swap3A_1185] {strides = array<i32>} : memref<16x128xf32, #tpu.memory_space<vmem>>, vector<1x16xf32>,
    %swap3A_1187 = vector.shape_cast %swap3A_1186 : vector<1x16xf32> to vector<16xf32>
    %swap3A_1188 = vector.shape_cast %broadcast_in_dim3A_1182 : vector<16xf32> to vector<1x16xf32>
    tpu.vector_store %arg25[%swap3A_1184, %swap3A_1185], %swap3A_1188 {strides = array<i32>} : memref<16x128xf32, #tpu.memory_space<vmem>>, vector<1x16xf32>,
    %broadcast_in_dim3A_1189 = arith.constant 0.000000e+00 : f32
    %broadcast_in_dim3A_1190 = vector.broadcast %broadcast_in_dim3A_1189 : f32 to vector<16xf32>
    %swap3A_1191 = arith.constant 13 : i32
    %swap3A_1192 = arith.index_cast %swap3A_1191 : i32 to index
    %swap3A_1193 = arith.constant 112 : index
    %swap3A_1194 = tpu.vector_load %arg25[%swap3A_1192, %swap3A_1193] {strides = array<i32>} : memref<16x128xf32, #tpu.memory_space<vmem>>, vector<1x16xf32>,
    %swap3A_1195 = vector.shape_cast %swap3A_1194 : vector<1x16xf32> to vector<16xf32>
    %swap3A_1196 = vector.shape_cast %broadcast_in_dim3A_1190 : vector<16xf32> to vector<1x16xf32>
    tpu.vector_store %arg25[%swap3A_1192, %swap3A_1193], %swap3A_1196 {strides = array<i32>} : memref<16x128xf32, #tpu.memory_space<vmem>>, vector<1x16xf32>,
    %broadcast_in_dim3A_1197 = arith.constant 0.000000e+00 : f32
    %broadcast_in_dim3A_1198 = vector.broadcast %broadcast_in_dim3A_1197 : f32 to vector<16xf32>
    %swap3A_1199 = arith.constant 14 : i32
    %swap3A_1200 = arith.index_cast %swap3A_1199 : i32 to index
    %swap3A_1201 = arith.constant 0 : index
    %swap3A_1202 = tpu.vector_load %arg25[%swap3A_1200, %swap3A_1201] {strides = array<i32>} : memref<16x128xf32, #tpu.memory_space<vmem>>, vector<1x16xf32>,
    %swap3A_1203 = vector.shape_cast %swap3A_1202 : vector<1x16xf32> to vector<16xf32>
    %swap3A_1204 = vector.shape_cast %broadcast_in_dim3A_1198 : vector<16xf32> to vector<1x16xf32>
    tpu.vector_store %arg25[%swap3A_1200, %swap3A_1201], %swap3A_1204 {strides = array<i32>} : memref<16x128xf32, #tpu.memory_space<vmem>>, vector<1x16xf32>,
    %broadcast_in_dim3A_1205 = arith.constant 0.000000e+00 : f32
    %broadcast_in_dim3A_1206 = vector.broadcast %broadcast_in_dim3A_1205 : f32 to vector<16xf32>
    %swap3A_1207 = arith.constant 14 : i32
    %swap3A_1208 = arith.index_cast %swap3A_1207 : i32 to index
    %swap3A_1209 = arith.constant 16 : index
    %swap3A_1210 = tpu.vector_load %arg25[%swap3A_1208, %swap3A_1209] {strides = array<i32>} : memref<16x128xf32, #tpu.memory_space<vmem>>, vector<1x16xf32>,
    %swap3A_1211 = vector.shape_cast %swap3A_1210 : vector<1x16xf32> to vector<16xf32>
    %swap3A_1212 = vector.shape_cast %broadcast_in_dim3A_1206 : vector<16xf32> to vector<1x16xf32>
    tpu.vector_store %arg25[%swap3A_1208, %swap3A_1209], %swap3A_1212 {strides = array<i32>} : memref<16x128xf32, #tpu.memory_space<vmem>>, vector<1x16xf32>,
    %broadcast_in_dim3A_1213 = arith.constant 0.000000e+00 : f32
    %broadcast_in_dim3A_1214 = vector.broadcast %broadcast_in_dim3A_1213 : f32 to vector<16xf32>
    %swap3A_1215 = arith.constant 14 : i32
    %swap3A_1216 = arith.index_cast %swap3A_1215 : i32 to index
    %swap3A_1217 = arith.constant 32 : index
    %swap3A_1218 = tpu.vector_load %arg25[%swap3A_1216, %swap3A_1217] {strides = array<i32>} : memref<16x128xf32, #tpu.memory_space<vmem>>, vector<1x16xf32>,
    %swap3A_1219 = vector.shape_cast %swap3A_1218 : vector<1x16xf32> to vector<16xf32>
    %swap3A_1220 = vector.shape_cast %broadcast_in_dim3A_1214 : vector<16xf32> to vector<1x16xf32>
    tpu.vector_store %arg25[%swap3A_1216, %swap3A_1217], %swap3A_1220 {strides = array<i32>} : memref<16x128xf32, #tpu.memory_space<vmem>>, vector<1x16xf32>,
    %broadcast_in_dim3A_1221 = arith.constant 0.000000e+00 : f32
    %broadcast_in_dim3A_1222 = vector.broadcast %broadcast_in_dim3A_1221 : f32 to vector<16xf32>
    %swap3A_1223 = arith.constant 14 : i32
    %swap3A_1224 = arith.index_cast %swap3A_1223 : i32 to index
    %swap3A_1225 = arith.constant 48 : index
    %swap3A_1226 = tpu.vector_load %arg25[%swap3A_1224, %swap3A_1225] {strides = array<i32>} : memref<16x128xf32, #tpu.memory_space<vmem>>, vector<1x16xf32>,
    %swap3A_1227 = vector.shape_cast %swap3A_1226 : vector<1x16xf32> to vector<16xf32>
    %swap3A_1228 = vector.shape_cast %broadcast_in_dim3A_1222 : vector<16xf32> to vector<1x16xf32>
    tpu.vector_store %arg25[%swap3A_1224, %swap3A_1225], %swap3A_1228 {strides = array<i32>} : memref<16x128xf32, #tpu.memory_space<vmem>>, vector<1x16xf32>,
    %broadcast_in_dim3A_1229 = arith.constant 0.000000e+00 : f32
    %broadcast_in_dim3A_1230 = vector.broadcast %broadcast_in_dim3A_1229 : f32 to vector<16xf32>
    %swap3A_1231 = arith.constant 14 : i32
    %swap3A_1232 = arith.index_cast %swap3A_1231 : i32 to index
    %swap3A_1233 = arith.constant 64 : index
    %swap3A_1234 = tpu.vector_load %arg25[%swap3A_1232, %swap3A_1233] {strides = array<i32>} : memref<16x128xf32, #tpu.memory_space<vmem>>, vector<1x16xf32>,
    %swap3A_1235 = vector.shape_cast %swap3A_1234 : vector<1x16xf32> to vector<16xf32>
    %swap3A_1236 = vector.shape_cast %broadcast_in_dim3A_1230 : vector<16xf32> to vector<1x16xf32>
    tpu.vector_store %arg25[%swap3A_1232, %swap3A_1233], %swap3A_1236 {strides = array<i32>} : memref<16x128xf32, #tpu.memory_space<vmem>>, vector<1x16xf32>,
    %broadcast_in_dim3A_1237 = arith.constant 0.000000e+00 : f32
    %broadcast_in_dim3A_1238 = vector.broadcast %broadcast_in_dim3A_1237 : f32 to vector<16xf32>
    %swap3A_1239 = arith.constant 14 : i32
    %swap3A_1240 = arith.index_cast %swap3A_1239 : i32 to index
    %swap3A_1241 = arith.constant 80 : index
    %swap3A_1242 = tpu.vector_load %arg25[%swap3A_1240, %swap3A_1241] {strides = array<i32>} : memref<16x128xf32, #tpu.memory_space<vmem>>, vector<1x16xf32>,
    %swap3A_1243 = vector.shape_cast %swap3A_1242 : vector<1x16xf32> to vector<16xf32>
    %swap3A_1244 = vector.shape_cast %broadcast_in_dim3A_1238 : vector<16xf32> to vector<1x16xf32>
    tpu.vector_store %arg25[%swap3A_1240, %swap3A_1241], %swap3A_1244 {strides = array<i32>} : memref<16x128xf32, #tpu.memory_space<vmem>>, vector<1x16xf32>,
    %broadcast_in_dim3A_1245 = arith.constant 0.000000e+00 : f32
    %broadcast_in_dim3A_1246 = vector.broadcast %broadcast_in_dim3A_1245 : f32 to vector<16xf32>
    %swap3A_1247 = arith.constant 14 : i32
    %swap3A_1248 = arith.index_cast %swap3A_1247 : i32 to index
    %swap3A_1249 = arith.constant 96 : index
    %swap3A_1250 = tpu.vector_load %arg25[%swap3A_1248, %swap3A_1249] {strides = array<i32>} : memref<16x128xf32, #tpu.memory_space<vmem>>, vector<1x16xf32>,
    %swap3A_1251 = vector.shape_cast %swap3A_1250 : vector<1x16xf32> to vector<16xf32>
    %swap3A_1252 = vector.shape_cast %broadcast_in_dim3A_1246 : vector<16xf32> to vector<1x16xf32>
    tpu.vector_store %arg25[%swap3A_1248, %swap3A_1249], %swap3A_1252 {strides = array<i32>} : memref<16x128xf32, #tpu.memory_space<vmem>>, vector<1x16xf32>,
    %broadcast_in_dim3A_1253 = arith.constant 0.000000e+00 : f32
    %broadcast_in_dim3A_1254 = vector.broadcast %broadcast_in_dim3A_1253 : f32 to vector<16xf32>
    %swap3A_1255 = arith.constant 14 : i32
    %swap3A_1256 = arith.index_cast %swap3A_1255 : i32 to index
    %swap3A_1257 = arith.constant 112 : index
    %swap3A_1258 = tpu.vector_load %arg25[%swap3A_1256, %swap3A_1257] {strides = array<i32>} : memref<16x128xf32, #tpu.memory_space<vmem>>, vector<1x16xf32>,
    %swap3A_1259 = vector.shape_cast %swap3A_1258 : vector<1x16xf32> to vector<16xf32>
    %swap3A_1260 = vector.shape_cast %broadcast_in_dim3A_1254 : vector<16xf32> to vector<1x16xf32>
    tpu.vector_store %arg25[%swap3A_1256, %swap3A_1257], %swap3A_1260 {strides = array<i32>} : memref<16x128xf32, #tpu.memory_space<vmem>>, vector<1x16xf32>,
    %broadcast_in_dim3A_1261 = arith.constant 0.000000e+00 : f32
    %broadcast_in_dim3A_1262 = vector.broadcast %broadcast_in_dim3A_1261 : f32 to vector<16xf32>
    %swap3A_1263 = arith.constant 15 : i32
    %swap3A_1264 = arith.index_cast %swap3A_1263 : i32 to index
    %swap3A_1265 = arith.constant 0 : index
    %swap3A_1266 = tpu.vector_load %arg25[%swap3A_1264, %swap3A_1265] {strides = array<i32>} : memref<16x128xf32, #tpu.memory_space<vmem>>, vector<1x16xf32>,
    %swap3A_1267 = vector.shape_cast %swap3A_1266 : vector<1x16xf32> to vector<16xf32>
    %swap3A_1268 = vector.shape_cast %broadcast_in_dim3A_1262 : vector<16xf32> to vector<1x16xf32>
    tpu.vector_store %arg25[%swap3A_1264, %swap3A_1265], %swap3A_1268 {strides = array<i32>} : memref<16x128xf32, #tpu.memory_space<vmem>>, vector<1x16xf32>,
    %broadcast_in_dim3A_1269 = arith.constant 0.000000e+00 : f32
    %broadcast_in_dim3A_1270 = vector.broadcast %broadcast_in_dim3A_1269 : f32 to vector<16xf32>
    %swap3A_1271 = arith.constant 15 : i32
    %swap3A_1272 = arith.index_cast %swap3A_1271 : i32 to index
    %swap3A_1273 = arith.constant 16 : index
    %swap3A_1274 = tpu.vector_load %arg25[%swap3A_1272, %swap3A_1273] {strides = array<i32>} : memref<16x128xf32, #tpu.memory_space<vmem>>, vector<1x16xf32>,
    %swap3A_1275 = vector.shape_cast %swap3A_1274 : vector<1x16xf32> to vector<16xf32>
    %swap3A_1276 = vector.shape_cast %broadcast_in_dim3A_1270 : vector<16xf32> to vector<1x16xf32>
    tpu.vector_store %arg25[%swap3A_1272, %swap3A_1273], %swap3A_1276 {strides = array<i32>} : memref<16x128xf32, #tpu.memory_space<vmem>>, vector<1x16xf32>,
    %broadcast_in_dim3A_1277 = arith.constant 0.000000e+00 : f32
    %broadcast_in_dim3A_1278 = vector.broadcast %broadcast_in_dim3A_1277 : f32 to vector<16xf32>
    %swap3A_1279 = arith.constant 15 : i32
    %swap3A_1280 = arith.index_cast %swap3A_1279 : i32 to index
    %swap3A_1281 = arith.constant 32 : index
    %swap3A_1282 = tpu.vector_load %arg25[%swap3A_1280, %swap3A_1281] {strides = array<i32>} : memref<16x128xf32, #tpu.memory_space<vmem>>, vector<1x16xf32>,
    %swap3A_1283 = vector.shape_cast %swap3A_1282 : vector<1x16xf32> to vector<16xf32>
    %swap3A_1284 = vector.shape_cast %broadcast_in_dim3A_1278 : vector<16xf32> to vector<1x16xf32>
    tpu.vector_store %arg25[%swap3A_1280, %swap3A_1281], %swap3A_1284 {strides = array<i32>} : memref<16x128xf32, #tpu.memory_space<vmem>>, vector<1x16xf32>,
    %broadcast_in_dim3A_1285 = arith.constant 0.000000e+00 : f32
    %broadcast_in_dim3A_1286 = vector.broadcast %broadcast_in_dim3A_1285 : f32 to vector<16xf32>
    %swap3A_1287 = arith.constant 15 : i32
    %swap3A_1288 = arith.index_cast %swap3A_1287 : i32 to index
    %swap3A_1289 = arith.constant 48 : index
    %swap3A_1290 = tpu.vector_load %arg25[%swap3A_1288, %swap3A_1289] {strides = array<i32>} : memref<16x128xf32, #tpu.memory_space<vmem>>, vector<1x16xf32>,
    %swap3A_1291 = vector.shape_cast %swap3A_1290 : vector<1x16xf32> to vector<16xf32>
    %swap3A_1292 = vector.shape_cast %broadcast_in_dim3A_1286 : vector<16xf32> to vector<1x16xf32>
    tpu.vector_store %arg25[%swap3A_1288, %swap3A_1289], %swap3A_1292 {strides = array<i32>} : memref<16x128xf32, #tpu.memory_space<vmem>>, vector<1x16xf32>,
    %broadcast_in_dim3A_1293 = arith.constant 0.000000e+00 : f32
    %broadcast_in_dim3A_1294 = vector.broadcast %broadcast_in_dim3A_1293 : f32 to vector<16xf32>
    %swap3A_1295 = arith.constant 15 : i32
    %swap3A_1296 = arith.index_cast %swap3A_1295 : i32 to index
    %swap3A_1297 = arith.constant 64 : index
    %swap3A_1298 = tpu.vector_load %arg25[%swap3A_1296, %swap3A_1297] {strides = array<i32>} : memref<16x128xf32, #tpu.memory_space<vmem>>, vector<1x16xf32>,
    %swap3A_1299 = vector.shape_cast %swap3A_1298 : vector<1x16xf32> to vector<16xf32>
    %swap3A_1300 = vector.shape_cast %broadcast_in_dim3A_1294 : vector<16xf32> to vector<1x16xf32>
    tpu.vector_store %arg25[%swap3A_1296, %swap3A_1297], %swap3A_1300 {strides = array<i32>} : memref<16x128xf32, #tpu.memory_space<vmem>>, vector<1x16xf32>,
    %broadcast_in_dim3A_1301 = arith.constant 0.000000e+00 : f32
    %broadcast_in_dim3A_1302 = vector.broadcast %broadcast_in_dim3A_1301 : f32 to vector<16xf32>
    %swap3A_1303 = arith.constant 15 : i32
    %swap3A_1304 = arith.index_cast %swap3A_1303 : i32 to index
    %swap3A_1305 = arith.constant 80 : index
    %swap3A_1306 = tpu.vector_load %arg25[%swap3A_1304, %swap3A_1305] {strides = array<i32>} : memref<16x128xf32, #tpu.memory_space<vmem>>, vector<1x16xf32>,
    %swap3A_1307 = vector.shape_cast %swap3A_1306 : vector<1x16xf32> to vector<16xf32>
    %swap3A_1308 = vector.shape_cast %broadcast_in_dim3A_1302 : vector<16xf32> to vector<1x16xf32>
    tpu.vector_store %arg25[%swap3A_1304, %swap3A_1305], %swap3A_1308 {strides = array<i32>} : memref<16x128xf32, #tpu.memory_space<vmem>>, vector<1x16xf32>,
    %broadcast_in_dim3A_1309 = arith.constant 0.000000e+00 : f32
    %broadcast_in_dim3A_1310 = vector.broadcast %broadcast_in_dim3A_1309 : f32 to vector<16xf32>
    %swap3A_1311 = arith.constant 15 : i32
    %swap3A_1312 = arith.index_cast %swap3A_1311 : i32 to index
    %swap3A_1313 = arith.constant 96 : index
    %swap3A_1314 = tpu.vector_load %arg25[%swap3A_1312, %swap3A_1313] {strides = array<i32>} : memref<16x128xf32, #tpu.memory_space<vmem>>, vector<1x16xf32>,
    %swap3A_1315 = vector.shape_cast %swap3A_1314 : vector<1x16xf32> to vector<16xf32>
    %swap3A_1316 = vector.shape_cast %broadcast_in_dim3A_1310 : vector<16xf32> to vector<1x16xf32>
    tpu.vector_store %arg25[%swap3A_1312, %swap3A_1313], %swap3A_1316 {strides = array<i32>} : memref<16x128xf32, #tpu.memory_space<vmem>>, vector<1x16xf32>,
    %broadcast_in_dim3A_1317 = arith.constant 0.000000e+00 : f32
    %broadcast_in_dim3A_1318 = vector.broadcast %broadcast_in_dim3A_1317 : f32 to vector<16xf32>
    %swap3A_1319 = arith.constant 15 : i32
    %swap3A_1320 = arith.index_cast %swap3A_1319 : i32 to index
    %swap3A_1321 = arith.constant 112 : index
    %swap3A_1322 = tpu.vector_load %arg25[%swap3A_1320, %swap3A_1321] {strides = array<i32>} : memref<16x128xf32, #tpu.memory_space<vmem>>, vector<1x16xf32>,
    %swap3A_1323 = vector.shape_cast %swap3A_1322 : vector<1x16xf32> to vector<16xf32>
    %swap3A_1324 = vector.shape_cast %broadcast_in_dim3A_1318 : vector<16xf32> to vector<1x16xf32>
    tpu.vector_store %arg25[%swap3A_1320, %swap3A_1321], %swap3A_1324 {strides = array<i32>} : memref<16x128xf32, #tpu.memory_space<vmem>>, vector<1x16xf32>,
    %add3A_1325 = arith.constant 0 : i32
    %add3A_1326 = arith.addi %mul3A_2, %add3A_1325 : i32
    %dma_start3A_1327 = arith.constant 0 : i32
    %dma_start3A_1328 = tpu.memref_slice %arg26[%add3A_1326, %dma_start3A_1327] : memref<10240x128xf32, #tpu.memory_space<vmem_shared>> -> memref<16x128xf32, #tpu.memory_space<vmem_shared>>
    %dma_start3A_1329 = arith.constant 0 : i32
    %dma_start3A_1330 = tpu.memref_slice %arg26[%add3A_1326, %dma_start3A_1329] : memref<10240x128xf32, #tpu.memory_space<vmem_shared>> -> memref<16x128xf32, #tpu.memory_space<vmem_shared>>
    tpu.enqueue_dma source(%arg25 : memref<16x128xf32, #tpu.memory_space<vmem>>) target(%dma_start3A_1330 : memref<16x128xf32, #tpu.memory_space<vmem_shared>>) target_semaphore(%arg43 : memref<!tpu.dma_semaphore, #tpu.memory_space<semaphore_mem>>)
    %add3A_1331 = arith.constant 16 : i32
    %add3A_1332 = arith.addi %mul3A_2, %add3A_1331 : i32
    %dma_start3A_1333 = arith.constant 0 : i32
    %dma_start3A_1334 = tpu.memref_slice %arg26[%add3A_1332, %dma_start3A_1333] : memref<10240x128xf32, #tpu.memory_space<vmem_shared>> -> memref<16x128xf32, #tpu.memory_space<vmem_shared>>
    %dma_start3A_1335 = arith.constant 0 : i32
    %dma_start3A_1336 = tpu.memref_slice %arg26[%add3A_1332, %dma_start3A_1335] : memref<10240x128xf32, #tpu.memory_space<vmem_shared>> -> memref<16x128xf32, #tpu.memory_space<vmem_shared>>
    tpu.enqueue_dma source(%arg25 : memref<16x128xf32, #tpu.memory_space<vmem>>) target(%dma_start3A_1336 : memref<16x128xf32, #tpu.memory_space<vmem_shared>>) target_semaphore(%arg43 : memref<!tpu.dma_semaphore, #tpu.memory_space<semaphore_mem>>)
    %add3A_1337 = arith.constant 32 : i32
    %add3A_1338 = arith.addi %mul3A_2, %add3A_1337 : i32
    %dma_start3A_1339 = arith.constant 0 : i32
    %dma_start3A_1340 = tpu.memref_slice %arg26[%add3A_1338, %dma_start3A_1339] : memref<10240x128xf32, #tpu.memory_space<vmem_shared>> -> memref<16x128xf32, #tpu.memory_space<vmem_shared>>
    %dma_start3A_1341 = arith.constant 0 : i32
    %dma_start3A_1342 = tpu.memref_slice %arg26[%add3A_1338, %dma_start3A_1341] : memref<10240x128xf32, #tpu.memory_space<vmem_shared>> -> memref<16x128xf32, #tpu.memory_space<vmem_shared>>
    tpu.enqueue_dma source(%arg25 : memref<16x128xf32, #tpu.memory_space<vmem>>) target(%dma_start3A_1342 : memref<16x128xf32, #tpu.memory_space<vmem_shared>>) target_semaphore(%arg43 : memref<!tpu.dma_semaphore, #tpu.memory_space<semaphore_mem>>)
    %add3A_1343 = arith.constant 48 : i32
    %add3A_1344 = arith.addi %mul3A_2, %add3A_1343 : i32
    %dma_start3A_1345 = arith.constant 0 : i32
    %dma_start3A_1346 = tpu.memref_slice %arg26[%add3A_1344, %dma_start3A_1345] : memref<10240x128xf32, #tpu.memory_space<vmem_shared>> -> memref<16x128xf32, #tpu.memory_space<vmem_shared>>
    %dma_start3A_1347 = arith.constant 0 : i32
    %dma_start3A_1348 = tpu.memref_slice %arg26[%add3A_1344, %dma_start3A_1347] : memref<10240x128xf32, #tpu.memory_space<vmem_shared>> -> memref<16x128xf32, #tpu.memory_space<vmem_shared>>
    tpu.enqueue_dma source(%arg25 : memref<16x128xf32, #tpu.memory_space<vmem>>) target(%dma_start3A_1348 : memref<16x128xf32, #tpu.memory_space<vmem_shared>>) target_semaphore(%arg43 : memref<!tpu.dma_semaphore, #tpu.memory_space<semaphore_mem>>)
    %add3A_1349 = arith.constant 64 : i32
    %add3A_1350 = arith.addi %mul3A_2, %add3A_1349 : i32
    %dma_start3A_1351 = arith.constant 0 : i32
    %dma_start3A_1352 = tpu.memref_slice %arg26[%add3A_1350, %dma_start3A_1351] : memref<10240x128xf32, #tpu.memory_space<vmem_shared>> -> memref<16x128xf32, #tpu.memory_space<vmem_shared>>
    %dma_start3A_1353 = arith.constant 0 : i32
    %dma_start3A_1354 = tpu.memref_slice %arg26[%add3A_1350, %dma_start3A_1353] : memref<10240x128xf32, #tpu.memory_space<vmem_shared>> -> memref<16x128xf32, #tpu.memory_space<vmem_shared>>
    tpu.enqueue_dma source(%arg25 : memref<16x128xf32, #tpu.memory_space<vmem>>) target(%dma_start3A_1354 : memref<16x128xf32, #tpu.memory_space<vmem_shared>>) target_semaphore(%arg43 : memref<!tpu.dma_semaphore, #tpu.memory_space<semaphore_mem>>)
    %add3A_1355 = arith.constant 80 : i32
    %add3A_1356 = arith.addi %mul3A_2, %add3A_1355 : i32
    %dma_start3A_1357 = arith.constant 0 : i32
    %dma_start3A_1358 = tpu.memref_slice %arg26[%add3A_1356, %dma_start3A_1357] : memref<10240x128xf32, #tpu.memory_space<vmem_shared>> -> memref<16x128xf32, #tpu.memory_space<vmem_shared>>
    %dma_start3A_1359 = arith.constant 0 : i32
    %dma_start3A_1360 = tpu.memref_slice %arg26[%add3A_1356, %dma_start3A_1359] : memref<10240x128xf32, #tpu.memory_space<vmem_shared>> -> memref<16x128xf32, #tpu.memory_space<vmem_shared>>
    tpu.enqueue_dma source(%arg25 : memref<16x128xf32, #tpu.memory_space<vmem>>) target(%dma_start3A_1360 : memref<16x128xf32, #tpu.memory_space<vmem_shared>>) target_semaphore(%arg43 : memref<!tpu.dma_semaphore, #tpu.memory_space<semaphore_mem>>)
    %add3A_1361 = arith.constant 96 : i32
    %add3A_1362 = arith.addi %mul3A_2, %add3A_1361 : i32
    %dma_start3A_1363 = arith.constant 0 : i32
    %dma_start3A_1364 = tpu.memref_slice %arg26[%add3A_1362, %dma_start3A_1363] : memref<10240x128xf32, #tpu.memory_space<vmem_shared>> -> memref<16x128xf32, #tpu.memory_space<vmem_shared>>
    %dma_start3A_1365 = arith.constant 0 : i32
    %dma_start3A_1366 = tpu.memref_slice %arg26[%add3A_1362, %dma_start3A_1365] : memref<10240x128xf32, #tpu.memory_space<vmem_shared>> -> memref<16x128xf32, #tpu.memory_space<vmem_shared>>
    tpu.enqueue_dma source(%arg25 : memref<16x128xf32, #tpu.memory_space<vmem>>) target(%dma_start3A_1366 : memref<16x128xf32, #tpu.memory_space<vmem_shared>>) target_semaphore(%arg43 : memref<!tpu.dma_semaphore, #tpu.memory_space<semaphore_mem>>)
    %add3A_1367 = arith.constant 112 : i32
    %add3A_1368 = arith.addi %mul3A_2, %add3A_1367 : i32
    %dma_start3A_1369 = arith.constant 0 : i32
    %dma_start3A_1370 = tpu.memref_slice %arg26[%add3A_1368, %dma_start3A_1369] : memref<10240x128xf32, #tpu.memory_space<vmem_shared>> -> memref<16x128xf32, #tpu.memory_space<vmem_shared>>
    %dma_start3A_1371 = arith.constant 0 : i32
    %dma_start3A_1372 = tpu.memref_slice %arg26[%add3A_1368, %dma_start3A_1371] : memref<10240x128xf32, #tpu.memory_space<vmem_shared>> -> memref<16x128xf32, #tpu.memory_space<vmem_shared>>
    tpu.enqueue_dma source(%arg25 : memref<16x128xf32, #tpu.memory_space<vmem>>) target(%dma_start3A_1372 : memref<16x128xf32, #tpu.memory_space<vmem_shared>>) target_semaphore(%arg43 : memref<!tpu.dma_semaphore, #tpu.memory_space<semaphore_mem>>)
    %add3A_1373 = arith.constant 128 : i32
    %add3A_1374 = arith.addi %mul3A_2, %add3A_1373 : i32
    %dma_start3A_1375 = arith.constant 0 : i32
    %dma_start3A_1376 = tpu.memref_slice %arg26[%add3A_1374, %dma_start3A_1375] : memref<10240x128xf32, #tpu.memory_space<vmem_shared>> -> memref<16x128xf32, #tpu.memory_space<vmem_shared>>
    %dma_start3A_1377 = arith.constant 0 : i32
    %dma_start3A_1378 = tpu.memref_slice %arg26[%add3A_1374, %dma_start3A_1377] : memref<10240x128xf32, #tpu.memory_space<vmem_shared>> -> memref<16x128xf32, #tpu.memory_space<vmem_shared>>
    tpu.enqueue_dma source(%arg25 : memref<16x128xf32, #tpu.memory_space<vmem>>) target(%dma_start3A_1378 : memref<16x128xf32, #tpu.memory_space<vmem_shared>>) target_semaphore(%arg43 : memref<!tpu.dma_semaphore, #tpu.memory_space<semaphore_mem>>)
    %add3A_1379 = arith.constant 144 : i32
    %add3A_1380 = arith.addi %mul3A_2, %add3A_1379 : i32
    %dma_start3A_1381 = arith.constant 0 : i32
    %dma_start3A_1382 = tpu.memref_slice %arg26[%add3A_1380, %dma_start3A_1381] : memref<10240x128xf32, #tpu.memory_space<vmem_shared>> -> memref<16x128xf32, #tpu.memory_space<vmem_shared>>
    %dma_start3A_1383 = arith.constant 0 : i32
    %dma_start3A_1384 = tpu.memref_slice %arg26[%add3A_1380, %dma_start3A_1383] : memref<10240x128xf32, #tpu.memory_space<vmem_shared>> -> memref<16x128xf32, #tpu.memory_space<vmem_shared>>
    tpu.enqueue_dma source(%arg25 : memref<16x128xf32, #tpu.memory_space<vmem>>) target(%dma_start3A_1384 : memref<16x128xf32, #tpu.memory_space<vmem_shared>>) target_semaphore(%arg43 : memref<!tpu.dma_semaphore, #tpu.memory_space<semaphore_mem>>)
    %add3A_1385 = arith.constant 160 : i32
    %add3A_1386 = arith.addi %mul3A_2, %add3A_1385 : i32
    %dma_start3A_1387 = arith.constant 0 : i32
    %dma_start3A_1388 = tpu.memref_slice %arg26[%add3A_1386, %dma_start3A_1387] : memref<10240x128xf32, #tpu.memory_space<vmem_shared>> -> memref<16x128xf32, #tpu.memory_space<vmem_shared>>
    %dma_start3A_1389 = arith.constant 0 : i32
    %dma_start3A_1390 = tpu.memref_slice %arg26[%add3A_1386, %dma_start3A_1389] : memref<10240x128xf32, #tpu.memory_space<vmem_shared>> -> memref<16x128xf32, #tpu.memory_space<vmem_shared>>
    tpu.enqueue_dma source(%arg25 : memref<16x128xf32, #tpu.memory_space<vmem>>) target(%dma_start3A_1390 : memref<16x128xf32, #tpu.memory_space<vmem_shared>>) target_semaphore(%arg43 : memref<!tpu.dma_semaphore, #tpu.memory_space<semaphore_mem>>)
    %add3A_1391 = arith.constant 176 : i32
    %add3A_1392 = arith.addi %mul3A_2, %add3A_1391 : i32
    %dma_start3A_1393 = arith.constant 0 : i32
    %dma_start3A_1394 = tpu.memref_slice %arg26[%add3A_1392, %dma_start3A_1393] : memref<10240x128xf32, #tpu.memory_space<vmem_shared>> -> memref<16x128xf32, #tpu.memory_space<vmem_shared>>
    %dma_start3A_1395 = arith.constant 0 : i32
    %dma_start3A_1396 = tpu.memref_slice %arg26[%add3A_1392, %dma_start3A_1395] : memref<10240x128xf32, #tpu.memory_space<vmem_shared>> -> memref<16x128xf32, #tpu.memory_space<vmem_shared>>
    tpu.enqueue_dma source(%arg25 : memref<16x128xf32, #tpu.memory_space<vmem>>) target(%dma_start3A_1396 : memref<16x128xf32, #tpu.memory_space<vmem_shared>>) target_semaphore(%arg43 : memref<!tpu.dma_semaphore, #tpu.memory_space<semaphore_mem>>)
    %add3A_1397 = arith.constant 192 : i32
    %add3A_1398 = arith.addi %mul3A_2, %add3A_1397 : i32
    %dma_start3A_1399 = arith.constant 0 : i32
    %dma_start3A_1400 = tpu.memref_slice %arg26[%add3A_1398, %dma_start3A_1399] : memref<10240x128xf32, #tpu.memory_space<vmem_shared>> -> memref<16x128xf32, #tpu.memory_space<vmem_shared>>
    %dma_start3A_1401 = arith.constant 0 : i32
    %dma_start3A_1402 = tpu.memref_slice %arg26[%add3A_1398, %dma_start3A_1401] : memref<10240x128xf32, #tpu.memory_space<vmem_shared>> -> memref<16x128xf32, #tpu.memory_space<vmem_shared>>
    tpu.enqueue_dma source(%arg25 : memref<16x128xf32, #tpu.memory_space<vmem>>) target(%dma_start3A_1402 : memref<16x128xf32, #tpu.memory_space<vmem_shared>>) target_semaphore(%arg43 : memref<!tpu.dma_semaphore, #tpu.memory_space<semaphore_mem>>)
    %add3A_1403 = arith.constant 208 : i32
    %add3A_1404 = arith.addi %mul3A_2, %add3A_1403 : i32
    %dma_start3A_1405 = arith.constant 0 : i32
    %dma_start3A_1406 = tpu.memref_slice %arg26[%add3A_1404, %dma_start3A_1405] : memref<10240x128xf32, #tpu.memory_space<vmem_shared>> -> memref<16x128xf32, #tpu.memory_space<vmem_shared>>
    %dma_start3A_1407 = arith.constant 0 : i32
    %dma_start3A_1408 = tpu.memref_slice %arg26[%add3A_1404, %dma_start3A_1407] : memref<10240x128xf32, #tpu.memory_space<vmem_shared>> -> memref<16x128xf32, #tpu.memory_space<vmem_shared>>
    tpu.enqueue_dma source(%arg25 : memref<16x128xf32, #tpu.memory_space<vmem>>) target(%dma_start3A_1408 : memref<16x128xf32, #tpu.memory_space<vmem_shared>>) target_semaphore(%arg43 : memref<!tpu.dma_semaphore, #tpu.memory_space<semaphore_mem>>)
    %add3A_1409 = arith.constant 224 : i32
    %add3A_1410 = arith.addi %mul3A_2, %add3A_1409 : i32
    %dma_start3A_1411 = arith.constant 0 : i32
    %dma_start3A_1412 = tpu.memref_slice %arg26[%add3A_1410, %dma_start3A_1411] : memref<10240x128xf32, #tpu.memory_space<vmem_shared>> -> memref<16x128xf32, #tpu.memory_space<vmem_shared>>
    %dma_start3A_1413 = arith.constant 0 : i32
    %dma_start3A_1414 = tpu.memref_slice %arg26[%add3A_1410, %dma_start3A_1413] : memref<10240x128xf32, #tpu.memory_space<vmem_shared>> -> memref<16x128xf32, #tpu.memory_space<vmem_shared>>
    tpu.enqueue_dma source(%arg25 : memref<16x128xf32, #tpu.memory_space<vmem>>) target(%dma_start3A_1414 : memref<16x128xf32, #tpu.memory_space<vmem_shared>>) target_semaphore(%arg43 : memref<!tpu.dma_semaphore, #tpu.memory_space<semaphore_mem>>)
    %add3A_1415 = arith.constant 240 : i32
    %add3A_1416 = arith.addi %mul3A_2, %add3A_1415 : i32
    %dma_start3A_1417 = arith.constant 0 : i32
    %dma_start3A_1418 = tpu.memref_slice %arg26[%add3A_1416, %dma_start3A_1417] : memref<10240x128xf32, #tpu.memory_space<vmem_shared>> -> memref<16x128xf32, #tpu.memory_space<vmem_shared>>
    %dma_start3A_1419 = arith.constant 0 : i32
    %dma_start3A_1420 = tpu.memref_slice %arg26[%add3A_1416, %dma_start3A_1419] : memref<10240x128xf32, #tpu.memory_space<vmem_shared>> -> memref<16x128xf32, #tpu.memory_space<vmem_shared>>
    tpu.enqueue_dma source(%arg25 : memref<16x128xf32, #tpu.memory_space<vmem>>) target(%dma_start3A_1420 : memref<16x128xf32, #tpu.memory_space<vmem_shared>>) target_semaphore(%arg43 : memref<!tpu.dma_semaphore, #tpu.memory_space<semaphore_mem>>)
    %add3A_1421 = arith.constant 256 : i32
    %add3A_1422 = arith.addi %mul3A_2, %add3A_1421 : i32
    %dma_start3A_1423 = arith.constant 0 : i32
    %dma_start3A_1424 = tpu.memref_slice %arg26[%add3A_1422, %dma_start3A_1423] : memref<10240x128xf32, #tpu.memory_space<vmem_shared>> -> memref<16x128xf32, #tpu.memory_space<vmem_shared>>
    %dma_start3A_1425 = arith.constant 0 : i32
    %dma_start3A_1426 = tpu.memref_slice %arg26[%add3A_1422, %dma_start3A_1425] : memref<10240x128xf32, #tpu.memory_space<vmem_shared>> -> memref<16x128xf32, #tpu.memory_space<vmem_shared>>
    tpu.enqueue_dma source(%arg25 : memref<16x128xf32, #tpu.memory_space<vmem>>) target(%dma_start3A_1426 : memref<16x128xf32, #tpu.memory_space<vmem_shared>>) target_semaphore(%arg43 : memref<!tpu.dma_semaphore, #tpu.memory_space<semaphore_mem>>)
    %add3A_1427 = arith.constant 272 : i32
    %add3A_1428 = arith.addi %mul3A_2, %add3A_1427 : i32
    %dma_start3A_1429 = arith.constant 0 : i32
    %dma_start3A_1430 = tpu.memref_slice %arg26[%add3A_1428, %dma_start3A_1429] : memref<10240x128xf32, #tpu.memory_space<vmem_shared>> -> memref<16x128xf32, #tpu.memory_space<vmem_shared>>
    %dma_start3A_1431 = arith.constant 0 : i32
    %dma_start3A_1432 = tpu.memref_slice %arg26[%add3A_1428, %dma_start3A_1431] : memref<10240x128xf32, #tpu.memory_space<vmem_shared>> -> memref<16x128xf32, #tpu.memory_space<vmem_shared>>
    tpu.enqueue_dma source(%arg25 : memref<16x128xf32, #tpu.memory_space<vmem>>) target(%dma_start3A_1432 : memref<16x128xf32, #tpu.memory_space<vmem_shared>>) target_semaphore(%arg43 : memref<!tpu.dma_semaphore, #tpu.memory_space<semaphore_mem>>)
    %add3A_1433 = arith.constant 288 : i32
    %add3A_1434 = arith.addi %mul3A_2, %add3A_1433 : i32
    %dma_start3A_1435 = arith.constant 0 : i32
    %dma_start3A_1436 = tpu.memref_slice %arg26[%add3A_1434, %dma_start3A_1435] : memref<10240x128xf32, #tpu.memory_space<vmem_shared>> -> memref<16x128xf32, #tpu.memory_space<vmem_shared>>
    %dma_start3A_1437 = arith.constant 0 : i32
    %dma_start3A_1438 = tpu.memref_slice %arg26[%add3A_1434, %dma_start3A_1437] : memref<10240x128xf32, #tpu.memory_space<vmem_shared>> -> memref<16x128xf32, #tpu.memory_space<vmem_shared>>
    tpu.enqueue_dma source(%arg25 : memref<16x128xf32, #tpu.memory_space<vmem>>) target(%dma_start3A_1438 : memref<16x128xf32, #tpu.memory_space<vmem_shared>>) target_semaphore(%arg43 : memref<!tpu.dma_semaphore, #tpu.memory_space<semaphore_mem>>)
    %add3A_1439 = arith.constant 304 : i32
    %add3A_1440 = arith.addi %mul3A_2, %add3A_1439 : i32
    %dma_start3A_1441 = arith.constant 0 : i32
    %dma_start3A_1442 = tpu.memref_slice %arg26[%add3A_1440, %dma_start3A_1441] : memref<10240x128xf32, #tpu.memory_space<vmem_shared>> -> memref<16x128xf32, #tpu.memory_space<vmem_shared>>
    %dma_start3A_1443 = arith.constant 0 : i32
    %dma_start3A_1444 = tpu.memref_slice %arg26[%add3A_1440, %dma_start3A_1443] : memref<10240x128xf32, #tpu.memory_space<vmem_shared>> -> memref<16x128xf32, #tpu.memory_space<vmem_shared>>
    tpu.enqueue_dma source(%arg25 : memref<16x128xf32, #tpu.memory_space<vmem>>) target(%dma_start3A_1444 : memref<16x128xf32, #tpu.memory_space<vmem_shared>>) target_semaphore(%arg43 : memref<!tpu.dma_semaphore, #tpu.memory_space<semaphore_mem>>)
    %add3A_1445 = arith.constant 320 : i32
    %add3A_1446 = arith.addi %mul3A_2, %add3A_1445 : i32
    %dma_start3A_1447 = arith.constant 0 : i32
    %dma_start3A_1448 = tpu.memref_slice %arg26[%add3A_1446, %dma_start3A_1447] : memref<10240x128xf32, #tpu.memory_space<vmem_shared>> -> memref<16x128xf32, #tpu.memory_space<vmem_shared>>
    %dma_start3A_1449 = arith.constant 0 : i32
    %dma_start3A_1450 = tpu.memref_slice %arg26[%add3A_1446, %dma_start3A_1449] : memref<10240x128xf32, #tpu.memory_space<vmem_shared>> -> memref<16x128xf32, #tpu.memory_space<vmem_shared>>
    tpu.enqueue_dma source(%arg25 : memref<16x128xf32, #tpu.memory_space<vmem>>) target(%dma_start3A_1450 : memref<16x128xf32, #tpu.memory_space<vmem_shared>>) target_semaphore(%arg43 : memref<!tpu.dma_semaphore, #tpu.memory_space<semaphore_mem>>)
    %add3A_1451 = arith.constant 336 : i32
    %add3A_1452 = arith.addi %mul3A_2, %add3A_1451 : i32
    %dma_start3A_1453 = arith.constant 0 : i32
    %dma_start3A_1454 = tpu.memref_slice %arg26[%add3A_1452, %dma_start3A_1453] : memref<10240x128xf32, #tpu.memory_space<vmem_shared>> -> memref<16x128xf32, #tpu.memory_space<vmem_shared>>
    %dma_start3A_1455 = arith.constant 0 : i32
    %dma_start3A_1456 = tpu.memref_slice %arg26[%add3A_1452, %dma_start3A_1455] : memref<10240x128xf32, #tpu.memory_space<vmem_shared>> -> memref<16x128xf32, #tpu.memory_space<vmem_shared>>
    tpu.enqueue_dma source(%arg25 : memref<16x128xf32, #tpu.memory_space<vmem>>) target(%dma_start3A_1456 : memref<16x128xf32, #tpu.memory_space<vmem_shared>>) target_semaphore(%arg43 : memref<!tpu.dma_semaphore, #tpu.memory_space<semaphore_mem>>)
    %add3A_1457 = arith.constant 352 : i32
    %add3A_1458 = arith.addi %mul3A_2, %add3A_1457 : i32
    %dma_start3A_1459 = arith.constant 0 : i32
    %dma_start3A_1460 = tpu.memref_slice %arg26[%add3A_1458, %dma_start3A_1459] : memref<10240x128xf32, #tpu.memory_space<vmem_shared>> -> memref<16x128xf32, #tpu.memory_space<vmem_shared>>
    %dma_start3A_1461 = arith.constant 0 : i32
    %dma_start3A_1462 = tpu.memref_slice %arg26[%add3A_1458, %dma_start3A_1461] : memref<10240x128xf32, #tpu.memory_space<vmem_shared>> -> memref<16x128xf32, #tpu.memory_space<vmem_shared>>
    tpu.enqueue_dma source(%arg25 : memref<16x128xf32, #tpu.memory_space<vmem>>) target(%dma_start3A_1462 : memref<16x128xf32, #tpu.memory_space<vmem_shared>>) target_semaphore(%arg43 : memref<!tpu.dma_semaphore, #tpu.memory_space<semaphore_mem>>)
    %add3A_1463 = arith.constant 368 : i32
    %add3A_1464 = arith.addi %mul3A_2, %add3A_1463 : i32
    %dma_start3A_1465 = arith.constant 0 : i32
    %dma_start3A_1466 = tpu.memref_slice %arg26[%add3A_1464, %dma_start3A_1465] : memref<10240x128xf32, #tpu.memory_space<vmem_shared>> -> memref<16x128xf32, #tpu.memory_space<vmem_shared>>
    %dma_start3A_1467 = arith.constant 0 : i32
    %dma_start3A_1468 = tpu.memref_slice %arg26[%add3A_1464, %dma_start3A_1467] : memref<10240x128xf32, #tpu.memory_space<vmem_shared>> -> memref<16x128xf32, #tpu.memory_space<vmem_shared>>
    tpu.enqueue_dma source(%arg25 : memref<16x128xf32, #tpu.memory_space<vmem>>) target(%dma_start3A_1468 : memref<16x128xf32, #tpu.memory_space<vmem_shared>>) target_semaphore(%arg43 : memref<!tpu.dma_semaphore, #tpu.memory_space<semaphore_mem>>)
    %add3A_1469 = arith.constant 384 : i32
    %add3A_1470 = arith.addi %mul3A_2, %add3A_1469 : i32
    %dma_start3A_1471 = arith.constant 0 : i32
    %dma_start3A_1472 = tpu.memref_slice %arg26[%add3A_1470, %dma_start3A_1471] : memref<10240x128xf32, #tpu.memory_space<vmem_shared>> -> memref<16x128xf32, #tpu.memory_space<vmem_shared>>
    %dma_start3A_1473 = arith.constant 0 : i32
    %dma_start3A_1474 = tpu.memref_slice %arg26[%add3A_1470, %dma_start3A_1473] : memref<10240x128xf32, #tpu.memory_space<vmem_shared>> -> memref<16x128xf32, #tpu.memory_space<vmem_shared>>
    tpu.enqueue_dma source(%arg25 : memref<16x128xf32, #tpu.memory_space<vmem>>) target(%dma_start3A_1474 : memref<16x128xf32, #tpu.memory_space<vmem_shared>>) target_semaphore(%arg43 : memref<!tpu.dma_semaphore, #tpu.memory_space<semaphore_mem>>)
    %add3A_1475 = arith.constant 400 : i32
    %add3A_1476 = arith.addi %mul3A_2, %add3A_1475 : i32
    %dma_start3A_1477 = arith.constant 0 : i32
    %dma_start3A_1478 = tpu.memref_slice %arg26[%add3A_1476, %dma_start3A_1477] : memref<10240x128xf32, #tpu.memory_space<vmem_shared>> -> memref<16x128xf32, #tpu.memory_space<vmem_shared>>
    %dma_start3A_1479 = arith.constant 0 : i32
    %dma_start3A_1480 = tpu.memref_slice %arg26[%add3A_1476, %dma_start3A_1479] : memref<10240x128xf32, #tpu.memory_space<vmem_shared>> -> memref<16x128xf32, #tpu.memory_space<vmem_shared>>
    tpu.enqueue_dma source(%arg25 : memref<16x128xf32, #tpu.memory_space<vmem>>) target(%dma_start3A_1480 : memref<16x128xf32, #tpu.memory_space<vmem_shared>>) target_semaphore(%arg43 : memref<!tpu.dma_semaphore, #tpu.memory_space<semaphore_mem>>)
    %add3A_1481 = arith.constant 416 : i32
    %add3A_1482 = arith.addi %mul3A_2, %add3A_1481 : i32
    %dma_start3A_1483 = arith.constant 0 : i32
    %dma_start3A_1484 = tpu.memref_slice %arg26[%add3A_1482, %dma_start3A_1483] : memref<10240x128xf32, #tpu.memory_space<vmem_shared>> -> memref<16x128xf32, #tpu.memory_space<vmem_shared>>
    %dma_start3A_1485 = arith.constant 0 : i32
    %dma_start3A_1486 = tpu.memref_slice %arg26[%add3A_1482, %dma_start3A_1485] : memref<10240x128xf32, #tpu.memory_space<vmem_shared>> -> memref<16x128xf32, #tpu.memory_space<vmem_shared>>
    tpu.enqueue_dma source(%arg25 : memref<16x128xf32, #tpu.memory_space<vmem>>) target(%dma_start3A_1486 : memref<16x128xf32, #tpu.memory_space<vmem_shared>>) target_semaphore(%arg43 : memref<!tpu.dma_semaphore, #tpu.memory_space<semaphore_mem>>)
    %add3A_1487 = arith.constant 432 : i32
    %add3A_1488 = arith.addi %mul3A_2, %add3A_1487 : i32
    %dma_start3A_1489 = arith.constant 0 : i32
    %dma_start3A_1490 = tpu.memref_slice %arg26[%add3A_1488, %dma_start3A_1489] : memref<10240x128xf32, #tpu.memory_space<vmem_shared>> -> memref<16x128xf32, #tpu.memory_space<vmem_shared>>
    %dma_start3A_1491 = arith.constant 0 : i32
    %dma_start3A_1492 = tpu.memref_slice %arg26[%add3A_1488, %dma_start3A_1491] : memref<10240x128xf32, #tpu.memory_space<vmem_shared>> -> memref<16x128xf32, #tpu.memory_space<vmem_shared>>
    tpu.enqueue_dma source(%arg25 : memref<16x128xf32, #tpu.memory_space<vmem>>) target(%dma_start3A_1492 : memref<16x128xf32, #tpu.memory_space<vmem_shared>>) target_semaphore(%arg43 : memref<!tpu.dma_semaphore, #tpu.memory_space<semaphore_mem>>)
    %add3A_1493 = arith.constant 448 : i32
    %add3A_1494 = arith.addi %mul3A_2, %add3A_1493 : i32
    %dma_start3A_1495 = arith.constant 0 : i32
    %dma_start3A_1496 = tpu.memref_slice %arg26[%add3A_1494, %dma_start3A_1495] : memref<10240x128xf32, #tpu.memory_space<vmem_shared>> -> memref<16x128xf32, #tpu.memory_space<vmem_shared>>
    %dma_start3A_1497 = arith.constant 0 : i32
    %dma_start3A_1498 = tpu.memref_slice %arg26[%add3A_1494, %dma_start3A_1497] : memref<10240x128xf32, #tpu.memory_space<vmem_shared>> -> memref<16x128xf32, #tpu.memory_space<vmem_shared>>
    tpu.enqueue_dma source(%arg25 : memref<16x128xf32, #tpu.memory_space<vmem>>) target(%dma_start3A_1498 : memref<16x128xf32, #tpu.memory_space<vmem_shared>>) target_semaphore(%arg43 : memref<!tpu.dma_semaphore, #tpu.memory_space<semaphore_mem>>)
    %add3A_1499 = arith.constant 464 : i32
    %add3A_1500 = arith.addi %mul3A_2, %add3A_1499 : i32
    %dma_start3A_1501 = arith.constant 0 : i32
    %dma_start3A_1502 = tpu.memref_slice %arg26[%add3A_1500, %dma_start3A_1501] : memref<10240x128xf32, #tpu.memory_space<vmem_shared>> -> memref<16x128xf32, #tpu.memory_space<vmem_shared>>
    %dma_start3A_1503 = arith.constant 0 : i32
    %dma_start3A_1504 = tpu.memref_slice %arg26[%add3A_1500, %dma_start3A_1503] : memref<10240x128xf32, #tpu.memory_space<vmem_shared>> -> memref<16x128xf32, #tpu.memory_space<vmem_shared>>
    tpu.enqueue_dma source(%arg25 : memref<16x128xf32, #tpu.memory_space<vmem>>) target(%dma_start3A_1504 : memref<16x128xf32, #tpu.memory_space<vmem_shared>>) target_semaphore(%arg43 : memref<!tpu.dma_semaphore, #tpu.memory_space<semaphore_mem>>)
    %add3A_1505 = arith.constant 480 : i32
    %add3A_1506 = arith.addi %mul3A_2, %add3A_1505 : i32
    %dma_start3A_1507 = arith.constant 0 : i32
    %dma_start3A_1508 = tpu.memref_slice %arg26[%add3A_1506, %dma_start3A_1507] : memref<10240x128xf32, #tpu.memory_space<vmem_shared>> -> memref<16x128xf32, #tpu.memory_space<vmem_shared>>
    %dma_start3A_1509 = arith.constant 0 : i32
    %dma_start3A_1510 = tpu.memref_slice %arg26[%add3A_1506, %dma_start3A_1509] : memref<10240x128xf32, #tpu.memory_space<vmem_shared>> -> memref<16x128xf32, #tpu.memory_space<vmem_shared>>
    tpu.enqueue_dma source(%arg25 : memref<16x128xf32, #tpu.memory_space<vmem>>) target(%dma_start3A_1510 : memref<16x128xf32, #tpu.memory_space<vmem_shared>>) target_semaphore(%arg43 : memref<!tpu.dma_semaphore, #tpu.memory_space<semaphore_mem>>)
    %add3A_1511 = arith.constant 496 : i32
    %add3A_1512 = arith.addi %mul3A_2, %add3A_1511 : i32
    %dma_start3A_1513 = arith.constant 0 : i32
    %dma_start3A_1514 = tpu.memref_slice %arg26[%add3A_1512, %dma_start3A_1513] : memref<10240x128xf32, #tpu.memory_space<vmem_shared>> -> memref<16x128xf32, #tpu.memory_space<vmem_shared>>
    %dma_start3A_1515 = arith.constant 0 : i32
    %dma_start3A_1516 = tpu.memref_slice %arg26[%add3A_1512, %dma_start3A_1515] : memref<10240x128xf32, #tpu.memory_space<vmem_shared>> -> memref<16x128xf32, #tpu.memory_space<vmem_shared>>
    tpu.enqueue_dma source(%arg25 : memref<16x128xf32, #tpu.memory_space<vmem>>) target(%dma_start3A_1516 : memref<16x128xf32, #tpu.memory_space<vmem_shared>>) target_semaphore(%arg43 : memref<!tpu.dma_semaphore, #tpu.memory_space<semaphore_mem>>)
    %add3A_1517 = arith.constant 512 : i32
    %add3A_1518 = arith.addi %mul3A_2, %add3A_1517 : i32
    %dma_start3A_1519 = arith.constant 0 : i32
    %dma_start3A_1520 = tpu.memref_slice %arg26[%add3A_1518, %dma_start3A_1519] : memref<10240x128xf32, #tpu.memory_space<vmem_shared>> -> memref<16x128xf32, #tpu.memory_space<vmem_shared>>
    %dma_start3A_1521 = arith.constant 0 : i32
    %dma_start3A_1522 = tpu.memref_slice %arg26[%add3A_1518, %dma_start3A_1521] : memref<10240x128xf32, #tpu.memory_space<vmem_shared>> -> memref<16x128xf32, #tpu.memory_space<vmem_shared>>
    tpu.enqueue_dma source(%arg25 : memref<16x128xf32, #tpu.memory_space<vmem>>) target(%dma_start3A_1522 : memref<16x128xf32, #tpu.memory_space<vmem_shared>>) target_semaphore(%arg43 : memref<!tpu.dma_semaphore, #tpu.memory_space<semaphore_mem>>)
    %add3A_1523 = arith.constant 528 : i32
    %add3A_1524 = arith.addi %mul3A_2, %add3A_1523 : i32
    %dma_start3A_1525 = arith.constant 0 : i32
    %dma_start3A_1526 = tpu.memref_slice %arg26[%add3A_1524, %dma_start3A_1525] : memref<10240x128xf32, #tpu.memory_space<vmem_shared>> -> memref<16x128xf32, #tpu.memory_space<vmem_shared>>
    %dma_start3A_1527 = arith.constant 0 : i32
    %dma_start3A_1528 = tpu.memref_slice %arg26[%add3A_1524, %dma_start3A_1527] : memref<10240x128xf32, #tpu.memory_space<vmem_shared>> -> memref<16x128xf32, #tpu.memory_space<vmem_shared>>
    tpu.enqueue_dma source(%arg25 : memref<16x128xf32, #tpu.memory_space<vmem>>) target(%dma_start3A_1528 : memref<16x128xf32, #tpu.memory_space<vmem_shared>>) target_semaphore(%arg43 : memref<!tpu.dma_semaphore, #tpu.memory_space<semaphore_mem>>)
    %add3A_1529 = arith.constant 544 : i32
    %add3A_1530 = arith.addi %mul3A_2, %add3A_1529 : i32
    %dma_start3A_1531 = arith.constant 0 : i32
    %dma_start3A_1532 = tpu.memref_slice %arg26[%add3A_1530, %dma_start3A_1531] : memref<10240x128xf32, #tpu.memory_space<vmem_shared>> -> memref<16x128xf32, #tpu.memory_space<vmem_shared>>
    %dma_start3A_1533 = arith.constant 0 : i32
    %dma_start3A_1534 = tpu.memref_slice %arg26[%add3A_1530, %dma_start3A_1533] : memref<10240x128xf32, #tpu.memory_space<vmem_shared>> -> memref<16x128xf32, #tpu.memory_space<vmem_shared>>
    tpu.enqueue_dma source(%arg25 : memref<16x128xf32, #tpu.memory_space<vmem>>) target(%dma_start3A_1534 : memref<16x128xf32, #tpu.memory_space<vmem_shared>>) target_semaphore(%arg43 : memref<!tpu.dma_semaphore, #tpu.memory_space<semaphore_mem>>)
    %add3A_1535 = arith.constant 560 : i32
    %add3A_1536 = arith.addi %mul3A_2, %add3A_1535 : i32
    %dma_start3A_1537 = arith.constant 0 : i32
    %dma_start3A_1538 = tpu.memref_slice %arg26[%add3A_1536, %dma_start3A_1537] : memref<10240x128xf32, #tpu.memory_space<vmem_shared>> -> memref<16x128xf32, #tpu.memory_space<vmem_shared>>
    %dma_start3A_1539 = arith.constant 0 : i32
    %dma_start3A_1540 = tpu.memref_slice %arg26[%add3A_1536, %dma_start3A_1539] : memref<10240x128xf32, #tpu.memory_space<vmem_shared>> -> memref<16x128xf32, #tpu.memory_space<vmem_shared>>
    tpu.enqueue_dma source(%arg25 : memref<16x128xf32, #tpu.memory_space<vmem>>) target(%dma_start3A_1540 : memref<16x128xf32, #tpu.memory_space<vmem_shared>>) target_semaphore(%arg43 : memref<!tpu.dma_semaphore, #tpu.memory_space<semaphore_mem>>)
    %add3A_1541 = arith.constant 576 : i32
    %add3A_1542 = arith.addi %mul3A_2, %add3A_1541 : i32
    %dma_start3A_1543 = arith.constant 0 : i32
    %dma_start3A_1544 = tpu.memref_slice %arg26[%add3A_1542, %dma_start3A_1543] : memref<10240x128xf32, #tpu.memory_space<vmem_shared>> -> memref<16x128xf32, #tpu.memory_space<vmem_shared>>
    %dma_start3A_1545 = arith.constant 0 : i32
    %dma_start3A_1546 = tpu.memref_slice %arg26[%add3A_1542, %dma_start3A_1545] : memref<10240x128xf32, #tpu.memory_space<vmem_shared>> -> memref<16x128xf32, #tpu.memory_space<vmem_shared>>
    tpu.enqueue_dma source(%arg25 : memref<16x128xf32, #tpu.memory_space<vmem>>) target(%dma_start3A_1546 : memref<16x128xf32, #tpu.memory_space<vmem_shared>>) target_semaphore(%arg43 : memref<!tpu.dma_semaphore, #tpu.memory_space<semaphore_mem>>)
    %add3A_1547 = arith.constant 592 : i32
    %add3A_1548 = arith.addi %mul3A_2, %add3A_1547 : i32
    %dma_start3A_1549 = arith.constant 0 : i32
    %dma_start3A_1550 = tpu.memref_slice %arg26[%add3A_1548, %dma_start3A_1549] : memref<10240x128xf32, #tpu.memory_space<vmem_shared>> -> memref<16x128xf32, #tpu.memory_space<vmem_shared>>
    %dma_start3A_1551 = arith.constant 0 : i32
    %dma_start3A_1552 = tpu.memref_slice %arg26[%add3A_1548, %dma_start3A_1551] : memref<10240x128xf32, #tpu.memory_space<vmem_shared>> -> memref<16x128xf32, #tpu.memory_space<vmem_shared>>
    tpu.enqueue_dma source(%arg25 : memref<16x128xf32, #tpu.memory_space<vmem>>) target(%dma_start3A_1552 : memref<16x128xf32, #tpu.memory_space<vmem_shared>>) target_semaphore(%arg43 : memref<!tpu.dma_semaphore, #tpu.memory_space<semaphore_mem>>)
    %add3A_1553 = arith.constant 608 : i32
    %add3A_1554 = arith.addi %mul3A_2, %add3A_1553 : i32
    %dma_start3A_1555 = arith.constant 0 : i32
    %dma_start3A_1556 = tpu.memref_slice %arg26[%add3A_1554, %dma_start3A_1555] : memref<10240x128xf32, #tpu.memory_space<vmem_shared>> -> memref<16x128xf32, #tpu.memory_space<vmem_shared>>
    %dma_start3A_1557 = arith.constant 0 : i32
    %dma_start3A_1558 = tpu.memref_slice %arg26[%add3A_1554, %dma_start3A_1557] : memref<10240x128xf32, #tpu.memory_space<vmem_shared>> -> memref<16x128xf32, #tpu.memory_space<vmem_shared>>
    tpu.enqueue_dma source(%arg25 : memref<16x128xf32, #tpu.memory_space<vmem>>) target(%dma_start3A_1558 : memref<16x128xf32, #tpu.memory_space<vmem_shared>>) target_semaphore(%arg43 : memref<!tpu.dma_semaphore, #tpu.memory_space<semaphore_mem>>)
    %add3A_1559 = arith.constant 624 : i32
    %add3A_1560 = arith.addi %mul3A_2, %add3A_1559 : i32
    %dma_start3A_1561 = arith.constant 0 : i32
    %dma_start3A_1562 = tpu.memref_slice %arg26[%add3A_1560, %dma_start3A_1561] : memref<10240x128xf32, #tpu.memory_space<vmem_shared>> -> memref<16x128xf32, #tpu.memory_space<vmem_shared>>
    %dma_start3A_1563 = arith.constant 0 : i32
    %dma_start3A_1564 = tpu.memref_slice %arg26[%add3A_1560, %dma_start3A_1563] : memref<10240x128xf32, #tpu.memory_space<vmem_shared>> -> memref<16x128xf32, #tpu.memory_space<vmem_shared>>
    tpu.enqueue_dma source(%arg25 : memref<16x128xf32, #tpu.memory_space<vmem>>) target(%dma_start3A_1564 : memref<16x128xf32, #tpu.memory_space<vmem_shared>>) target_semaphore(%arg43 : memref<!tpu.dma_semaphore, #tpu.memory_space<semaphore_mem>>)
    %dma_wait3A_1565 = arith.constant 0 : i32
    %dma_wait3A_1566 = tpu.memref_slice %arg26[%mul3A_2, %dma_wait3A_1565] : memref<10240x128xf32, #tpu.memory_space<vmem_shared>> -> memref<16x128xf32, #tpu.memory_space<vmem_shared>>
    %dma_wait3A_1567 = arith.constant 0 : i32
    %dma_wait3A_1568 = tpu.memref_slice %arg26[%mul3A_2, %dma_wait3A_1567] : memref<10240x128xf32, #tpu.memory_space<vmem_shared>> -> memref<16x128xf32, #tpu.memory_space<vmem_shared>>
    tpu.wait_dma2 semaphore(%arg43 : memref<!tpu.dma_semaphore, #tpu.memory_space<semaphore_mem>>) src(%arg25 : memref<16x128xf32, #tpu.memory_space<vmem>>) dst(%dma_wait3A_1568 : memref<16x128xf32, #tpu.memory_space<vmem_shared>>)
    %dma_wait3A_1569 = arith.constant 0 : i32
    %dma_wait3A_1570 = tpu.memref_slice %arg26[%mul3A_2, %dma_wait3A_1569] : memref<10240x128xf32, #tpu.memory_space<vmem_shared>> -> memref<16x128xf32, #tpu.memory_space<vmem_shared>>
    %dma_wait3A_1571 = arith.constant 0 : i32
    %dma_wait3A_1572 = tpu.memref_slice %arg26[%mul3A_2, %dma_wait3A_1571] : memref<10240x128xf32, #tpu.memory_space<vmem_shared>> -> memref<16x128xf32, #tpu.memory_space<vmem_shared>>
    tpu.wait_dma2 semaphore(%arg43 : memref<!tpu.dma_semaphore, #tpu.memory_space<semaphore_mem>>) src(%arg25 : memref<16x128xf32, #tpu.memory_space<vmem>>) dst(%dma_wait3A_1572 : memref<16x128xf32, #tpu.memory_space<vmem_shared>>)
    %dma_wait3A_1573 = arith.constant 0 : i32
    %dma_wait3A_1574 = tpu.memref_slice %arg26[%mul3A_2, %dma_wait3A_1573] : memref<10240x128xf32, #tpu.memory_space<vmem_shared>> -> memref<16x128xf32, #tpu.memory_space<vmem_shared>>
    %dma_wait3A_1575 = arith.constant 0 : i32
    %dma_wait3A_1576 = tpu.memref_slice %arg26[%mul3A_2, %dma_wait3A_1575] : memref<10240x128xf32, #tpu.memory_space<vmem_shared>> -> memref<16x128xf32, #tpu.memory_space<vmem_shared>>
    tpu.wait_dma2 semaphore(%arg43 : memref<!tpu.dma_semaphore, #tpu.memory_space<semaphore_mem>>) src(%arg25 : memref<16x128xf32, #tpu.memory_space<vmem>>) dst(%dma_wait3A_1576 : memref<16x128xf32, #tpu.memory_space<vmem_shared>>)
    %dma_wait3A_1577 = arith.constant 0 : i32
    %dma_wait3A_1578 = tpu.memref_slice %arg26[%mul3A_2, %dma_wait3A_1577] : memref<10240x128xf32, #tpu.memory_space<vmem_shared>> -> memref<16x128xf32, #tpu.memory_space<vmem_shared>>
    %dma_wait3A_1579 = arith.constant 0 : i32
    %dma_wait3A_1580 = tpu.memref_slice %arg26[%mul3A_2, %dma_wait3A_1579] : memref<10240x128xf32, #tpu.memory_space<vmem_shared>> -> memref<16x128xf32, #tpu.memory_space<vmem_shared>>
    tpu.wait_dma2 semaphore(%arg43 : memref<!tpu.dma_semaphore, #tpu.memory_space<semaphore_mem>>) src(%arg25 : memref<16x128xf32, #tpu.memory_space<vmem>>) dst(%dma_wait3A_1580 : memref<16x128xf32, #tpu.memory_space<vmem_shared>>)
    %dma_wait3A_1581 = arith.constant 0 : i32
    %dma_wait3A_1582 = tpu.memref_slice %arg26[%mul3A_2, %dma_wait3A_1581] : memref<10240x128xf32, #tpu.memory_space<vmem_shared>> -> memref<16x128xf32, #tpu.memory_space<vmem_shared>>
    %dma_wait3A_1583 = arith.constant 0 : i32
    %dma_wait3A_1584 = tpu.memref_slice %arg26[%mul3A_2, %dma_wait3A_1583] : memref<10240x128xf32, #tpu.memory_space<vmem_shared>> -> memref<16x128xf32, #tpu.memory_space<vmem_shared>>
    tpu.wait_dma2 semaphore(%arg43 : memref<!tpu.dma_semaphore, #tpu.memory_space<semaphore_mem>>) src(%arg25 : memref<16x128xf32, #tpu.memory_space<vmem>>) dst(%dma_wait3A_1584 : memref<16x128xf32, #tpu.memory_space<vmem_shared>>)
    %dma_wait3A_1585 = arith.constant 0 : i32
    %dma_wait3A_1586 = tpu.memref_slice %arg26[%mul3A_2, %dma_wait3A_1585] : memref<10240x128xf32, #tpu.memory_space<vmem_shared>> -> memref<16x128xf32, #tpu.memory_space<vmem_shared>>
    %dma_wait3A_1587 = arith.constant 0 : i32
    %dma_wait3A_1588 = tpu.memref_slice %arg26[%mul3A_2, %dma_wait3A_1587] : memref<10240x128xf32, #tpu.memory_space<vmem_shared>> -> memref<16x128xf32, #tpu.memory_space<vmem_shared>>
    tpu.wait_dma2 semaphore(%arg43 : memref<!tpu.dma_semaphore, #tpu.memory_space<semaphore_mem>>) src(%arg25 : memref<16x128xf32, #tpu.memory_space<vmem>>) dst(%dma_wait3A_1588 : memref<16x128xf32, #tpu.memory_space<vmem_shared>>)
    %dma_wait3A_1589 = arith.constant 0 : i32
    %dma_wait3A_1590 = tpu.memref_slice %arg26[%mul3A_2, %dma_wait3A_1589] : memref<10240x128xf32, #tpu.memory_space<vmem_shared>> -> memref<16x128xf32, #tpu.memory_space<vmem_shared>>
    %dma_wait3A_1591 = arith.constant 0 : i32
    %dma_wait3A_1592 = tpu.memref_slice %arg26[%mul3A_2, %dma_wait3A_1591] : memref<10240x128xf32, #tpu.memory_space<vmem_shared>> -> memref<16x128xf32, #tpu.memory_space<vmem_shared>>
    tpu.wait_dma2 semaphore(%arg43 : memref<!tpu.dma_semaphore, #tpu.memory_space<semaphore_mem>>) src(%arg25 : memref<16x128xf32, #tpu.memory_space<vmem>>) dst(%dma_wait3A_1592 : memref<16x128xf32, #tpu.memory_space<vmem_shared>>)
    %dma_wait3A_1593 = arith.constant 0 : i32
    %dma_wait3A_1594 = tpu.memref_slice %arg26[%mul3A_2, %dma_wait3A_1593] : memref<10240x128xf32, #tpu.memory_space<vmem_shared>> -> memref<16x128xf32, #tpu.memory_space<vmem_shared>>
    %dma_wait3A_1595 = arith.constant 0 : i32
    %dma_wait3A_1596 = tpu.memref_slice %arg26[%mul3A_2, %dma_wait3A_1595] : memref<10240x128xf32, #tpu.memory_space<vmem_shared>> -> memref<16x128xf32, #tpu.memory_space<vmem_shared>>
    tpu.wait_dma2 semaphore(%arg43 : memref<!tpu.dma_semaphore, #tpu.memory_space<semaphore_mem>>) src(%arg25 : memref<16x128xf32, #tpu.memory_space<vmem>>) dst(%dma_wait3A_1596 : memref<16x128xf32, #tpu.memory_space<vmem_shared>>)
    %dma_wait3A_1597 = arith.constant 0 : i32
    %dma_wait3A_1598 = tpu.memref_slice %arg26[%mul3A_2, %dma_wait3A_1597] : memref<10240x128xf32, #tpu.memory_space<vmem_shared>> -> memref<16x128xf32, #tpu.memory_space<vmem_shared>>
    %dma_wait3A_1599 = arith.constant 0 : i32
    %dma_wait3A_1600 = tpu.memref_slice %arg26[%mul3A_2, %dma_wait3A_1599] : memref<10240x128xf32, #tpu.memory_space<vmem_shared>> -> memref<16x128xf32, #tpu.memory_space<vmem_shared>>
    tpu.wait_dma2 semaphore(%arg43 : memref<!tpu.dma_semaphore, #tpu.memory_space<semaphore_mem>>) src(%arg25 : memref<16x128xf32, #tpu.memory_space<vmem>>) dst(%dma_wait3A_1600 : memref<16x128xf32, #tpu.memory_space<vmem_shared>>)
    %dma_wait3A_1601 = arith.constant 0 : i32
    %dma_wait3A_1602 = tpu.memref_slice %arg26[%mul3A_2, %dma_wait3A_1601] : memref<10240x128xf32, #tpu.memory_space<vmem_shared>> -> memref<16x128xf32, #tpu.memory_space<vmem_shared>>
    %dma_wait3A_1603 = arith.constant 0 : i32
    %dma_wait3A_1604 = tpu.memref_slice %arg26[%mul3A_2, %dma_wait3A_1603] : memref<10240x128xf32, #tpu.memory_space<vmem_shared>> -> memref<16x128xf32, #tpu.memory_space<vmem_shared>>
    tpu.wait_dma2 semaphore(%arg43 : memref<!tpu.dma_semaphore, #tpu.memory_space<semaphore_mem>>) src(%arg25 : memref<16x128xf32, #tpu.memory_space<vmem>>) dst(%dma_wait3A_1604 : memref<16x128xf32, #tpu.memory_space<vmem_shared>>)
    %dma_wait3A_1605 = arith.constant 0 : i32
    %dma_wait3A_1606 = tpu.memref_slice %arg26[%mul3A_2, %dma_wait3A_1605] : memref<10240x128xf32, #tpu.memory_space<vmem_shared>> -> memref<16x128xf32, #tpu.memory_space<vmem_shared>>
    %dma_wait3A_1607 = arith.constant 0 : i32
    %dma_wait3A_1608 = tpu.memref_slice %arg26[%mul3A_2, %dma_wait3A_1607] : memref<10240x128xf32, #tpu.memory_space<vmem_shared>> -> memref<16x128xf32, #tpu.memory_space<vmem_shared>>
    tpu.wait_dma2 semaphore(%arg43 : memref<!tpu.dma_semaphore, #tpu.memory_space<semaphore_mem>>) src(%arg25 : memref<16x128xf32, #tpu.memory_space<vmem>>) dst(%dma_wait3A_1608 : memref<16x128xf32, #tpu.memory_space<vmem_shared>>)
    %dma_wait3A_1609 = arith.constant 0 : i32
    %dma_wait3A_1610 = tpu.memref_slice %arg26[%mul3A_2, %dma_wait3A_1609] : memref<10240x128xf32, #tpu.memory_space<vmem_shared>> -> memref<16x128xf32, #tpu.memory_space<vmem_shared>>
    %dma_wait3A_1611 = arith.constant 0 : i32
    %dma_wait3A_1612 = tpu.memref_slice %arg26[%mul3A_2, %dma_wait3A_1611] : memref<10240x128xf32, #tpu.memory_space<vmem_shared>> -> memref<16x128xf32, #tpu.memory_space<vmem_shared>>
    tpu.wait_dma2 semaphore(%arg43 : memref<!tpu.dma_semaphore, #tpu.memory_space<semaphore_mem>>) src(%arg25 : memref<16x128xf32, #tpu.memory_space<vmem>>) dst(%dma_wait3A_1612 : memref<16x128xf32, #tpu.memory_space<vmem_shared>>)
    %dma_wait3A_1613 = arith.constant 0 : i32
    %dma_wait3A_1614 = tpu.memref_slice %arg26[%mul3A_2, %dma_wait3A_1613] : memref<10240x128xf32, #tpu.memory_space<vmem_shared>> -> memref<16x128xf32, #tpu.memory_space<vmem_shared>>
    %dma_wait3A_1615 = arith.constant 0 : i32
    %dma_wait3A_1616 = tpu.memref_slice %arg26[%mul3A_2, %dma_wait3A_1615] : memref<10240x128xf32, #tpu.memory_space<vmem_shared>> -> memref<16x128xf32, #tpu.memory_space<vmem_shared>>
    tpu.wait_dma2 semaphore(%arg43 : memref<!tpu.dma_semaphore, #tpu.memory_space<semaphore_mem>>) src(%arg25 : memref<16x128xf32, #tpu.memory_space<vmem>>) dst(%dma_wait3A_1616 : memref<16x128xf32, #tpu.memory_space<vmem_shared>>)
    %dma_wait3A_1617 = arith.constant 0 : i32
    %dma_wait3A_1618 = tpu.memref_slice %arg26[%mul3A_2, %dma_wait3A_1617] : memref<10240x128xf32, #tpu.memory_space<vmem_shared>> -> memref<16x128xf32, #tpu.memory_space<vmem_shared>>
    %dma_wait3A_1619 = arith.constant 0 : i32
    %dma_wait3A_1620 = tpu.memref_slice %arg26[%mul3A_2, %dma_wait3A_1619] : memref<10240x128xf32, #tpu.memory_space<vmem_shared>> -> memref<16x128xf32, #tpu.memory_space<vmem_shared>>
    tpu.wait_dma2 semaphore(%arg43 : memref<!tpu.dma_semaphore, #tpu.memory_space<semaphore_mem>>) src(%arg25 : memref<16x128xf32, #tpu.memory_space<vmem>>) dst(%dma_wait3A_1620 : memref<16x128xf32, #tpu.memory_space<vmem_shared>>)
    %dma_wait3A_1621 = arith.constant 0 : i32
    %dma_wait3A_1622 = tpu.memref_slice %arg26[%mul3A_2, %dma_wait3A_1621] : memref<10240x128xf32, #tpu.memory_space<vmem_shared>> -> memref<16x128xf32, #tpu.memory_space<vmem_shared>>
    %dma_wait3A_1623 = arith.constant 0 : i32
    %dma_wait3A_1624 = tpu.memref_slice %arg26[%mul3A_2, %dma_wait3A_1623] : memref<10240x128xf32, #tpu.memory_space<vmem_shared>> -> memref<16x128xf32, #tpu.memory_space<vmem_shared>>
    tpu.wait_dma2 semaphore(%arg43 : memref<!tpu.dma_semaphore, #tpu.memory_space<semaphore_mem>>) src(%arg25 : memref<16x128xf32, #tpu.memory_space<vmem>>) dst(%dma_wait3A_1624 : memref<16x128xf32, #tpu.memory_space<vmem_shared>>)
    %dma_wait3A_1625 = arith.constant 0 : i32
    %dma_wait3A_1626 = tpu.memref_slice %arg26[%mul3A_2, %dma_wait3A_1625] : memref<10240x128xf32, #tpu.memory_space<vmem_shared>> -> memref<16x128xf32, #tpu.memory_space<vmem_shared>>
    %dma_wait3A_1627 = arith.constant 0 : i32
    %dma_wait3A_1628 = tpu.memref_slice %arg26[%mul3A_2, %dma_wait3A_1627] : memref<10240x128xf32, #tpu.memory_space<vmem_shared>> -> memref<16x128xf32, #tpu.memory_space<vmem_shared>>
    tpu.wait_dma2 semaphore(%arg43 : memref<!tpu.dma_semaphore, #tpu.memory_space<semaphore_mem>>) src(%arg25 : memref<16x128xf32, #tpu.memory_space<vmem>>) dst(%dma_wait3A_1628 : memref<16x128xf32, #tpu.memory_space<vmem_shared>>)
    %dma_wait3A_1629 = arith.constant 0 : i32
    %dma_wait3A_1630 = tpu.memref_slice %arg26[%mul3A_2, %dma_wait3A_1629] : memref<10240x128xf32, #tpu.memory_space<vmem_shared>> -> memref<16x128xf32, #tpu.memory_space<vmem_shared>>
    %dma_wait3A_1631 = arith.constant 0 : i32
    %dma_wait3A_1632 = tpu.memref_slice %arg26[%mul3A_2, %dma_wait3A_1631] : memref<10240x128xf32, #tpu.memory_space<vmem_shared>> -> memref<16x128xf32, #tpu.memory_space<vmem_shared>>
    tpu.wait_dma2 semaphore(%arg43 : memref<!tpu.dma_semaphore, #tpu.memory_space<semaphore_mem>>) src(%arg25 : memref<16x128xf32, #tpu.memory_space<vmem>>) dst(%dma_wait3A_1632 : memref<16x128xf32, #tpu.memory_space<vmem_shared>>)
    %dma_wait3A_1633 = arith.constant 0 : i32
    %dma_wait3A_1634 = tpu.memref_slice %arg26[%mul3A_2, %dma_wait3A_1633] : memref<10240x128xf32, #tpu.memory_space<vmem_shared>> -> memref<16x128xf32, #tpu.memory_space<vmem_shared>>
    %dma_wait3A_1635 = arith.constant 0 : i32
    %dma_wait3A_1636 = tpu.memref_slice %arg26[%mul3A_2, %dma_wait3A_1635] : memref<10240x128xf32, #tpu.memory_space<vmem_shared>> -> memref<16x128xf32, #tpu.memory_space<vmem_shared>>
    tpu.wait_dma2 semaphore(%arg43 : memref<!tpu.dma_semaphore, #tpu.memory_space<semaphore_mem>>) src(%arg25 : memref<16x128xf32, #tpu.memory_space<vmem>>) dst(%dma_wait3A_1636 : memref<16x128xf32, #tpu.memory_space<vmem_shared>>)
    %dma_wait3A_1637 = arith.constant 0 : i32
    %dma_wait3A_1638 = tpu.memref_slice %arg26[%mul3A_2, %dma_wait3A_1637] : memref<10240x128xf32, #tpu.memory_space<vmem_shared>> -> memref<16x128xf32, #tpu.memory_space<vmem_shared>>
    %dma_wait3A_1639 = arith.constant 0 : i32
    %dma_wait3A_1640 = tpu.memref_slice %arg26[%mul3A_2, %dma_wait3A_1639] : memref<10240x128xf32, #tpu.memory_space<vmem_shared>> -> memref<16x128xf32, #tpu.memory_space<vmem_shared>>
    tpu.wait_dma2 semaphore(%arg43 : memref<!tpu.dma_semaphore, #tpu.memory_space<semaphore_mem>>) src(%arg25 : memref<16x128xf32, #tpu.memory_space<vmem>>) dst(%dma_wait3A_1640 : memref<16x128xf32, #tpu.memory_space<vmem_shared>>)
    %dma_wait3A_1641 = arith.constant 0 : i32
    %dma_wait3A_1642 = tpu.memref_slice %arg26[%mul3A_2, %dma_wait3A_1641] : memref<10240x128xf32, #tpu.memory_space<vmem_shared>> -> memref<16x128xf32, #tpu.memory_space<vmem_shared>>
    %dma_wait3A_1643 = arith.constant 0 : i32
    %dma_wait3A_1644 = tpu.memref_slice %arg26[%mul3A_2, %dma_wait3A_1643] : memref<10240x128xf32, #tpu.memory_space<vmem_shared>> -> memref<16x128xf32, #tpu.memory_space<vmem_shared>>
    tpu.wait_dma2 semaphore(%arg43 : memref<!tpu.dma_semaphore, #tpu.memory_space<semaphore_mem>>) src(%arg25 : memref<16x128xf32, #tpu.memory_space<vmem>>) dst(%dma_wait3A_1644 : memref<16x128xf32, #tpu.memory_space<vmem_shared>>)
    %dma_wait3A_1645 = arith.constant 0 : i32
    %dma_wait3A_1646 = tpu.memref_slice %arg26[%mul3A_2, %dma_wait3A_1645] : memref<10240x128xf32, #tpu.memory_space<vmem_shared>> -> memref<16x128xf32, #tpu.memory_space<vmem_shared>>
    %dma_wait3A_1647 = arith.constant 0 : i32
    %dma_wait3A_1648 = tpu.memref_slice %arg26[%mul3A_2, %dma_wait3A_1647] : memref<10240x128xf32, #tpu.memory_space<vmem_shared>> -> memref<16x128xf32, #tpu.memory_space<vmem_shared>>
    tpu.wait_dma2 semaphore(%arg43 : memref<!tpu.dma_semaphore, #tpu.memory_space<semaphore_mem>>) src(%arg25 : memref<16x128xf32, #tpu.memory_space<vmem>>) dst(%dma_wait3A_1648 : memref<16x128xf32, #tpu.memory_space<vmem_shared>>)
    %dma_wait3A_1649 = arith.constant 0 : i32
    %dma_wait3A_1650 = tpu.memref_slice %arg26[%mul3A_2, %dma_wait3A_1649] : memref<10240x128xf32, #tpu.memory_space<vmem_shared>> -> memref<16x128xf32, #tpu.memory_space<vmem_shared>>
    %dma_wait3A_1651 = arith.constant 0 : i32
    %dma_wait3A_1652 = tpu.memref_slice %arg26[%mul3A_2, %dma_wait3A_1651] : memref<10240x128xf32, #tpu.memory_space<vmem_shared>> -> memref<16x128xf32, #tpu.memory_space<vmem_shared>>
    tpu.wait_dma2 semaphore(%arg43 : memref<!tpu.dma_semaphore, #tpu.memory_space<semaphore_mem>>) src(%arg25 : memref<16x128xf32, #tpu.memory_space<vmem>>) dst(%dma_wait3A_1652 : memref<16x128xf32, #tpu.memory_space<vmem_shared>>)
    %dma_wait3A_1653 = arith.constant 0 : i32
    %dma_wait3A_1654 = tpu.memref_slice %arg26[%mul3A_2, %dma_wait3A_1653] : memref<10240x128xf32, #tpu.memory_space<vmem_shared>> -> memref<16x128xf32, #tpu.memory_space<vmem_shared>>
    %dma_wait3A_1655 = arith.constant 0 : i32
    %dma_wait3A_1656 = tpu.memref_slice %arg26[%mul3A_2, %dma_wait3A_1655] : memref<10240x128xf32, #tpu.memory_space<vmem_shared>> -> memref<16x128xf32, #tpu.memory_space<vmem_shared>>
    tpu.wait_dma2 semaphore(%arg43 : memref<!tpu.dma_semaphore, #tpu.memory_space<semaphore_mem>>) src(%arg25 : memref<16x128xf32, #tpu.memory_space<vmem>>) dst(%dma_wait3A_1656 : memref<16x128xf32, #tpu.memory_space<vmem_shared>>)
    %dma_wait3A_1657 = arith.constant 0 : i32
    %dma_wait3A_1658 = tpu.memref_slice %arg26[%mul3A_2, %dma_wait3A_1657] : memref<10240x128xf32, #tpu.memory_space<vmem_shared>> -> memref<16x128xf32, #tpu.memory_space<vmem_shared>>
    %dma_wait3A_1659 = arith.constant 0 : i32
    %dma_wait3A_1660 = tpu.memref_slice %arg26[%mul3A_2, %dma_wait3A_1659] : memref<10240x128xf32, #tpu.memory_space<vmem_shared>> -> memref<16x128xf32, #tpu.memory_space<vmem_shared>>
    tpu.wait_dma2 semaphore(%arg43 : memref<!tpu.dma_semaphore, #tpu.memory_space<semaphore_mem>>) src(%arg25 : memref<16x128xf32, #tpu.memory_space<vmem>>) dst(%dma_wait3A_1660 : memref<16x128xf32, #tpu.memory_space<vmem_shared>>)
    %dma_wait3A_1661 = arith.constant 0 : i32
    %dma_wait3A_1662 = tpu.memref_slice %arg26[%mul3A_2, %dma_wait3A_1661] : memref<10240x128xf32, #tpu.memory_space<vmem_shared>> -> memref<16x128xf32, #tpu.memory_space<vmem_shared>>
    %dma_wait3A_1663 = arith.constant 0 : i32
    %dma_wait3A_1664 = tpu.memref_slice %arg26[%mul3A_2, %dma_wait3A_1663] : memref<10240x128xf32, #tpu.memory_space<vmem_shared>> -> memref<16x128xf32, #tpu.memory_space<vmem_shared>>
    tpu.wait_dma2 semaphore(%arg43 : memref<!tpu.dma_semaphore, #tpu.memory_space<semaphore_mem>>) src(%arg25 : memref<16x128xf32, #tpu.memory_space<vmem>>) dst(%dma_wait3A_1664 : memref<16x128xf32, #tpu.memory_space<vmem_shared>>)
    %dma_wait3A_1665 = arith.constant 0 : i32
    %dma_wait3A_1666 = tpu.memref_slice %arg26[%mul3A_2, %dma_wait3A_1665] : memref<10240x128xf32, #tpu.memory_space<vmem_shared>> -> memref<16x128xf32, #tpu.memory_space<vmem_shared>>
    %dma_wait3A_1667 = arith.constant 0 : i32
    %dma_wait3A_1668 = tpu.memref_slice %arg26[%mul3A_2, %dma_wait3A_1667] : memref<10240x128xf32, #tpu.memory_space<vmem_shared>> -> memref<16x128xf32, #tpu.memory_space<vmem_shared>>
    tpu.wait_dma2 semaphore(%arg43 : memref<!tpu.dma_semaphore, #tpu.memory_space<semaphore_mem>>) src(%arg25 : memref<16x128xf32, #tpu.memory_space<vmem>>) dst(%dma_wait3A_1668 : memref<16x128xf32, #tpu.memory_space<vmem_shared>>)
    %dma_wait3A_1669 = arith.constant 0 : i32
    %dma_wait3A_1670 = tpu.memref_slice %arg26[%mul3A_2, %dma_wait3A_1669] : memref<10240x128xf32, #tpu.memory_space<vmem_shared>> -> memref<16x128xf32, #tpu.memory_space<vmem_shared>>
    %dma_wait3A_1671 = arith.constant 0 : i32
    %dma_wait3A_1672 = tpu.memref_slice %arg26[%mul3A_2, %dma_wait3A_1671] : memref<10240x128xf32, #tpu.memory_space<vmem_shared>> -> memref<16x128xf32, #tpu.memory_space<vmem_shared>>
    tpu.wait_dma2 semaphore(%arg43 : memref<!tpu.dma_semaphore, #tpu.memory_space<semaphore_mem>>) src(%arg25 : memref<16x128xf32, #tpu.memory_space<vmem>>) dst(%dma_wait3A_1672 : memref<16x128xf32, #tpu.memory_space<vmem_shared>>)
    %dma_wait3A_1673 = arith.constant 0 : i32
    %dma_wait3A_1674 = tpu.memref_slice %arg26[%mul3A_2, %dma_wait3A_1673] : memref<10240x128xf32, #tpu.memory_space<vmem_shared>> -> memref<16x128xf32, #tpu.memory_space<vmem_shared>>
    %dma_wait3A_1675 = arith.constant 0 : i32
    %dma_wait3A_1676 = tpu.memref_slice %arg26[%mul3A_2, %dma_wait3A_1675] : memref<10240x128xf32, #tpu.memory_space<vmem_shared>> -> memref<16x128xf32, #tpu.memory_space<vmem_shared>>
    tpu.wait_dma2 semaphore(%arg43 : memref<!tpu.dma_semaphore, #tpu.memory_space<semaphore_mem>>) src(%arg25 : memref<16x128xf32, #tpu.memory_space<vmem>>) dst(%dma_wait3A_1676 : memref<16x128xf32, #tpu.memory_space<vmem_shared>>)
    %dma_wait3A_1677 = arith.constant 0 : i32
    %dma_wait3A_1678 = tpu.memref_slice %arg26[%mul3A_2, %dma_wait3A_1677] : memref<10240x128xf32, #tpu.memory_space<vmem_shared>> -> memref<16x128xf32, #tpu.memory_space<vmem_shared>>
    %dma_wait3A_1679 = arith.constant 0 : i32
    %dma_wait3A_1680 = tpu.memref_slice %arg26[%mul3A_2, %dma_wait3A_1679] : memref<10240x128xf32, #tpu.memory_space<vmem_shared>> -> memref<16x128xf32, #tpu.memory_space<vmem_shared>>
    tpu.wait_dma2 semaphore(%arg43 : memref<!tpu.dma_semaphore, #tpu.memory_space<semaphore_mem>>) src(%arg25 : memref<16x128xf32, #tpu.memory_space<vmem>>) dst(%dma_wait3A_1680 : memref<16x128xf32, #tpu.memory_space<vmem_shared>>)
    %dma_wait3A_1681 = arith.constant 0 : i32
    %dma_wait3A_1682 = tpu.memref_slice %arg26[%mul3A_2, %dma_wait3A_1681] : memref<10240x128xf32, #tpu.memory_space<vmem_shared>> -> memref<16x128xf32, #tpu.memory_space<vmem_shared>>
    %dma_wait3A_1683 = arith.constant 0 : i32
    %dma_wait3A_1684 = tpu.memref_slice %arg26[%mul3A_2, %dma_wait3A_1683] : memref<10240x128xf32, #tpu.memory_space<vmem_shared>> -> memref<16x128xf32, #tpu.memory_space<vmem_shared>>
    tpu.wait_dma2 semaphore(%arg43 : memref<!tpu.dma_semaphore, #tpu.memory_space<semaphore_mem>>) src(%arg25 : memref<16x128xf32, #tpu.memory_space<vmem>>) dst(%dma_wait3A_1684 : memref<16x128xf32, #tpu.memory_space<vmem_shared>>)
    %dma_wait3A_1685 = arith.constant 0 : i32
    %dma_wait3A_1686 = tpu.memref_slice %arg26[%mul3A_2, %dma_wait3A_1685] : memref<10240x128xf32, #tpu.memory_space<vmem_shared>> -> memref<16x128xf32, #tpu.memory_space<vmem_shared>>
    %dma_wait3A_1687 = arith.constant 0 : i32
    %dma_wait3A_1688 = tpu.memref_slice %arg26[%mul3A_2, %dma_wait3A_1687] : memref<10240x128xf32, #tpu.memory_space<vmem_shared>> -> memref<16x128xf32, #tpu.memory_space<vmem_shared>>
    tpu.wait_dma2 semaphore(%arg43 : memref<!tpu.dma_semaphore, #tpu.memory_space<semaphore_mem>>) src(%arg25 : memref<16x128xf32, #tpu.memory_space<vmem>>) dst(%dma_wait3A_1688 : memref<16x128xf32, #tpu.memory_space<vmem_shared>>)
    %dma_wait3A_1689 = arith.constant 0 : i32
    %dma_wait3A_1690 = tpu.memref_slice %arg26[%mul3A_2, %dma_wait3A_1689] : memref<10240x128xf32, #tpu.memory_space<vmem_shared>> -> memref<16x128xf32, #tpu.memory_space<vmem_shared>>
    %dma_wait3A_1691 = arith.constant 0 : i32
    %dma_wait3A_1692 = tpu.memref_slice %arg26[%mul3A_2, %dma_wait3A_1691] : memref<10240x128xf32, #tpu.memory_space<vmem_shared>> -> memref<16x128xf32, #tpu.memory_space<vmem_shared>>
    tpu.wait_dma2 semaphore(%arg43 : memref<!tpu.dma_semaphore, #tpu.memory_space<semaphore_mem>>) src(%arg25 : memref<16x128xf32, #tpu.memory_space<vmem>>) dst(%dma_wait3A_1692 : memref<16x128xf32, #tpu.memory_space<vmem_shared>>)
    %dma_wait3A_1693 = arith.constant 0 : i32
    %dma_wait3A_1694 = tpu.memref_slice %arg26[%mul3A_2, %dma_wait3A_1693] : memref<10240x128xf32, #tpu.memory_space<vmem_shared>> -> memref<16x128xf32, #tpu.memory_space<vmem_shared>>
    %dma_wait3A_1695 = arith.constant 0 : i32
    %dma_wait3A_1696 = tpu.memref_slice %arg26[%mul3A_2, %dma_wait3A_1695] : memref<10240x128xf32, #tpu.memory_space<vmem_shared>> -> memref<16x128xf32, #tpu.memory_space<vmem_shared>>
    tpu.wait_dma2 semaphore(%arg43 : memref<!tpu.dma_semaphore, #tpu.memory_space<semaphore_mem>>) src(%arg25 : memref<16x128xf32, #tpu.memory_space<vmem>>) dst(%dma_wait3A_1696 : memref<16x128xf32, #tpu.memory_space<vmem_shared>>)
    %dma_wait3A_1697 = arith.constant 0 : i32
    %dma_wait3A_1698 = tpu.memref_slice %arg26[%mul3A_2, %dma_wait3A_1697] : memref<10240x128xf32, #tpu.memory_space<vmem_shared>> -> memref<16x128xf32, #tpu.memory_space<vmem_shared>>
    %dma_wait3A_1699 = arith.constant 0 : i32
    %dma_wait3A_1700 = tpu.memref_slice %arg26[%mul3A_2, %dma_wait3A_1699] : memref<10240x128xf32, #tpu.memory_space<vmem_shared>> -> memref<16x128xf32, #tpu.memory_space<vmem_shared>>
    tpu.wait_dma2 semaphore(%arg43 : memref<!tpu.dma_semaphore, #tpu.memory_space<semaphore_mem>>) src(%arg25 : memref<16x128xf32, #tpu.memory_space<vmem>>) dst(%dma_wait3A_1700 : memref<16x128xf32, #tpu.memory_space<vmem_shared>>)
    %dma_wait3A_1701 = arith.constant 0 : i32
    %dma_wait3A_1702 = tpu.memref_slice %arg26[%mul3A_2, %dma_wait3A_1701] : memref<10240x128xf32, #tpu.memory_space<vmem_shared>> -> memref<16x128xf32, #tpu.memory_space<vmem_shared>>
    %dma_wait3A_1703 = arith.constant 0 : i32
    %dma_wait3A_1704 = tpu.memref_slice %arg26[%mul3A_2, %dma_wait3A_1703] : memref<10240x128xf32, #tpu.memory_space<vmem_shared>> -> memref<16x128xf32, #tpu.memory_space<vmem_shared>>
    tpu.wait_dma2 semaphore(%arg43 : memref<!tpu.dma_semaphore, #tpu.memory_space<semaphore_mem>>) src(%arg25 : memref<16x128xf32, #tpu.memory_space<vmem>>) dst(%dma_wait3A_1704 : memref<16x128xf32, #tpu.memory_space<vmem_shared>>)
    %dma_wait3A_1705 = arith.constant 0 : i32
    %dma_wait3A_1706 = tpu.memref_slice %arg26[%mul3A_2, %dma_wait3A_1705] : memref<10240x128xf32, #tpu.memory_space<vmem_shared>> -> memref<16x128xf32, #tpu.memory_space<vmem_shared>>
    %dma_wait3A_1707 = arith.constant 0 : i32
    %dma_wait3A_1708 = tpu.memref_slice %arg26[%mul3A_2, %dma_wait3A_1707] : memref<10240x128xf32, #tpu.memory_space<vmem_shared>> -> memref<16x128xf32, #tpu.memory_space<vmem_shared>>
    tpu.wait_dma2 semaphore(%arg43 : memref<!tpu.dma_semaphore, #tpu.memory_space<semaphore_mem>>) src(%arg25 : memref<16x128xf32, #tpu.memory_space<vmem>>) dst(%dma_wait3A_1708 : memref<16x128xf32, #tpu.memory_space<vmem_shared>>)
    %dma_wait3A_1709 = arith.constant 0 : i32
    %dma_wait3A_1710 = tpu.memref_slice %arg26[%mul3A_2, %dma_wait3A_1709] : memref<10240x128xf32, #tpu.memory_space<vmem_shared>> -> memref<16x128xf32, #tpu.memory_space<vmem_shared>>
    %dma_wait3A_1711 = arith.constant 0 : i32
    %dma_wait3A_1712 = tpu.memref_slice %arg26[%mul3A_2, %dma_wait3A_1711] : memref<10240x128xf32, #tpu.memory_space<vmem_shared>> -> memref<16x128xf32, #tpu.memory_space<vmem_shared>>
    tpu.wait_dma2 semaphore(%arg43 : memref<!tpu.dma_semaphore, #tpu.memory_space<semaphore_mem>>) src(%arg25 : memref<16x128xf32, #tpu.memory_space<vmem>>) dst(%dma_wait3A_1712 : memref<16x128xf32, #tpu.memory_space<vmem_shared>>)
    %dma_wait3A_1713 = arith.constant 0 : i32
    %dma_wait3A_1714 = tpu.memref_slice %arg26[%mul3A_2, %dma_wait3A_1713] : memref<10240x128xf32, #tpu.memory_space<vmem_shared>> -> memref<16x128xf32, #tpu.memory_space<vmem_shared>>
    %dma_wait3A_1715 = arith.constant 0 : i32
    %dma_wait3A_1716 = tpu.memref_slice %arg26[%mul3A_2, %dma_wait3A_1715] : memref<10240x128xf32, #tpu.memory_space<vmem_shared>> -> memref<16x128xf32, #tpu.memory_space<vmem_shared>>
    tpu.wait_dma2 semaphore(%arg43 : memref<!tpu.dma_semaphore, #tpu.memory_space<semaphore_mem>>) src(%arg25 : memref<16x128xf32, #tpu.memory_space<vmem>>) dst(%dma_wait3A_1716 : memref<16x128xf32, #tpu.memory_space<vmem_shared>>)
    %dma_wait3A_1717 = arith.constant 0 : i32
    %dma_wait3A_1718 = tpu.memref_slice %arg26[%mul3A_2, %dma_wait3A_1717] : memref<10240x128xf32, #tpu.memory_space<vmem_shared>> -> memref<16x128xf32, #tpu.memory_space<vmem_shared>>
    %dma_wait3A_1719 = arith.constant 0 : i32
    %dma_wait3A_1720 = tpu.memref_slice %arg26[%mul3A_2, %dma_wait3A_1719] : memref<10240x128xf32, #tpu.memory_space<vmem_shared>> -> memref<16x128xf32, #tpu.memory_space<vmem_shared>>
    tpu.wait_dma2 semaphore(%arg43 : memref<!tpu.dma_semaphore, #tpu.memory_space<semaphore_mem>>) src(%arg25 : memref<16x128xf32, #tpu.memory_space<vmem>>) dst(%dma_wait3A_1720 : memref<16x128xf32, #tpu.memory_space<vmem_shared>>)
    %dma_wait3A_1721 = arith.constant 0 : i32
    %dma_wait3A_1722 = tpu.memref_slice %arg26[%mul3A_2, %dma_wait3A_1721] : memref<10240x128xf32, #tpu.memory_space<vmem_shared>> -> memref<16x128xf32, #tpu.memory_space<vmem_shared>>
    %dma_wait3A_1723 = arith.constant 0 : i32
    %dma_wait3A_1724 = tpu.memref_slice %arg26[%mul3A_2, %dma_wait3A_1723] : memref<10240x128xf32, #tpu.memory_space<vmem_shared>> -> memref<16x128xf32, #tpu.memory_space<vmem_shared>>
    tpu.wait_dma2 semaphore(%arg43 : memref<!tpu.dma_semaphore, #tpu.memory_space<semaphore_mem>>) src(%arg25 : memref<16x128xf32, #tpu.memory_space<vmem>>) dst(%dma_wait3A_1724 : memref<16x128xf32, #tpu.memory_space<vmem_shared>>)
    %barrier3A = arith.constant 0 : index
    tpu.barrier barrier_id(%barrier3A)
    %scan3A = arith.constant 0 : i32
    %scan3A_1725 = arith.constant 15 : i32
    %scan3A_1726 = arith.addi %scan3A, %scan3A_1725 : i32
    %scan3A_1727 = arith.constant 1 : i32
    scf.for %scan3A_1862 = %scan3A to %scan3A_1726 step %scan3A_1727  : i32 {
      %mul3A_1863 = arith.constant 8 : i32
      %mul3A_1864 = arith.muli %scan3A_1862, %mul3A_1863 : i32
      %add3A_1865 = arith.constant 0 : i32
      %add3A_1866 = arith.addi %add3A_1865, %mul3A_1864 : i32
      %dma_wait3A_1867 = arith.constant 0 : i32
      %dma_wait3A_1868 = arith.constant 0 : i32
      %dma_wait3A_1869 = tpu.memref_slice %arg5[%dma_wait3A_1867, %dma_wait3A_1868] : memref<1x80xi32, #tpu.memory_space<vmem>> -> memref<1x80xi32, #tpu.memory_space<vmem>>
      %dma_wait3A_1870 = tpu.memref_squeeze %dma_wait3A_1869 : memref<1x80xi32, #tpu.memory_space<vmem>> -> memref<80xi32, #tpu.memory_space<vmem>>
      %dma_wait3A_1871 = arith.constant 0 : i32
      %dma_wait3A_1872 = arith.constant 0 : i32
      %dma_wait3A_1873 = tpu.memref_slice %arg2[%dma_wait3A_1871, %dma_wait3A_1872] : memref<10240x128xf32, #tpu.memory_space<hbm>> -> memref<10240x128xf32, #tpu.memory_space<hbm>>
      tpu.wait_indirect_dma semaphore(%arg35 : memref<!tpu.dma_semaphore, #tpu.memory_space<semaphore_mem>>) src(%dma_wait3A_1873 : memref<10240x128xf32, #tpu.memory_space<hbm>>) dst(%arg21 : memref<80x128xf32, #tpu.memory_space<vmem>>)
      %dma_start3A_1874 = arith.constant 0 : i32
      %dma_start3A_1875 = arith.constant 0 : i32
      %dma_start3A_1876 = tpu.memref_slice %arg13[%dma_start3A_1874, %dma_start3A_1875] : memref<1x80xi32, #tpu.memory_space<vmem>> -> memref<1x80xi32, #tpu.memory_space<vmem>>
      %dma_start3A_1877 = tpu.memref_squeeze %dma_start3A_1876 : memref<1x80xi32, #tpu.memory_space<vmem>> -> memref<80xi32, #tpu.memory_space<vmem>>
      %dma_start3A_1878 = arith.constant 0 : i32
      %dma_start3A_1879 = arith.constant 0 : i32
      %dma_start3A_1880 = tpu.memref_slice %arg26[%dma_start3A_1878, %dma_start3A_1879] : memref<10240x128xf32, #tpu.memory_space<vmem_shared>> -> memref<10240x128xf32, #tpu.memory_space<vmem_shared>>
      tpu.enqueue_indirect_dma source(%arg21 : memref<80x128xf32, #tpu.memory_space<vmem>>) target(%dma_start3A_1880 : memref<10240x128xf32, #tpu.memory_space<vmem_shared>>) offsets(%dma_start3A_1877 : memref<80xi32, #tpu.memory_space<vmem>>) semaphore(%arg39 : memref<!tpu.dma_semaphore, #tpu.memory_space<semaphore_mem>>) {add = true}
      %dma_wait3A_1881 = arith.constant 0 : i32
      %dma_wait3A_1882 = arith.constant 0 : i32
      %dma_wait3A_1883 = tpu.memref_slice %arg13[%dma_wait3A_1881, %dma_wait3A_1882] : memref<1x80xi32, #tpu.memory_space<vmem>> -> memref<1x80xi32, #tpu.memory_space<vmem>>
      %dma_wait3A_1884 = tpu.memref_squeeze %dma_wait3A_1883 : memref<1x80xi32, #tpu.memory_space<vmem>> -> memref<80xi32, #tpu.memory_space<vmem>>
      %dma_wait3A_1885 = arith.constant 0 : i32
      %dma_wait3A_1886 = arith.constant 0 : i32
      %dma_wait3A_1887 = tpu.memref_slice %arg26[%dma_wait3A_1885, %dma_wait3A_1886] : memref<10240x128xf32, #tpu.memory_space<vmem_shared>> -> memref<10240x128xf32, #tpu.memory_space<vmem_shared>>
      tpu.wait_indirect_dma semaphore(%arg39 : memref<!tpu.dma_semaphore, #tpu.memory_space<semaphore_mem>>) src(%arg21 : memref<80x128xf32, #tpu.memory_space<vmem>>) dst(%dma_wait3A_1887 : memref<10240x128xf32, #tpu.memory_space<vmem_shared>>)
      %add3A_1888 = arith.constant 0 : i32
      %add3A_1889 = arith.addi %add3A_1866, %add3A_1888 : i32
      %add3A_1890 = arith.constant 8 : i32
      %add3A_1891 = arith.addi %add3A_1889, %add3A_1890 : i32
      %lt3A = arith.constant 125 : i32
      %lt3A_1892 = arith.cmpi slt, %add3A_1891, %lt3A : i32
      %convert_element_type3A = arith.extui %lt3A_1892 : i1 to i32
      %cond3A = arith.constant 0 : i32
      %cond3A_1893 = arith.cmpi ne, %convert_element_type3A, %cond3A : i32
      scf.if %cond3A_1893 {
        %add3A_2176 = arith.constant 0 : i32
        %add3A_2177 = arith.addi %add3A_1866, %add3A_2176 : i32
        %add3A_2178 = arith.constant 8 : i32
        %add3A_2179 = arith.addi %add3A_2177, %add3A_2178 : i32
        %mul3A_2180 = arith.constant 80 : i32
        %mul3A_2181 = arith.muli %add3A_2179, %mul3A_2180 : i32
        %add3A_2182 = arith.addi %mul3A_4, %mul3A_2181 : i32
        %dma_start3A_2183 = arith.constant 0 : i32
        %dma_start3A_2184 = arith.constant 0 : i32
        %dma_start3A_2185 = tpu.memref_slice %arg5[%dma_start3A_2183, %dma_start3A_2184] : memref<1x80xi32, #tpu.memory_space<vmem>> -> memref<1x80xi32, #tpu.memory_space<vmem>>
        %dma_start3A_2186 = tpu.memref_squeeze %dma_start3A_2185 : memref<1x80xi32, #tpu.memory_space<vmem>> -> memref<80xi32, #tpu.memory_space<vmem>>
        %dma_start3A_2187 = tpu.memref_slice %arg3[%add3A_2182] : memref<640000xi32, #tpu.memory_space<hbm>> -> memref<80xi32, #tpu.memory_space<hbm>>
        %dma_start3A_2188 = arith.constant 0 : i32
        %dma_start3A_2189 = tpu.memref_slice %arg5[%dma_start3A_2183, %dma_start3A_2188] : memref<1x80xi32, #tpu.memory_space<vmem>> -> memref<1x80xi32, #tpu.memory_space<vmem>>
        %dma_start3A_2190 = tpu.memref_squeeze %dma_start3A_2189 : memref<1x80xi32, #tpu.memory_space<vmem>> -> memref<80xi32, #tpu.memory_space<vmem>>
        %dma_start3A_2191 = tpu.memref_slice %arg3[%add3A_2182] : memref<640000xi32, #tpu.memory_space<hbm>> -> memref<80xi32, #tpu.memory_space<hbm>>
        tpu.enqueue_dma source(%dma_start3A_2191 : memref<80xi32, #tpu.memory_space<hbm>>) target(%dma_start3A_2190 : memref<80xi32, #tpu.memory_space<vmem>>) target_semaphore(%arg27 : memref<!tpu.dma_semaphore, #tpu.memory_space<semaphore_mem>>)
        %add3A_2192 = arith.constant 320000 : i32
        %add3A_2193 = arith.addi %add3A_2192, %mul3A_4 : i32
        %mul3A_2194 = arith.constant 80 : i32
        %mul3A_2195 = arith.muli %add3A_2179, %mul3A_2194 : i32
        %add3A_2196 = arith.addi %add3A_2193, %mul3A_2195 : i32
        %dma_start3A_2197 = arith.constant 0 : i32
        %dma_start3A_2198 = arith.constant 0 : i32
        %dma_start3A_2199 = tpu.memref_slice %arg13[%dma_start3A_2197, %dma_start3A_2198] : memref<1x80xi32, #tpu.memory_space<vmem>> -> memref<1x80xi32, #tpu.memory_space<vmem>>
        %dma_start3A_2200 = tpu.memref_squeeze %dma_start3A_2199 : memref<1x80xi32, #tpu.memory_space<vmem>> -> memref<80xi32, #tpu.memory_space<vmem>>
        %dma_start3A_2201 = tpu.memref_slice %arg3[%add3A_2196] : memref<640000xi32, #tpu.memory_space<hbm>> -> memref<80xi32, #tpu.memory_space<hbm>>
        %dma_start3A_2202 = arith.constant 0 : i32
        %dma_start3A_2203 = tpu.memref_slice %arg13[%dma_start3A_2197, %dma_start3A_2202] : memref<1x80xi32, #tpu.memory_space<vmem>> -> memref<1x80xi32, #tpu.memory_space<vmem>>
        %dma_start3A_2204 = tpu.memref_squeeze %dma_start3A_2203 : memref<1x80xi32, #tpu.memory_space<vmem>> -> memref<80xi32, #tpu.memory_space<vmem>>
        %dma_start3A_2205 = tpu.memref_slice %arg3[%add3A_2196] : memref<640000xi32, #tpu.memory_space<hbm>> -> memref<80xi32, #tpu.memory_space<hbm>>
        tpu.enqueue_dma source(%dma_start3A_2205 : memref<80xi32, #tpu.memory_space<hbm>>) target(%dma_start3A_2204 : memref<80xi32, #tpu.memory_space<vmem>>) target_semaphore(%arg27 : memref<!tpu.dma_semaphore, #tpu.memory_space<semaphore_mem>>)
      } else {
      }
      %add3A_1894 = arith.constant 0 : i32
      %add3A_1895 = arith.addi %add3A_1866, %add3A_1894 : i32
      %add3A_1896 = arith.constant 4 : i32
      %add3A_1897 = arith.addi %add3A_1895, %add3A_1896 : i32
      %lt3A_1898 = arith.constant 125 : i32
      %lt3A_1899 = arith.cmpi slt, %add3A_1897, %lt3A_1898 : i32
      %convert_element_type3A_1900 = arith.extui %lt3A_1899 : i1 to i32
      %cond3A_1901 = arith.constant 0 : i32
      %cond3A_1902 = arith.cmpi ne, %convert_element_type3A_1900, %cond3A_1901 : i32
      scf.if %cond3A_1902 {
        %dma_wait3A_2176 = arith.constant 0 : i32
        %dma_wait3A_2177 = arith.constant 0 : i32
        %dma_wait3A_2178 = tpu.memref_slice %arg9[%dma_wait3A_2176, %dma_wait3A_2177] : memref<1x80xi32, #tpu.memory_space<vmem>> -> memref<1x80xi32, #tpu.memory_space<vmem>>
        %dma_wait3A_2179 = tpu.memref_squeeze %dma_wait3A_2178 : memref<1x80xi32, #tpu.memory_space<vmem>> -> memref<80xi32, #tpu.memory_space<vmem>>
        %dma_wait3A_2180 = tpu.memref_slice %arg3[%mul3A_4] : memref<640000xi32, #tpu.memory_space<hbm>> -> memref<80xi32, #tpu.memory_space<hbm>>
        %dma_wait3A_2181 = arith.constant 0 : i32
        %dma_wait3A_2182 = tpu.memref_slice %arg9[%dma_wait3A_2176, %dma_wait3A_2181] : memref<1x80xi32, #tpu.memory_space<vmem>> -> memref<1x80xi32, #tpu.memory_space<vmem>>
        %dma_wait3A_2183 = tpu.memref_squeeze %dma_wait3A_2182 : memref<1x80xi32, #tpu.memory_space<vmem>> -> memref<80xi32, #tpu.memory_space<vmem>>
        %dma_wait3A_2184 = tpu.memref_slice %arg3[%mul3A_4] : memref<640000xi32, #tpu.memory_space<hbm>> -> memref<80xi32, #tpu.memory_space<hbm>>
        tpu.wait_dma2 semaphore(%arg31 : memref<!tpu.dma_semaphore, #tpu.memory_space<semaphore_mem>>) src(%dma_wait3A_2184 : memref<80xi32, #tpu.memory_space<hbm>>) dst(%dma_wait3A_2183 : memref<80xi32, #tpu.memory_space<vmem>>)
        %add3A_2185 = arith.constant 320000 : i32
        %add3A_2186 = arith.addi %add3A_2185, %mul3A_4 : i32
        %dma_wait3A_2187 = arith.constant 0 : i32
        %dma_wait3A_2188 = arith.constant 0 : i32
        %dma_wait3A_2189 = tpu.memref_slice %arg17[%dma_wait3A_2187, %dma_wait3A_2188] : memref<1x80xi32, #tpu.memory_space<vmem>> -> memref<1x80xi32, #tpu.memory_space<vmem>>
        %dma_wait3A_2190 = tpu.memref_squeeze %dma_wait3A_2189 : memref<1x80xi32, #tpu.memory_space<vmem>> -> memref<80xi32, #tpu.memory_space<vmem>>
        %dma_wait3A_2191 = tpu.memref_slice %arg3[%add3A_2186] : memref<640000xi32, #tpu.memory_space<hbm>> -> memref<80xi32, #tpu.memory_space<hbm>>
        %dma_wait3A_2192 = arith.constant 0 : i32
        %dma_wait3A_2193 = tpu.memref_slice %arg17[%dma_wait3A_2187, %dma_wait3A_2192] : memref<1x80xi32, #tpu.memory_space<vmem>> -> memref<1x80xi32, #tpu.memory_space<vmem>>
        %dma_wait3A_2194 = tpu.memref_squeeze %dma_wait3A_2193 : memref<1x80xi32, #tpu.memory_space<vmem>> -> memref<80xi32, #tpu.memory_space<vmem>>
        %dma_wait3A_2195 = tpu.memref_slice %arg3[%add3A_2186] : memref<640000xi32, #tpu.memory_space<hbm>> -> memref<80xi32, #tpu.memory_space<hbm>>
        tpu.wait_dma2 semaphore(%arg31 : memref<!tpu.dma_semaphore, #tpu.memory_space<semaphore_mem>>) src(%dma_wait3A_2195 : memref<80xi32, #tpu.memory_space<hbm>>) dst(%dma_wait3A_2194 : memref<80xi32, #tpu.memory_space<vmem>>)
        %dma_start3A_2196 = arith.constant 0 : i32
        %dma_start3A_2197 = arith.constant 0 : i32
        %dma_start3A_2198 = tpu.memref_slice %arg9[%dma_start3A_2196, %dma_start3A_2197] : memref<1x80xi32, #tpu.memory_space<vmem>> -> memref<1x80xi32, #tpu.memory_space<vmem>>
        %dma_start3A_2199 = tpu.memref_squeeze %dma_start3A_2198 : memref<1x80xi32, #tpu.memory_space<vmem>> -> memref<80xi32, #tpu.memory_space<vmem>>
        %dma_start3A_2200 = arith.constant 0 : i32
        %dma_start3A_2201 = arith.constant 0 : i32
        %dma_start3A_2202 = tpu.memref_slice %arg2[%dma_start3A_2200, %dma_start3A_2201] : memref<10240x128xf32, #tpu.memory_space<hbm>> -> memref<10240x128xf32, #tpu.memory_space<hbm>>
        tpu.enqueue_indirect_dma source(%dma_start3A_2202 : memref<10240x128xf32, #tpu.memory_space<hbm>>) target(%arg21 : memref<80x128xf32, #tpu.memory_space<vmem>>) offsets(%dma_start3A_2199 : memref<80xi32, #tpu.memory_space<vmem>>) semaphore(%arg35 : memref<!tpu.dma_semaphore, #tpu.memory_space<semaphore_mem>>)
      } else {
      }
      %dma_wait3A_1903 = arith.constant 0 : i32
      %dma_wait3A_1904 = arith.constant 0 : i32
      %dma_wait3A_1905 = tpu.memref_slice %arg5[%dma_wait3A_1903, %dma_wait3A_1904] : memref<1x80xi32, #tpu.memory_space<vmem>> -> memref<1x80xi32, #tpu.memory_space<vmem>>
      %dma_wait3A_1906 = tpu.memref_squeeze %dma_wait3A_1905 : memref<1x80xi32, #tpu.memory_space<vmem>> -> memref<80xi32, #tpu.memory_space<vmem>>
      %dma_wait3A_1907 = arith.constant 0 : i32
      %dma_wait3A_1908 = arith.constant 0 : i32
      %dma_wait3A_1909 = tpu.memref_slice %arg2[%dma_wait3A_1907, %dma_wait3A_1908] : memref<10240x128xf32, #tpu.memory_space<hbm>> -> memref<10240x128xf32, #tpu.memory_space<hbm>>
      tpu.wait_indirect_dma semaphore(%arg36 : memref<!tpu.dma_semaphore, #tpu.memory_space<semaphore_mem>>) src(%dma_wait3A_1909 : memref<10240x128xf32, #tpu.memory_space<hbm>>) dst(%arg22 : memref<80x128xf32, #tpu.memory_space<vmem>>)
      %dma_start3A_1910 = arith.constant 0 : i32
      %dma_start3A_1911 = arith.constant 0 : i32
      %dma_start3A_1912 = tpu.memref_slice %arg14[%dma_start3A_1910, %dma_start3A_1911] : memref<1x80xi32, #tpu.memory_space<vmem>> -> memref<1x80xi32, #tpu.memory_space<vmem>>
      %dma_start3A_1913 = tpu.memref_squeeze %dma_start3A_1912 : memref<1x80xi32, #tpu.memory_space<vmem>> -> memref<80xi32, #tpu.memory_space<vmem>>
      %dma_start3A_1914 = arith.constant 0 : i32
      %dma_start3A_1915 = arith.constant 0 : i32
      %dma_start3A_1916 = tpu.memref_slice %arg26[%dma_start3A_1914, %dma_start3A_1915] : memref<10240x128xf32, #tpu.memory_space<vmem_shared>> -> memref<10240x128xf32, #tpu.memory_space<vmem_shared>>
      tpu.enqueue_indirect_dma source(%arg22 : memref<80x128xf32, #tpu.memory_space<vmem>>) target(%dma_start3A_1916 : memref<10240x128xf32, #tpu.memory_space<vmem_shared>>) offsets(%dma_start3A_1913 : memref<80xi32, #tpu.memory_space<vmem>>) semaphore(%arg40 : memref<!tpu.dma_semaphore, #tpu.memory_space<semaphore_mem>>) {add = true}
      %dma_wait3A_1917 = arith.constant 0 : i32
      %dma_wait3A_1918 = arith.constant 0 : i32
      %dma_wait3A_1919 = tpu.memref_slice %arg13[%dma_wait3A_1917, %dma_wait3A_1918] : memref<1x80xi32, #tpu.memory_space<vmem>> -> memref<1x80xi32, #tpu.memory_space<vmem>>
      %dma_wait3A_1920 = tpu.memref_squeeze %dma_wait3A_1919 : memref<1x80xi32, #tpu.memory_space<vmem>> -> memref<80xi32, #tpu.memory_space<vmem>>
      %dma_wait3A_1921 = arith.constant 0 : i32
      %dma_wait3A_1922 = arith.constant 0 : i32
      %dma_wait3A_1923 = tpu.memref_slice %arg26[%dma_wait3A_1921, %dma_wait3A_1922] : memref<10240x128xf32, #tpu.memory_space<vmem_shared>> -> memref<10240x128xf32, #tpu.memory_space<vmem_shared>>
      tpu.wait_indirect_dma semaphore(%arg40 : memref<!tpu.dma_semaphore, #tpu.memory_space<semaphore_mem>>) src(%arg22 : memref<80x128xf32, #tpu.memory_space<vmem>>) dst(%dma_wait3A_1923 : memref<10240x128xf32, #tpu.memory_space<vmem_shared>>)
      %add3A_1924 = arith.constant 1 : i32
      %add3A_1925 = arith.addi %add3A_1866, %add3A_1924 : i32
      %add3A_1926 = arith.constant 8 : i32
      %add3A_1927 = arith.addi %add3A_1925, %add3A_1926 : i32
      %lt3A_1928 = arith.constant 125 : i32
      %lt3A_1929 = arith.cmpi slt, %add3A_1927, %lt3A_1928 : i32
      %convert_element_type3A_1930 = arith.extui %lt3A_1929 : i1 to i32
      %cond3A_1931 = arith.constant 0 : i32
      %cond3A_1932 = arith.cmpi ne, %convert_element_type3A_1930, %cond3A_1931 : i32
      scf.if %cond3A_1932 {
        %add3A_2176 = arith.constant 1 : i32
        %add3A_2177 = arith.addi %add3A_1866, %add3A_2176 : i32
        %add3A_2178 = arith.constant 8 : i32
        %add3A_2179 = arith.addi %add3A_2177, %add3A_2178 : i32
        %mul3A_2180 = arith.constant 80 : i32
        %mul3A_2181 = arith.muli %add3A_2179, %mul3A_2180 : i32
        %add3A_2182 = arith.addi %mul3A_4, %mul3A_2181 : i32
        %dma_start3A_2183 = arith.constant 0 : i32
        %dma_start3A_2184 = arith.constant 0 : i32
        %dma_start3A_2185 = tpu.memref_slice %arg6[%dma_start3A_2183, %dma_start3A_2184] : memref<1x80xi32, #tpu.memory_space<vmem>> -> memref<1x80xi32, #tpu.memory_space<vmem>>
        %dma_start3A_2186 = tpu.memref_squeeze %dma_start3A_2185 : memref<1x80xi32, #tpu.memory_space<vmem>> -> memref<80xi32, #tpu.memory_space<vmem>>
        %dma_start3A_2187 = tpu.memref_slice %arg3[%add3A_2182] : memref<640000xi32, #tpu.memory_space<hbm>> -> memref<80xi32, #tpu.memory_space<hbm>>
        %dma_start3A_2188 = arith.constant 0 : i32
        %dma_start3A_2189 = tpu.memref_slice %arg6[%dma_start3A_2183, %dma_start3A_2188] : memref<1x80xi32, #tpu.memory_space<vmem>> -> memref<1x80xi32, #tpu.memory_space<vmem>>
        %dma_start3A_2190 = tpu.memref_squeeze %dma_start3A_2189 : memref<1x80xi32, #tpu.memory_space<vmem>> -> memref<80xi32, #tpu.memory_space<vmem>>
        %dma_start3A_2191 = tpu.memref_slice %arg3[%add3A_2182] : memref<640000xi32, #tpu.memory_space<hbm>> -> memref<80xi32, #tpu.memory_space<hbm>>
        tpu.enqueue_dma source(%dma_start3A_2191 : memref<80xi32, #tpu.memory_space<hbm>>) target(%dma_start3A_2190 : memref<80xi32, #tpu.memory_space<vmem>>) target_semaphore(%arg28 : memref<!tpu.dma_semaphore, #tpu.memory_space<semaphore_mem>>)
        %add3A_2192 = arith.constant 320000 : i32
        %add3A_2193 = arith.addi %add3A_2192, %mul3A_4 : i32
        %mul3A_2194 = arith.constant 80 : i32
        %mul3A_2195 = arith.muli %add3A_2179, %mul3A_2194 : i32
        %add3A_2196 = arith.addi %add3A_2193, %mul3A_2195 : i32
        %dma_start3A_2197 = arith.constant 0 : i32
        %dma_start3A_2198 = arith.constant 0 : i32
        %dma_start3A_2199 = tpu.memref_slice %arg14[%dma_start3A_2197, %dma_start3A_2198] : memref<1x80xi32, #tpu.memory_space<vmem>> -> memref<1x80xi32, #tpu.memory_space<vmem>>
        %dma_start3A_2200 = tpu.memref_squeeze %dma_start3A_2199 : memref<1x80xi32, #tpu.memory_space<vmem>> -> memref<80xi32, #tpu.memory_space<vmem>>
        %dma_start3A_2201 = tpu.memref_slice %arg3[%add3A_2196] : memref<640000xi32, #tpu.memory_space<hbm>> -> memref<80xi32, #tpu.memory_space<hbm>>
        %dma_start3A_2202 = arith.constant 0 : i32
        %dma_start3A_2203 = tpu.memref_slice %arg14[%dma_start3A_2197, %dma_start3A_2202] : memref<1x80xi32, #tpu.memory_space<vmem>> -> memref<1x80xi32, #tpu.memory_space<vmem>>
        %dma_start3A_2204 = tpu.memref_squeeze %dma_start3A_2203 : memref<1x80xi32, #tpu.memory_space<vmem>> -> memref<80xi32, #tpu.memory_space<vmem>>
        %dma_start3A_2205 = tpu.memref_slice %arg3[%add3A_2196] : memref<640000xi32, #tpu.memory_space<hbm>> -> memref<80xi32, #tpu.memory_space<hbm>>
        tpu.enqueue_dma source(%dma_start3A_2205 : memref<80xi32, #tpu.memory_space<hbm>>) target(%dma_start3A_2204 : memref<80xi32, #tpu.memory_space<vmem>>) target_semaphore(%arg28 : memref<!tpu.dma_semaphore, #tpu.memory_space<semaphore_mem>>)
      } else {
      }
      %add3A_1933 = arith.constant 1 : i32
      %add3A_1934 = arith.addi %add3A_1866, %add3A_1933 : i32
      %add3A_1935 = arith.constant 4 : i32
      %add3A_1936 = arith.addi %add3A_1934, %add3A_1935 : i32
      %lt3A_1937 = arith.constant 125 : i32
      %lt3A_1938 = arith.cmpi slt, %add3A_1936, %lt3A_1937 : i32
      %convert_element_type3A_1939 = arith.extui %lt3A_1938 : i1 to i32
      %cond3A_1940 = arith.constant 0 : i32
      %cond3A_1941 = arith.cmpi ne, %convert_element_type3A_1939, %cond3A_1940 : i32
      scf.if %cond3A_1941 {
        %dma_wait3A_2176 = arith.constant 0 : i32
        %dma_wait3A_2177 = arith.constant 0 : i32
        %dma_wait3A_2178 = tpu.memref_slice %arg10[%dma_wait3A_2176, %dma_wait3A_2177] : memref<1x80xi32, #tpu.memory_space<vmem>> -> memref<1x80xi32, #tpu.memory_space<vmem>>
        %dma_wait3A_2179 = tpu.memref_squeeze %dma_wait3A_2178 : memref<1x80xi32, #tpu.memory_space<vmem>> -> memref<80xi32, #tpu.memory_space<vmem>>
        %dma_wait3A_2180 = tpu.memref_slice %arg3[%mul3A_4] : memref<640000xi32, #tpu.memory_space<hbm>> -> memref<80xi32, #tpu.memory_space<hbm>>
        %dma_wait3A_2181 = arith.constant 0 : i32
        %dma_wait3A_2182 = tpu.memref_slice %arg10[%dma_wait3A_2176, %dma_wait3A_2181] : memref<1x80xi32, #tpu.memory_space<vmem>> -> memref<1x80xi32, #tpu.memory_space<vmem>>
        %dma_wait3A_2183 = tpu.memref_squeeze %dma_wait3A_2182 : memref<1x80xi32, #tpu.memory_space<vmem>> -> memref<80xi32, #tpu.memory_space<vmem>>
        %dma_wait3A_2184 = tpu.memref_slice %arg3[%mul3A_4] : memref<640000xi32, #tpu.memory_space<hbm>> -> memref<80xi32, #tpu.memory_space<hbm>>
        tpu.wait_dma2 semaphore(%arg32 : memref<!tpu.dma_semaphore, #tpu.memory_space<semaphore_mem>>) src(%dma_wait3A_2184 : memref<80xi32, #tpu.memory_space<hbm>>) dst(%dma_wait3A_2183 : memref<80xi32, #tpu.memory_space<vmem>>)
        %add3A_2185 = arith.constant 320000 : i32
        %add3A_2186 = arith.addi %add3A_2185, %mul3A_4 : i32
        %dma_wait3A_2187 = arith.constant 0 : i32
        %dma_wait3A_2188 = arith.constant 0 : i32
        %dma_wait3A_2189 = tpu.memref_slice %arg18[%dma_wait3A_2187, %dma_wait3A_2188] : memref<1x80xi32, #tpu.memory_space<vmem>> -> memref<1x80xi32, #tpu.memory_space<vmem>>
        %dma_wait3A_2190 = tpu.memref_squeeze %dma_wait3A_2189 : memref<1x80xi32, #tpu.memory_space<vmem>> -> memref<80xi32, #tpu.memory_space<vmem>>
        %dma_wait3A_2191 = tpu.memref_slice %arg3[%add3A_2186] : memref<640000xi32, #tpu.memory_space<hbm>> -> memref<80xi32, #tpu.memory_space<hbm>>
        %dma_wait3A_2192 = arith.constant 0 : i32
        %dma_wait3A_2193 = tpu.memref_slice %arg18[%dma_wait3A_2187, %dma_wait3A_2192] : memref<1x80xi32, #tpu.memory_space<vmem>> -> memref<1x80xi32, #tpu.memory_space<vmem>>
        %dma_wait3A_2194 = tpu.memref_squeeze %dma_wait3A_2193 : memref<1x80xi32, #tpu.memory_space<vmem>> -> memref<80xi32, #tpu.memory_space<vmem>>
        %dma_wait3A_2195 = tpu.memref_slice %arg3[%add3A_2186] : memref<640000xi32, #tpu.memory_space<hbm>> -> memref<80xi32, #tpu.memory_space<hbm>>
        tpu.wait_dma2 semaphore(%arg32 : memref<!tpu.dma_semaphore, #tpu.memory_space<semaphore_mem>>) src(%dma_wait3A_2195 : memref<80xi32, #tpu.memory_space<hbm>>) dst(%dma_wait3A_2194 : memref<80xi32, #tpu.memory_space<vmem>>)
        %dma_start3A_2196 = arith.constant 0 : i32
        %dma_start3A_2197 = arith.constant 0 : i32
        %dma_start3A_2198 = tpu.memref_slice %arg10[%dma_start3A_2196, %dma_start3A_2197] : memref<1x80xi32, #tpu.memory_space<vmem>> -> memref<1x80xi32, #tpu.memory_space<vmem>>
        %dma_start3A_2199 = tpu.memref_squeeze %dma_start3A_2198 : memref<1x80xi32, #tpu.memory_space<vmem>> -> memref<80xi32, #tpu.memory_space<vmem>>
        %dma_start3A_2200 = arith.constant 0 : i32
        %dma_start3A_2201 = arith.constant 0 : i32
        %dma_start3A_2202 = tpu.memref_slice %arg2[%dma_start3A_2200, %dma_start3A_2201] : memref<10240x128xf32, #tpu.memory_space<hbm>> -> memref<10240x128xf32, #tpu.memory_space<hbm>>
        tpu.enqueue_indirect_dma source(%dma_start3A_2202 : memref<10240x128xf32, #tpu.memory_space<hbm>>) target(%arg22 : memref<80x128xf32, #tpu.memory_space<vmem>>) offsets(%dma_start3A_2199 : memref<80xi32, #tpu.memory_space<vmem>>) semaphore(%arg36 : memref<!tpu.dma_semaphore, #tpu.memory_space<semaphore_mem>>)
      } else {
      }
      %dma_wait3A_1942 = arith.constant 0 : i32
      %dma_wait3A_1943 = arith.constant 0 : i32
      %dma_wait3A_1944 = tpu.memref_slice %arg5[%dma_wait3A_1942, %dma_wait3A_1943] : memref<1x80xi32, #tpu.memory_space<vmem>> -> memref<1x80xi32, #tpu.memory_space<vmem>>
      %dma_wait3A_1945 = tpu.memref_squeeze %dma_wait3A_1944 : memref<1x80xi32, #tpu.memory_space<vmem>> -> memref<80xi32, #tpu.memory_space<vmem>>
      %dma_wait3A_1946 = arith.constant 0 : i32
      %dma_wait3A_1947 = arith.constant 0 : i32
      %dma_wait3A_1948 = tpu.memref_slice %arg2[%dma_wait3A_1946, %dma_wait3A_1947] : memref<10240x128xf32, #tpu.memory_space<hbm>> -> memref<10240x128xf32, #tpu.memory_space<hbm>>
      tpu.wait_indirect_dma semaphore(%arg37 : memref<!tpu.dma_semaphore, #tpu.memory_space<semaphore_mem>>) src(%dma_wait3A_1948 : memref<10240x128xf32, #tpu.memory_space<hbm>>) dst(%arg23 : memref<80x128xf32, #tpu.memory_space<vmem>>)
      %dma_start3A_1949 = arith.constant 0 : i32
      %dma_start3A_1950 = arith.constant 0 : i32
      %dma_start3A_1951 = tpu.memref_slice %arg15[%dma_start3A_1949, %dma_start3A_1950] : memref<1x80xi32, #tpu.memory_space<vmem>> -> memref<1x80xi32, #tpu.memory_space<vmem>>
      %dma_start3A_1952 = tpu.memref_squeeze %dma_start3A_1951 : memref<1x80xi32, #tpu.memory_space<vmem>> -> memref<80xi32, #tpu.memory_space<vmem>>
      %dma_start3A_1953 = arith.constant 0 : i32
      %dma_start3A_1954 = arith.constant 0 : i32
      %dma_start3A_1955 = tpu.memref_slice %arg26[%dma_start3A_1953, %dma_start3A_1954] : memref<10240x128xf32, #tpu.memory_space<vmem_shared>> -> memref<10240x128xf32, #tpu.memory_space<vmem_shared>>
      tpu.enqueue_indirect_dma source(%arg23 : memref<80x128xf32, #tpu.memory_space<vmem>>) target(%dma_start3A_1955 : memref<10240x128xf32, #tpu.memory_space<vmem_shared>>) offsets(%dma_start3A_1952 : memref<80xi32, #tpu.memory_space<vmem>>) semaphore(%arg41 : memref<!tpu.dma_semaphore, #tpu.memory_space<semaphore_mem>>) {add = true}
      %dma_wait3A_1956 = arith.constant 0 : i32
      %dma_wait3A_1957 = arith.constant 0 : i32
      %dma_wait3A_1958 = tpu.memref_slice %arg13[%dma_wait3A_1956, %dma_wait3A_1957] : memref<1x80xi32, #tpu.memory_space<vmem>> -> memref<1x80xi32, #tpu.memory_space<vmem>>
      %dma_wait3A_1959 = tpu.memref_squeeze %dma_wait3A_1958 : memref<1x80xi32, #tpu.memory_space<vmem>> -> memref<80xi32, #tpu.memory_space<vmem>>
      %dma_wait3A_1960 = arith.constant 0 : i32
      %dma_wait3A_1961 = arith.constant 0 : i32
      %dma_wait3A_1962 = tpu.memref_slice %arg26[%dma_wait3A_1960, %dma_wait3A_1961] : memref<10240x128xf32, #tpu.memory_space<vmem_shared>> -> memref<10240x128xf32, #tpu.memory_space<vmem_shared>>
      tpu.wait_indirect_dma semaphore(%arg41 : memref<!tpu.dma_semaphore, #tpu.memory_space<semaphore_mem>>) src(%arg23 : memref<80x128xf32, #tpu.memory_space<vmem>>) dst(%dma_wait3A_1962 : memref<10240x128xf32, #tpu.memory_space<vmem_shared>>)
      %add3A_1963 = arith.constant 2 : i32
      %add3A_1964 = arith.addi %add3A_1866, %add3A_1963 : i32
      %add3A_1965 = arith.constant 8 : i32
      %add3A_1966 = arith.addi %add3A_1964, %add3A_1965 : i32
      %lt3A_1967 = arith.constant 125 : i32
      %lt3A_1968 = arith.cmpi slt, %add3A_1966, %lt3A_1967 : i32
      %convert_element_type3A_1969 = arith.extui %lt3A_1968 : i1 to i32
      %cond3A_1970 = arith.constant 0 : i32
      %cond3A_1971 = arith.cmpi ne, %convert_element_type3A_1969, %cond3A_1970 : i32
      scf.if %cond3A_1971 {
        %add3A_2176 = arith.constant 2 : i32
        %add3A_2177 = arith.addi %add3A_1866, %add3A_2176 : i32
        %add3A_2178 = arith.constant 8 : i32
        %add3A_2179 = arith.addi %add3A_2177, %add3A_2178 : i32
        %mul3A_2180 = arith.constant 80 : i32
        %mul3A_2181 = arith.muli %add3A_2179, %mul3A_2180 : i32
        %add3A_2182 = arith.addi %mul3A_4, %mul3A_2181 : i32
        %dma_start3A_2183 = arith.constant 0 : i32
        %dma_start3A_2184 = arith.constant 0 : i32
        %dma_start3A_2185 = tpu.memref_slice %arg7[%dma_start3A_2183, %dma_start3A_2184] : memref<1x80xi32, #tpu.memory_space<vmem>> -> memref<1x80xi32, #tpu.memory_space<vmem>>
        %dma_start3A_2186 = tpu.memref_squeeze %dma_start3A_2185 : memref<1x80xi32, #tpu.memory_space<vmem>> -> memref<80xi32, #tpu.memory_space<vmem>>
        %dma_start3A_2187 = tpu.memref_slice %arg3[%add3A_2182] : memref<640000xi32, #tpu.memory_space<hbm>> -> memref<80xi32, #tpu.memory_space<hbm>>
        %dma_start3A_2188 = arith.constant 0 : i32
        %dma_start3A_2189 = tpu.memref_slice %arg7[%dma_start3A_2183, %dma_start3A_2188] : memref<1x80xi32, #tpu.memory_space<vmem>> -> memref<1x80xi32, #tpu.memory_space<vmem>>
        %dma_start3A_2190 = tpu.memref_squeeze %dma_start3A_2189 : memref<1x80xi32, #tpu.memory_space<vmem>> -> memref<80xi32, #tpu.memory_space<vmem>>
        %dma_start3A_2191 = tpu.memref_slice %arg3[%add3A_2182] : memref<640000xi32, #tpu.memory_space<hbm>> -> memref<80xi32, #tpu.memory_space<hbm>>
        tpu.enqueue_dma source(%dma_start3A_2191 : memref<80xi32, #tpu.memory_space<hbm>>) target(%dma_start3A_2190 : memref<80xi32, #tpu.memory_space<vmem>>) target_semaphore(%arg29 : memref<!tpu.dma_semaphore, #tpu.memory_space<semaphore_mem>>)
        %add3A_2192 = arith.constant 320000 : i32
        %add3A_2193 = arith.addi %add3A_2192, %mul3A_4 : i32
        %mul3A_2194 = arith.constant 80 : i32
        %mul3A_2195 = arith.muli %add3A_2179, %mul3A_2194 : i32
        %add3A_2196 = arith.addi %add3A_2193, %mul3A_2195 : i32
        %dma_start3A_2197 = arith.constant 0 : i32
        %dma_start3A_2198 = arith.constant 0 : i32
        %dma_start3A_2199 = tpu.memref_slice %arg15[%dma_start3A_2197, %dma_start3A_2198] : memref<1x80xi32, #tpu.memory_space<vmem>> -> memref<1x80xi32, #tpu.memory_space<vmem>>
        %dma_start3A_2200 = tpu.memref_squeeze %dma_start3A_2199 : memref<1x80xi32, #tpu.memory_space<vmem>> -> memref<80xi32, #tpu.memory_space<vmem>>
        %dma_start3A_2201 = tpu.memref_slice %arg3[%add3A_2196] : memref<640000xi32, #tpu.memory_space<hbm>> -> memref<80xi32, #tpu.memory_space<hbm>>
        %dma_start3A_2202 = arith.constant 0 : i32
        %dma_start3A_2203 = tpu.memref_slice %arg15[%dma_start3A_2197, %dma_start3A_2202] : memref<1x80xi32, #tpu.memory_space<vmem>> -> memref<1x80xi32, #tpu.memory_space<vmem>>
        %dma_start3A_2204 = tpu.memref_squeeze %dma_start3A_2203 : memref<1x80xi32, #tpu.memory_space<vmem>> -> memref<80xi32, #tpu.memory_space<vmem>>
        %dma_start3A_2205 = tpu.memref_slice %arg3[%add3A_2196] : memref<640000xi32, #tpu.memory_space<hbm>> -> memref<80xi32, #tpu.memory_space<hbm>>
        tpu.enqueue_dma source(%dma_start3A_2205 : memref<80xi32, #tpu.memory_space<hbm>>) target(%dma_start3A_2204 : memref<80xi32, #tpu.memory_space<vmem>>) target_semaphore(%arg29 : memref<!tpu.dma_semaphore, #tpu.memory_space<semaphore_mem>>)
      } else {
      }
      %add3A_1972 = arith.constant 2 : i32
      %add3A_1973 = arith.addi %add3A_1866, %add3A_1972 : i32
      %add3A_1974 = arith.constant 4 : i32
      %add3A_1975 = arith.addi %add3A_1973, %add3A_1974 : i32
      %lt3A_1976 = arith.constant 125 : i32
      %lt3A_1977 = arith.cmpi slt, %add3A_1975, %lt3A_1976 : i32
      %convert_element_type3A_1978 = arith.extui %lt3A_1977 : i1 to i32
      %cond3A_1979 = arith.constant 0 : i32
      %cond3A_1980 = arith.cmpi ne, %convert_element_type3A_1978, %cond3A_1979 : i32
      scf.if %cond3A_1980 {
        %dma_wait3A_2176 = arith.constant 0 : i32
        %dma_wait3A_2177 = arith.constant 0 : i32
        %dma_wait3A_2178 = tpu.memref_slice %arg11[%dma_wait3A_2176, %dma_wait3A_2177] : memref<1x80xi32, #tpu.memory_space<vmem>> -> memref<1x80xi32, #tpu.memory_space<vmem>>
        %dma_wait3A_2179 = tpu.memref_squeeze %dma_wait3A_2178 : memref<1x80xi32, #tpu.memory_space<vmem>> -> memref<80xi32, #tpu.memory_space<vmem>>
        %dma_wait3A_2180 = tpu.memref_slice %arg3[%mul3A_4] : memref<640000xi32, #tpu.memory_space<hbm>> -> memref<80xi32, #tpu.memory_space<hbm>>
        %dma_wait3A_2181 = arith.constant 0 : i32
        %dma_wait3A_2182 = tpu.memref_slice %arg11[%dma_wait3A_2176, %dma_wait3A_2181] : memref<1x80xi32, #tpu.memory_space<vmem>> -> memref<1x80xi32, #tpu.memory_space<vmem>>
        %dma_wait3A_2183 = tpu.memref_squeeze %dma_wait3A_2182 : memref<1x80xi32, #tpu.memory_space<vmem>> -> memref<80xi32, #tpu.memory_space<vmem>>
        %dma_wait3A_2184 = tpu.memref_slice %arg3[%mul3A_4] : memref<640000xi32, #tpu.memory_space<hbm>> -> memref<80xi32, #tpu.memory_space<hbm>>
        tpu.wait_dma2 semaphore(%arg33 : memref<!tpu.dma_semaphore, #tpu.memory_space<semaphore_mem>>) src(%dma_wait3A_2184 : memref<80xi32, #tpu.memory_space<hbm>>) dst(%dma_wait3A_2183 : memref<80xi32, #tpu.memory_space<vmem>>)
        %add3A_2185 = arith.constant 320000 : i32
        %add3A_2186 = arith.addi %add3A_2185, %mul3A_4 : i32
        %dma_wait3A_2187 = arith.constant 0 : i32
        %dma_wait3A_2188 = arith.constant 0 : i32
        %dma_wait3A_2189 = tpu.memref_slice %arg19[%dma_wait3A_2187, %dma_wait3A_2188] : memref<1x80xi32, #tpu.memory_space<vmem>> -> memref<1x80xi32, #tpu.memory_space<vmem>>
        %dma_wait3A_2190 = tpu.memref_squeeze %dma_wait3A_2189 : memref<1x80xi32, #tpu.memory_space<vmem>> -> memref<80xi32, #tpu.memory_space<vmem>>
        %dma_wait3A_2191 = tpu.memref_slice %arg3[%add3A_2186] : memref<640000xi32, #tpu.memory_space<hbm>> -> memref<80xi32, #tpu.memory_space<hbm>>
        %dma_wait3A_2192 = arith.constant 0 : i32
        %dma_wait3A_2193 = tpu.memref_slice %arg19[%dma_wait3A_2187, %dma_wait3A_2192] : memref<1x80xi32, #tpu.memory_space<vmem>> -> memref<1x80xi32, #tpu.memory_space<vmem>>
        %dma_wait3A_2194 = tpu.memref_squeeze %dma_wait3A_2193 : memref<1x80xi32, #tpu.memory_space<vmem>> -> memref<80xi32, #tpu.memory_space<vmem>>
        %dma_wait3A_2195 = tpu.memref_slice %arg3[%add3A_2186] : memref<640000xi32, #tpu.memory_space<hbm>> -> memref<80xi32, #tpu.memory_space<hbm>>
        tpu.wait_dma2 semaphore(%arg33 : memref<!tpu.dma_semaphore, #tpu.memory_space<semaphore_mem>>) src(%dma_wait3A_2195 : memref<80xi32, #tpu.memory_space<hbm>>) dst(%dma_wait3A_2194 : memref<80xi32, #tpu.memory_space<vmem>>)
        %dma_start3A_2196 = arith.constant 0 : i32
        %dma_start3A_2197 = arith.constant 0 : i32
        %dma_start3A_2198 = tpu.memref_slice %arg11[%dma_start3A_2196, %dma_start3A_2197] : memref<1x80xi32, #tpu.memory_space<vmem>> -> memref<1x80xi32, #tpu.memory_space<vmem>>
        %dma_start3A_2199 = tpu.memref_squeeze %dma_start3A_2198 : memref<1x80xi32, #tpu.memory_space<vmem>> -> memref<80xi32, #tpu.memory_space<vmem>>
        %dma_start3A_2200 = arith.constant 0 : i32
        %dma_start3A_2201 = arith.constant 0 : i32
        %dma_start3A_2202 = tpu.memref_slice %arg2[%dma_start3A_2200, %dma_start3A_2201] : memref<10240x128xf32, #tpu.memory_space<hbm>> -> memref<10240x128xf32, #tpu.memory_space<hbm>>
        tpu.enqueue_indirect_dma source(%dma_start3A_2202 : memref<10240x128xf32, #tpu.memory_space<hbm>>) target(%arg23 : memref<80x128xf32, #tpu.memory_space<vmem>>) offsets(%dma_start3A_2199 : memref<80xi32, #tpu.memory_space<vmem>>) semaphore(%arg37 : memref<!tpu.dma_semaphore, #tpu.memory_space<semaphore_mem>>)
      } else {
      }
      %dma_wait3A_1981 = arith.constant 0 : i32
      %dma_wait3A_1982 = arith.constant 0 : i32
      %dma_wait3A_1983 = tpu.memref_slice %arg5[%dma_wait3A_1981, %dma_wait3A_1982] : memref<1x80xi32, #tpu.memory_space<vmem>> -> memref<1x80xi32, #tpu.memory_space<vmem>>
      %dma_wait3A_1984 = tpu.memref_squeeze %dma_wait3A_1983 : memref<1x80xi32, #tpu.memory_space<vmem>> -> memref<80xi32, #tpu.memory_space<vmem>>
      %dma_wait3A_1985 = arith.constant 0 : i32
      %dma_wait3A_1986 = arith.constant 0 : i32
      %dma_wait3A_1987 = tpu.memref_slice %arg2[%dma_wait3A_1985, %dma_wait3A_1986] : memref<10240x128xf32, #tpu.memory_space<hbm>> -> memref<10240x128xf32, #tpu.memory_space<hbm>>
      tpu.wait_indirect_dma semaphore(%arg38 : memref<!tpu.dma_semaphore, #tpu.memory_space<semaphore_mem>>) src(%dma_wait3A_1987 : memref<10240x128xf32, #tpu.memory_space<hbm>>) dst(%arg24 : memref<80x128xf32, #tpu.memory_space<vmem>>)
      %dma_start3A_1988 = arith.constant 0 : i32
      %dma_start3A_1989 = arith.constant 0 : i32
      %dma_start3A_1990 = tpu.memref_slice %arg16[%dma_start3A_1988, %dma_start3A_1989] : memref<1x80xi32, #tpu.memory_space<vmem>> -> memref<1x80xi32, #tpu.memory_space<vmem>>
      %dma_start3A_1991 = tpu.memref_squeeze %dma_start3A_1990 : memref<1x80xi32, #tpu.memory_space<vmem>> -> memref<80xi32, #tpu.memory_space<vmem>>
      %dma_start3A_1992 = arith.constant 0 : i32
      %dma_start3A_1993 = arith.constant 0 : i32
      %dma_start3A_1994 = tpu.memref_slice %arg26[%dma_start3A_1992, %dma_start3A_1993] : memref<10240x128xf32, #tpu.memory_space<vmem_shared>> -> memref<10240x128xf32, #tpu.memory_space<vmem_shared>>
      tpu.enqueue_indirect_dma source(%arg24 : memref<80x128xf32, #tpu.memory_space<vmem>>) target(%dma_start3A_1994 : memref<10240x128xf32, #tpu.memory_space<vmem_shared>>) offsets(%dma_start3A_1991 : memref<80xi32, #tpu.memory_space<vmem>>) semaphore(%arg42 : memref<!tpu.dma_semaphore, #tpu.memory_space<semaphore_mem>>) {add = true}
      %dma_wait3A_1995 = arith.constant 0 : i32
      %dma_wait3A_1996 = arith.constant 0 : i32
      %dma_wait3A_1997 = tpu.memref_slice %arg13[%dma_wait3A_1995, %dma_wait3A_1996] : memref<1x80xi32, #tpu.memory_space<vmem>> -> memref<1x80xi32, #tpu.memory_space<vmem>>
      %dma_wait3A_1998 = tpu.memref_squeeze %dma_wait3A_1997 : memref<1x80xi32, #tpu.memory_space<vmem>> -> memref<80xi32, #tpu.memory_space<vmem>>
      %dma_wait3A_1999 = arith.constant 0 : i32
      %dma_wait3A_2000 = arith.constant 0 : i32
      %dma_wait3A_2001 = tpu.memref_slice %arg26[%dma_wait3A_1999, %dma_wait3A_2000] : memref<10240x128xf32, #tpu.memory_space<vmem_shared>> -> memref<10240x128xf32, #tpu.memory_space<vmem_shared>>
      tpu.wait_indirect_dma semaphore(%arg42 : memref<!tpu.dma_semaphore, #tpu.memory_space<semaphore_mem>>) src(%arg24 : memref<80x128xf32, #tpu.memory_space<vmem>>) dst(%dma_wait3A_2001 : memref<10240x128xf32, #tpu.memory_space<vmem_shared>>)
      %add3A_2002 = arith.constant 3 : i32
      %add3A_2003 = arith.addi %add3A_1866, %add3A_2002 : i32
      %add3A_2004 = arith.constant 8 : i32
      %add3A_2005 = arith.addi %add3A_2003, %add3A_2004 : i32
      %lt3A_2006 = arith.constant 125 : i32
      %lt3A_2007 = arith.cmpi slt, %add3A_2005, %lt3A_2006 : i32
      %convert_element_type3A_2008 = arith.extui %lt3A_2007 : i1 to i32
      %cond3A_2009 = arith.constant 0 : i32
      %cond3A_2010 = arith.cmpi ne, %convert_element_type3A_2008, %cond3A_2009 : i32
      scf.if %cond3A_2010 {
        %add3A_2176 = arith.constant 3 : i32
        %add3A_2177 = arith.addi %add3A_1866, %add3A_2176 : i32
        %add3A_2178 = arith.constant 8 : i32
        %add3A_2179 = arith.addi %add3A_2177, %add3A_2178 : i32
        %mul3A_2180 = arith.constant 80 : i32
        %mul3A_2181 = arith.muli %add3A_2179, %mul3A_2180 : i32
        %add3A_2182 = arith.addi %mul3A_4, %mul3A_2181 : i32
        %dma_start3A_2183 = arith.constant 0 : i32
        %dma_start3A_2184 = arith.constant 0 : i32
        %dma_start3A_2185 = tpu.memref_slice %arg8[%dma_start3A_2183, %dma_start3A_2184] : memref<1x80xi32, #tpu.memory_space<vmem>> -> memref<1x80xi32, #tpu.memory_space<vmem>>
        %dma_start3A_2186 = tpu.memref_squeeze %dma_start3A_2185 : memref<1x80xi32, #tpu.memory_space<vmem>> -> memref<80xi32, #tpu.memory_space<vmem>>
        %dma_start3A_2187 = tpu.memref_slice %arg3[%add3A_2182] : memref<640000xi32, #tpu.memory_space<hbm>> -> memref<80xi32, #tpu.memory_space<hbm>>
        %dma_start3A_2188 = arith.constant 0 : i32
        %dma_start3A_2189 = tpu.memref_slice %arg8[%dma_start3A_2183, %dma_start3A_2188] : memref<1x80xi32, #tpu.memory_space<vmem>> -> memref<1x80xi32, #tpu.memory_space<vmem>>
        %dma_start3A_2190 = tpu.memref_squeeze %dma_start3A_2189 : memref<1x80xi32, #tpu.memory_space<vmem>> -> memref<80xi32, #tpu.memory_space<vmem>>
        %dma_start3A_2191 = tpu.memref_slice %arg3[%add3A_2182] : memref<640000xi32, #tpu.memory_space<hbm>> -> memref<80xi32, #tpu.memory_space<hbm>>
        tpu.enqueue_dma source(%dma_start3A_2191 : memref<80xi32, #tpu.memory_space<hbm>>) target(%dma_start3A_2190 : memref<80xi32, #tpu.memory_space<vmem>>) target_semaphore(%arg30 : memref<!tpu.dma_semaphore, #tpu.memory_space<semaphore_mem>>)
        %add3A_2192 = arith.constant 320000 : i32
        %add3A_2193 = arith.addi %add3A_2192, %mul3A_4 : i32
        %mul3A_2194 = arith.constant 80 : i32
        %mul3A_2195 = arith.muli %add3A_2179, %mul3A_2194 : i32
        %add3A_2196 = arith.addi %add3A_2193, %mul3A_2195 : i32
        %dma_start3A_2197 = arith.constant 0 : i32
        %dma_start3A_2198 = arith.constant 0 : i32
        %dma_start3A_2199 = tpu.memref_slice %arg16[%dma_start3A_2197, %dma_start3A_2198] : memref<1x80xi32, #tpu.memory_space<vmem>> -> memref<1x80xi32, #tpu.memory_space<vmem>>
        %dma_start3A_2200 = tpu.memref_squeeze %dma_start3A_2199 : memref<1x80xi32, #tpu.memory_space<vmem>> -> memref<80xi32, #tpu.memory_space<vmem>>
        %dma_start3A_2201 = tpu.memref_slice %arg3[%add3A_2196] : memref<640000xi32, #tpu.memory_space<hbm>> -> memref<80xi32, #tpu.memory_space<hbm>>
        %dma_start3A_2202 = arith.constant 0 : i32
        %dma_start3A_2203 = tpu.memref_slice %arg16[%dma_start3A_2197, %dma_start3A_2202] : memref<1x80xi32, #tpu.memory_space<vmem>> -> memref<1x80xi32, #tpu.memory_space<vmem>>
        %dma_start3A_2204 = tpu.memref_squeeze %dma_start3A_2203 : memref<1x80xi32, #tpu.memory_space<vmem>> -> memref<80xi32, #tpu.memory_space<vmem>>
        %dma_start3A_2205 = tpu.memref_slice %arg3[%add3A_2196] : memref<640000xi32, #tpu.memory_space<hbm>> -> memref<80xi32, #tpu.memory_space<hbm>>
        tpu.enqueue_dma source(%dma_start3A_2205 : memref<80xi32, #tpu.memory_space<hbm>>) target(%dma_start3A_2204 : memref<80xi32, #tpu.memory_space<vmem>>) target_semaphore(%arg30 : memref<!tpu.dma_semaphore, #tpu.memory_space<semaphore_mem>>)
      } else {
      }
      %add3A_2011 = arith.constant 3 : i32
      %add3A_2012 = arith.addi %add3A_1866, %add3A_2011 : i32
      %add3A_2013 = arith.constant 4 : i32
      %add3A_2014 = arith.addi %add3A_2012, %add3A_2013 : i32
      %lt3A_2015 = arith.constant 125 : i32
      %lt3A_2016 = arith.cmpi slt, %add3A_2014, %lt3A_2015 : i32
      %convert_element_type3A_2017 = arith.extui %lt3A_2016 : i1 to i32
      %cond3A_2018 = arith.constant 0 : i32
      %cond3A_2019 = arith.cmpi ne, %convert_element_type3A_2017, %cond3A_2018 : i32
      scf.if %cond3A_2019 {
        %dma_wait3A_2176 = arith.constant 0 : i32
        %dma_wait3A_2177 = arith.constant 0 : i32
        %dma_wait3A_2178 = tpu.memref_slice %arg12[%dma_wait3A_2176, %dma_wait3A_2177] : memref<1x80xi32, #tpu.memory_space<vmem>> -> memref<1x80xi32, #tpu.memory_space<vmem>>
        %dma_wait3A_2179 = tpu.memref_squeeze %dma_wait3A_2178 : memref<1x80xi32, #tpu.memory_space<vmem>> -> memref<80xi32, #tpu.memory_space<vmem>>
        %dma_wait3A_2180 = tpu.memref_slice %arg3[%mul3A_4] : memref<640000xi32, #tpu.memory_space<hbm>> -> memref<80xi32, #tpu.memory_space<hbm>>
        %dma_wait3A_2181 = arith.constant 0 : i32
        %dma_wait3A_2182 = tpu.memref_slice %arg12[%dma_wait3A_2176, %dma_wait3A_2181] : memref<1x80xi32, #tpu.memory_space<vmem>> -> memref<1x80xi32, #tpu.memory_space<vmem>>
        %dma_wait3A_2183 = tpu.memref_squeeze %dma_wait3A_2182 : memref<1x80xi32, #tpu.memory_space<vmem>> -> memref<80xi32, #tpu.memory_space<vmem>>
        %dma_wait3A_2184 = tpu.memref_slice %arg3[%mul3A_4] : memref<640000xi32, #tpu.memory_space<hbm>> -> memref<80xi32, #tpu.memory_space<hbm>>
        tpu.wait_dma2 semaphore(%arg34 : memref<!tpu.dma_semaphore, #tpu.memory_space<semaphore_mem>>) src(%dma_wait3A_2184 : memref<80xi32, #tpu.memory_space<hbm>>) dst(%dma_wait3A_2183 : memref<80xi32, #tpu.memory_space<vmem>>)
        %add3A_2185 = arith.constant 320000 : i32
        %add3A_2186 = arith.addi %add3A_2185, %mul3A_4 : i32
        %dma_wait3A_2187 = arith.constant 0 : i32
        %dma_wait3A_2188 = arith.constant 0 : i32
        %dma_wait3A_2189 = tpu.memref_slice %arg20[%dma_wait3A_2187, %dma_wait3A_2188] : memref<1x80xi32, #tpu.memory_space<vmem>> -> memref<1x80xi32, #tpu.memory_space<vmem>>
        %dma_wait3A_2190 = tpu.memref_squeeze %dma_wait3A_2189 : memref<1x80xi32, #tpu.memory_space<vmem>> -> memref<80xi32, #tpu.memory_space<vmem>>
        %dma_wait3A_2191 = tpu.memref_slice %arg3[%add3A_2186] : memref<640000xi32, #tpu.memory_space<hbm>> -> memref<80xi32, #tpu.memory_space<hbm>>
        %dma_wait3A_2192 = arith.constant 0 : i32
        %dma_wait3A_2193 = tpu.memref_slice %arg20[%dma_wait3A_2187, %dma_wait3A_2192] : memref<1x80xi32, #tpu.memory_space<vmem>> -> memref<1x80xi32, #tpu.memory_space<vmem>>
        %dma_wait3A_2194 = tpu.memref_squeeze %dma_wait3A_2193 : memref<1x80xi32, #tpu.memory_space<vmem>> -> memref<80xi32, #tpu.memory_space<vmem>>
        %dma_wait3A_2195 = tpu.memref_slice %arg3[%add3A_2186] : memref<640000xi32, #tpu.memory_space<hbm>> -> memref<80xi32, #tpu.memory_space<hbm>>
        tpu.wait_dma2 semaphore(%arg34 : memref<!tpu.dma_semaphore, #tpu.memory_space<semaphore_mem>>) src(%dma_wait3A_2195 : memref<80xi32, #tpu.memory_space<hbm>>) dst(%dma_wait3A_2194 : memref<80xi32, #tpu.memory_space<vmem>>)
        %dma_start3A_2196 = arith.constant 0 : i32
        %dma_start3A_2197 = arith.constant 0 : i32
        %dma_start3A_2198 = tpu.memref_slice %arg12[%dma_start3A_2196, %dma_start3A_2197] : memref<1x80xi32, #tpu.memory_space<vmem>> -> memref<1x80xi32, #tpu.memory_space<vmem>>
        %dma_start3A_2199 = tpu.memref_squeeze %dma_start3A_2198 : memref<1x80xi32, #tpu.memory_space<vmem>> -> memref<80xi32, #tpu.memory_space<vmem>>
        %dma_start3A_2200 = arith.constant 0 : i32
        %dma_start3A_2201 = arith.constant 0 : i32
        %dma_start3A_2202 = tpu.memref_slice %arg2[%dma_start3A_2200, %dma_start3A_2201] : memref<10240x128xf32, #tpu.memory_space<hbm>> -> memref<10240x128xf32, #tpu.memory_space<hbm>>
        tpu.enqueue_indirect_dma source(%dma_start3A_2202 : memref<10240x128xf32, #tpu.memory_space<hbm>>) target(%arg24 : memref<80x128xf32, #tpu.memory_space<vmem>>) offsets(%dma_start3A_2199 : memref<80xi32, #tpu.memory_space<vmem>>) semaphore(%arg38 : memref<!tpu.dma_semaphore, #tpu.memory_space<semaphore_mem>>)
      } else {
      }
      %dma_wait3A_2020 = arith.constant 0 : i32
      %dma_wait3A_2021 = arith.constant 0 : i32
      %dma_wait3A_2022 = tpu.memref_slice %arg5[%dma_wait3A_2020, %dma_wait3A_2021] : memref<1x80xi32, #tpu.memory_space<vmem>> -> memref<1x80xi32, #tpu.memory_space<vmem>>
      %dma_wait3A_2023 = tpu.memref_squeeze %dma_wait3A_2022 : memref<1x80xi32, #tpu.memory_space<vmem>> -> memref<80xi32, #tpu.memory_space<vmem>>
      %dma_wait3A_2024 = arith.constant 0 : i32
      %dma_wait3A_2025 = arith.constant 0 : i32
      %dma_wait3A_2026 = tpu.memref_slice %arg2[%dma_wait3A_2024, %dma_wait3A_2025] : memref<10240x128xf32, #tpu.memory_space<hbm>> -> memref<10240x128xf32, #tpu.memory_space<hbm>>
      tpu.wait_indirect_dma semaphore(%arg35 : memref<!tpu.dma_semaphore, #tpu.memory_space<semaphore_mem>>) src(%dma_wait3A_2026 : memref<10240x128xf32, #tpu.memory_space<hbm>>) dst(%arg21 : memref<80x128xf32, #tpu.memory_space<vmem>>)
      %dma_start3A_2027 = arith.constant 0 : i32
      %dma_start3A_2028 = arith.constant 0 : i32
      %dma_start3A_2029 = tpu.memref_slice %arg17[%dma_start3A_2027, %dma_start3A_2028] : memref<1x80xi32, #tpu.memory_space<vmem>> -> memref<1x80xi32, #tpu.memory_space<vmem>>
      %dma_start3A_2030 = tpu.memref_squeeze %dma_start3A_2029 : memref<1x80xi32, #tpu.memory_space<vmem>> -> memref<80xi32, #tpu.memory_space<vmem>>
      %dma_start3A_2031 = arith.constant 0 : i32
      %dma_start3A_2032 = arith.constant 0 : i32
      %dma_start3A_2033 = tpu.memref_slice %arg26[%dma_start3A_2031, %dma_start3A_2032] : memref<10240x128xf32, #tpu.memory_space<vmem_shared>> -> memref<10240x128xf32, #tpu.memory_space<vmem_shared>>
      tpu.enqueue_indirect_dma source(%arg21 : memref<80x128xf32, #tpu.memory_space<vmem>>) target(%dma_start3A_2033 : memref<10240x128xf32, #tpu.memory_space<vmem_shared>>) offsets(%dma_start3A_2030 : memref<80xi32, #tpu.memory_space<vmem>>) semaphore(%arg39 : memref<!tpu.dma_semaphore, #tpu.memory_space<semaphore_mem>>) {add = true}
      %dma_wait3A_2034 = arith.constant 0 : i32
      %dma_wait3A_2035 = arith.constant 0 : i32
      %dma_wait3A_2036 = tpu.memref_slice %arg13[%dma_wait3A_2034, %dma_wait3A_2035] : memref<1x80xi32, #tpu.memory_space<vmem>> -> memref<1x80xi32, #tpu.memory_space<vmem>>
      %dma_wait3A_2037 = tpu.memref_squeeze %dma_wait3A_2036 : memref<1x80xi32, #tpu.memory_space<vmem>> -> memref<80xi32, #tpu.memory_space<vmem>>
      %dma_wait3A_2038 = arith.constant 0 : i32
      %dma_wait3A_2039 = arith.constant 0 : i32
      %dma_wait3A_2040 = tpu.memref_slice %arg26[%dma_wait3A_2038, %dma_wait3A_2039] : memref<10240x128xf32, #tpu.memory_space<vmem_shared>> -> memref<10240x128xf32, #tpu.memory_space<vmem_shared>>
      tpu.wait_indirect_dma semaphore(%arg39 : memref<!tpu.dma_semaphore, #tpu.memory_space<semaphore_mem>>) src(%arg21 : memref<80x128xf32, #tpu.memory_space<vmem>>) dst(%dma_wait3A_2040 : memref<10240x128xf32, #tpu.memory_space<vmem_shared>>)
      %add3A_2041 = arith.constant 4 : i32
      %add3A_2042 = arith.addi %add3A_1866, %add3A_2041 : i32
      %add3A_2043 = arith.constant 8 : i32
      %add3A_2044 = arith.addi %add3A_2042, %add3A_2043 : i32
      %lt3A_2045 = arith.constant 125 : i32
      %lt3A_2046 = arith.cmpi slt, %add3A_2044, %lt3A_2045 : i32
      %convert_element_type3A_2047 = arith.extui %lt3A_2046 : i1 to i32
      %cond3A_2048 = arith.constant 0 : i32
      %cond3A_2049 = arith.cmpi ne, %convert_element_type3A_2047, %cond3A_2048 : i32
      scf.if %cond3A_2049 {
        %add3A_2176 = arith.constant 4 : i32
        %add3A_2177 = arith.addi %add3A_1866, %add3A_2176 : i32
        %add3A_2178 = arith.constant 8 : i32
        %add3A_2179 = arith.addi %add3A_2177, %add3A_2178 : i32
        %mul3A_2180 = arith.constant 80 : i32
        %mul3A_2181 = arith.muli %add3A_2179, %mul3A_2180 : i32
        %add3A_2182 = arith.addi %mul3A_4, %mul3A_2181 : i32
        %dma_start3A_2183 = arith.constant 0 : i32
        %dma_start3A_2184 = arith.constant 0 : i32
        %dma_start3A_2185 = tpu.memref_slice %arg9[%dma_start3A_2183, %dma_start3A_2184] : memref<1x80xi32, #tpu.memory_space<vmem>> -> memref<1x80xi32, #tpu.memory_space<vmem>>
        %dma_start3A_2186 = tpu.memref_squeeze %dma_start3A_2185 : memref<1x80xi32, #tpu.memory_space<vmem>> -> memref<80xi32, #tpu.memory_space<vmem>>
        %dma_start3A_2187 = tpu.memref_slice %arg3[%add3A_2182] : memref<640000xi32, #tpu.memory_space<hbm>> -> memref<80xi32, #tpu.memory_space<hbm>>
        %dma_start3A_2188 = arith.constant 0 : i32
        %dma_start3A_2189 = tpu.memref_slice %arg9[%dma_start3A_2183, %dma_start3A_2188] : memref<1x80xi32, #tpu.memory_space<vmem>> -> memref<1x80xi32, #tpu.memory_space<vmem>>
        %dma_start3A_2190 = tpu.memref_squeeze %dma_start3A_2189 : memref<1x80xi32, #tpu.memory_space<vmem>> -> memref<80xi32, #tpu.memory_space<vmem>>
        %dma_start3A_2191 = tpu.memref_slice %arg3[%add3A_2182] : memref<640000xi32, #tpu.memory_space<hbm>> -> memref<80xi32, #tpu.memory_space<hbm>>
        tpu.enqueue_dma source(%dma_start3A_2191 : memref<80xi32, #tpu.memory_space<hbm>>) target(%dma_start3A_2190 : memref<80xi32, #tpu.memory_space<vmem>>) target_semaphore(%arg31 : memref<!tpu.dma_semaphore, #tpu.memory_space<semaphore_mem>>)
        %add3A_2192 = arith.constant 320000 : i32
        %add3A_2193 = arith.addi %add3A_2192, %mul3A_4 : i32
        %mul3A_2194 = arith.constant 80 : i32
        %mul3A_2195 = arith.muli %add3A_2179, %mul3A_2194 : i32
        %add3A_2196 = arith.addi %add3A_2193, %mul3A_2195 : i32
        %dma_start3A_2197 = arith.constant 0 : i32
        %dma_start3A_2198 = arith.constant 0 : i32
        %dma_start3A_2199 = tpu.memref_slice %arg17[%dma_start3A_2197, %dma_start3A_2198] : memref<1x80xi32, #tpu.memory_space<vmem>> -> memref<1x80xi32, #tpu.memory_space<vmem>>
        %dma_start3A_2200 = tpu.memref_squeeze %dma_start3A_2199 : memref<1x80xi32, #tpu.memory_space<vmem>> -> memref<80xi32, #tpu.memory_space<vmem>>
        %dma_start3A_2201 = tpu.memref_slice %arg3[%add3A_2196] : memref<640000xi32, #tpu.memory_space<hbm>> -> memref<80xi32, #tpu.memory_space<hbm>>
        %dma_start3A_2202 = arith.constant 0 : i32
        %dma_start3A_2203 = tpu.memref_slice %arg17[%dma_start3A_2197, %dma_start3A_2202] : memref<1x80xi32, #tpu.memory_space<vmem>> -> memref<1x80xi32, #tpu.memory_space<vmem>>
        %dma_start3A_2204 = tpu.memref_squeeze %dma_start3A_2203 : memref<1x80xi32, #tpu.memory_space<vmem>> -> memref<80xi32, #tpu.memory_space<vmem>>
        %dma_start3A_2205 = tpu.memref_slice %arg3[%add3A_2196] : memref<640000xi32, #tpu.memory_space<hbm>> -> memref<80xi32, #tpu.memory_space<hbm>>
        tpu.enqueue_dma source(%dma_start3A_2205 : memref<80xi32, #tpu.memory_space<hbm>>) target(%dma_start3A_2204 : memref<80xi32, #tpu.memory_space<vmem>>) target_semaphore(%arg31 : memref<!tpu.dma_semaphore, #tpu.memory_space<semaphore_mem>>)
      } else {
      }
      %add3A_2050 = arith.constant 4 : i32
      %add3A_2051 = arith.addi %add3A_1866, %add3A_2050 : i32
      %add3A_2052 = arith.constant 4 : i32
      %add3A_2053 = arith.addi %add3A_2051, %add3A_2052 : i32
      %lt3A_2054 = arith.constant 125 : i32
      %lt3A_2055 = arith.cmpi slt, %add3A_2053, %lt3A_2054 : i32
      %convert_element_type3A_2056 = arith.extui %lt3A_2055 : i1 to i32
      %cond3A_2057 = arith.constant 0 : i32
      %cond3A_2058 = arith.cmpi ne, %convert_element_type3A_2056, %cond3A_2057 : i32
      scf.if %cond3A_2058 {
        %dma_wait3A_2176 = arith.constant 0 : i32
        %dma_wait3A_2177 = arith.constant 0 : i32
        %dma_wait3A_2178 = tpu.memref_slice %arg5[%dma_wait3A_2176, %dma_wait3A_2177] : memref<1x80xi32, #tpu.memory_space<vmem>> -> memref<1x80xi32, #tpu.memory_space<vmem>>
        %dma_wait3A_2179 = tpu.memref_squeeze %dma_wait3A_2178 : memref<1x80xi32, #tpu.memory_space<vmem>> -> memref<80xi32, #tpu.memory_space<vmem>>
        %dma_wait3A_2180 = tpu.memref_slice %arg3[%mul3A_4] : memref<640000xi32, #tpu.memory_space<hbm>> -> memref<80xi32, #tpu.memory_space<hbm>>
        %dma_wait3A_2181 = arith.constant 0 : i32
        %dma_wait3A_2182 = tpu.memref_slice %arg5[%dma_wait3A_2176, %dma_wait3A_2181] : memref<1x80xi32, #tpu.memory_space<vmem>> -> memref<1x80xi32, #tpu.memory_space<vmem>>
        %dma_wait3A_2183 = tpu.memref_squeeze %dma_wait3A_2182 : memref<1x80xi32, #tpu.memory_space<vmem>> -> memref<80xi32, #tpu.memory_space<vmem>>
        %dma_wait3A_2184 = tpu.memref_slice %arg3[%mul3A_4] : memref<640000xi32, #tpu.memory_space<hbm>> -> memref<80xi32, #tpu.memory_space<hbm>>
        tpu.wait_dma2 semaphore(%arg27 : memref<!tpu.dma_semaphore, #tpu.memory_space<semaphore_mem>>) src(%dma_wait3A_2184 : memref<80xi32, #tpu.memory_space<hbm>>) dst(%dma_wait3A_2183 : memref<80xi32, #tpu.memory_space<vmem>>)
        %add3A_2185 = arith.constant 320000 : i32
        %add3A_2186 = arith.addi %add3A_2185, %mul3A_4 : i32
        %dma_wait3A_2187 = arith.constant 0 : i32
        %dma_wait3A_2188 = arith.constant 0 : i32
        %dma_wait3A_2189 = tpu.memref_slice %arg13[%dma_wait3A_2187, %dma_wait3A_2188] : memref<1x80xi32, #tpu.memory_space<vmem>> -> memref<1x80xi32, #tpu.memory_space<vmem>>
        %dma_wait3A_2190 = tpu.memref_squeeze %dma_wait3A_2189 : memref<1x80xi32, #tpu.memory_space<vmem>> -> memref<80xi32, #tpu.memory_space<vmem>>
        %dma_wait3A_2191 = tpu.memref_slice %arg3[%add3A_2186] : memref<640000xi32, #tpu.memory_space<hbm>> -> memref<80xi32, #tpu.memory_space<hbm>>
        %dma_wait3A_2192 = arith.constant 0 : i32
        %dma_wait3A_2193 = tpu.memref_slice %arg13[%dma_wait3A_2187, %dma_wait3A_2192] : memref<1x80xi32, #tpu.memory_space<vmem>> -> memref<1x80xi32, #tpu.memory_space<vmem>>
        %dma_wait3A_2194 = tpu.memref_squeeze %dma_wait3A_2193 : memref<1x80xi32, #tpu.memory_space<vmem>> -> memref<80xi32, #tpu.memory_space<vmem>>
        %dma_wait3A_2195 = tpu.memref_slice %arg3[%add3A_2186] : memref<640000xi32, #tpu.memory_space<hbm>> -> memref<80xi32, #tpu.memory_space<hbm>>
        tpu.wait_dma2 semaphore(%arg27 : memref<!tpu.dma_semaphore, #tpu.memory_space<semaphore_mem>>) src(%dma_wait3A_2195 : memref<80xi32, #tpu.memory_space<hbm>>) dst(%dma_wait3A_2194 : memref<80xi32, #tpu.memory_space<vmem>>)
        %dma_start3A_2196 = arith.constant 0 : i32
        %dma_start3A_2197 = arith.constant 0 : i32
        %dma_start3A_2198 = tpu.memref_slice %arg5[%dma_start3A_2196, %dma_start3A_2197] : memref<1x80xi32, #tpu.memory_space<vmem>> -> memref<1x80xi32, #tpu.memory_space<vmem>>
        %dma_start3A_2199 = tpu.memref_squeeze %dma_start3A_2198 : memref<1x80xi32, #tpu.memory_space<vmem>> -> memref<80xi32, #tpu.memory_space<vmem>>
        %dma_start3A_2200 = arith.constant 0 : i32
        %dma_start3A_2201 = arith.constant 0 : i32
        %dma_start3A_2202 = tpu.memref_slice %arg2[%dma_start3A_2200, %dma_start3A_2201] : memref<10240x128xf32, #tpu.memory_space<hbm>> -> memref<10240x128xf32, #tpu.memory_space<hbm>>
        tpu.enqueue_indirect_dma source(%dma_start3A_2202 : memref<10240x128xf32, #tpu.memory_space<hbm>>) target(%arg21 : memref<80x128xf32, #tpu.memory_space<vmem>>) offsets(%dma_start3A_2199 : memref<80xi32, #tpu.memory_space<vmem>>) semaphore(%arg35 : memref<!tpu.dma_semaphore, #tpu.memory_space<semaphore_mem>>)
      } else {
      }
      %dma_wait3A_2059 = arith.constant 0 : i32
      %dma_wait3A_2060 = arith.constant 0 : i32
      %dma_wait3A_2061 = tpu.memref_slice %arg5[%dma_wait3A_2059, %dma_wait3A_2060] : memref<1x80xi32, #tpu.memory_space<vmem>> -> memref<1x80xi32, #tpu.memory_space<vmem>>
      %dma_wait3A_2062 = tpu.memref_squeeze %dma_wait3A_2061 : memref<1x80xi32, #tpu.memory_space<vmem>> -> memref<80xi32, #tpu.memory_space<vmem>>
      %dma_wait3A_2063 = arith.constant 0 : i32
      %dma_wait3A_2064 = arith.constant 0 : i32
      %dma_wait3A_2065 = tpu.memref_slice %arg2[%dma_wait3A_2063, %dma_wait3A_2064] : memref<10240x128xf32, #tpu.memory_space<hbm>> -> memref<10240x128xf32, #tpu.memory_space<hbm>>
      tpu.wait_indirect_dma semaphore(%arg36 : memref<!tpu.dma_semaphore, #tpu.memory_space<semaphore_mem>>) src(%dma_wait3A_2065 : memref<10240x128xf32, #tpu.memory_space<hbm>>) dst(%arg22 : memref<80x128xf32, #tpu.memory_space<vmem>>)
      %dma_start3A_2066 = arith.constant 0 : i32
      %dma_start3A_2067 = arith.constant 0 : i32
      %dma_start3A_2068 = tpu.memref_slice %arg18[%dma_start3A_2066, %dma_start3A_2067] : memref<1x80xi32, #tpu.memory_space<vmem>> -> memref<1x80xi32, #tpu.memory_space<vmem>>
      %dma_start3A_2069 = tpu.memref_squeeze %dma_start3A_2068 : memref<1x80xi32, #tpu.memory_space<vmem>> -> memref<80xi32, #tpu.memory_space<vmem>>
      %dma_start3A_2070 = arith.constant 0 : i32
      %dma_start3A_2071 = arith.constant 0 : i32
      %dma_start3A_2072 = tpu.memref_slice %arg26[%dma_start3A_2070, %dma_start3A_2071] : memref<10240x128xf32, #tpu.memory_space<vmem_shared>> -> memref<10240x128xf32, #tpu.memory_space<vmem_shared>>
      tpu.enqueue_indirect_dma source(%arg22 : memref<80x128xf32, #tpu.memory_space<vmem>>) target(%dma_start3A_2072 : memref<10240x128xf32, #tpu.memory_space<vmem_shared>>) offsets(%dma_start3A_2069 : memref<80xi32, #tpu.memory_space<vmem>>) semaphore(%arg40 : memref<!tpu.dma_semaphore, #tpu.memory_space<semaphore_mem>>) {add = true}
      %dma_wait3A_2073 = arith.constant 0 : i32
      %dma_wait3A_2074 = arith.constant 0 : i32
      %dma_wait3A_2075 = tpu.memref_slice %arg13[%dma_wait3A_2073, %dma_wait3A_2074] : memref<1x80xi32, #tpu.memory_space<vmem>> -> memref<1x80xi32, #tpu.memory_space<vmem>>
      %dma_wait3A_2076 = tpu.memref_squeeze %dma_wait3A_2075 : memref<1x80xi32, #tpu.memory_space<vmem>> -> memref<80xi32, #tpu.memory_space<vmem>>
      %dma_wait3A_2077 = arith.constant 0 : i32
      %dma_wait3A_2078 = arith.constant 0 : i32
      %dma_wait3A_2079 = tpu.memref_slice %arg26[%dma_wait3A_2077, %dma_wait3A_2078] : memref<10240x128xf32, #tpu.memory_space<vmem_shared>> -> memref<10240x128xf32, #tpu.memory_space<vmem_shared>>
      tpu.wait_indirect_dma semaphore(%arg40 : memref<!tpu.dma_semaphore, #tpu.memory_space<semaphore_mem>>) src(%arg22 : memref<80x128xf32, #tpu.memory_space<vmem>>) dst(%dma_wait3A_2079 : memref<10240x128xf32, #tpu.memory_space<vmem_shared>>)
      %add3A_2080 = arith.constant 5 : i32
      %add3A_2081 = arith.addi %add3A_1866, %add3A_2080 : i32
      %add3A_2082 = arith.constant 8 : i32
      %add3A_2083 = arith.addi %add3A_2081, %add3A_2082 : i32
      %lt3A_2084 = arith.constant 125 : i32
      %lt3A_2085 = arith.cmpi slt, %add3A_2083, %lt3A_2084 : i32
      %convert_element_type3A_2086 = arith.extui %lt3A_2085 : i1 to i32
      %cond3A_2087 = arith.constant 0 : i32
      %cond3A_2088 = arith.cmpi ne, %convert_element_type3A_2086, %cond3A_2087 : i32
      scf.if %cond3A_2088 {
        %add3A_2176 = arith.constant 5 : i32
        %add3A_2177 = arith.addi %add3A_1866, %add3A_2176 : i32
        %add3A_2178 = arith.constant 8 : i32
        %add3A_2179 = arith.addi %add3A_2177, %add3A_2178 : i32
        %mul3A_2180 = arith.constant 80 : i32
        %mul3A_2181 = arith.muli %add3A_2179, %mul3A_2180 : i32
        %add3A_2182 = arith.addi %mul3A_4, %mul3A_2181 : i32
        %dma_start3A_2183 = arith.constant 0 : i32
        %dma_start3A_2184 = arith.constant 0 : i32
        %dma_start3A_2185 = tpu.memref_slice %arg10[%dma_start3A_2183, %dma_start3A_2184] : memref<1x80xi32, #tpu.memory_space<vmem>> -> memref<1x80xi32, #tpu.memory_space<vmem>>
        %dma_start3A_2186 = tpu.memref_squeeze %dma_start3A_2185 : memref<1x80xi32, #tpu.memory_space<vmem>> -> memref<80xi32, #tpu.memory_space<vmem>>
        %dma_start3A_2187 = tpu.memref_slice %arg3[%add3A_2182] : memref<640000xi32, #tpu.memory_space<hbm>> -> memref<80xi32, #tpu.memory_space<hbm>>
        %dma_start3A_2188 = arith.constant 0 : i32
        %dma_start3A_2189 = tpu.memref_slice %arg10[%dma_start3A_2183, %dma_start3A_2188] : memref<1x80xi32, #tpu.memory_space<vmem>> -> memref<1x80xi32, #tpu.memory_space<vmem>>
        %dma_start3A_2190 = tpu.memref_squeeze %dma_start3A_2189 : memref<1x80xi32, #tpu.memory_space<vmem>> -> memref<80xi32, #tpu.memory_space<vmem>>
        %dma_start3A_2191 = tpu.memref_slice %arg3[%add3A_2182] : memref<640000xi32, #tpu.memory_space<hbm>> -> memref<80xi32, #tpu.memory_space<hbm>>
        tpu.enqueue_dma source(%dma_start3A_2191 : memref<80xi32, #tpu.memory_space<hbm>>) target(%dma_start3A_2190 : memref<80xi32, #tpu.memory_space<vmem>>) target_semaphore(%arg32 : memref<!tpu.dma_semaphore, #tpu.memory_space<semaphore_mem>>)
        %add3A_2192 = arith.constant 320000 : i32
        %add3A_2193 = arith.addi %add3A_2192, %mul3A_4 : i32
        %mul3A_2194 = arith.constant 80 : i32
        %mul3A_2195 = arith.muli %add3A_2179, %mul3A_2194 : i32
        %add3A_2196 = arith.addi %add3A_2193, %mul3A_2195 : i32
        %dma_start3A_2197 = arith.constant 0 : i32
        %dma_start3A_2198 = arith.constant 0 : i32
        %dma_start3A_2199 = tpu.memref_slice %arg18[%dma_start3A_2197, %dma_start3A_2198] : memref<1x80xi32, #tpu.memory_space<vmem>> -> memref<1x80xi32, #tpu.memory_space<vmem>>
        %dma_start3A_2200 = tpu.memref_squeeze %dma_start3A_2199 : memref<1x80xi32, #tpu.memory_space<vmem>> -> memref<80xi32, #tpu.memory_space<vmem>>
        %dma_start3A_2201 = tpu.memref_slice %arg3[%add3A_2196] : memref<640000xi32, #tpu.memory_space<hbm>> -> memref<80xi32, #tpu.memory_space<hbm>>
        %dma_start3A_2202 = arith.constant 0 : i32
        %dma_start3A_2203 = tpu.memref_slice %arg18[%dma_start3A_2197, %dma_start3A_2202] : memref<1x80xi32, #tpu.memory_space<vmem>> -> memref<1x80xi32, #tpu.memory_space<vmem>>
        %dma_start3A_2204 = tpu.memref_squeeze %dma_start3A_2203 : memref<1x80xi32, #tpu.memory_space<vmem>> -> memref<80xi32, #tpu.memory_space<vmem>>
        %dma_start3A_2205 = tpu.memref_slice %arg3[%add3A_2196] : memref<640000xi32, #tpu.memory_space<hbm>> -> memref<80xi32, #tpu.memory_space<hbm>>
        tpu.enqueue_dma source(%dma_start3A_2205 : memref<80xi32, #tpu.memory_space<hbm>>) target(%dma_start3A_2204 : memref<80xi32, #tpu.memory_space<vmem>>) target_semaphore(%arg32 : memref<!tpu.dma_semaphore, #tpu.memory_space<semaphore_mem>>)
      } else {
      }
      %add3A_2089 = arith.constant 5 : i32
      %add3A_2090 = arith.addi %add3A_1866, %add3A_2089 : i32
      %add3A_2091 = arith.constant 4 : i32
      %add3A_2092 = arith.addi %add3A_2090, %add3A_2091 : i32
      %lt3A_2093 = arith.constant 125 : i32
      %lt3A_2094 = arith.cmpi slt, %add3A_2092, %lt3A_2093 : i32
      %convert_element_type3A_2095 = arith.extui %lt3A_2094 : i1 to i32
      %cond3A_2096 = arith.constant 0 : i32
      %cond3A_2097 = arith.cmpi ne, %convert_element_type3A_2095, %cond3A_2096 : i32
      scf.if %cond3A_2097 {
        %dma_wait3A_2176 = arith.constant 0 : i32
        %dma_wait3A_2177 = arith.constant 0 : i32
        %dma_wait3A_2178 = tpu.memref_slice %arg6[%dma_wait3A_2176, %dma_wait3A_2177] : memref<1x80xi32, #tpu.memory_space<vmem>> -> memref<1x80xi32, #tpu.memory_space<vmem>>
        %dma_wait3A_2179 = tpu.memref_squeeze %dma_wait3A_2178 : memref<1x80xi32, #tpu.memory_space<vmem>> -> memref<80xi32, #tpu.memory_space<vmem>>
        %dma_wait3A_2180 = tpu.memref_slice %arg3[%mul3A_4] : memref<640000xi32, #tpu.memory_space<hbm>> -> memref<80xi32, #tpu.memory_space<hbm>>
        %dma_wait3A_2181 = arith.constant 0 : i32
        %dma_wait3A_2182 = tpu.memref_slice %arg6[%dma_wait3A_2176, %dma_wait3A_2181] : memref<1x80xi32, #tpu.memory_space<vmem>> -> memref<1x80xi32, #tpu.memory_space<vmem>>
        %dma_wait3A_2183 = tpu.memref_squeeze %dma_wait3A_2182 : memref<1x80xi32, #tpu.memory_space<vmem>> -> memref<80xi32, #tpu.memory_space<vmem>>
        %dma_wait3A_2184 = tpu.memref_slice %arg3[%mul3A_4] : memref<640000xi32, #tpu.memory_space<hbm>> -> memref<80xi32, #tpu.memory_space<hbm>>
        tpu.wait_dma2 semaphore(%arg28 : memref<!tpu.dma_semaphore, #tpu.memory_space<semaphore_mem>>) src(%dma_wait3A_2184 : memref<80xi32, #tpu.memory_space<hbm>>) dst(%dma_wait3A_2183 : memref<80xi32, #tpu.memory_space<vmem>>)
        %add3A_2185 = arith.constant 320000 : i32
        %add3A_2186 = arith.addi %add3A_2185, %mul3A_4 : i32
        %dma_wait3A_2187 = arith.constant 0 : i32
        %dma_wait3A_2188 = arith.constant 0 : i32
        %dma_wait3A_2189 = tpu.memref_slice %arg14[%dma_wait3A_2187, %dma_wait3A_2188] : memref<1x80xi32, #tpu.memory_space<vmem>> -> memref<1x80xi32, #tpu.memory_space<vmem>>
        %dma_wait3A_2190 = tpu.memref_squeeze %dma_wait3A_2189 : memref<1x80xi32, #tpu.memory_space<vmem>> -> memref<80xi32, #tpu.memory_space<vmem>>
        %dma_wait3A_2191 = tpu.memref_slice %arg3[%add3A_2186] : memref<640000xi32, #tpu.memory_space<hbm>> -> memref<80xi32, #tpu.memory_space<hbm>>
        %dma_wait3A_2192 = arith.constant 0 : i32
        %dma_wait3A_2193 = tpu.memref_slice %arg14[%dma_wait3A_2187, %dma_wait3A_2192] : memref<1x80xi32, #tpu.memory_space<vmem>> -> memref<1x80xi32, #tpu.memory_space<vmem>>
        %dma_wait3A_2194 = tpu.memref_squeeze %dma_wait3A_2193 : memref<1x80xi32, #tpu.memory_space<vmem>> -> memref<80xi32, #tpu.memory_space<vmem>>
        %dma_wait3A_2195 = tpu.memref_slice %arg3[%add3A_2186] : memref<640000xi32, #tpu.memory_space<hbm>> -> memref<80xi32, #tpu.memory_space<hbm>>
        tpu.wait_dma2 semaphore(%arg28 : memref<!tpu.dma_semaphore, #tpu.memory_space<semaphore_mem>>) src(%dma_wait3A_2195 : memref<80xi32, #tpu.memory_space<hbm>>) dst(%dma_wait3A_2194 : memref<80xi32, #tpu.memory_space<vmem>>)
        %dma_start3A_2196 = arith.constant 0 : i32
        %dma_start3A_2197 = arith.constant 0 : i32
        %dma_start3A_2198 = tpu.memref_slice %arg6[%dma_start3A_2196, %dma_start3A_2197] : memref<1x80xi32, #tpu.memory_space<vmem>> -> memref<1x80xi32, #tpu.memory_space<vmem>>
        %dma_start3A_2199 = tpu.memref_squeeze %dma_start3A_2198 : memref<1x80xi32, #tpu.memory_space<vmem>> -> memref<80xi32, #tpu.memory_space<vmem>>
        %dma_start3A_2200 = arith.constant 0 : i32
        %dma_start3A_2201 = arith.constant 0 : i32
        %dma_start3A_2202 = tpu.memref_slice %arg2[%dma_start3A_2200, %dma_start3A_2201] : memref<10240x128xf32, #tpu.memory_space<hbm>> -> memref<10240x128xf32, #tpu.memory_space<hbm>>
        tpu.enqueue_indirect_dma source(%dma_start3A_2202 : memref<10240x128xf32, #tpu.memory_space<hbm>>) target(%arg22 : memref<80x128xf32, #tpu.memory_space<vmem>>) offsets(%dma_start3A_2199 : memref<80xi32, #tpu.memory_space<vmem>>) semaphore(%arg36 : memref<!tpu.dma_semaphore, #tpu.memory_space<semaphore_mem>>)
      } else {
      }
      %dma_wait3A_2098 = arith.constant 0 : i32
      %dma_wait3A_2099 = arith.constant 0 : i32
      %dma_wait3A_2100 = tpu.memref_slice %arg5[%dma_wait3A_2098, %dma_wait3A_2099] : memref<1x80xi32, #tpu.memory_space<vmem>> -> memref<1x80xi32, #tpu.memory_space<vmem>>
      %dma_wait3A_2101 = tpu.memref_squeeze %dma_wait3A_2100 : memref<1x80xi32, #tpu.memory_space<vmem>> -> memref<80xi32, #tpu.memory_space<vmem>>
      %dma_wait3A_2102 = arith.constant 0 : i32
      %dma_wait3A_2103 = arith.constant 0 : i32
      %dma_wait3A_2104 = tpu.memref_slice %arg2[%dma_wait3A_2102, %dma_wait3A_2103] : memref<10240x128xf32, #tpu.memory_space<hbm>> -> memref<10240x128xf32, #tpu.memory_space<hbm>>
      tpu.wait_indirect_dma semaphore(%arg37 : memref<!tpu.dma_semaphore, #tpu.memory_space<semaphore_mem>>) src(%dma_wait3A_2104 : memref<10240x128xf32, #tpu.memory_space<hbm>>) dst(%arg23 : memref<80x128xf32, #tpu.memory_space<vmem>>)
      %dma_start3A_2105 = arith.constant 0 : i32
      %dma_start3A_2106 = arith.constant 0 : i32
      %dma_start3A_2107 = tpu.memref_slice %arg19[%dma_start3A_2105, %dma_start3A_2106] : memref<1x80xi32, #tpu.memory_space<vmem>> -> memref<1x80xi32, #tpu.memory_space<vmem>>
      %dma_start3A_2108 = tpu.memref_squeeze %dma_start3A_2107 : memref<1x80xi32, #tpu.memory_space<vmem>> -> memref<80xi32, #tpu.memory_space<vmem>>
      %dma_start3A_2109 = arith.constant 0 : i32
      %dma_start3A_2110 = arith.constant 0 : i32
      %dma_start3A_2111 = tpu.memref_slice %arg26[%dma_start3A_2109, %dma_start3A_2110] : memref<10240x128xf32, #tpu.memory_space<vmem_shared>> -> memref<10240x128xf32, #tpu.memory_space<vmem_shared>>
      tpu.enqueue_indirect_dma source(%arg23 : memref<80x128xf32, #tpu.memory_space<vmem>>) target(%dma_start3A_2111 : memref<10240x128xf32, #tpu.memory_space<vmem_shared>>) offsets(%dma_start3A_2108 : memref<80xi32, #tpu.memory_space<vmem>>) semaphore(%arg41 : memref<!tpu.dma_semaphore, #tpu.memory_space<semaphore_mem>>) {add = true}
      %dma_wait3A_2112 = arith.constant 0 : i32
      %dma_wait3A_2113 = arith.constant 0 : i32
      %dma_wait3A_2114 = tpu.memref_slice %arg13[%dma_wait3A_2112, %dma_wait3A_2113] : memref<1x80xi32, #tpu.memory_space<vmem>> -> memref<1x80xi32, #tpu.memory_space<vmem>>
      %dma_wait3A_2115 = tpu.memref_squeeze %dma_wait3A_2114 : memref<1x80xi32, #tpu.memory_space<vmem>> -> memref<80xi32, #tpu.memory_space<vmem>>
      %dma_wait3A_2116 = arith.constant 0 : i32
      %dma_wait3A_2117 = arith.constant 0 : i32
      %dma_wait3A_2118 = tpu.memref_slice %arg26[%dma_wait3A_2116, %dma_wait3A_2117] : memref<10240x128xf32, #tpu.memory_space<vmem_shared>> -> memref<10240x128xf32, #tpu.memory_space<vmem_shared>>
      tpu.wait_indirect_dma semaphore(%arg41 : memref<!tpu.dma_semaphore, #tpu.memory_space<semaphore_mem>>) src(%arg23 : memref<80x128xf32, #tpu.memory_space<vmem>>) dst(%dma_wait3A_2118 : memref<10240x128xf32, #tpu.memory_space<vmem_shared>>)
      %add3A_2119 = arith.constant 6 : i32
      %add3A_2120 = arith.addi %add3A_1866, %add3A_2119 : i32
      %add3A_2121 = arith.constant 8 : i32
      %add3A_2122 = arith.addi %add3A_2120, %add3A_2121 : i32
      %lt3A_2123 = arith.constant 125 : i32
      %lt3A_2124 = arith.cmpi slt, %add3A_2122, %lt3A_2123 : i32
      %convert_element_type3A_2125 = arith.extui %lt3A_2124 : i1 to i32
      %cond3A_2126 = arith.constant 0 : i32
      %cond3A_2127 = arith.cmpi ne, %convert_element_type3A_2125, %cond3A_2126 : i32
      scf.if %cond3A_2127 {
        %add3A_2176 = arith.constant 6 : i32
        %add3A_2177 = arith.addi %add3A_1866, %add3A_2176 : i32
        %add3A_2178 = arith.constant 8 : i32
        %add3A_2179 = arith.addi %add3A_2177, %add3A_2178 : i32
        %mul3A_2180 = arith.constant 80 : i32
        %mul3A_2181 = arith.muli %add3A_2179, %mul3A_2180 : i32
        %add3A_2182 = arith.addi %mul3A_4, %mul3A_2181 : i32
        %dma_start3A_2183 = arith.constant 0 : i32
        %dma_start3A_2184 = arith.constant 0 : i32
        %dma_start3A_2185 = tpu.memref_slice %arg11[%dma_start3A_2183, %dma_start3A_2184] : memref<1x80xi32, #tpu.memory_space<vmem>> -> memref<1x80xi32, #tpu.memory_space<vmem>>
        %dma_start3A_2186 = tpu.memref_squeeze %dma_start3A_2185 : memref<1x80xi32, #tpu.memory_space<vmem>> -> memref<80xi32, #tpu.memory_space<vmem>>
        %dma_start3A_2187 = tpu.memref_slice %arg3[%add3A_2182] : memref<640000xi32, #tpu.memory_space<hbm>> -> memref<80xi32, #tpu.memory_space<hbm>>
        %dma_start3A_2188 = arith.constant 0 : i32
        %dma_start3A_2189 = tpu.memref_slice %arg11[%dma_start3A_2183, %dma_start3A_2188] : memref<1x80xi32, #tpu.memory_space<vmem>> -> memref<1x80xi32, #tpu.memory_space<vmem>>
        %dma_start3A_2190 = tpu.memref_squeeze %dma_start3A_2189 : memref<1x80xi32, #tpu.memory_space<vmem>> -> memref<80xi32, #tpu.memory_space<vmem>>
        %dma_start3A_2191 = tpu.memref_slice %arg3[%add3A_2182] : memref<640000xi32, #tpu.memory_space<hbm>> -> memref<80xi32, #tpu.memory_space<hbm>>
        tpu.enqueue_dma source(%dma_start3A_2191 : memref<80xi32, #tpu.memory_space<hbm>>) target(%dma_start3A_2190 : memref<80xi32, #tpu.memory_space<vmem>>) target_semaphore(%arg33 : memref<!tpu.dma_semaphore, #tpu.memory_space<semaphore_mem>>)
        %add3A_2192 = arith.constant 320000 : i32
        %add3A_2193 = arith.addi %add3A_2192, %mul3A_4 : i32
        %mul3A_2194 = arith.constant 80 : i32
        %mul3A_2195 = arith.muli %add3A_2179, %mul3A_2194 : i32
        %add3A_2196 = arith.addi %add3A_2193, %mul3A_2195 : i32
        %dma_start3A_2197 = arith.constant 0 : i32
        %dma_start3A_2198 = arith.constant 0 : i32
        %dma_start3A_2199 = tpu.memref_slice %arg19[%dma_start3A_2197, %dma_start3A_2198] : memref<1x80xi32, #tpu.memory_space<vmem>> -> memref<1x80xi32, #tpu.memory_space<vmem>>
        %dma_start3A_2200 = tpu.memref_squeeze %dma_start3A_2199 : memref<1x80xi32, #tpu.memory_space<vmem>> -> memref<80xi32, #tpu.memory_space<vmem>>
        %dma_start3A_2201 = tpu.memref_slice %arg3[%add3A_2196] : memref<640000xi32, #tpu.memory_space<hbm>> -> memref<80xi32, #tpu.memory_space<hbm>>
        %dma_start3A_2202 = arith.constant 0 : i32
        %dma_start3A_2203 = tpu.memref_slice %arg19[%dma_start3A_2197, %dma_start3A_2202] : memref<1x80xi32, #tpu.memory_space<vmem>> -> memref<1x80xi32, #tpu.memory_space<vmem>>
        %dma_start3A_2204 = tpu.memref_squeeze %dma_start3A_2203 : memref<1x80xi32, #tpu.memory_space<vmem>> -> memref<80xi32, #tpu.memory_space<vmem>>
        %dma_start3A_2205 = tpu.memref_slice %arg3[%add3A_2196] : memref<640000xi32, #tpu.memory_space<hbm>> -> memref<80xi32, #tpu.memory_space<hbm>>
        tpu.enqueue_dma source(%dma_start3A_2205 : memref<80xi32, #tpu.memory_space<hbm>>) target(%dma_start3A_2204 : memref<80xi32, #tpu.memory_space<vmem>>) target_semaphore(%arg33 : memref<!tpu.dma_semaphore, #tpu.memory_space<semaphore_mem>>)
      } else {
      }
      %add3A_2128 = arith.constant 6 : i32
      %add3A_2129 = arith.addi %add3A_1866, %add3A_2128 : i32
      %add3A_2130 = arith.constant 4 : i32
      %add3A_2131 = arith.addi %add3A_2129, %add3A_2130 : i32
      %lt3A_2132 = arith.constant 125 : i32
      %lt3A_2133 = arith.cmpi slt, %add3A_2131, %lt3A_2132 : i32
      %convert_element_type3A_2134 = arith.extui %lt3A_2133 : i1 to i32
      %cond3A_2135 = arith.constant 0 : i32
      %cond3A_2136 = arith.cmpi ne, %convert_element_type3A_2134, %cond3A_2135 : i32
      scf.if %cond3A_2136 {
        %dma_wait3A_2176 = arith.constant 0 : i32
        %dma_wait3A_2177 = arith.constant 0 : i32
        %dma_wait3A_2178 = tpu.memref_slice %arg7[%dma_wait3A_2176, %dma_wait3A_2177] : memref<1x80xi32, #tpu.memory_space<vmem>> -> memref<1x80xi32, #tpu.memory_space<vmem>>
        %dma_wait3A_2179 = tpu.memref_squeeze %dma_wait3A_2178 : memref<1x80xi32, #tpu.memory_space<vmem>> -> memref<80xi32, #tpu.memory_space<vmem>>
        %dma_wait3A_2180 = tpu.memref_slice %arg3[%mul3A_4] : memref<640000xi32, #tpu.memory_space<hbm>> -> memref<80xi32, #tpu.memory_space<hbm>>
        %dma_wait3A_2181 = arith.constant 0 : i32
        %dma_wait3A_2182 = tpu.memref_slice %arg7[%dma_wait3A_2176, %dma_wait3A_2181] : memref<1x80xi32, #tpu.memory_space<vmem>> -> memref<1x80xi32, #tpu.memory_space<vmem>>
        %dma_wait3A_2183 = tpu.memref_squeeze %dma_wait3A_2182 : memref<1x80xi32, #tpu.memory_space<vmem>> -> memref<80xi32, #tpu.memory_space<vmem>>
        %dma_wait3A_2184 = tpu.memref_slice %arg3[%mul3A_4] : memref<640000xi32, #tpu.memory_space<hbm>> -> memref<80xi32, #tpu.memory_space<hbm>>
        tpu.wait_dma2 semaphore(%arg29 : memref<!tpu.dma_semaphore, #tpu.memory_space<semaphore_mem>>) src(%dma_wait3A_2184 : memref<80xi32, #tpu.memory_space<hbm>>) dst(%dma_wait3A_2183 : memref<80xi32, #tpu.memory_space<vmem>>)
        %add3A_2185 = arith.constant 320000 : i32
        %add3A_2186 = arith.addi %add3A_2185, %mul3A_4 : i32
        %dma_wait3A_2187 = arith.constant 0 : i32
        %dma_wait3A_2188 = arith.constant 0 : i32
        %dma_wait3A_2189 = tpu.memref_slice %arg15[%dma_wait3A_2187, %dma_wait3A_2188] : memref<1x80xi32, #tpu.memory_space<vmem>> -> memref<1x80xi32, #tpu.memory_space<vmem>>
        %dma_wait3A_2190 = tpu.memref_squeeze %dma_wait3A_2189 : memref<1x80xi32, #tpu.memory_space<vmem>> -> memref<80xi32, #tpu.memory_space<vmem>>
        %dma_wait3A_2191 = tpu.memref_slice %arg3[%add3A_2186] : memref<640000xi32, #tpu.memory_space<hbm>> -> memref<80xi32, #tpu.memory_space<hbm>>
        %dma_wait3A_2192 = arith.constant 0 : i32
        %dma_wait3A_2193 = tpu.memref_slice %arg15[%dma_wait3A_2187, %dma_wait3A_2192] : memref<1x80xi32, #tpu.memory_space<vmem>> -> memref<1x80xi32, #tpu.memory_space<vmem>>
        %dma_wait3A_2194 = tpu.memref_squeeze %dma_wait3A_2193 : memref<1x80xi32, #tpu.memory_space<vmem>> -> memref<80xi32, #tpu.memory_space<vmem>>
        %dma_wait3A_2195 = tpu.memref_slice %arg3[%add3A_2186] : memref<640000xi32, #tpu.memory_space<hbm>> -> memref<80xi32, #tpu.memory_space<hbm>>
        tpu.wait_dma2 semaphore(%arg29 : memref<!tpu.dma_semaphore, #tpu.memory_space<semaphore_mem>>) src(%dma_wait3A_2195 : memref<80xi32, #tpu.memory_space<hbm>>) dst(%dma_wait3A_2194 : memref<80xi32, #tpu.memory_space<vmem>>)
        %dma_start3A_2196 = arith.constant 0 : i32
        %dma_start3A_2197 = arith.constant 0 : i32
        %dma_start3A_2198 = tpu.memref_slice %arg7[%dma_start3A_2196, %dma_start3A_2197] : memref<1x80xi32, #tpu.memory_space<vmem>> -> memref<1x80xi32, #tpu.memory_space<vmem>>
        %dma_start3A_2199 = tpu.memref_squeeze %dma_start3A_2198 : memref<1x80xi32, #tpu.memory_space<vmem>> -> memref<80xi32, #tpu.memory_space<vmem>>
        %dma_start3A_2200 = arith.constant 0 : i32
        %dma_start3A_2201 = arith.constant 0 : i32
        %dma_start3A_2202 = tpu.memref_slice %arg2[%dma_start3A_2200, %dma_start3A_2201] : memref<10240x128xf32, #tpu.memory_space<hbm>> -> memref<10240x128xf32, #tpu.memory_space<hbm>>
        tpu.enqueue_indirect_dma source(%dma_start3A_2202 : memref<10240x128xf32, #tpu.memory_space<hbm>>) target(%arg23 : memref<80x128xf32, #tpu.memory_space<vmem>>) offsets(%dma_start3A_2199 : memref<80xi32, #tpu.memory_space<vmem>>) semaphore(%arg37 : memref<!tpu.dma_semaphore, #tpu.memory_space<semaphore_mem>>)
      } else {
      }
      %dma_wait3A_2137 = arith.constant 0 : i32
      %dma_wait3A_2138 = arith.constant 0 : i32
      %dma_wait3A_2139 = tpu.memref_slice %arg5[%dma_wait3A_2137, %dma_wait3A_2138] : memref<1x80xi32, #tpu.memory_space<vmem>> -> memref<1x80xi32, #tpu.memory_space<vmem>>
      %dma_wait3A_2140 = tpu.memref_squeeze %dma_wait3A_2139 : memref<1x80xi32, #tpu.memory_space<vmem>> -> memref<80xi32, #tpu.memory_space<vmem>>
      %dma_wait3A_2141 = arith.constant 0 : i32
      %dma_wait3A_2142 = arith.constant 0 : i32
      %dma_wait3A_2143 = tpu.memref_slice %arg2[%dma_wait3A_2141, %dma_wait3A_2142] : memref<10240x128xf32, #tpu.memory_space<hbm>> -> memref<10240x128xf32, #tpu.memory_space<hbm>>
      tpu.wait_indirect_dma semaphore(%arg38 : memref<!tpu.dma_semaphore, #tpu.memory_space<semaphore_mem>>) src(%dma_wait3A_2143 : memref<10240x128xf32, #tpu.memory_space<hbm>>) dst(%arg24 : memref<80x128xf32, #tpu.memory_space<vmem>>)
      %dma_start3A_2144 = arith.constant 0 : i32
      %dma_start3A_2145 = arith.constant 0 : i32
      %dma_start3A_2146 = tpu.memref_slice %arg20[%dma_start3A_2144, %dma_start3A_2145] : memref<1x80xi32, #tpu.memory_space<vmem>> -> memref<1x80xi32, #tpu.memory_space<vmem>>
      %dma_start3A_2147 = tpu.memref_squeeze %dma_start3A_2146 : memref<1x80xi32, #tpu.memory_space<vmem>> -> memref<80xi32, #tpu.memory_space<vmem>>
      %dma_start3A_2148 = arith.constant 0 : i32
      %dma_start3A_2149 = arith.constant 0 : i32
      %dma_start3A_2150 = tpu.memref_slice %arg26[%dma_start3A_2148, %dma_start3A_2149] : memref<10240x128xf32, #tpu.memory_space<vmem_shared>> -> memref<10240x128xf32, #tpu.memory_space<vmem_shared>>
      tpu.enqueue_indirect_dma source(%arg24 : memref<80x128xf32, #tpu.memory_space<vmem>>) target(%dma_start3A_2150 : memref<10240x128xf32, #tpu.memory_space<vmem_shared>>) offsets(%dma_start3A_2147 : memref<80xi32, #tpu.memory_space<vmem>>) semaphore(%arg42 : memref<!tpu.dma_semaphore, #tpu.memory_space<semaphore_mem>>) {add = true}
      %dma_wait3A_2151 = arith.constant 0 : i32
      %dma_wait3A_2152 = arith.constant 0 : i32
      %dma_wait3A_2153 = tpu.memref_slice %arg13[%dma_wait3A_2151, %dma_wait3A_2152] : memref<1x80xi32, #tpu.memory_space<vmem>> -> memref<1x80xi32, #tpu.memory_space<vmem>>
      %dma_wait3A_2154 = tpu.memref_squeeze %dma_wait3A_2153 : memref<1x80xi32, #tpu.memory_space<vmem>> -> memref<80xi32, #tpu.memory_space<vmem>>
      %dma_wait3A_2155 = arith.constant 0 : i32
      %dma_wait3A_2156 = arith.constant 0 : i32
      %dma_wait3A_2157 = tpu.memref_slice %arg26[%dma_wait3A_2155, %dma_wait3A_2156] : memref<10240x128xf32, #tpu.memory_space<vmem_shared>> -> memref<10240x128xf32, #tpu.memory_space<vmem_shared>>
      tpu.wait_indirect_dma semaphore(%arg42 : memref<!tpu.dma_semaphore, #tpu.memory_space<semaphore_mem>>) src(%arg24 : memref<80x128xf32, #tpu.memory_space<vmem>>) dst(%dma_wait3A_2157 : memref<10240x128xf32, #tpu.memory_space<vmem_shared>>)
      %add3A_2158 = arith.constant 7 : i32
      %add3A_2159 = arith.addi %add3A_1866, %add3A_2158 : i32
      %add3A_2160 = arith.constant 8 : i32
      %add3A_2161 = arith.addi %add3A_2159, %add3A_2160 : i32
      %lt3A_2162 = arith.constant 125 : i32
      %lt3A_2163 = arith.cmpi slt, %add3A_2161, %lt3A_2162 : i32
      %convert_element_type3A_2164 = arith.extui %lt3A_2163 : i1 to i32
      %cond3A_2165 = arith.constant 0 : i32
      %cond3A_2166 = arith.cmpi ne, %convert_element_type3A_2164, %cond3A_2165 : i32
      scf.if %cond3A_2166 {
        %add3A_2176 = arith.constant 7 : i32
        %add3A_2177 = arith.addi %add3A_1866, %add3A_2176 : i32
        %add3A_2178 = arith.constant 8 : i32
        %add3A_2179 = arith.addi %add3A_2177, %add3A_2178 : i32
        %mul3A_2180 = arith.constant 80 : i32
        %mul3A_2181 = arith.muli %add3A_2179, %mul3A_2180 : i32
        %add3A_2182 = arith.addi %mul3A_4, %mul3A_2181 : i32
        %dma_start3A_2183 = arith.constant 0 : i32
        %dma_start3A_2184 = arith.constant 0 : i32
        %dma_start3A_2185 = tpu.memref_slice %arg12[%dma_start3A_2183, %dma_start3A_2184] : memref<1x80xi32, #tpu.memory_space<vmem>> -> memref<1x80xi32, #tpu.memory_space<vmem>>
        %dma_start3A_2186 = tpu.memref_squeeze %dma_start3A_2185 : memref<1x80xi32, #tpu.memory_space<vmem>> -> memref<80xi32, #tpu.memory_space<vmem>>
        %dma_start3A_2187 = tpu.memref_slice %arg3[%add3A_2182] : memref<640000xi32, #tpu.memory_space<hbm>> -> memref<80xi32, #tpu.memory_space<hbm>>
        %dma_start3A_2188 = arith.constant 0 : i32
        %dma_start3A_2189 = tpu.memref_slice %arg12[%dma_start3A_2183, %dma_start3A_2188] : memref<1x80xi32, #tpu.memory_space<vmem>> -> memref<1x80xi32, #tpu.memory_space<vmem>>
        %dma_start3A_2190 = tpu.memref_squeeze %dma_start3A_2189 : memref<1x80xi32, #tpu.memory_space<vmem>> -> memref<80xi32, #tpu.memory_space<vmem>>
        %dma_start3A_2191 = tpu.memref_slice %arg3[%add3A_2182] : memref<640000xi32, #tpu.memory_space<hbm>> -> memref<80xi32, #tpu.memory_space<hbm>>
        tpu.enqueue_dma source(%dma_start3A_2191 : memref<80xi32, #tpu.memory_space<hbm>>) target(%dma_start3A_2190 : memref<80xi32, #tpu.memory_space<vmem>>) target_semaphore(%arg34 : memref<!tpu.dma_semaphore, #tpu.memory_space<semaphore_mem>>)
        %add3A_2192 = arith.constant 320000 : i32
        %add3A_2193 = arith.addi %add3A_2192, %mul3A_4 : i32
        %mul3A_2194 = arith.constant 80 : i32
        %mul3A_2195 = arith.muli %add3A_2179, %mul3A_2194 : i32
        %add3A_2196 = arith.addi %add3A_2193, %mul3A_2195 : i32
        %dma_start3A_2197 = arith.constant 0 : i32
        %dma_start3A_2198 = arith.constant 0 : i32
        %dma_start3A_2199 = tpu.memref_slice %arg20[%dma_start3A_2197, %dma_start3A_2198] : memref<1x80xi32, #tpu.memory_space<vmem>> -> memref<1x80xi32, #tpu.memory_space<vmem>>
        %dma_start3A_2200 = tpu.memref_squeeze %dma_start3A_2199 : memref<1x80xi32, #tpu.memory_space<vmem>> -> memref<80xi32, #tpu.memory_space<vmem>>
        %dma_start3A_2201 = tpu.memref_slice %arg3[%add3A_2196] : memref<640000xi32, #tpu.memory_space<hbm>> -> memref<80xi32, #tpu.memory_space<hbm>>
        %dma_start3A_2202 = arith.constant 0 : i32
        %dma_start3A_2203 = tpu.memref_slice %arg20[%dma_start3A_2197, %dma_start3A_2202] : memref<1x80xi32, #tpu.memory_space<vmem>> -> memref<1x80xi32, #tpu.memory_space<vmem>>
        %dma_start3A_2204 = tpu.memref_squeeze %dma_start3A_2203 : memref<1x80xi32, #tpu.memory_space<vmem>> -> memref<80xi32, #tpu.memory_space<vmem>>
        %dma_start3A_2205 = tpu.memref_slice %arg3[%add3A_2196] : memref<640000xi32, #tpu.memory_space<hbm>> -> memref<80xi32, #tpu.memory_space<hbm>>
        tpu.enqueue_dma source(%dma_start3A_2205 : memref<80xi32, #tpu.memory_space<hbm>>) target(%dma_start3A_2204 : memref<80xi32, #tpu.memory_space<vmem>>) target_semaphore(%arg34 : memref<!tpu.dma_semaphore, #tpu.memory_space<semaphore_mem>>)
      } else {
      }
      %add3A_2167 = arith.constant 7 : i32
      %add3A_2168 = arith.addi %add3A_1866, %add3A_2167 : i32
      %add3A_2169 = arith.constant 4 : i32
      %add3A_2170 = arith.addi %add3A_2168, %add3A_2169 : i32
      %lt3A_2171 = arith.constant 125 : i32
      %lt3A_2172 = arith.cmpi slt, %add3A_2170, %lt3A_2171 : i32
      %convert_element_type3A_2173 = arith.extui %lt3A_2172 : i1 to i32
      %cond3A_2174 = arith.constant 0 : i32
      %cond3A_2175 = arith.cmpi ne, %convert_element_type3A_2173, %cond3A_2174 : i32
      scf.if %cond3A_2175 {
        %dma_wait3A_2176 = arith.constant 0 : i32
        %dma_wait3A_2177 = arith.constant 0 : i32
        %dma_wait3A_2178 = tpu.memref_slice %arg8[%dma_wait3A_2176, %dma_wait3A_2177] : memref<1x80xi32, #tpu.memory_space<vmem>> -> memref<1x80xi32, #tpu.memory_space<vmem>>
        %dma_wait3A_2179 = tpu.memref_squeeze %dma_wait3A_2178 : memref<1x80xi32, #tpu.memory_space<vmem>> -> memref<80xi32, #tpu.memory_space<vmem>>
        %dma_wait3A_2180 = tpu.memref_slice %arg3[%mul3A_4] : memref<640000xi32, #tpu.memory_space<hbm>> -> memref<80xi32, #tpu.memory_space<hbm>>
        %dma_wait3A_2181 = arith.constant 0 : i32
        %dma_wait3A_2182 = tpu.memref_slice %arg8[%dma_wait3A_2176, %dma_wait3A_2181] : memref<1x80xi32, #tpu.memory_space<vmem>> -> memref<1x80xi32, #tpu.memory_space<vmem>>
        %dma_wait3A_2183 = tpu.memref_squeeze %dma_wait3A_2182 : memref<1x80xi32, #tpu.memory_space<vmem>> -> memref<80xi32, #tpu.memory_space<vmem>>
        %dma_wait3A_2184 = tpu.memref_slice %arg3[%mul3A_4] : memref<640000xi32, #tpu.memory_space<hbm>> -> memref<80xi32, #tpu.memory_space<hbm>>
        tpu.wait_dma2 semaphore(%arg30 : memref<!tpu.dma_semaphore, #tpu.memory_space<semaphore_mem>>) src(%dma_wait3A_2184 : memref<80xi32, #tpu.memory_space<hbm>>) dst(%dma_wait3A_2183 : memref<80xi32, #tpu.memory_space<vmem>>)
        %add3A_2185 = arith.constant 320000 : i32
        %add3A_2186 = arith.addi %add3A_2185, %mul3A_4 : i32
        %dma_wait3A_2187 = arith.constant 0 : i32
        %dma_wait3A_2188 = arith.constant 0 : i32
        %dma_wait3A_2189 = tpu.memref_slice %arg16[%dma_wait3A_2187, %dma_wait3A_2188] : memref<1x80xi32, #tpu.memory_space<vmem>> -> memref<1x80xi32, #tpu.memory_space<vmem>>
        %dma_wait3A_2190 = tpu.memref_squeeze %dma_wait3A_2189 : memref<1x80xi32, #tpu.memory_space<vmem>> -> memref<80xi32, #tpu.memory_space<vmem>>
        %dma_wait3A_2191 = tpu.memref_slice %arg3[%add3A_2186] : memref<640000xi32, #tpu.memory_space<hbm>> -> memref<80xi32, #tpu.memory_space<hbm>>
        %dma_wait3A_2192 = arith.constant 0 : i32
        %dma_wait3A_2193 = tpu.memref_slice %arg16[%dma_wait3A_2187, %dma_wait3A_2192] : memref<1x80xi32, #tpu.memory_space<vmem>> -> memref<1x80xi32, #tpu.memory_space<vmem>>
        %dma_wait3A_2194 = tpu.memref_squeeze %dma_wait3A_2193 : memref<1x80xi32, #tpu.memory_space<vmem>> -> memref<80xi32, #tpu.memory_space<vmem>>
        %dma_wait3A_2195 = tpu.memref_slice %arg3[%add3A_2186] : memref<640000xi32, #tpu.memory_space<hbm>> -> memref<80xi32, #tpu.memory_space<hbm>>
        tpu.wait_dma2 semaphore(%arg30 : memref<!tpu.dma_semaphore, #tpu.memory_space<semaphore_mem>>) src(%dma_wait3A_2195 : memref<80xi32, #tpu.memory_space<hbm>>) dst(%dma_wait3A_2194 : memref<80xi32, #tpu.memory_space<vmem>>)
        %dma_start3A_2196 = arith.constant 0 : i32
        %dma_start3A_2197 = arith.constant 0 : i32
        %dma_start3A_2198 = tpu.memref_slice %arg8[%dma_start3A_2196, %dma_start3A_2197] : memref<1x80xi32, #tpu.memory_space<vmem>> -> memref<1x80xi32, #tpu.memory_space<vmem>>
        %dma_start3A_2199 = tpu.memref_squeeze %dma_start3A_2198 : memref<1x80xi32, #tpu.memory_space<vmem>> -> memref<80xi32, #tpu.memory_space<vmem>>
        %dma_start3A_2200 = arith.constant 0 : i32
        %dma_start3A_2201 = arith.constant 0 : i32
        %dma_start3A_2202 = tpu.memref_slice %arg2[%dma_start3A_2200, %dma_start3A_2201] : memref<10240x128xf32, #tpu.memory_space<hbm>> -> memref<10240x128xf32, #tpu.memory_space<hbm>>
        tpu.enqueue_indirect_dma source(%dma_start3A_2202 : memref<10240x128xf32, #tpu.memory_space<hbm>>) target(%arg24 : memref<80x128xf32, #tpu.memory_space<vmem>>) offsets(%dma_start3A_2199 : memref<80xi32, #tpu.memory_space<vmem>>) semaphore(%arg38 : memref<!tpu.dma_semaphore, #tpu.memory_space<semaphore_mem>>)
      } else {
      }
    }
    %scan3A_1728 = arith.constant 15 : i32
    %dma_wait3A_1729 = arith.constant 0 : i32
    %dma_wait3A_1730 = arith.constant 0 : i32
    %dma_wait3A_1731 = tpu.memref_slice %arg5[%dma_wait3A_1729, %dma_wait3A_1730] : memref<1x80xi32, #tpu.memory_space<vmem>> -> memref<1x80xi32, #tpu.memory_space<vmem>>
    %dma_wait3A_1732 = tpu.memref_squeeze %dma_wait3A_1731 : memref<1x80xi32, #tpu.memory_space<vmem>> -> memref<80xi32, #tpu.memory_space<vmem>>
    %dma_wait3A_1733 = arith.constant 0 : i32
    %dma_wait3A_1734 = arith.constant 0 : i32
    %dma_wait3A_1735 = tpu.memref_slice %arg2[%dma_wait3A_1733, %dma_wait3A_1734] : memref<10240x128xf32, #tpu.memory_space<hbm>> -> memref<10240x128xf32, #tpu.memory_space<hbm>>
    tpu.wait_indirect_dma semaphore(%arg35 : memref<!tpu.dma_semaphore, #tpu.memory_space<semaphore_mem>>) src(%dma_wait3A_1735 : memref<10240x128xf32, #tpu.memory_space<hbm>>) dst(%arg21 : memref<80x128xf32, #tpu.memory_space<vmem>>)
    %dma_start3A_1736 = arith.constant 0 : i32
    %dma_start3A_1737 = arith.constant 0 : i32
    %dma_start3A_1738 = tpu.memref_slice %arg13[%dma_start3A_1736, %dma_start3A_1737] : memref<1x80xi32, #tpu.memory_space<vmem>> -> memref<1x80xi32, #tpu.memory_space<vmem>>
    %dma_start3A_1739 = tpu.memref_squeeze %dma_start3A_1738 : memref<1x80xi32, #tpu.memory_space<vmem>> -> memref<80xi32, #tpu.memory_space<vmem>>
    %dma_start3A_1740 = arith.constant 0 : i32
    %dma_start3A_1741 = arith.constant 0 : i32
    %dma_start3A_1742 = tpu.memref_slice %arg26[%dma_start3A_1740, %dma_start3A_1741] : memref<10240x128xf32, #tpu.memory_space<vmem_shared>> -> memref<10240x128xf32, #tpu.memory_space<vmem_shared>>
    tpu.enqueue_indirect_dma source(%arg21 : memref<80x128xf32, #tpu.memory_space<vmem>>) target(%dma_start3A_1742 : memref<10240x128xf32, #tpu.memory_space<vmem_shared>>) offsets(%dma_start3A_1739 : memref<80xi32, #tpu.memory_space<vmem>>) semaphore(%arg39 : memref<!tpu.dma_semaphore, #tpu.memory_space<semaphore_mem>>) {add = true}
    %dma_wait3A_1743 = arith.constant 0 : i32
    %dma_wait3A_1744 = arith.constant 0 : i32
    %dma_wait3A_1745 = tpu.memref_slice %arg13[%dma_wait3A_1743, %dma_wait3A_1744] : memref<1x80xi32, #tpu.memory_space<vmem>> -> memref<1x80xi32, #tpu.memory_space<vmem>>
    %dma_wait3A_1746 = tpu.memref_squeeze %dma_wait3A_1745 : memref<1x80xi32, #tpu.memory_space<vmem>> -> memref<80xi32, #tpu.memory_space<vmem>>
    %dma_wait3A_1747 = arith.constant 0 : i32
    %dma_wait3A_1748 = arith.constant 0 : i32
    %dma_wait3A_1749 = tpu.memref_slice %arg26[%dma_wait3A_1747, %dma_wait3A_1748] : memref<10240x128xf32, #tpu.memory_space<vmem_shared>> -> memref<10240x128xf32, #tpu.memory_space<vmem_shared>>
    tpu.wait_indirect_dma semaphore(%arg39 : memref<!tpu.dma_semaphore, #tpu.memory_space<semaphore_mem>>) src(%arg21 : memref<80x128xf32, #tpu.memory_space<vmem>>) dst(%dma_wait3A_1749 : memref<10240x128xf32, #tpu.memory_space<vmem_shared>>)
    %dma_wait3A_1750 = arith.constant 0 : i32
    %dma_wait3A_1751 = arith.constant 0 : i32
    %dma_wait3A_1752 = tpu.memref_slice %arg9[%dma_wait3A_1750, %dma_wait3A_1751] : memref<1x80xi32, #tpu.memory_space<vmem>> -> memref<1x80xi32, #tpu.memory_space<vmem>>
    %dma_wait3A_1753 = tpu.memref_squeeze %dma_wait3A_1752 : memref<1x80xi32, #tpu.memory_space<vmem>> -> memref<80xi32, #tpu.memory_space<vmem>>
    %dma_wait3A_1754 = tpu.memref_slice %arg3[%mul3A_4] : memref<640000xi32, #tpu.memory_space<hbm>> -> memref<80xi32, #tpu.memory_space<hbm>>
    %dma_wait3A_1755 = arith.constant 0 : i32
    %dma_wait3A_1756 = tpu.memref_slice %arg9[%dma_wait3A_1750, %dma_wait3A_1755] : memref<1x80xi32, #tpu.memory_space<vmem>> -> memref<1x80xi32, #tpu.memory_space<vmem>>
    %dma_wait3A_1757 = tpu.memref_squeeze %dma_wait3A_1756 : memref<1x80xi32, #tpu.memory_space<vmem>> -> memref<80xi32, #tpu.memory_space<vmem>>
    %dma_wait3A_1758 = tpu.memref_slice %arg3[%mul3A_4] : memref<640000xi32, #tpu.memory_space<hbm>> -> memref<80xi32, #tpu.memory_space<hbm>>
    tpu.wait_dma2 semaphore(%arg31 : memref<!tpu.dma_semaphore, #tpu.memory_space<semaphore_mem>>) src(%dma_wait3A_1758 : memref<80xi32, #tpu.memory_space<hbm>>) dst(%dma_wait3A_1757 : memref<80xi32, #tpu.memory_space<vmem>>)
    %add3A_1759 = arith.constant 320000 : i32
    %add3A_1760 = arith.addi %add3A_1759, %mul3A_4 : i32
    %dma_wait3A_1761 = arith.constant 0 : i32
    %dma_wait3A_1762 = arith.constant 0 : i32
    %dma_wait3A_1763 = tpu.memref_slice %arg17[%dma_wait3A_1761, %dma_wait3A_1762] : memref<1x80xi32, #tpu.memory_space<vmem>> -> memref<1x80xi32, #tpu.memory_space<vmem>>
    %dma_wait3A_1764 = tpu.memref_squeeze %dma_wait3A_1763 : memref<1x80xi32, #tpu.memory_space<vmem>> -> memref<80xi32, #tpu.memory_space<vmem>>
    %dma_wait3A_1765 = tpu.memref_slice %arg3[%add3A_1760] : memref<640000xi32, #tpu.memory_space<hbm>> -> memref<80xi32, #tpu.memory_space<hbm>>
    %dma_wait3A_1766 = arith.constant 0 : i32
    %dma_wait3A_1767 = tpu.memref_slice %arg17[%dma_wait3A_1761, %dma_wait3A_1766] : memref<1x80xi32, #tpu.memory_space<vmem>> -> memref<1x80xi32, #tpu.memory_space<vmem>>
    %dma_wait3A_1768 = tpu.memref_squeeze %dma_wait3A_1767 : memref<1x80xi32, #tpu.memory_space<vmem>> -> memref<80xi32, #tpu.memory_space<vmem>>
    %dma_wait3A_1769 = tpu.memref_slice %arg3[%add3A_1760] : memref<640000xi32, #tpu.memory_space<hbm>> -> memref<80xi32, #tpu.memory_space<hbm>>
    tpu.wait_dma2 semaphore(%arg31 : memref<!tpu.dma_semaphore, #tpu.memory_space<semaphore_mem>>) src(%dma_wait3A_1769 : memref<80xi32, #tpu.memory_space<hbm>>) dst(%dma_wait3A_1768 : memref<80xi32, #tpu.memory_space<vmem>>)
    %dma_start3A_1770 = arith.constant 0 : i32
    %dma_start3A_1771 = arith.constant 0 : i32
    %dma_start3A_1772 = tpu.memref_slice %arg9[%dma_start3A_1770, %dma_start3A_1771] : memref<1x80xi32, #tpu.memory_space<vmem>> -> memref<1x80xi32, #tpu.memory_space<vmem>>
    %dma_start3A_1773 = tpu.memref_squeeze %dma_start3A_1772 : memref<1x80xi32, #tpu.memory_space<vmem>> -> memref<80xi32, #tpu.memory_space<vmem>>
    %dma_start3A_1774 = arith.constant 0 : i32
    %dma_start3A_1775 = arith.constant 0 : i32
    %dma_start3A_1776 = tpu.memref_slice %arg2[%dma_start3A_1774, %dma_start3A_1775] : memref<10240x128xf32, #tpu.memory_space<hbm>> -> memref<10240x128xf32, #tpu.memory_space<hbm>>
    tpu.enqueue_indirect_dma source(%dma_start3A_1776 : memref<10240x128xf32, #tpu.memory_space<hbm>>) target(%arg21 : memref<80x128xf32, #tpu.memory_space<vmem>>) offsets(%dma_start3A_1773 : memref<80xi32, #tpu.memory_space<vmem>>) semaphore(%arg35 : memref<!tpu.dma_semaphore, #tpu.memory_space<semaphore_mem>>)
    %dma_wait3A_1777 = arith.constant 0 : i32
    %dma_wait3A_1778 = arith.constant 0 : i32
    %dma_wait3A_1779 = tpu.memref_slice %arg5[%dma_wait3A_1777, %dma_wait3A_1778] : memref<1x80xi32, #tpu.memory_space<vmem>> -> memref<1x80xi32, #tpu.memory_space<vmem>>
    %dma_wait3A_1780 = tpu.memref_squeeze %dma_wait3A_1779 : memref<1x80xi32, #tpu.memory_space<vmem>> -> memref<80xi32, #tpu.memory_space<vmem>>
    %dma_wait3A_1781 = arith.constant 0 : i32
    %dma_wait3A_1782 = arith.constant 0 : i32
    %dma_wait3A_1783 = tpu.memref_slice %arg2[%dma_wait3A_1781, %dma_wait3A_1782] : memref<10240x128xf32, #tpu.memory_space<hbm>> -> memref<10240x128xf32, #tpu.memory_space<hbm>>
    tpu.wait_indirect_dma semaphore(%arg36 : memref<!tpu.dma_semaphore, #tpu.memory_space<semaphore_mem>>) src(%dma_wait3A_1783 : memref<10240x128xf32, #tpu.memory_space<hbm>>) dst(%arg22 : memref<80x128xf32, #tpu.memory_space<vmem>>)
    %dma_start3A_1784 = arith.constant 0 : i32
    %dma_start3A_1785 = arith.constant 0 : i32
    %dma_start3A_1786 = tpu.memref_slice %arg14[%dma_start3A_1784, %dma_start3A_1785] : memref<1x80xi32, #tpu.memory_space<vmem>> -> memref<1x80xi32, #tpu.memory_space<vmem>>
    %dma_start3A_1787 = tpu.memref_squeeze %dma_start3A_1786 : memref<1x80xi32, #tpu.memory_space<vmem>> -> memref<80xi32, #tpu.memory_space<vmem>>
    %dma_start3A_1788 = arith.constant 0 : i32
    %dma_start3A_1789 = arith.constant 0 : i32
    %dma_start3A_1790 = tpu.memref_slice %arg26[%dma_start3A_1788, %dma_start3A_1789] : memref<10240x128xf32, #tpu.memory_space<vmem_shared>> -> memref<10240x128xf32, #tpu.memory_space<vmem_shared>>
    tpu.enqueue_indirect_dma source(%arg22 : memref<80x128xf32, #tpu.memory_space<vmem>>) target(%dma_start3A_1790 : memref<10240x128xf32, #tpu.memory_space<vmem_shared>>) offsets(%dma_start3A_1787 : memref<80xi32, #tpu.memory_space<vmem>>) semaphore(%arg40 : memref<!tpu.dma_semaphore, #tpu.memory_space<semaphore_mem>>) {add = true}
    %dma_wait3A_1791 = arith.constant 0 : i32
    %dma_wait3A_1792 = arith.constant 0 : i32
    %dma_wait3A_1793 = tpu.memref_slice %arg13[%dma_wait3A_1791, %dma_wait3A_1792] : memref<1x80xi32, #tpu.memory_space<vmem>> -> memref<1x80xi32, #tpu.memory_space<vmem>>
    %dma_wait3A_1794 = tpu.memref_squeeze %dma_wait3A_1793 : memref<1x80xi32, #tpu.memory_space<vmem>> -> memref<80xi32, #tpu.memory_space<vmem>>
    %dma_wait3A_1795 = arith.constant 0 : i32
    %dma_wait3A_1796 = arith.constant 0 : i32
    %dma_wait3A_1797 = tpu.memref_slice %arg26[%dma_wait3A_1795, %dma_wait3A_1796] : memref<10240x128xf32, #tpu.memory_space<vmem_shared>> -> memref<10240x128xf32, #tpu.memory_space<vmem_shared>>
    tpu.wait_indirect_dma semaphore(%arg40 : memref<!tpu.dma_semaphore, #tpu.memory_space<semaphore_mem>>) src(%arg22 : memref<80x128xf32, #tpu.memory_space<vmem>>) dst(%dma_wait3A_1797 : memref<10240x128xf32, #tpu.memory_space<vmem_shared>>)
    %dma_wait3A_1798 = arith.constant 0 : i32
    %dma_wait3A_1799 = arith.constant 0 : i32
    %dma_wait3A_1800 = tpu.memref_slice %arg5[%dma_wait3A_1798, %dma_wait3A_1799] : memref<1x80xi32, #tpu.memory_space<vmem>> -> memref<1x80xi32, #tpu.memory_space<vmem>>
    %dma_wait3A_1801 = tpu.memref_squeeze %dma_wait3A_1800 : memref<1x80xi32, #tpu.memory_space<vmem>> -> memref<80xi32, #tpu.memory_space<vmem>>
    %dma_wait3A_1802 = arith.constant 0 : i32
    %dma_wait3A_1803 = arith.constant 0 : i32
    %dma_wait3A_1804 = tpu.memref_slice %arg2[%dma_wait3A_1802, %dma_wait3A_1803] : memref<10240x128xf32, #tpu.memory_space<hbm>> -> memref<10240x128xf32, #tpu.memory_space<hbm>>
    tpu.wait_indirect_dma semaphore(%arg37 : memref<!tpu.dma_semaphore, #tpu.memory_space<semaphore_mem>>) src(%dma_wait3A_1804 : memref<10240x128xf32, #tpu.memory_space<hbm>>) dst(%arg23 : memref<80x128xf32, #tpu.memory_space<vmem>>)
    %dma_start3A_1805 = arith.constant 0 : i32
    %dma_start3A_1806 = arith.constant 0 : i32
    %dma_start3A_1807 = tpu.memref_slice %arg15[%dma_start3A_1805, %dma_start3A_1806] : memref<1x80xi32, #tpu.memory_space<vmem>> -> memref<1x80xi32, #tpu.memory_space<vmem>>
    %dma_start3A_1808 = tpu.memref_squeeze %dma_start3A_1807 : memref<1x80xi32, #tpu.memory_space<vmem>> -> memref<80xi32, #tpu.memory_space<vmem>>
    %dma_start3A_1809 = arith.constant 0 : i32
    %dma_start3A_1810 = arith.constant 0 : i32
    %dma_start3A_1811 = tpu.memref_slice %arg26[%dma_start3A_1809, %dma_start3A_1810] : memref<10240x128xf32, #tpu.memory_space<vmem_shared>> -> memref<10240x128xf32, #tpu.memory_space<vmem_shared>>
    tpu.enqueue_indirect_dma source(%arg23 : memref<80x128xf32, #tpu.memory_space<vmem>>) target(%dma_start3A_1811 : memref<10240x128xf32, #tpu.memory_space<vmem_shared>>) offsets(%dma_start3A_1808 : memref<80xi32, #tpu.memory_space<vmem>>) semaphore(%arg41 : memref<!tpu.dma_semaphore, #tpu.memory_space<semaphore_mem>>) {add = true}
    %dma_wait3A_1812 = arith.constant 0 : i32
    %dma_wait3A_1813 = arith.constant 0 : i32
    %dma_wait3A_1814 = tpu.memref_slice %arg13[%dma_wait3A_1812, %dma_wait3A_1813] : memref<1x80xi32, #tpu.memory_space<vmem>> -> memref<1x80xi32, #tpu.memory_space<vmem>>
    %dma_wait3A_1815 = tpu.memref_squeeze %dma_wait3A_1814 : memref<1x80xi32, #tpu.memory_space<vmem>> -> memref<80xi32, #tpu.memory_space<vmem>>
    %dma_wait3A_1816 = arith.constant 0 : i32
    %dma_wait3A_1817 = arith.constant 0 : i32
    %dma_wait3A_1818 = tpu.memref_slice %arg26[%dma_wait3A_1816, %dma_wait3A_1817] : memref<10240x128xf32, #tpu.memory_space<vmem_shared>> -> memref<10240x128xf32, #tpu.memory_space<vmem_shared>>
    tpu.wait_indirect_dma semaphore(%arg41 : memref<!tpu.dma_semaphore, #tpu.memory_space<semaphore_mem>>) src(%arg23 : memref<80x128xf32, #tpu.memory_space<vmem>>) dst(%dma_wait3A_1818 : memref<10240x128xf32, #tpu.memory_space<vmem_shared>>)
    %dma_wait3A_1819 = arith.constant 0 : i32
    %dma_wait3A_1820 = arith.constant 0 : i32
    %dma_wait3A_1821 = tpu.memref_slice %arg5[%dma_wait3A_1819, %dma_wait3A_1820] : memref<1x80xi32, #tpu.memory_space<vmem>> -> memref<1x80xi32, #tpu.memory_space<vmem>>
    %dma_wait3A_1822 = tpu.memref_squeeze %dma_wait3A_1821 : memref<1x80xi32, #tpu.memory_space<vmem>> -> memref<80xi32, #tpu.memory_space<vmem>>
    %dma_wait3A_1823 = arith.constant 0 : i32
    %dma_wait3A_1824 = arith.constant 0 : i32
    %dma_wait3A_1825 = tpu.memref_slice %arg2[%dma_wait3A_1823, %dma_wait3A_1824] : memref<10240x128xf32, #tpu.memory_space<hbm>> -> memref<10240x128xf32, #tpu.memory_space<hbm>>
    tpu.wait_indirect_dma semaphore(%arg38 : memref<!tpu.dma_semaphore, #tpu.memory_space<semaphore_mem>>) src(%dma_wait3A_1825 : memref<10240x128xf32, #tpu.memory_space<hbm>>) dst(%arg24 : memref<80x128xf32, #tpu.memory_space<vmem>>)
    %dma_start3A_1826 = arith.constant 0 : i32
    %dma_start3A_1827 = arith.constant 0 : i32
    %dma_start3A_1828 = tpu.memref_slice %arg16[%dma_start3A_1826, %dma_start3A_1827] : memref<1x80xi32, #tpu.memory_space<vmem>> -> memref<1x80xi32, #tpu.memory_space<vmem>>
    %dma_start3A_1829 = tpu.memref_squeeze %dma_start3A_1828 : memref<1x80xi32, #tpu.memory_space<vmem>> -> memref<80xi32, #tpu.memory_space<vmem>>
    %dma_start3A_1830 = arith.constant 0 : i32
    %dma_start3A_1831 = arith.constant 0 : i32
    %dma_start3A_1832 = tpu.memref_slice %arg26[%dma_start3A_1830, %dma_start3A_1831] : memref<10240x128xf32, #tpu.memory_space<vmem_shared>> -> memref<10240x128xf32, #tpu.memory_space<vmem_shared>>
    tpu.enqueue_indirect_dma source(%arg24 : memref<80x128xf32, #tpu.memory_space<vmem>>) target(%dma_start3A_1832 : memref<10240x128xf32, #tpu.memory_space<vmem_shared>>) offsets(%dma_start3A_1829 : memref<80xi32, #tpu.memory_space<vmem>>) semaphore(%arg42 : memref<!tpu.dma_semaphore, #tpu.memory_space<semaphore_mem>>) {add = true}
    %dma_wait3A_1833 = arith.constant 0 : i32
    %dma_wait3A_1834 = arith.constant 0 : i32
    %dma_wait3A_1835 = tpu.memref_slice %arg13[%dma_wait3A_1833, %dma_wait3A_1834] : memref<1x80xi32, #tpu.memory_space<vmem>> -> memref<1x80xi32, #tpu.memory_space<vmem>>
    %dma_wait3A_1836 = tpu.memref_squeeze %dma_wait3A_1835 : memref<1x80xi32, #tpu.memory_space<vmem>> -> memref<80xi32, #tpu.memory_space<vmem>>
    %dma_wait3A_1837 = arith.constant 0 : i32
    %dma_wait3A_1838 = arith.constant 0 : i32
    %dma_wait3A_1839 = tpu.memref_slice %arg26[%dma_wait3A_1837, %dma_wait3A_1838] : memref<10240x128xf32, #tpu.memory_space<vmem_shared>> -> memref<10240x128xf32, #tpu.memory_space<vmem_shared>>
    tpu.wait_indirect_dma semaphore(%arg42 : memref<!tpu.dma_semaphore, #tpu.memory_space<semaphore_mem>>) src(%arg24 : memref<80x128xf32, #tpu.memory_space<vmem>>) dst(%dma_wait3A_1839 : memref<10240x128xf32, #tpu.memory_space<vmem_shared>>)
    %dma_wait3A_1840 = arith.constant 0 : i32
    %dma_wait3A_1841 = arith.constant 0 : i32
    %dma_wait3A_1842 = tpu.memref_slice %arg5[%dma_wait3A_1840, %dma_wait3A_1841] : memref<1x80xi32, #tpu.memory_space<vmem>> -> memref<1x80xi32, #tpu.memory_space<vmem>>
    %dma_wait3A_1843 = tpu.memref_squeeze %dma_wait3A_1842 : memref<1x80xi32, #tpu.memory_space<vmem>> -> memref<80xi32, #tpu.memory_space<vmem>>
    %dma_wait3A_1844 = arith.constant 0 : i32
    %dma_wait3A_1845 = arith.constant 0 : i32
    %dma_wait3A_1846 = tpu.memref_slice %arg2[%dma_wait3A_1844, %dma_wait3A_1845] : memref<10240x128xf32, #tpu.memory_space<hbm>> -> memref<10240x128xf32, #tpu.memory_space<hbm>>
    tpu.wait_indirect_dma semaphore(%arg35 : memref<!tpu.dma_semaphore, #tpu.memory_space<semaphore_mem>>) src(%dma_wait3A_1846 : memref<10240x128xf32, #tpu.memory_space<hbm>>) dst(%arg21 : memref<80x128xf32, #tpu.memory_space<vmem>>)
    %dma_start3A_1847 = arith.constant 0 : i32
    %dma_start3A_1848 = arith.constant 0 : i32
    %dma_start3A_1849 = tpu.memref_slice %arg17[%dma_start3A_1847, %dma_start3A_1848] : memref<1x80xi32, #tpu.memory_space<vmem>> -> memref<1x80xi32, #tpu.memory_space<vmem>>
    %dma_start3A_1850 = tpu.memref_squeeze %dma_start3A_1849 : memref<1x80xi32, #tpu.memory_space<vmem>> -> memref<80xi32, #tpu.memory_space<vmem>>
    %dma_start3A_1851 = arith.constant 0 : i32
    %dma_start3A_1852 = arith.constant 0 : i32
    %dma_start3A_1853 = tpu.memref_slice %arg26[%dma_start3A_1851, %dma_start3A_1852] : memref<10240x128xf32, #tpu.memory_space<vmem_shared>> -> memref<10240x128xf32, #tpu.memory_space<vmem_shared>>
    tpu.enqueue_indirect_dma source(%arg21 : memref<80x128xf32, #tpu.memory_space<vmem>>) target(%dma_start3A_1853 : memref<10240x128xf32, #tpu.memory_space<vmem_shared>>) offsets(%dma_start3A_1850 : memref<80xi32, #tpu.memory_space<vmem>>) semaphore(%arg39 : memref<!tpu.dma_semaphore, #tpu.memory_space<semaphore_mem>>) {add = true}
    %dma_wait3A_1854 = arith.constant 0 : i32
    %dma_wait3A_1855 = arith.constant 0 : i32
    %dma_wait3A_1856 = tpu.memref_slice %arg13[%dma_wait3A_1854, %dma_wait3A_1855] : memref<1x80xi32, #tpu.memory_space<vmem>> -> memref<1x80xi32, #tpu.memory_space<vmem>>
    %dma_wait3A_1857 = tpu.memref_squeeze %dma_wait3A_1856 : memref<1x80xi32, #tpu.memory_space<vmem>> -> memref<80xi32, #tpu.memory_space<vmem>>
    %dma_wait3A_1858 = arith.constant 0 : i32
    %dma_wait3A_1859 = arith.constant 0 : i32
    %dma_wait3A_1860 = tpu.memref_slice %arg26[%dma_wait3A_1858, %dma_wait3A_1859] : memref<10240x128xf32, #tpu.memory_space<vmem_shared>> -> memref<10240x128xf32, #tpu.memory_space<vmem_shared>>
    tpu.wait_indirect_dma semaphore(%arg39 : memref<!tpu.dma_semaphore, #tpu.memory_space<semaphore_mem>>) src(%arg21 : memref<80x128xf32, #tpu.memory_space<vmem>>) dst(%dma_wait3A_1860 : memref<10240x128xf32, #tpu.memory_space<vmem_shared>>)
    %barrier3A_1861 = arith.constant 0 : index
    tpu.barrier barrier_id(%barrier3A_1861)
    "tpu.region"() ({
      %run_scoped3A = tpu.sem_alloc : memref<!tpu.dma_semaphore, #tpu.memory_space<semaphore_mem>>
      %dma_start3A_1862 = arith.constant 0 : i32
      %dma_start3A_1863 = tpu.memref_slice %arg4[%arg0, %mul3A_2, %dma_start3A_1862] : memref<2x10240x128xf32, #tpu.memory_space<hbm>> -> memref<1x640x128xf32, #tpu.memory_space<hbm>>
      %dma_start3A_1864 = tpu.memref_squeeze %dma_start3A_1863 : memref<1x640x128xf32, #tpu.memory_space<hbm>> -> memref<640x128xf32, #tpu.memory_space<hbm>>
      %dma_start3A_1865 = arith.constant 0 : i32
      %dma_start3A_1866 = tpu.memref_slice %arg26[%mul3A_2, %dma_start3A_1865] : memref<10240x128xf32, #tpu.memory_space<vmem_shared>> -> memref<640x128xf32, #tpu.memory_space<vmem_shared>>
      tpu.enqueue_dma source(%dma_start3A_1866 : memref<640x128xf32, #tpu.memory_space<vmem_shared>>) target(%dma_start3A_1864 : memref<640x128xf32, #tpu.memory_space<hbm>>) target_semaphore(%run_scoped3A : memref<!tpu.dma_semaphore, #tpu.memory_space<semaphore_mem>>)
      %dma_wait3A_1867 = arith.constant 0 : i32
      %dma_wait3A_1868 = tpu.memref_slice %arg4[%arg0, %mul3A_2, %dma_wait3A_1867] : memref<2x10240x128xf32, #tpu.memory_space<hbm>> -> memref<1x640x128xf32, #tpu.memory_space<hbm>>
      %dma_wait3A_1869 = tpu.memref_squeeze %dma_wait3A_1868 : memref<1x640x128xf32, #tpu.memory_space<hbm>> -> memref<640x128xf32, #tpu.memory_space<hbm>>
      %dma_wait3A_1870 = arith.constant 0 : i32
      %dma_wait3A_1871 = tpu.memref_slice %arg26[%mul3A_2, %dma_wait3A_1870] : memref<10240x128xf32, #tpu.memory_space<vmem_shared>> -> memref<640x128xf32, #tpu.memory_space<vmem_shared>>
      tpu.wait_dma2 semaphore(%run_scoped3A : memref<!tpu.dma_semaphore, #tpu.memory_space<semaphore_mem>>) src(%dma_wait3A_1871 : memref<640x128xf32, #tpu.memory_space<vmem_shared>>) dst(%dma_wait3A_1869 : memref<640x128xf32, #tpu.memory_space<hbm>>)
      tpu.yield
    }) : () -> ()
    return
  }
}

module attributes {stable_mosaic.version = 14 : i64} {
  func.func @_fin_body(%arg0: i32, %arg1: memref<2x1024x128xf32, #tpu.memory_space<vmem>>, %arg2: memref<1024x128xf32, #tpu.memory_space<vmem>>, %arg3: memref<2x1024xf32, #tpu.memory_space<vmem>>, %arg4: memref<1x128xf32, #tpu.memory_space<vmem>>, %arg5: memref<1024x128xf32, #tpu.memory_space<vmem>>) attributes {dimension_semantics = [#tpu.dimension_semantics<arbitrary>], iteration_bounds = array<i64: 10>, scalar_prefetch = 0 : i64, scratch_operands = 0 : i64, tpu.core_type = #tpu.core_type<tc>, window_params = [{transform_indices = @transform_0, window_bounds = array<i64: 2, 1024, 128>}, {transform_indices = @transform_1, window_bounds = array<i64: 1024, 128>}, {transform_indices = @transform_2, window_bounds = array<i64: 2, 1024>}, {pipeline_mode = #tpu.pipeline_mode<synchronous>, transform_indices = @transform_3, window_bounds = array<i64: 1, 128>}, {transform_indices = @transform_4, window_bounds = array<i64: 1024, 128>}]} {
    %get3A = arith.constant 0 : index
    %get3A_0 = arith.constant 0 : index
    %get3A_1 = vector.load %arg3[%get3A, %get3A_0] : memref<2x1024xf32, #tpu.memory_space<vmem>>, vector<1x1024xf32>
    %get3A_2 = vector.shape_cast %get3A_1 : vector<1x1024xf32> to vector<1024xf32>
    %get3A_3 = arith.constant 1 : index
    %get3A_4 = arith.constant 0 : index
    %get3A_5 = vector.load %arg3[%get3A_3, %get3A_4] : memref<2x1024xf32, #tpu.memory_space<vmem>>, vector<1x1024xf32>
    %get3A_6 = vector.shape_cast %get3A_5 : vector<1x1024xf32> to vector<1024xf32>
    %add3A = arith.addf %get3A_2, %get3A_6 : vector<1024xf32>
    %add3A_7 = arith.constant 1.000000e+00 : f32
    %add3A_8 = vector.broadcast %add3A_7 : f32 to vector<1024xf32>
    %add3A_9 = arith.addf %add3A, %add3A_8 : vector<1024xf32>
    %rsqrt3A = math.rsqrt %add3A_9 : vector<1024xf32>
    %get3A_10 = arith.constant 0 : index
    %get3A_11 = arith.constant 0 : index
    %get3A_12 = arith.constant 0 : index
    %get3A_13 = vector.load %arg1[%get3A_10, %get3A_11, %get3A_12] : memref<2x1024x128xf32, #tpu.memory_space<vmem>>, vector<1x1024x128xf32>
    %get3A_14 = vector.shape_cast %get3A_13 : vector<1x1024x128xf32> to vector<1024x128xf32>
    %get3A_15 = arith.constant 1 : index
    %get3A_16 = arith.constant 0 : index
    %get3A_17 = arith.constant 0 : index
    %get3A_18 = vector.load %arg1[%get3A_15, %get3A_16, %get3A_17] : memref<2x1024x128xf32, #tpu.memory_space<vmem>>, vector<1x1024x128xf32>
    %get3A_19 = vector.shape_cast %get3A_18 : vector<1x1024x128xf32> to vector<1024x128xf32>
    %add3A_20 = arith.addf %get3A_14, %get3A_19 : vector<1024x128xf32>
    %get3A_21 = arith.constant 0 : index
    %get3A_22 = arith.constant 0 : index
    %get3A_23 = vector.load %arg2[%get3A_21, %get3A_22] : memref<1024x128xf32, #tpu.memory_space<vmem>>, vector<1024x128xf32>
    %add3A_24 = arith.addf %add3A_20, %get3A_23 : vector<1024x128xf32>
    %broadcast_in_dim3A = vector.shape_cast %rsqrt3A : vector<1024xf32> to vector<1024x1xf32>
    %mul3A = vector.broadcast %broadcast_in_dim3A : vector<1024x1xf32> to vector<1024x128xf32>
    %mul3A_25 = arith.mulf %add3A_24, %mul3A : vector<1024x128xf32>
    %get3A_26 = arith.constant 0 : index
    %get3A_27 = arith.constant 0 : index
    %get3A_28 = vector.load %arg4[%get3A_26, %get3A_27] : memref<1x128xf32, #tpu.memory_space<vmem>>, vector<1x128xf32>
    %get3A_29 = vector.shape_cast %get3A_28 : vector<1x128xf32> to vector<128xf32>
    %broadcast_in_dim3A_30 = vector.shape_cast %get3A_29 : vector<128xf32> to vector<1x128xf32>
    %add3A_31 = vector.broadcast %broadcast_in_dim3A_30 : vector<1x128xf32> to vector<1024x128xf32>
    %add3A_32 = arith.addf %mul3A_25, %add3A_31 : vector<1024x128xf32>
    %swap3A = arith.constant 0 : index
    %swap3A_33 = arith.constant 0 : index
    %swap3A_34 = vector.load %arg5[%swap3A, %swap3A_33] : memref<1024x128xf32, #tpu.memory_space<vmem>>, vector<1024x128xf32>
    tpu.vector_store %arg5[%swap3A, %swap3A_33], %add3A_32 {strides = array<i32>} : memref<1024x128xf32, #tpu.memory_space<vmem>>, vector<1024x128xf32>,
    return
  }
  func.func @transform_0(%arg0: i32) -> (i32, i32, i32) {
    %c0_i32 = arith.constant 0 : i32
    %c0_i32_0 = arith.constant 0 : i32
    %c0_i32_1 = arith.constant 0 : i32
    return %c0_i32, %arg0, %c0_i32_0 : i32, i32, i32
  }
  func.func @transform_1(%arg0: i32) -> (i32, i32) {
    %c0_i32 = arith.constant 0 : i32
    %c0_i32_0 = arith.constant 0 : i32
    return %arg0, %c0_i32 : i32, i32
  }
  func.func @transform_2(%arg0: i32) -> (i32, i32) {
    %c0_i32 = arith.constant 0 : i32
    %c0_i32_0 = arith.constant 0 : i32
    return %c0_i32, %arg0 : i32, i32
  }
  func.func @transform_3(%arg0: i32) -> (i32, i32) {
    %c0_i32 = arith.constant 0 : i32
    %c0_i32_0 = arith.constant 0 : i32
    %c0_i32_1 = arith.constant 0 : i32
    return %c0_i32, %c0_i32_0 : i32, i32
  }
  func.func @transform_4(%arg0: i32) -> (i32, i32) {
    %c0_i32 = arith.constant 0 : i32
    %c0_i32_0 = arith.constant 0 : i32
    return %arg0, %c0_i32 : i32, i32
  }
}

module attributes {stable_mosaic.version = 14 : i64} {
  func.func @_g_body(%arg0: i32, %arg1: memref<1024x128xf32, #tpu.memory_space<vmem>>, %arg2: memref<128x128xf32, #tpu.memory_space<vmem>>, %arg3: memref<2x1024xf32, #tpu.memory_space<vmem>>, %arg4: memref<1024x128xf32, #tpu.memory_space<vmem>>) attributes {dimension_semantics = [#tpu.dimension_semantics<arbitrary>], iteration_bounds = array<i64: 10>, scalar_prefetch = 0 : i64, scratch_operands = 0 : i64, tpu.core_type = #tpu.core_type<tc>, window_params = [{transform_indices = @transform_0, window_bounds = array<i64: 1024, 128>}, {pipeline_mode = #tpu.pipeline_mode<synchronous>, transform_indices = @transform_1, window_bounds = array<i64: 128, 128>}, {transform_indices = @transform_2, window_bounds = array<i64: 2, 1024>}, {transform_indices = @transform_3, window_bounds = array<i64: 1024, 128>}]} {
    %get3A = arith.constant 0 : index
    %get3A_0 = arith.constant 0 : index
    %get3A_1 = vector.load %arg3[%get3A, %get3A_0] : memref<2x1024xf32, #tpu.memory_space<vmem>>, vector<1x1024xf32>
    %get3A_2 = vector.shape_cast %get3A_1 : vector<1x1024xf32> to vector<1024xf32>
    %get3A_3 = arith.constant 1 : index
    %get3A_4 = arith.constant 0 : index
    %get3A_5 = vector.load %arg3[%get3A_3, %get3A_4] : memref<2x1024xf32, #tpu.memory_space<vmem>>, vector<1x1024xf32>
    %get3A_6 = vector.shape_cast %get3A_5 : vector<1x1024xf32> to vector<1024xf32>
    %add3A = arith.addf %get3A_2, %get3A_6 : vector<1024xf32>
    %add3A_7 = arith.constant 1.000000e+00 : f32
    %add3A_8 = vector.broadcast %add3A_7 : f32 to vector<1024xf32>
    %add3A_9 = arith.addf %add3A, %add3A_8 : vector<1024xf32>
    %rsqrt3A = math.rsqrt %add3A_9 : vector<1024xf32>
    %get3A_10 = arith.constant 0 : index
    %get3A_11 = arith.constant 0 : index
    %get3A_12 = vector.load %arg1[%get3A_10, %get3A_11] : memref<1024x128xf32, #tpu.memory_space<vmem>>, vector<1024x128xf32>
    %get3A_13 = arith.constant 0 : index
    %get3A_14 = arith.constant 0 : index
    %get3A_15 = vector.load %arg2[%get3A_13, %get3A_14] : memref<128x128xf32, #tpu.memory_space<vmem>>, vector<128x128xf32>
    %dot_general3A = arith.constant dense<0.000000e+00> : vector<1024x128xf32>
    %dot_general3A_16 = tpu.matmul %get3A_12, %get3A_15, %dot_general3A {dimension_numbers = #tpu.dot_dimension_numbers<[1], [0], [0], [1], [0, 0, 1, 1], [], []>, transpose_lhs_hint = false} : vector<1024x128xf32>, vector<128x128xf32>, vector<1024x128xf32> -> vector<1024x128xf32>
    %broadcast_in_dim3A = vector.shape_cast %rsqrt3A : vector<1024xf32> to vector<1024x1xf32>
    %mul3A = vector.broadcast %broadcast_in_dim3A : vector<1024x1xf32> to vector<1024x128xf32>
    %mul3A_17 = arith.mulf %dot_general3A_16, %mul3A : vector<1024x128xf32>
    %swap3A = arith.constant 0 : index
    %swap3A_18 = arith.constant 0 : index
    %swap3A_19 = vector.load %arg4[%swap3A, %swap3A_18] : memref<1024x128xf32, #tpu.memory_space<vmem>>, vector<1024x128xf32>
    tpu.vector_store %arg4[%swap3A, %swap3A_18], %mul3A_17 {strides = array<i32>} : memref<1024x128xf32, #tpu.memory_space<vmem>>, vector<1024x128xf32>,
    return
  }
  func.func @transform_0(%arg0: i32) -> (i32, i32) {
    %c0_i32 = arith.constant 0 : i32
    %c0_i32_0 = arith.constant 0 : i32
    return %arg0, %c0_i32 : i32, i32
  }
  func.func @transform_1(%arg0: i32) -> (i32, i32) {
    %c0_i32 = arith.constant 0 : i32
    %c0_i32_0 = arith.constant 0 : i32
    %c0_i32_1 = arith.constant 0 : i32
    return %c0_i32, %c0_i32_0 : i32, i32
  }
  func.func @transform_2(%arg0: i32) -> (i32, i32) {
    %c0_i32 = arith.constant 0 : i32
    %c0_i32_0 = arith.constant 0 : i32
    return %c0_i32, %arg0 : i32, i32
  }
  func.func @transform_3(%arg0: i32) -> (i32, i32) {
    %c0_i32 = arith.constant 0 : i32
    %c0_i32_0 = arith.constant 0 : i32
    return %arg0, %c0_i32 : i32, i32
  }
}

</mosaic_0001>

<sc_bundles>
// kernel: kernel.6.cloned.1.call-start
scs
__scs_entry_jumppad:
0x0: {  	(pc) =	sbr.rel $0x88, $3  }
0x1: {  	(tag) =	ssettag $0x0;
	lr =	simm.s32 $0x1  }
0x2: {  	[smem:$0x3F9D] =	sst lr;
	_ =	strace $0xD0000000  }
0x3: {  	_ = 	snop  }
0x4: {  	_ = 	snop  }
0x5: {  	_ = 	snop  }
0x6: {  	_ = 	snop  }
0x7: {  	_ = 	snop  }
__scs_overlays_trampoline_lowered:
0x8: {  	[smem:$0x3FAC] =	sst s0  }
0x9: {  	[smem:$0x3FAD] =	sst s1  }
0xa: {  	[smem:$0x3FAE] =	sst s2  }
0xb: {  	[smem:$0x3FAF] =	sst s3  }
0xc: {  	[smem:$0x3FB0] =	sst s4  }
0xd: {  	[smem:$0x3FB1] =	sst s5  }
0xe: {  	[smem:$0x3FB2] =	sst s6  }
0xf: {  	[smem:$0x3FB3] =	sst s7  }
0x10: {  	[smem:$0x3FB4] =	sst s8  }
0x11: {  	[smem:$0x3FB5] =	sst s9;
	s0 =	simm.s32 @!p0 $0x0  }
0x12: {  	s1 =	sld [smem:$0x3F9B];
	s0 =	simm.s32 @p0 $0x1  }
0x13: {  	[smem:$0x3FB6] =	sst s0;
	s0 =	simm.s32 @!p1 $0x0  }
0x14: {  	s2 =	sld [smem:$0x3F9A];
	s0 =	simm.s32 @p1 $0x1  }
0x15: {  	[smem:$0x3FB7] =	sst s0;
	s0 =	simm.s32 @!p2 $0x0  }
0x16: {  	s3 =	sld [smem:$0x3FDB];
	s0 =	simm.s32 @p2 $0x1  }
0x17: {  	s4 =	simm.s32 $0x1BF5;
	[smem:$0x3FB9] =	sst s0  }
0x18: {  	s0 =	sld [smem:$0x3F9C];
	_ =	swait.ge [sflag:s4], $0x0  }
0x19: {  	s7 =	sld [smem:$0x3F9D]  }
0x1a: {  	s8 =	sadd.s32 $0xFFFFE003, lr  }
0x1b: {  	s9 =	sadd.s32 $0xFFFFFEF7, lr;
	s5 =	simm.s32 $0xFFFFFFFF;
	p2 =	slt.u32 s8, $0xFFFFF086  }
0x1c: {  	p1 =	slt.u32 s9, $0xF7A;
	s5 =	simm.s32 @!p2 $0x0  }
0x1d: {  	s5 =	simm.s32 @p1 $0x1;
	p0 =	seq.s32 s7, s2  }
0x1e: {  	s7 =	smul.u32 @!p0 $0xF7A, s2;
	p2 =	seq.s32 @!p0 s5, $0x0  }
0x1f: {  	s9 =	smul.u32 $0xF7A, s1;
	s8 =	simm.s32 @!p0 $0x1BF5;
	p2 =	por !p2, p0  }
0x20: {  	[sflag:s8] =	ssyncset.s32 @!p0 $0xFFFFF086;
	s6 =	sadd.s32 @!p0 s3, s7;
	s7 =	simm.s32 @!p0 $0x108  }
0x21: {  	s3 =	sadd.s32 s3, s9;
	s6 =	sadd.s32 @!p0 $0x88, s6;
	s7 =	simm.s32 @p2 $0x1082  }
0x22: {  	[simem:s7], [sflag:s8] =	dma.local @!p0 [hbm:s6], $0xF7A  }
0x23: {  	s9 =	sor.u32 $0xD0000000, s2;
	s6 =	simm.s32 $0x108;
	_ =	swait.ge @!p0 [sflag:s8], $0x0  }
0x24: {  	s3 =	sadd.s32 $0x88, s3;
	s6 =	simm.s32 @!p1 $0x1082;
	[sflag:s4] =	ssyncset.s32 $0xFFFFF086  }
0x25: {  	[simem:s6], [sflag:s4] =	dma.local [hbm:s3], $0xF7A  }
0x26: {  	[smem:$0x3F9D] =	sst s1;
	(tag) =	ssettag s2;
	_ =	strace s9  }
0x27: {  	s1 =	sld [smem:$0x3FAD]  }
0x28: {  	s2 =	sld [smem:$0x3FAE]  }
0x29: {  	s4 =	sld [smem:$0x3FB0]  }
0x2a: {  	p0 =	seq.s32 s5, $0x0;
	s5 =	sld [smem:$0x3FB1]  }
0x2b: {  	s6 =	sld [smem:$0x3FB2]  }
0x2c: {  	s7 =	sld [smem:$0x3FB3]  }
0x2d: {  	s3 =	simm.s32 $0x108;
	s8 =	sld [smem:$0x3FB4]  }
0x2e: {  	s3 =	simm.s32 @!p0 $0x1082;
	s9 =	sld [smem:$0x3FB5]  }
0x2f: {  	lr =	sadd.s32 s0, s3;
	s0 =	sld [smem:$0x3FAC]  }
0x30: {  	s3 =	sld [smem:$0x3FAF]  }
0x31: {  	[smem:$0x3FB8] =	sst s10  }
0x32: {  	s10 =	sld [smem:$0x3FB6];
	_ =	sdelay $0x3  }
0x33: {  	p0 =	seq.s32 s10, $0x1;
	s10 =	sld [smem:$0x3FB8];
	_ =	sdelay $0x3  }
0x34: {  	[smem:$0x3FB8] =	sst s10  }
0x35: {  	s10 =	sld [smem:$0x3FB7];
	_ =	sdelay $0x3  }
0x36: {  	p1 =	seq.s32 s10, $0x1;
	s10 =	sld [smem:$0x3FB8];
	_ =	sdelay $0x3  }
0x37: {  	[smem:$0x3FB8] =	sst s10  }
0x38: {  	s10 =	sld [smem:$0x3FB9]  }
0x39: {  	_ = 	snop;
	(pc) =	sbr.ind lr, $3  }
0x3a: {  	_ = 	snop  }
0x3b: {  	_ = 	snop  }
0x3c: {  	p2 =	seq.s32 s10, $0x1;
	s10 =	sld [smem:$0x3FB8]  }
0x3d: {  	_ =	shalt  }
0x3e: {  	_ =	shalt  }
0x3f: {  	_ =	shalt  }
0x40: {  	_ =	shalt  }
0x41: {  	_ =	shalt  }
0x42: {  	_ =	shalt  }
0x43: {  	_ =	shalt  }
0x44: {  	_ =	shalt  }
0x45: {  	_ =	shalt  }
0x46: {  	_ =	shalt  }
0x47: {  	_ =	shalt  }
0x48: {  	_ =	shalt  }
0x49: {  	_ =	shalt  }
0x4a: {  	_ =	shalt  }
0x4b: {  	_ =	shalt  }
0x4c: {  	_ =	shalt  }
0x4d: {  	_ =	shalt  }
0x4e: {  	_ =	shalt  }
0x4f: {  	_ =	shalt  }
0x50: {  	_ =	shalt  }
0x51: {  	_ =	shalt  }
0x52: {  	_ =	shalt  }
0x53: {  	_ =	shalt  }
0x54: {  	_ =	shalt  }
0x55: {  	_ =	shalt  }
0x56: {  	_ =	shalt  }
0x57: {  	_ =	shalt  }
0x58: {  	_ =	shalt  }
0x59: {  	_ =	shalt  }
0x5a: {  	_ =	shalt  }
0x5b: {  	_ =	shalt  }
0x5c: {  	_ =	shalt  }
0x5d: {  	_ =	shalt  }
0x5e: {  	_ =	shalt  }
0x5f: {  	_ =	shalt  }
0x60: {  	_ =	shalt  }
0x61: {  	_ =	shalt  }
0x62: {  	_ =	shalt  }
0x63: {  	_ =	shalt  }
0x64: {  	_ =	shalt  }
0x65: {  	_ =	shalt  }
0x66: {  	_ =	shalt  }
0x67: {  	_ =	shalt  }
0x68: {  	_ =	shalt  }
0x69: {  	_ =	shalt  }
0x6a: {  	_ =	shalt  }
0x6b: {  	_ =	shalt  }
0x6c: {  	_ =	shalt  }
0x6d: {  	_ =	shalt  }
0x6e: {  	_ =	shalt  }
0x6f: {  	_ =	shalt  }
0x70: {  	_ =	shalt  }
0x71: {  	_ =	shalt  }
0x72: {  	_ =	shalt  }
0x73: {  	_ =	shalt  }
0x74: {  	_ =	shalt  }
0x75: {  	_ =	shalt  }
0x76: {  	_ =	shalt  }
0x77: {  	_ =	shalt  }
0x78: {  	_ =	shalt  }
0x79: {  	_ =	shalt  }
0x7a: {  	_ =	shalt  }
0x7b: {  	_ =	shalt  }
0x7c: {  	_ =	shalt  }
0x7d: {  	_ =	shalt  }
0x7e: {  	_ =	shalt  }
0x7f: {  	_ =	shalt  }
0x80: {  	_ =	shalt  }
0x81: {  	_ =	shalt  }
0x82: {  	_ =	shalt  }
0x83: {  	_ =	shalt  }
0x84: {  	_ =	shalt  }
0x85: {  	_ =	shalt  }
0x86: {  	_ =	shalt  }
0x87: {  	_ =	shalt  }
.Lfunc_end0:
.L_simem_size_0:
called_computation_lowered:
.L_overlay_start_0:
0x88: {  	s2 =	sld [smem:$0x3FD9]  }
0x89: {  	s3 =	sld [smem:$0x3FFE];
	_ =	sdelay $0x1  }
0x8a: {  	s1 =	srdreg.scid  }
0x8b: {  	s0 =	sand.u32 $0x1, s1  }
0x8c: {  	s17 =	sshll.u32 s0, $0xA;
	s2 =	sadd.s32 s3, s2  }
0x8d: {  	s2 =	sadd.s32 s2, s17  }
0x8e: {  	[smem:$0x3FC4] =	sst s2  }
0x8f: {  	_ = 	snop  }
0x90: {  	s2 =	sld [smem:$0x3FD0];
	(tm) =	ssettm $0x1  }
0x91: {  	s18 =	sld [smem:$0x3FFB];
	_ =	sdelay $0x3  }
0x92: {  	_ =	strace s18  }
0x93: {  	s3 =	sld [smem:$0x3FFC];
	_ =	sdelay $0x3  }
0x94: {  	_ =	strace s3  }
0x95: {  	s3 =	sld [smem:$0x3FFD];
	_ =	sdelay $0x3  }
0x96: {  	_ =	strace s3  }
0x97: {  	_ =	strace $0x8FFFFFFF  }
0x98: {  	s19 =	sld [smem:$0x3FDB];
	_ =	sdelay $0x1  }
0x99: {  	s4 =	simm.s32 $_scs_section_size  }
0x9a: {  	s5 =	simm.s32 $_size__tile_overlayer_lowered;
	s6 =	simm.s32 $_tile_overlayer_lowered  }
0x9b: {  	s22 =	simm.s32 $0x1BFF;
	s21 =	sshll.u32 s6, $0x1;
	s3 =	sadd.s32 s4, s19  }
0x9c: {  	s7 =	simm.s32 $0x0;
	s20 =	sshll.u32 s5, $0x1;
	s5 =	sadd.s32 s21, s3  }
0x9d: {  	[timem:s7], [sflag:s22] =	dma.local [hbm:s5], s20  }
0x9e: {  	_ =	swait.ge [sflag:s22], s20  }
0x9f: {  	s4 =	ssub.s32 $0x0, s20;
	[sflag:s22] =	ssyncset.done $0x0  }
0xa0: {  	[sflag:s22] =	ssyncadd.s32 s4;
	_ =	sdelay $0x1  }
0xa1: {  	s23 =	simm.s32 $0x1B8B  }
0xa2: {  	_ =	swait.ge [sflag:s23], $0x1  }
0xa3: {  	[sflag:s23] =	ssyncset.done $0x0  }
0xa4: {  	s25 =	simm.s32 $0x1B8E;
	s24 =	sld [smem:$0x3FFE];
	[sflag:s23] =	ssyncadd.s32 $0xFFFFFFFF  }
0xa5: {  	s26 =	simm.s32 $execute0_lowered;
	[smem:$0x3FD2] =	sst s25  }
0xa6: {  	s5 =	sshll.u32 s26, $0x1;
	_ =	strace $0x80000046;
	[dreg:$0x1] =	wrdreg $0xFFFFFFFF  }
0xa7: {  	s28 =	simm.s32 $_size_execute0_lowered;
	s3 =	sadd.s32 s3, s5;
	[dreg:$0x0] =	wrdreg $0x0  }
0xa8: {  	s5 =	sshll.u32 s28, $0x1;
	[dreg:$0x2] =	wrdreg s3  }
0xa9: {  	[dreg:$0x3] =	wrdreg s5  }
0xaa: {  	[dreg:$0x4] =	wrdreg $0xC0  }
0xab: {  	_ =	task [dreg:s7], $0x5FFFF  }
0xac: {  	[dreg:$0x1] =	wrdreg $0xFFFFFFFF  }
0xad: {  	[dreg:$0x0] =	wrdreg $0x60  }
0xae: {  	[dreg:$0x2] =	wrdreg s2  }
0xaf: {  	[dreg:$0x3] =	wrdreg s24  }
0xb0: {  	[dreg:$0x4] =	wrdreg $0x43000  }
0xb1: {  	[dreg:$0x5] =	wrdreg $0x9  }
0xb2: {  	_ =	task.clear_ibuf [dreg:s7], $0x6FFFF;
	_ =	strace $0x90000046  }
0xb3: {  	s29 =	simm.s32 $0x9;
	_ =	strace $0x80000048  }
0xb4: {  	_ =	swait.ge [sflag:s29], $0x1  }
0xb5: {  	[sflag:s29] =	ssyncadd.s32 $0xFFFFFFFF  }
0xb6: {  	_ =	strace $0x90000048  }
0xb7: {  	_ =	sfence  }
0xb8: {  	s30 =	sld [smem:$0x0];
	_ =	sdelay $0x2  }
0xb9: {  	s31 =	sshll.u32 s1, $0xD;
	s1 =	sshrl.u32 s1, $0x2  }
0xba: {  	s3 =	sand.u32 $0x4000, s31;
	s1 =	sadd.s32 s1, s30  }
0xbb: {  	s0 =	sor.u32 s3, s0;
	s1 =	sshll.u32 s1, $0x11  }
0xbc: {  	s0 =	sor.u32 s1, s0  }
0xbd: {  	s0 =	sadd.s32 $0x8F2B, s0  }
0xbe: {  	[sflag:s0] =	ssyncadd.remote.s32 $0x1  }
0xbf: {  	_ =	sfence.sel $0xFFFF  }
0xc0: {  	[dreg:$0x0] =	wrdreg $0xFFFFFFFF;
	(pc) =	sbr.abs _section_cstart, $3  }
0xc1: {  	[dreg:$0x1] =	wrdreg $0xFFFFFFFF  }
0xc2: {  	_ =	task.clear_ibuf [dreg:s7], $0x2FFFF;
	_ =	strace $0x9FFFFFFF  }
0xc3: {  	(tm) =	ssettm $0x7FFFFFFF  }
tec
execute0_lowered:
.L_overlay_start_1:
0x0: {  	(tag) =	ssettag $0x1  }
0x1: {  	s7 =	rddreg [dreg:$0x0]  }
0x2: {  	s4 =	rddreg [dreg:$0x1]  }
0x3: {  	s2 =	rddreg [dreg:$0x2]  }
0x4: {  	s3 =	srdreg.scid;
	s1 =	stileid.u32  }
0x5: {  	s0 =	rddreg [dreg:$0x3];
	s11 =	simm.s32 $0x50;
	s12 =	simm.s32 $0x4000  }
0x6: {  	s13 =	simm.s32 $0x1;
	s16 =	simm.s32 $0x20;
	s6 =	smul.u32 $0x500, s1  }
0x7: {  	s17 =	simm.s32 $0x10;
	s18 =	simm.s32 $0x0;
	s9 =	smul.u32 $0x4E20, s1  }
0x8: {  	s5 =	sand.u32 $0x1, s3;
	s3 =	simm.s32 $0x0;
	s10 =	smul.u32 $0xA00, s1  }
0x9: {  	s14 =	sshll.u32 s1, $0x6;
	s8 =	sshll.u32 s5, $0x7;
	[smem:$0x7FF] =	sst s3  }
0xa: {  	s25 =	smul.u32 $0x2710, s5;
	s26 =	ssub.s32 $0x2, s5;
	s14 =	sor.u32 $0x1C03, s14  }
0xb: {  	s6 =	sor.u32 s8, s6;
	_ =	strace $0x80000047;
	s29 =	sshrl.u32 s26, $0x1  }
0xc: {  	s30 =	sshrl.u32 s10, $0x2;
	s10 =	simm.s32 $0x2;
	s6 =	sshrl.u32 s6, $0x3  }
0xd: {  	s28 =	sadd.s32 s25, s9;
	s8 =	ssub.s32 s26, s29;
	s9 =	simm.s32 $0x3  }
0xe: {  	s6 =	sadd.s32 s6, s4;
	s5 =	sadd.s32 $0x4E200, s28;
	s4 =	sadd.s32 s30, s2  }
0xf: {  	s31 =	sshrl.u32 s5, $0x3;
	s5 =	sadd.s32 $0x1C00, s6;
	s6 =	smax.u32 s8, $0x1  }
0x10: {  	v0 =	vimm.f32 $1.000000000e+00;
	v1 =	vimm.f32 $0.0e+00;
	s8 =	simm.s32 $0x4080;
	s15 =	sshrl.u32 s4, $0x3;
	s7 =	sadd.s32 s31, s7  }
.LBB2_1:
0x11: {  	s19 =	simm.s32 $0xA  }
0x12: {  	s22 =	sadd.s32 $0x0, s7;
	s20 =	simm.s32 $0x80;
	s21 =	simm.s32 $0x0  }
.LBB2_2:
0x13: {  	[tilespmem:s21], [sflag:$0x2] =	stream.linear.gather [hbm4b:s22+s3], $0x50, $0x38;
	[tilespmem:$0x4580] =	vst v63  }
0x14: {  	s22 =	smov.u32 s19;
	s21 =	smov.u32 s20;
	p0 =	sne.s32 s19, $0x4D8  }
.Ltmp0:
0x15: {  	s19 =	sadd.s32 $0xA, s19;
	(pc) =	sbr.rel @p0 .LBB2_2-.Ltmp0, $2  }
0x16: {  	_ =	sdelay $0x2  }
0x17: {  	s20 =	sadd.s32 $0x80, s20;
	s22 =	sadd.s32 s22, s7  }
0x18: {  	[tilespmem:s21], [sflag:$0x2] =	stream.linear.gather [hbm4b:s22+s3], $0x50, $0x38;
	[tilespmem:$0x4580] =	vst v63  }
0x19: {  	[tilespmem:$0x4000] =	vst v0  }
0x1a: {  	[tilespmem:$0x4010] =	vst v0  }
0x1b: {  	[tilespmem:$0x4020] =	vst v0  }
0x1c: {  	[tilespmem:$0x4030] =	vst v0  }
0x1d: {  	[tilespmem:$0x4040] =	vst v0  }
0x1e: {  	[tilespmem:$0x4080] =	vst v1  }
0x1f: {  	[tilespmem:$0x4090] =	vst v1  }
0x20: {  	[tilespmem:$0x40A0] =	vst v1  }
0x21: {  	[tilespmem:$0x40B0] =	vst v1  }
0x22: {  	[tilespmem:$0x40C0] =	vst v1  }
0x23: {  	[tilespmem:$0x40D0] =	vst v1  }
0x24: {  	[tilespmem:$0x40E0] =	vst v1  }
0x25: {  	[tilespmem:$0x40F0] =	vst v1  }
0x26: {  	[tilespmem:$0x4100] =	vst v1  }
0x27: {  	[tilespmem:$0x4110] =	vst v1  }
0x28: {  	[tilespmem:$0x4120] =	vst v1  }
0x29: {  	[tilespmem:$0x4130] =	vst v1  }
0x2a: {  	[tilespmem:$0x4140] =	vst v1  }
0x2b: {  	[tilespmem:$0x4150] =	vst v1  }
0x2c: {  	[tilespmem:$0x4160] =	vst v1  }
0x2d: {  	[tilespmem:$0x4170] =	vst v1  }
0x2e: {  	[tilespmem:$0x4180] =	vst v1  }
0x2f: {  	[tilespmem:$0x4190] =	vst v1  }
0x30: {  	[tilespmem:$0x41A0] =	vst v1  }
0x31: {  	[tilespmem:$0x41B0] =	vst v1  }
0x32: {  	[tilespmem:$0x41C0] =	vst v1  }
0x33: {  	[tilespmem:$0x41D0] =	vst v1  }
0x34: {  	[tilespmem:$0x41E0] =	vst v1  }
0x35: {  	[tilespmem:$0x41F0] =	vst v1  }
0x36: {  	[tilespmem:$0x4200] =	vst v1  }
0x37: {  	[tilespmem:$0x4210] =	vst v1  }
0x38: {  	[tilespmem:$0x4220] =	vst v1  }
0x39: {  	[tilespmem:$0x4230] =	vst v1  }
0x3a: {  	[tilespmem:$0x4240] =	vst v1  }
0x3b: {  	[tilespmem:$0x4250] =	vst v1  }
0x3c: {  	[tilespmem:$0x4260] =	vst v1  }
0x3d: {  	[tilespmem:$0x4270] =	vst v1  }
0x3e: {  	[tilespmem:$0x4280] =	vst v1  }
0x3f: {  	[tilespmem:$0x4290] =	vst v1  }
0x40: {  	[tilespmem:$0x42A0] =	vst v1  }
0x41: {  	[tilespmem:$0x42B0] =	vst v1  }
0x42: {  	[tilespmem:$0x42C0] =	vst v1  }
0x43: {  	[tilespmem:$0x42D0] =	vst v1  }
0x44: {  	[tilespmem:$0x42E0] =	vst v1  }
0x45: {  	[tilespmem:$0x42F0] =	vst v1  }
0x46: {  	[spmem:s4] =	stream.linear.scatter [tilespmem:s8], [sflag:$0x3], $0x280, $0x38;
	[tilespmem:$0x4580] =	vst v63  }
0x47: {  	_ =	swait.ge [sflag:s9], $0x280  }
0x48: {  	[sflag:s9] =	ssyncset.done $0x0  }
0x49: {  	[sflag:s9] =	ssyncadd.s32 $0xFFFFFD80  }
0x4a: {  	_ =	swait.ge [sflag:s10], $0x50  }
0x4b: {  	s19 =	simm.s32 $0x7C;
	[sflag:s10] =	ssyncset.done $0x0  }
.LBB2_4:
0x4c: {  	p0 =	sne.s32 s19, $0x1;
	s19 =	sadd.s32 $0xFFFFFFFF, s19;
	[sflag:s10] =	ssyncadd.s32 $0xFFFFFFB0  }
.Ltmp1:
0x4d: {  	(pc) =	sbr.rel @p0 .LBB2_4-.Ltmp1, $3  }
0x4e: {  	_ =	sdelay $0x1  }
0x4f: {  	_ =	swait.ge [sflag:s10], $0x50  }
0x50: {  	[sflag:s10] =	ssyncset.done $0x0  }
0x51: {  	[sflag:s10] =	ssyncadd.s32 $0xFFFFFFB0  }
0x52: {  	s19 =	simm.s32 $0x0;
	[bflag:$0x0] =	sbarrier.arrive $0xFFFF  }
.LBB2_6:
0x53: {  	p0 =	sne.s32 s19, $0xF800  }
.Ltmp2:
0x54: {  	_ = 	snop;
	(pc) =	sbr.rel @p0 .LBB2_6-.Ltmp2, $3  }
0x55: {  	_ =	sdelay $0x1  }
0x56: {  	s20 =	sshra.s32 s19, $0x2;
	s19 =	sadd.s32 $0x200, s19  }
0x57: {  	[spmem:s2] =	stream.indirect.scatter.add.f32 [tilespmem:s12], [sflag:$0x1], $0x1, s20, s11, $0xb8;
	[tilespmem:$0x4580] =	vst v63  }
0x58: {  	_ =	swait.ge [sflag:s13], $0x50  }
0x59: {  	s19 =	simm.s32 $0x7C;
	[sflag:s13] =	ssyncset.done $0x0  }
.LBB2_8:
0x5a: {  	p0 =	sne.s32 s19, $0x1;
	s19 =	sadd.s32 $0xFFFFFFFF, s19;
	[sflag:s13] =	ssyncadd.s32 $0xFFFFFFB0  }
.Ltmp3:
0x5b: {  	(pc) =	sbr.rel @p0 .LBB2_8-.Ltmp3, $3  }
0x5c: {  	_ =	sdelay $0x1  }
0x5d: {  	_ =	swait.ge [sflag:s13], $0x50  }
0x5e: {  	[sflag:s13] =	ssyncset.done $0x0  }
0x5f: {  	s18 =	sadd.s32 $0x1, s18  }
0x60: {  	[sflag:s13] =	ssyncadd.s32 $0xFFFFFFB0;
	p0 =	sne.s32 s18, s6  }
.Ltmp4:
0x61: {  	[bflag:$0x0] =	sbarrier.arrive $0xFFFF;
	(pc) =	sbr.rel @p0 .LBB2_1-.Ltmp4, $4  }
0x62: {  	[hbm:s5@s16], [sflag:s14] =	dma.strided [spmem:s15@s17], $0x50, s13, $0x10   }
0x63: {  	_ =	swait.ge [sflag:s9], $0x50  }
0x64: {  	[sflag:s9] =	ssyncset.done $0x0  }
0x65: {  	[sflag:s9] =	ssyncadd.s32 $0xFFFFFFB0  }
0x66: {  	_ =	sfence.sel $0x180000  }
0x67: {  	[bflag:$0x0] =	sbarrier.arrive $0xFFFF  }
0x68: {  	p0 =	sne.s32 s1, $0x0;
	_ =	strace $0x90000047  }
0x69: {  	s0 =	sadd.s32 @!p0 $0x100000, s0;
	[bflag:$0x2] =	sbarrier.arrive $0xFFFF  }
0x6a: {  	[sflag:s0] =	ssyncadd.tile.s32 @!p0 $0x1;
	_ =	shalt  }
.Lfunc_end2:
_tile_overlayer_lowered:
.L_overlay_start_2:
0x6b: {  	(tag) =	ssettag $0x2  }
0x6c: {  	s0 =	rddreg [dreg:$0x0];
	s2 =	stileid.u32  }
0x6d: {  	s1 =	rddreg [dreg:$0x1];
	p0 =	sne.s32 s2, $0x0  }
0x6e: {  	s3 =	rddreg [dreg:$0x2];
	[bflag:$0x3] =	sbarrier.arrive $0xFFFF;
	s2 =	simm.s32 @!p0 $0x1C03  }
0x6f: {  	[timem:s3], [sflag:s2] =	dma.local @!p0 [hbm:s0], s1  }
0x70: {  	s0 =	simm.s32 @!p0 $0x3  }
0x71: {  	_ =	swait.ge @!p0 [sflag:s0], s1  }
0x72: {  	s1 =	ssub.s32 @!p0 $0x0, s1;
	[sflag:s0] =	ssyncset.done @!p0 $0x0  }
0x73: {  	[sflag:s0] =	ssyncadd.s32 @!p0 s1  }
0x74: {  	[bflag:$0x3] =	sbarrier.arrive $0xFFFF  }
0x75: {  	_ =	shalt  }

// kernel: kernel.9.cloned.1.call-start
scs
__scs_entry_jumppad:
0x0: {  	(pc) =	sbr.rel $0x88, $3  }
0x1: {  	(tag) =	ssettag $0x0;
	lr =	simm.s32 $0x1  }
0x2: {  	[smem:$0x3F9D] =	sst lr;
	_ =	strace $0xD0000000  }
0x3: {  	_ = 	snop  }
0x4: {  	_ = 	snop  }
0x5: {  	_ = 	snop  }
0x6: {  	_ = 	snop  }
0x7: {  	_ = 	snop  }
__scs_overlays_trampoline_lowered:
0x8: {  	[smem:$0x3FAC] =	sst s0  }
0x9: {  	[smem:$0x3FAD] =	sst s1  }
0xa: {  	[smem:$0x3FAE] =	sst s2  }
0xb: {  	[smem:$0x3FAF] =	sst s3  }
0xc: {  	[smem:$0x3FB0] =	sst s4  }
0xd: {  	[smem:$0x3FB1] =	sst s5  }
0xe: {  	[smem:$0x3FB2] =	sst s6  }
0xf: {  	[smem:$0x3FB3] =	sst s7  }
0x10: {  	[smem:$0x3FB4] =	sst s8  }
0x11: {  	[smem:$0x3FB5] =	sst s9;
	s0 =	simm.s32 @!p0 $0x0  }
0x12: {  	s1 =	sld [smem:$0x3F9B];
	s0 =	simm.s32 @p0 $0x1  }
0x13: {  	[smem:$0x3FB6] =	sst s0;
	s0 =	simm.s32 @!p1 $0x0  }
0x14: {  	s2 =	sld [smem:$0x3F9A];
	s0 =	simm.s32 @p1 $0x1  }
0x15: {  	[smem:$0x3FB7] =	sst s0;
	s0 =	simm.s32 @!p2 $0x0  }
0x16: {  	s3 =	sld [smem:$0x3FDB];
	s0 =	simm.s32 @p2 $0x1  }
0x17: {  	s4 =	simm.s32 $0x1BF5;
	[smem:$0x3FB9] =	sst s0  }
0x18: {  	s0 =	sld [smem:$0x3F9C];
	_ =	swait.ge [sflag:s4], $0x0  }
0x19: {  	s7 =	sld [smem:$0x3F9D]  }
0x1a: {  	s8 =	sadd.s32 $0xFFFFE003, lr  }
0x1b: {  	s9 =	sadd.s32 $0xFFFFFEF7, lr;
	s5 =	simm.s32 $0xFFFFFFFF;
	p2 =	slt.u32 s8, $0xFFFFF086  }
0x1c: {  	p1 =	slt.u32 s9, $0xF7A;
	s5 =	simm.s32 @!p2 $0x0  }
0x1d: {  	s5 =	simm.s32 @p1 $0x1;
	p0 =	seq.s32 s7, s2  }
0x1e: {  	s7 =	smul.u32 @!p0 $0xF7A, s2;
	p2 =	seq.s32 @!p0 s5, $0x0  }
0x1f: {  	s9 =	smul.u32 $0xF7A, s1;
	s8 =	simm.s32 @!p0 $0x1BF5;
	p2 =	por !p2, p0  }
0x20: {  	[sflag:s8] =	ssyncset.s32 @!p0 $0xFFFFF086;
	s6 =	sadd.s32 @!p0 s3, s7;
	s7 =	simm.s32 @!p0 $0x108  }
0x21: {  	s3 =	sadd.s32 s3, s9;
	s6 =	sadd.s32 @!p0 $0x88, s6;
	s7 =	simm.s32 @p2 $0x1082  }
0x22: {  	[simem:s7], [sflag:s8] =	dma.local @!p0 [hbm:s6], $0xF7A  }
0x23: {  	s9 =	sor.u32 $0xD0000000, s2;
	s6 =	simm.s32 $0x108;
	_ =	swait.ge @!p0 [sflag:s8], $0x0  }
0x24: {  	s3 =	sadd.s32 $0x88, s3;
	s6 =	simm.s32 @!p1 $0x1082;
	[sflag:s4] =	ssyncset.s32 $0xFFFFF086  }
0x25: {  	[simem:s6], [sflag:s4] =	dma.local [hbm:s3], $0xF7A  }
0x26: {  	[smem:$0x3F9D] =	sst s1;
	(tag) =	ssettag s2;
	_ =	strace s9  }
0x27: {  	s1 =	sld [smem:$0x3FAD]  }
0x28: {  	s2 =	sld [smem:$0x3FAE]  }
0x29: {  	s4 =	sld [smem:$0x3FB0]  }
0x2a: {  	p0 =	seq.s32 s5, $0x0;
	s5 =	sld [smem:$0x3FB1]  }
0x2b: {  	s6 =	sld [smem:$0x3FB2]  }
0x2c: {  	s7 =	sld [smem:$0x3FB3]  }
0x2d: {  	s3 =	simm.s32 $0x108;
	s8 =	sld [smem:$0x3FB4]  }
0x2e: {  	s3 =	simm.s32 @!p0 $0x1082;
	s9 =	sld [smem:$0x3FB5]  }
0x2f: {  	lr =	sadd.s32 s0, s3;
	s0 =	sld [smem:$0x3FAC]  }
0x30: {  	s3 =	sld [smem:$0x3FAF]  }
0x31: {  	[smem:$0x3FB8] =	sst s10  }
0x32: {  	s10 =	sld [smem:$0x3FB6];
	_ =	sdelay $0x3  }
0x33: {  	p0 =	seq.s32 s10, $0x1;
	s10 =	sld [smem:$0x3FB8];
	_ =	sdelay $0x3  }
0x34: {  	[smem:$0x3FB8] =	sst s10  }
0x35: {  	s10 =	sld [smem:$0x3FB7];
	_ =	sdelay $0x3  }
0x36: {  	p1 =	seq.s32 s10, $0x1;
	s10 =	sld [smem:$0x3FB8];
	_ =	sdelay $0x3  }
0x37: {  	[smem:$0x3FB8] =	sst s10  }
0x38: {  	s10 =	sld [smem:$0x3FB9]  }
0x39: {  	_ = 	snop;
	(pc) =	sbr.ind lr, $3  }
0x3a: {  	_ = 	snop  }
0x3b: {  	_ = 	snop  }
0x3c: {  	p2 =	seq.s32 s10, $0x1;
	s10 =	sld [smem:$0x3FB8]  }
0x3d: {  	_ =	shalt  }
0x3e: {  	_ =	shalt  }
0x3f: {  	_ =	shalt  }
0x40: {  	_ =	shalt  }
0x41: {  	_ =	shalt  }
0x42: {  	_ =	shalt  }
0x43: {  	_ =	shalt  }
0x44: {  	_ =	shalt  }
0x45: {  	_ =	shalt  }
0x46: {  	_ =	shalt  }
0x47: {  	_ =	shalt  }
0x48: {  	_ =	shalt  }
0x49: {  	_ =	shalt  }
0x4a: {  	_ =	shalt  }
0x4b: {  	_ =	shalt  }
0x4c: {  	_ =	shalt  }
0x4d: {  	_ =	shalt  }
0x4e: {  	_ =	shalt  }
0x4f: {  	_ =	shalt  }
0x50: {  	_ =	shalt  }
0x51: {  	_ =	shalt  }
0x52: {  	_ =	shalt  }
0x53: {  	_ =	shalt  }
0x54: {  	_ =	shalt  }
0x55: {  	_ =	shalt  }
0x56: {  	_ =	shalt  }
0x57: {  	_ =	shalt  }
0x58: {  	_ =	shalt  }
0x59: {  	_ =	shalt  }
0x5a: {  	_ =	shalt  }
0x5b: {  	_ =	shalt  }
0x5c: {  	_ =	shalt  }
0x5d: {  	_ =	shalt  }
0x5e: {  	_ =	shalt  }
0x5f: {  	_ =	shalt  }
0x60: {  	_ =	shalt  }
0x61: {  	_ =	shalt  }
0x62: {  	_ =	shalt  }
0x63: {  	_ =	shalt  }
0x64: {  	_ =	shalt  }
0x65: {  	_ =	shalt  }
0x66: {  	_ =	shalt  }
0x67: {  	_ =	shalt  }
0x68: {  	_ =	shalt  }
0x69: {  	_ =	shalt  }
0x6a: {  	_ =	shalt  }
0x6b: {  	_ =	shalt  }
0x6c: {  	_ =	shalt  }
0x6d: {  	_ =	shalt  }
0x6e: {  	_ =	shalt  }
0x6f: {  	_ =	shalt  }
0x70: {  	_ =	shalt  }
0x71: {  	_ =	shalt  }
0x72: {  	_ =	shalt  }
0x73: {  	_ =	shalt  }
0x74: {  	_ =	shalt  }
0x75: {  	_ =	shalt  }
0x76: {  	_ =	shalt  }
0x77: {  	_ =	shalt  }
0x78: {  	_ =	shalt  }
0x79: {  	_ =	shalt  }
0x7a: {  	_ =	shalt  }
0x7b: {  	_ =	shalt  }
0x7c: {  	_ =	shalt  }
0x7d: {  	_ =	shalt  }
0x7e: {  	_ =	shalt  }
0x7f: {  	_ =	shalt  }
0x80: {  	_ =	shalt  }
0x81: {  	_ =	shalt  }
0x82: {  	_ =	shalt  }
0x83: {  	_ =	shalt  }
0x84: {  	_ =	shalt  }
0x85: {  	_ =	shalt  }
0x86: {  	_ =	shalt  }
0x87: {  	_ =	shalt  }
.Lfunc_end0:
.L_simem_size_0:
called_computation.1_lowered:
.L_overlay_start_0:
0x88: {  	s2 =	sld [smem:$0x3FD9]  }
0x89: {  	s3 =	sld [smem:$0x3FFE];
	_ =	sdelay $0x1  }
0x8a: {  	s1 =	srdreg.scid  }
0x8b: {  	s0 =	sand.u32 $0x1, s1  }
0x8c: {  	s17 =	sshll.u32 s0, $0xA;
	s2 =	sadd.s32 s3, s2  }
0x8d: {  	s2 =	sadd.s32 s2, s17  }
0x8e: {  	[smem:$0x3FC4] =	sst s2  }
0x8f: {  	_ = 	snop  }
0x90: {  	s2 =	sld [smem:$0x3FD0];
	(tm) =	ssettm $0x1  }
0x91: {  	s18 =	sld [smem:$0x3FFB];
	_ =	sdelay $0x3  }
0x92: {  	_ =	strace s18  }
0x93: {  	s3 =	sld [smem:$0x3FFC];
	_ =	sdelay $0x3  }
0x94: {  	_ =	strace s3  }
0x95: {  	s3 =	sld [smem:$0x3FFD];
	_ =	sdelay $0x3  }
0x96: {  	_ =	strace s3  }
0x97: {  	_ =	strace $0x8FFFFFFF  }
0x98: {  	s19 =	sld [smem:$0x3FDB];
	_ =	sdelay $0x1  }
0x99: {  	s4 =	simm.s32 $_scs_section_size  }
0x9a: {  	s5 =	simm.s32 $_size__tile_overlayer_lowered;
	s6 =	simm.s32 $_tile_overlayer_lowered  }
0x9b: {  	s22 =	simm.s32 $0x1BFF;
	s21 =	sshll.u32 s6, $0x1;
	s3 =	sadd.s32 s4, s19  }
0x9c: {  	s7 =	simm.s32 $0x0;
	s20 =	sshll.u32 s5, $0x1;
	s5 =	sadd.s32 s21, s3  }
0x9d: {  	[timem:s7], [sflag:s22] =	dma.local [hbm:s5], s20  }
0x9e: {  	_ =	swait.ge [sflag:s22], s20  }
0x9f: {  	s4 =	ssub.s32 $0x0, s20;
	[sflag:s22] =	ssyncset.done $0x0  }
0xa0: {  	[sflag:s22] =	ssyncadd.s32 s4;
	_ =	sdelay $0x1  }
0xa1: {  	s23 =	simm.s32 $0x1B8B  }
0xa2: {  	_ =	swait.ge [sflag:s23], $0x1  }
0xa3: {  	[sflag:s23] =	ssyncset.done $0x0  }
0xa4: {  	s25 =	simm.s32 $0x1B8E;
	s24 =	sld [smem:$0x3FFE];
	[sflag:s23] =	ssyncadd.s32 $0xFFFFFFFF  }
0xa5: {  	s26 =	simm.s32 $execute0_lowered;
	[smem:$0x3FD2] =	sst s25  }
0xa6: {  	s5 =	sshll.u32 s26, $0x1;
	_ =	strace $0x80000049;
	[dreg:$0x1] =	wrdreg $0xFFFFFFFF  }
0xa7: {  	s28 =	simm.s32 $_size_execute0_lowered;
	s3 =	sadd.s32 s3, s5;
	[dreg:$0x0] =	wrdreg $0x0  }
0xa8: {  	s5 =	sshll.u32 s28, $0x1;
	[dreg:$0x2] =	wrdreg s3  }
0xa9: {  	[dreg:$0x3] =	wrdreg s5  }
0xaa: {  	[dreg:$0x4] =	wrdreg $0xC0  }
0xab: {  	_ =	task [dreg:s7], $0x5FFFF  }
0xac: {  	[dreg:$0x1] =	wrdreg $0xFFFFFFFF  }
0xad: {  	[dreg:$0x0] =	wrdreg $0x60  }
0xae: {  	[dreg:$0x2] =	wrdreg s24  }
0xaf: {  	[dreg:$0x3] =	wrdreg s2  }
0xb0: {  	[dreg:$0x4] =	wrdreg $0xB0000  }
0xb1: {  	[dreg:$0x5] =	wrdreg $0x9  }
0xb2: {  	_ =	task.clear_ibuf [dreg:s7], $0x6FFFF;
	_ =	strace $0x90000049  }
0xb3: {  	s29 =	simm.s32 $0x9;
	_ =	strace $0x8000004B  }
0xb4: {  	_ =	swait.ge [sflag:s29], $0x1  }
0xb5: {  	[sflag:s29] =	ssyncadd.s32 $0xFFFFFFFF  }
0xb6: {  	_ =	strace $0x9000004B  }
0xb7: {  	_ =	sfence  }
0xb8: {  	s30 =	sld [smem:$0x0];
	_ =	sdelay $0x2  }
0xb9: {  	s31 =	sshll.u32 s1, $0xD;
	s1 =	sshrl.u32 s1, $0x2  }
0xba: {  	s3 =	sand.u32 $0x4000, s31;
	s1 =	sadd.s32 s1, s30  }
0xbb: {  	s0 =	sor.u32 s3, s0;
	s1 =	sshll.u32 s1, $0x11  }
0xbc: {  	s0 =	sor.u32 s1, s0  }
0xbd: {  	s0 =	sadd.s32 $0x8F2B, s0  }
0xbe: {  	[sflag:s0] =	ssyncadd.remote.s32 $0x1  }
0xbf: {  	_ =	sfence.sel $0xFFFF  }
0xc0: {  	[dreg:$0x0] =	wrdreg $0xFFFFFFFF;
	(pc) =	sbr.abs _section_cstart, $3  }
0xc1: {  	[dreg:$0x1] =	wrdreg $0xFFFFFFFF  }
0xc2: {  	_ =	task.clear_ibuf [dreg:s7], $0x2FFFF;
	_ =	strace $0x9FFFFFFF  }
0xc3: {  	(tm) =	ssettm $0x7FFFFFFF  }
tec
execute0_lowered:
.L_overlay_start_1:
0x0: {  	(tag) =	ssettag $0x1  }
0x1: {  	s0 =	rddreg [dreg:$0x0]  }
0x2: {  	s21 =	rddreg [dreg:$0x1];
	s9 =	stileid.u32  }
0x3: {  	s1 =	srdreg.scid;
	s6 =	smul.u32 $0x14000, s9  }
0x4: {  	s3 =	rddreg [dreg:$0x2];
	s2 =	sand.u32 $0x1, s1;
	s31 =	smul.u32 $0x4E20, s9  }
0x5: {  	s4 =	simm.s32 $0x0;
	s5 =	sshll.u32 s9, $0x1;
	s1 =	smul.u32 $0x140000, s2  }
0x6: {  	s5 =	sor.u32 s2, s5;
	s26 =	ssub.s32 $0x2, s2;
	s2 =	smul.u32 $0x2710, s2  }
0x7: {  	[smem:$0x7FF] =	sst s4;
	s7 =	smul.u32 $0x2710, s5  }
0x8: {  	_ =	strace $0x8000004A;
	s5 =	sadd.s32 $0x1C00, s0;
	s8 =	sshrl.u32 s26, $0x1  }
0x9: {  	s1 =	sadd.s32 s6, s1;
	s2 =	sadd.s32 s2, s31;
	s7 =	sshrl.u32 s7, $0x3  }
0xa: {  	s1 =	sshrl.u32 s1, $0x3;
	s18 =	sadd.s32 $0x410, s2;
	s10 =	sadd.s32 s21, s7  }
0xb: {  	s19 =	sadd.s32 $0x4E610, s2;
	s28 =	sadd.s32 $0x9C40, s10;
	[dreg:$0x13] =	wrdreg s10  }
0xc: {  	s20 =	sadd.s32 $0x460, s2;
	s29 =	sadd.s32 $0xA, s10;
	[dreg:$0x14] =	wrdreg s28  }
0xd: {  	s25 =	sadd.s32 $0x4E660, s2;
	s30 =	sadd.s32 $0x9C4A, s10;
	[dreg:$0x15] =	wrdreg s29  }
0xe: {  	s0 =	sadd.s32 s1, s0;
	s7 =	sadd.s32 $0x14, s10;
	[dreg:$0x16] =	wrdreg s30  }
0xf: {  	s1 =	ssub.s32 s26, s8;
	s8 =	sadd.s32 $0x9C54, s10;
	[dreg:$0x17] =	wrdreg s7  }
0x10: {  	s6 =	sshrl.u32 s18, $0x3;
	s11 =	sadd.s32 $0x1E, s10;
	[dreg:$0x18] =	wrdreg s8  }
0x11: {  	s23 =	sshrl.u32 s20, $0x3;
	s12 =	sadd.s32 $0x9C5E, s10;
	[dreg:$0x19] =	wrdreg s11  }
0x12: {  	s26 =	sshrl.u32 s25, $0x3;
	s13 =	sadd.s32 $0x28, s10;
	[dreg:$0x1a] =	wrdreg s12  }
0x13: {  	s20 =	sadd.s32 $0x4E520, s2;
	s14 =	sadd.s32 $0x9C68, s10;
	[dreg:$0x1b] =	wrdreg s13  }
0x14: {  	s25 =	sadd.s32 $0x2D0, s2;
	s15 =	sadd.s32 $0x32, s10;
	[dreg:$0x1c] =	wrdreg s14  }
0x15: {  	s16 =	sadd.s32 $0x9C72, s10;
	s17 =	sadd.s32 $0x3C, s10;
	[dreg:$0x1d] =	wrdreg s15  }
0x16: {  	s6 =	sadd.s32 s6, s21;
	s24 =	sadd.s32 s23, s21;
	[dreg:$0x1e] =	wrdreg s16  }
0x17: {  	s23 =	sshrl.u32 s20, $0x3;
	s0 =	sadd.s32 $0x29C00, s0;
	[dreg:$0x1f] =	wrdreg s17  }
0x18: {  	s7 =	smul.u32 $0x50000, s9;
	s8 =	sshrl.u32 s19, $0x3;
	[dreg:$0x4] =	wrdreg s6  }
0x19: {  	[dreg:$0x6] =	wrdreg s24;
	s28 =	sadd.s32 $0x4B0, s2;
	s6 =	sadd.s32 s26, s21  }
0x1a: {  	s29 =	sadd.s32 $0x4E6B0, s2;
	s9 =	sadd.s32 $0x3C0, s2;
	[smem:$0x7D3] =	sst s0  }
0x1b: {  	s13 =	sadd.s32 $0x370, s2;
	s24 =	sadd.s32 s23, s21;
	[dreg:$0x7] =	wrdreg s6  }
0x1c: {  	s22 =	sadd.s32 s8, s21;
	s8 =	sshrl.u32 s28, $0x3;
	[dreg:$0xf] =	wrdreg s24  }
0x1d: {  	s15 =	sshrl.u32 s13, $0x3;
	s13 =	sadd.s32 $0x46, s10;
	[dreg:$0x5] =	wrdreg s22  }
0x1e: {  	s31 =	sshrl.u32 s29, $0x3;
	s30 =	sadd.s32 s8, s21;
	[smem:$0x7D1] =	sst s13  }
0x1f: {  	s11 =	sshrl.u32 s9, $0x3;
	s8 =	sadd.s32 s31, s21;
	[dreg:$0x8] =	wrdreg s30  }
0x20: {  	s12 =	sadd.s32 $0x4E5C0, s2;
	s6 =	sadd.s32 s11, s21;
	[dreg:$0x9] =	wrdreg s8  }
0x21: {  	s17 =	sadd.s32 $0x4E570, s2;
	s16 =	sadd.s32 s15, s21;
	[dreg:$0xa] =	wrdreg s6  }
0x22: {  	s18 =	sshrl.u32 s17, $0x3;
	s11 =	sadd.s32 $0x9C7C, s10;
	[dreg:$0xc] =	wrdreg s16  }
0x23: {  	s29 =	sadd.s32 $0x4E480, s2;
	s15 =	smax.u32 s1, $0x1;
	[smem:$0x7D0] =	sst s11  }
0x24: {  	s31 =	sshrl.u32 s29, $0x3;
	s6 =	sadd.s32 s18, s21;
	[smem:$0x7D4] =	sst s15  }
0x25: {  	s8 =	sshrl.u32 s12, $0x3;
	s12 =	sadd.s32 s31, s21;
	[dreg:$0xd] =	wrdreg s6  }
0x26: {  	s19 =	sadd.s32 $0x320, s2;
	s16 =	sadd.s32 $0x280, s2;
	[dreg:$0x12] =	wrdreg s12  }
0x27: {  	s26 =	sshrl.u32 s25, $0x3;
	s14 =	sadd.s32 s8, s21;
	[smem:$0x7D5] =	sst s16  }
0x28: {  	s8 =	sshrl.u32 s19, $0x3;
	s6 =	sadd.s32 s26, s21;
	[dreg:$0xb] =	wrdreg s14  }
0x29: {  	s28 =	sadd.s32 $0x4E4D0, s2;
	s22 =	sadd.s32 s8, s21;
	[dreg:$0x10] =	wrdreg s6  }
0x2a: {  	s7 =	sshrl.u32 s7, $0x2;
	s14 =	sadd.s32 $0x9C86, s10;
	[dreg:$0xe] =	wrdreg s22  }
0x2b: {  	s8 =	sshrl.u32 s28, $0x3;
	s10 =	sadd.s32 s7, s3;
	[smem:$0x7D2] =	sst s14  }
0x2c: {  	s30 =	sadd.s32 s8, s21;
	[smem:$0x7FD] =	sst s10  }
0x2d: {  	s17 =	sadd.s32 $0x800, s10;
	[dreg:$0x11] =	wrdreg s30  }
0x2e: {  	s18 =	sadd.s32 $0x1000, s10;
	[smem:$0x7D6] =	sst s17  }
0x2f: {  	s19 =	sadd.s32 $0x1800, s10;
	[smem:$0x7D7] =	sst s18  }
0x30: {  	s20 =	sadd.s32 $0x2000, s10;
	[smem:$0x7D8] =	sst s19  }
0x31: {  	s22 =	sadd.s32 $0x2800, s10;
	[smem:$0x7D9] =	sst s20  }
0x32: {  	s23 =	sadd.s32 $0x3000, s10;
	[smem:$0x7DA] =	sst s22  }
0x33: {  	s24 =	sadd.s32 $0x3800, s10;
	[smem:$0x7DB] =	sst s23  }
0x34: {  	s25 =	sadd.s32 $0x4000, s10;
	[smem:$0x7DC] =	sst s24  }
0x35: {  	s26 =	sadd.s32 $0x4800, s10;
	[smem:$0x7DD] =	sst s25  }
0x36: {  	s28 =	sadd.s32 $0x5000, s10;
	[smem:$0x7DE] =	sst s26  }
0x37: {  	s29 =	sadd.s32 $0x5800, s10;
	[smem:$0x7DF] =	sst s28  }
0x38: {  	s31 =	sadd.s32 $0x6800, s10;
	[smem:$0x7E0] =	sst s29  }
0x39: {  	s1 =	sadd.s32 $0x7000, s10;
	[smem:$0x7E2] =	sst s31  }
0x3a: {  	s2 =	sadd.s32 $0x7800, s10;
	[smem:$0x7E3] =	sst s1  }
0x3b: {  	s3 =	sadd.s32 $0x8000, s10;
	[smem:$0x7E4] =	sst s2  }
0x3c: {  	s6 =	sadd.s32 $0x8800, s10;
	[smem:$0x7E5] =	sst s3  }
0x3d: {  	s7 =	sadd.s32 $0x9000, s10;
	[smem:$0x7E6] =	sst s6  }
0x3e: {  	s8 =	sadd.s32 $0x9800, s10;
	[smem:$0x7E7] =	sst s7  }
0x3f: {  	s9 =	sadd.s32 $0xA000, s10;
	[smem:$0x7E8] =	sst s8  }
0x40: {  	s11 =	sadd.s32 $0xA800, s10;
	[smem:$0x7E9] =	sst s9  }
0x41: {  	s12 =	sadd.s32 $0xB000, s10;
	[smem:$0x7EA] =	sst s11  }
0x42: {  	s13 =	sadd.s32 $0xB800, s10;
	[smem:$0x7EB] =	sst s12  }
0x43: {  	s14 =	sadd.s32 $0xC000, s10;
	[smem:$0x7EC] =	sst s13  }
0x44: {  	s15 =	sadd.s32 $0xC800, s10;
	[smem:$0x7ED] =	sst s14  }
0x45: {  	s16 =	sadd.s32 $0xD000, s10;
	[smem:$0x7EE] =	sst s15  }
0x46: {  	s30 =	sadd.s32 $0x6000, s10;
	[smem:$0x7EF] =	sst s16  }
0x47: {  	s17 =	sadd.s32 $0xD800, s10;
	[smem:$0x7E1] =	sst s30  }
0x48: {  	s18 =	sadd.s32 $0xE000, s10;
	[smem:$0x7F0] =	sst s17  }
0x49: {  	s19 =	sadd.s32 $0xE800, s10;
	[smem:$0x7F1] =	sst s18  }
0x4a: {  	s20 =	sadd.s32 $0xF000, s10;
	[smem:$0x7F2] =	sst s19  }
0x4b: {  	s22 =	sadd.s32 $0xF800, s10;
	[smem:$0x7F3] =	sst s20  }
0x4c: {  	s23 =	sadd.s32 $0x10000, s10;
	[smem:$0x7F4] =	sst s22  }
0x4d: {  	s24 =	sadd.s32 $0x10800, s10;
	[smem:$0x7F5] =	sst s23  }
0x4e: {  	s25 =	sadd.s32 $0x11000, s10;
	s26 =	sadd.s32 $0x11800, s10;
	[smem:$0x7F6] =	sst s24  }
0x4f: {  	s28 =	sadd.s32 $0x12000, s10;
	s29 =	sadd.s32 $0x12800, s10;
	[smem:$0x7F7] =	sst s25  }
0x50: {  	s31 =	sadd.s32 $0x13800, s10;
	s12 =	simm.s32 $0x80;
	[smem:$0x7F8] =	sst s26  }
0x51: {  	s7 =	simm.s32 $0x50;
	s2 =	simm.s32 $0x3;
	[smem:$0x7F9] =	sst s28  }
0x52: {  	s16 =	simm.s32 $0x7;
	s1 =	simm.s32 $0x0;
	[smem:$0x7FA] =	sst s29  }
0x53: {  	s30 =	sadd.s32 $0x13000, s10;
	[smem:$0x7FC] =	sst s31;
	s17 =	simm.s32 $0x100  }
0x54: {  	s22 =	simm.s32 $0x280;
	s23 =	simm.s32 $0x680;
	s24 =	simm.s32 $0x300  }
0x55: {  	v0 =	vimm.f32 $0.0e+00;
	s18 =	simm.s32 $0x700;
	s25 =	simm.s32 $0x2;
	[smem:$0x7FB] =	sst s30  }
.LBB2_1:
0x56: {  	[smem:$0x7CF] =	sst s1  }
0x57: {  	s8 =	rddreg [dreg:$0x13]  }
0x58: {  	s20 =	rddreg [dreg:$0x14]  }
0x59: {  	[tilespmem:s4], [sflag:$0x1] =	stream.linear.gather [hbm4b:s8+s4], $0x50, $0x38;
	[tilespmem:$0x1F000] =	vst v63  }
0x5a: {  	s19 =	simm.s32 $0x400;
	s26 =	rddreg [dreg:$0x15]  }
0x5b: {  	[tilespmem:s19], [sflag:$0x1] =	stream.linear.gather [hbm4b:s20+s4], $0x50, $0x38;
	[tilespmem:$0x1F000] =	vst v63  }
0x5c: {  	s28 =	rddreg [dreg:$0x16]  }
0x5d: {  	[tilespmem:s12], [sflag:$0x2] =	stream.linear.gather [hbm4b:s26+s4], $0x50, $0x38;
	[tilespmem:$0x1F000] =	vst v63  }
0x5e: {  	s14 =	simm.s32 $0x480;
	s29 =	rddreg [dreg:$0x17]  }
0x5f: {  	[tilespmem:s14], [sflag:$0x2] =	stream.linear.gather [hbm4b:s28+s4], $0x50, $0x38;
	[tilespmem:$0x1F000] =	vst v63  }
0x60: {  	s30 =	rddreg [dreg:$0x18]  }
0x61: {  	[tilespmem:s17], [sflag:$0x3] =	stream.linear.gather [hbm4b:s29+s4], $0x50, $0x38;
	[tilespmem:$0x1F000] =	vst v63  }
0x62: {  	s3 =	simm.s32 $0x500;
	s31 =	rddreg [dreg:$0x19]  }
0x63: {  	[tilespmem:s3], [sflag:$0x3] =	stream.linear.gather [hbm4b:s30+s4], $0x50, $0x38;
	[tilespmem:$0x1F000] =	vst v63  }
0x64: {  	s0 =	simm.s32 $0x180;
	s1 =	rddreg [dreg:$0x1a]  }
0x65: {  	[tilespmem:s0], [sflag:$0x4] =	stream.linear.gather [hbm4b:s31+s4], $0x50, $0x38;
	[tilespmem:$0x1F000] =	vst v63  }
0x66: {  	s6 =	simm.s32 $0x580;
	s9 =	rddreg [dreg:$0x1b]  }
0x67: {  	[tilespmem:s6], [sflag:$0x4] =	stream.linear.gather [hbm4b:s1+s4], $0x50, $0x38;
	[tilespmem:$0x1F000] =	vst v63  }
0x68: {  	s11 =	simm.s32 $0x200;
	s13 =	rddreg [dreg:$0x1c]  }
0x69: {  	[tilespmem:s11], [sflag:$0x5] =	stream.linear.gather [hbm4b:s9+s4], $0x50, $0x38;
	[tilespmem:$0x1F000] =	vst v63  }
0x6a: {  	s15 =	simm.s32 $0x600;
	s20 =	rddreg [dreg:$0x1d]  }
0x6b: {  	[tilespmem:s15], [sflag:$0x5] =	stream.linear.gather [hbm4b:s13+s4], $0x50, $0x38;
	[tilespmem:$0x1F000] =	vst v63  }
0x6c: {  	s26 =	rddreg [dreg:$0x1e]  }
0x6d: {  	[tilespmem:s22], [sflag:$0x6] =	stream.linear.gather [hbm4b:s20+s4], $0x50, $0x38;
	[tilespmem:$0x1F000] =	vst v63  }
0x6e: {  	s28 =	rddreg [dreg:$0x1f]  }
0x6f: {  	[tilespmem:s23], [sflag:$0x6] =	stream.linear.gather [hbm4b:s26+s4], $0x50, $0x38;
	[tilespmem:$0x1F000] =	vst v63  }
0x70: {  	s29 =	sld [smem:$0x7D0]  }
0x71: {  	[tilespmem:s24], [sflag:$0x7] =	stream.linear.gather [hbm4b:s28+s4], $0x50, $0x38;
	[tilespmem:$0x1F000] =	vst v63  }
0x72: {  	s30 =	sld [smem:$0x7D1]  }
0x73: {  	[tilespmem:s18], [sflag:$0x7] =	stream.linear.gather [hbm4b:s29+s4], $0x50, $0x38;
	[tilespmem:$0x1F000] =	vst v63  }
0x74: {  	s31 =	simm.s32 $0x380;
	s1 =	sld [smem:$0x7D2]  }
0x75: {  	[tilespmem:s31], [sflag:$0x8] =	stream.linear.gather [hbm4b:s30+s4], $0x50, $0x38;
	[tilespmem:$0x1F000] =	vst v63  }
0x76: {  	s6 =	simm.s32 $0x780;
	s13 =	simm.s32 $0x1  }
0x77: {  	[tilespmem:s6], [sflag:$0x8] =	stream.linear.gather [hbm4b:s1+s4], $0x50, $0x38;
	[tilespmem:$0x1F000] =	vst v63  }
0x78: {  	_ =	swait.ge [sflag:s13], $0x50  }
0x79: {  	[sflag:s13] =	ssyncset.done $0x0  }
0x7a: {  	[sflag:s13] =	ssyncadd.s32 $0xFFFFFFB0  }
0x7b: {  	_ =	swait.ge [sflag:s13], $0x50  }
0x7c: {  	[sflag:s13] =	ssyncset.done $0x0  }
0x7d: {  	s20 =	simm.s32 $0x800;
	[sflag:s13] =	ssyncadd.s32 $0xFFFFFFB0  }
0x7e: {  	[tilespmem:s20], [sflag:$0x9] =	stream.indirect.gather [hbm4b:s5+s7], $0x80, s4, s7, $0xb8;
	[tilespmem:$0x1F000] =	vst v63  }
0x7f: {  	_ =	swait.ge [sflag:s25], $0x50  }
0x80: {  	[sflag:s25] =	ssyncset.done $0x0  }
0x81: {  	[sflag:s25] =	ssyncadd.s32 $0xFFFFFFB0  }
0x82: {  	_ =	swait.ge [sflag:s25], $0x50  }
0x83: {  	[sflag:s25] =	ssyncset.done $0x0  }
0x84: {  	s26 =	simm.s32 $0x3000;
	[sflag:s25] =	ssyncadd.s32 $0xFFFFFFB0  }
0x85: {  	[tilespmem:s26], [sflag:$0xA] =	stream.indirect.gather [hbm4b:s5+s7], $0x80, s12, s7, $0xb8;
	[tilespmem:$0x1F000] =	vst v63  }
0x86: {  	_ =	swait.ge [sflag:s2], $0x50  }
0x87: {  	[sflag:s2] =	ssyncset.done $0x0  }
0x88: {  	[sflag:s2] =	ssyncadd.s32 $0xFFFFFFB0  }
0x89: {  	_ =	swait.ge [sflag:s2], $0x50  }
0x8a: {  	[sflag:s2] =	ssyncset.done $0x0  }
0x8b: {  	s28 =	simm.s32 $0x4;
	s29 =	simm.s32 $0x5800;
	[sflag:s2] =	ssyncadd.s32 $0xFFFFFFB0  }
0x8c: {  	[tilespmem:s29], [sflag:$0xB] =	stream.indirect.gather [hbm4b:s5+s7], $0x80, s17, s7, $0xb8;
	[tilespmem:$0x1F000] =	vst v63  }
0x8d: {  	_ =	swait.ge [sflag:s28], $0x50  }
0x8e: {  	[sflag:s28] =	ssyncset.done $0x0  }
0x8f: {  	[sflag:s28] =	ssyncadd.s32 $0xFFFFFFB0  }
0x90: {  	_ =	swait.ge [sflag:s28], $0x50  }
0x91: {  	[sflag:s28] =	ssyncset.done $0x0  }
0x92: {  	s9 =	simm.s32 $0x8000;
	[sflag:s28] =	ssyncadd.s32 $0xFFFFFFB0  }
0x93: {  	[tilespmem:s9], [sflag:$0xC] =	stream.indirect.gather [hbm4b:s5+s7], $0x80, s0, s7, $0xb8;
	[tilespmem:$0x1F000] =	vst v63  }
0x94: {  	[tilespmem:$0xA800] =	vst v0  }
0x95: {  	[tilespmem:$0xA810] =	vst v0  }
0x96: {  	[tilespmem:$0xA820] =	vst v0  }
0x97: {  	[tilespmem:$0xA830] =	vst v0  }
0x98: {  	[tilespmem:$0xA840] =	vst v0  }
0x99: {  	[tilespmem:$0xA850] =	vst v0  }
0x9a: {  	[tilespmem:$0xA860] =	vst v0  }
0x9b: {  	[tilespmem:$0xA870] =	vst v0  }
0x9c: {  	[tilespmem:$0xA880] =	vst v0  }
0x9d: {  	[tilespmem:$0xA890] =	vst v0  }
0x9e: {  	[tilespmem:$0xA8A0] =	vst v0  }
0x9f: {  	[tilespmem:$0xA8B0] =	vst v0  }
0xa0: {  	[tilespmem:$0xA8C0] =	vst v0  }
0xa1: {  	[tilespmem:$0xA8D0] =	vst v0  }
0xa2: {  	[tilespmem:$0xA8E0] =	vst v0  }
0xa3: {  	[tilespmem:$0xA8F0] =	vst v0  }
0xa4: {  	[tilespmem:$0xA900] =	vst v0  }
0xa5: {  	[tilespmem:$0xA910] =	vst v0  }
0xa6: {  	[tilespmem:$0xA920] =	vst v0  }
0xa7: {  	[tilespmem:$0xA930] =	vst v0  }
0xa8: {  	[tilespmem:$0xA940] =	vst v0  }
0xa9: {  	[tilespmem:$0xA950] =	vst v0  }
0xaa: {  	[tilespmem:$0xA960] =	vst v0  }
0xab: {  	[tilespmem:$0xA970] =	vst v0  }
0xac: {  	[tilespmem:$0xA980] =	vst v0  }
0xad: {  	[tilespmem:$0xA990] =	vst v0  }
0xae: {  	[tilespmem:$0xA9A0] =	vst v0  }
0xaf: {  	[tilespmem:$0xA9B0] =	vst v0  }
0xb0: {  	[tilespmem:$0xA9C0] =	vst v0  }
0xb1: {  	[tilespmem:$0xA9D0] =	vst v0  }
0xb2: {  	[tilespmem:$0xA9E0] =	vst v0  }
0xb3: {  	[tilespmem:$0xA9F0] =	vst v0  }
0xb4: {  	[tilespmem:$0xAA00] =	vst v0  }
0xb5: {  	[tilespmem:$0xAA10] =	vst v0  }
0xb6: {  	[tilespmem:$0xAA20] =	vst v0  }
0xb7: {  	[tilespmem:$0xAA30] =	vst v0  }
0xb8: {  	[tilespmem:$0xAA40] =	vst v0  }
0xb9: {  	[tilespmem:$0xAA50] =	vst v0  }
0xba: {  	[tilespmem:$0xAA60] =	vst v0  }
0xbb: {  	[tilespmem:$0xAA70] =	vst v0  }
0xbc: {  	[tilespmem:$0xAA80] =	vst v0  }
0xbd: {  	[tilespmem:$0xAA90] =	vst v0  }
0xbe: {  	[tilespmem:$0xAAA0] =	vst v0  }
0xbf: {  	[tilespmem:$0xAAB0] =	vst v0  }
0xc0: {  	[tilespmem:$0xAAC0] =	vst v0  }
0xc1: {  	[tilespmem:$0xAAD0] =	vst v0  }
0xc2: {  	[tilespmem:$0xAAE0] =	vst v0  }
0xc3: {  	[tilespmem:$0xAAF0] =	vst v0  }
0xc4: {  	[tilespmem:$0xAB00] =	vst v0  }
0xc5: {  	[tilespmem:$0xAB10] =	vst v0  }
0xc6: {  	[tilespmem:$0xAB20] =	vst v0  }
0xc7: {  	[tilespmem:$0xAB30] =	vst v0  }
0xc8: {  	[tilespmem:$0xAB40] =	vst v0  }
0xc9: {  	[tilespmem:$0xAB50] =	vst v0  }
0xca: {  	[tilespmem:$0xAB60] =	vst v0  }
0xcb: {  	[tilespmem:$0xAB70] =	vst v0  }
0xcc: {  	[tilespmem:$0xAB80] =	vst v0  }
0xcd: {  	[tilespmem:$0xAB90] =	vst v0  }
0xce: {  	[tilespmem:$0xABA0] =	vst v0  }
0xcf: {  	[tilespmem:$0xABB0] =	vst v0  }
0xd0: {  	[tilespmem:$0xABC0] =	vst v0  }
0xd1: {  	[tilespmem:$0xABD0] =	vst v0  }
0xd2: {  	[tilespmem:$0xABE0] =	vst v0  }
0xd3: {  	[tilespmem:$0xABF0] =	vst v0  }
0xd4: {  	[tilespmem:$0xAC00] =	vst v0  }
0xd5: {  	[tilespmem:$0xAC10] =	vst v0  }
0xd6: {  	[tilespmem:$0xAC20] =	vst v0  }
0xd7: {  	[tilespmem:$0xAC30] =	vst v0  }
0xd8: {  	[tilespmem:$0xAC40] =	vst v0  }
0xd9: {  	[tilespmem:$0xAC50] =	vst v0  }
0xda: {  	[tilespmem:$0xAC60] =	vst v0  }
0xdb: {  	[tilespmem:$0xAC70] =	vst v0  }
0xdc: {  	[tilespmem:$0xAC80] =	vst v0  }
0xdd: {  	[tilespmem:$0xAC90] =	vst v0  }
0xde: {  	[tilespmem:$0xACA0] =	vst v0  }
0xdf: {  	[tilespmem:$0xACB0] =	vst v0  }
0xe0: {  	[tilespmem:$0xACC0] =	vst v0  }
0xe1: {  	[tilespmem:$0xACD0] =	vst v0  }
0xe2: {  	[tilespmem:$0xACE0] =	vst v0  }
0xe3: {  	[tilespmem:$0xACF0] =	vst v0  }
0xe4: {  	[tilespmem:$0xAD00] =	vst v0  }
0xe5: {  	[tilespmem:$0xAD10] =	vst v0  }
0xe6: {  	[tilespmem:$0xAD20] =	vst v0  }
0xe7: {  	[tilespmem:$0xAD30] =	vst v0  }
0xe8: {  	[tilespmem:$0xAD40] =	vst v0  }
0xe9: {  	[tilespmem:$0xAD50] =	vst v0  }
0xea: {  	[tilespmem:$0xAD60] =	vst v0  }
0xeb: {  	[tilespmem:$0xAD70] =	vst v0  }
0xec: {  	[tilespmem:$0xAD80] =	vst v0  }
0xed: {  	[tilespmem:$0xAD90] =	vst v0  }
0xee: {  	[tilespmem:$0xADA0] =	vst v0  }
0xef: {  	[tilespmem:$0xADB0] =	vst v0  }
0xf0: {  	[tilespmem:$0xADC0] =	vst v0  }
0xf1: {  	[tilespmem:$0xADD0] =	vst v0  }
0xf2: {  	[tilespmem:$0xADE0] =	vst v0  }
0xf3: {  	[tilespmem:$0xADF0] =	vst v0  }
0xf4: {  	[tilespmem:$0xAE00] =	vst v0  }
0xf5: {  	[tilespmem:$0xAE10] =	vst v0  }
0xf6: {  	[tilespmem:$0xAE20] =	vst v0  }
0xf7: {  	[tilespmem:$0xAE30] =	vst v0  }
0xf8: {  	[tilespmem:$0xAE40] =	vst v0  }
0xf9: {  	[tilespmem:$0xAE50] =	vst v0  }
0xfa: {  	[tilespmem:$0xAE60] =	vst v0  }
0xfb: {  	[tilespmem:$0xAE70] =	vst v0  }
0xfc: {  	[tilespmem:$0xAE80] =	vst v0  }
0xfd: {  	[tilespmem:$0xAE90] =	vst v0  }
0xfe: {  	[tilespmem:$0xAEA0] =	vst v0  }
0xff: {  	[tilespmem:$0xAEB0] =	vst v0  }
0x100: {  	[tilespmem:$0xAEC0] =	vst v0  }
0x101: {  	[tilespmem:$0xAED0] =	vst v0  }
0x102: {  	[tilespmem:$0xAEE0] =	vst v0  }
0x103: {  	[tilespmem:$0xAEF0] =	vst v0  }
0x104: {  	[tilespmem:$0xAF00] =	vst v0  }
0x105: {  	[tilespmem:$0xAF10] =	vst v0  }
0x106: {  	[tilespmem:$0xAF20] =	vst v0  }
0x107: {  	[tilespmem:$0xAF30] =	vst v0  }
0x108: {  	[tilespmem:$0xAF40] =	vst v0  }
0x109: {  	[tilespmem:$0xAF50] =	vst v0  }
0x10a: {  	[tilespmem:$0xAF60] =	vst v0  }
0x10b: {  	[tilespmem:$0xAF70] =	vst v0  }
0x10c: {  	[tilespmem:$0xAF80] =	vst v0  }
0x10d: {  	[tilespmem:$0xAF90] =	vst v0  }
0x10e: {  	[tilespmem:$0xAFA0] =	vst v0  }
0x10f: {  	[tilespmem:$0xAFB0] =	vst v0  }
0x110: {  	[tilespmem:$0xAFC0] =	vst v0  }
0x111: {  	[tilespmem:$0xAFD0] =	vst v0  }
0x112: {  	[tilespmem:$0xAFE0] =	vst v0  }
0x113: {  	s17 =	simm.s32 $0xA800;
	[tilespmem:$0xAFF0] =	vst v0  }
0x114: {  	[spmem:s10] =	stream.linear.scatter [tilespmem:s17], [sflag:$0x11], $0x800, $0x38;
	[tilespmem:$0x1F000] =	vst v63  }
0x115: {  	s10 =	sld [smem:$0x7D6];
	_ =	sdelay $0x1  }
0x116: {  	s11 =	sld [smem:$0x7D7]  }
0x117: {  	[spmem:s10] =	stream.linear.scatter [tilespmem:s17], [sflag:$0x11], $0x800, $0x38;
	[tilespmem:$0x1F000] =	vst v63  }
0x118: {  	s15 =	sld [smem:$0x7D8]  }
0x119: {  	[spmem:s11] =	stream.linear.scatter [tilespmem:s17], [sflag:$0x11], $0x800, $0x38;
	[tilespmem:$0x1F000] =	vst v63  }
0x11a: {  	s18 =	sld [smem:$0x7D9]  }
0x11b: {  	[spmem:s15] =	stream.linear.scatter [tilespmem:s17], [sflag:$0x11], $0x800, $0x38;
	[tilespmem:$0x1F000] =	vst v63  }
0x11c: {  	s30 =	sld [smem:$0x7DA]  }
0x11d: {  	[spmem:s18] =	stream.linear.scatter [tilespmem:s17], [sflag:$0x11], $0x800, $0x38;
	[tilespmem:$0x1F000] =	vst v63  }
0x11e: {  	s31 =	sld [smem:$0x7DB]  }
0x11f: {  	[spmem:s30] =	stream.linear.scatter [tilespmem:s17], [sflag:$0x11], $0x800, $0x38;
	[tilespmem:$0x1F000] =	vst v63  }
0x120: {  	s1 =	sld [smem:$0x7DC]  }
0x121: {  	[spmem:s31] =	stream.linear.scatter [tilespmem:s17], [sflag:$0x11], $0x800, $0x38;
	[tilespmem:$0x1F000] =	vst v63  }
0x122: {  	s6 =	sld [smem:$0x7DD]  }
0x123: {  	[spmem:s1] =	stream.linear.scatter [tilespmem:s17], [sflag:$0x11], $0x800, $0x38;
	[tilespmem:$0x1F000] =	vst v63  }
0x124: {  	s9 =	sld [smem:$0x7DE]  }
0x125: {  	[spmem:s6] =	stream.linear.scatter [tilespmem:s17], [sflag:$0x11], $0x800, $0x38;
	[tilespmem:$0x1F000] =	vst v63  }
0x126: {  	s10 =	sld [smem:$0x7DF]  }
0x127: {  	[spmem:s9] =	stream.linear.scatter [tilespmem:s17], [sflag:$0x11], $0x800, $0x38;
	[tilespmem:$0x1F000] =	vst v63  }
0x128: {  	s11 =	sld [smem:$0x7E0]  }
0x129: {  	[spmem:s10] =	stream.linear.scatter [tilespmem:s17], [sflag:$0x11], $0x800, $0x38;
	[tilespmem:$0x1F000] =	vst v63  }
0x12a: {  	s15 =	sld [smem:$0x7E1]  }
0x12b: {  	[spmem:s11] =	stream.linear.scatter [tilespmem:s17], [sflag:$0x11], $0x800, $0x38;
	[tilespmem:$0x1F000] =	vst v63  }
0x12c: {  	s18 =	sld [smem:$0x7E2]  }
0x12d: {  	[spmem:s15] =	stream.linear.scatter [tilespmem:s17], [sflag:$0x11], $0x800, $0x38;
	[tilespmem:$0x1F000] =	vst v63  }
0x12e: {  	s30 =	sld [smem:$0x7E3]  }
0x12f: {  	[spmem:s18] =	stream.linear.scatter [tilespmem:s17], [sflag:$0x11], $0x800, $0x38;
	[tilespmem:$0x1F000] =	vst v63  }
0x130: {  	s31 =	sld [smem:$0x7E4]  }
0x131: {  	[spmem:s30] =	stream.linear.scatter [tilespmem:s17], [sflag:$0x11], $0x800, $0x38;
	[tilespmem:$0x1F000] =	vst v63  }
0x132: {  	s1 =	sld [smem:$0x7E5]  }
0x133: {  	[spmem:s31] =	stream.linear.scatter [tilespmem:s17], [sflag:$0x11], $0x800, $0x38;
	[tilespmem:$0x1F000] =	vst v63  }
0x134: {  	s6 =	sld [smem:$0x7E6]  }
0x135: {  	[spmem:s1] =	stream.linear.scatter [tilespmem:s17], [sflag:$0x11], $0x800, $0x38;
	[tilespmem:$0x1F000] =	vst v63  }
0x136: {  	s9 =	sld [smem:$0x7E7]  }
0x137: {  	[spmem:s6] =	stream.linear.scatter [tilespmem:s17], [sflag:$0x11], $0x800, $0x38;
	[tilespmem:$0x1F000] =	vst v63  }
0x138: {  	s10 =	sld [smem:$0x7E8]  }
0x139: {  	[spmem:s9] =	stream.linear.scatter [tilespmem:s17], [sflag:$0x11], $0x800, $0x38;
	[tilespmem:$0x1F000] =	vst v63  }
0x13a: {  	s11 =	sld [smem:$0x7E9]  }
0x13b: {  	[spmem:s10] =	stream.linear.scatter [tilespmem:s17], [sflag:$0x11], $0x800, $0x38;
	[tilespmem:$0x1F000] =	vst v63  }
0x13c: {  	s15 =	sld [smem:$0x7EA]  }
0x13d: {  	[spmem:s11] =	stream.linear.scatter [tilespmem:s17], [sflag:$0x11], $0x800, $0x38;
	[tilespmem:$0x1F000] =	vst v63  }
0x13e: {  	s18 =	sld [smem:$0x7EB]  }
0x13f: {  	[spmem:s15] =	stream.linear.scatter [tilespmem:s17], [sflag:$0x11], $0x800, $0x38;
	[tilespmem:$0x1F000] =	vst v63  }
0x140: {  	s30 =	sld [smem:$0x7EC]  }
0x141: {  	[spmem:s18] =	stream.linear.scatter [tilespmem:s17], [sflag:$0x11], $0x800, $0x38;
	[tilespmem:$0x1F000] =	vst v63  }
0x142: {  	s31 =	sld [smem:$0x7ED]  }
0x143: {  	[spmem:s30] =	stream.linear.scatter [tilespmem:s17], [sflag:$0x11], $0x800, $0x38;
	[tilespmem:$0x1F000] =	vst v63  }
0x144: {  	s1 =	sld [smem:$0x7EE]  }
0x145: {  	[spmem:s31] =	stream.linear.scatter [tilespmem:s17], [sflag:$0x11], $0x800, $0x38;
	[tilespmem:$0x1F000] =	vst v63  }
0x146: {  	s6 =	sld [smem:$0x7EF]  }
0x147: {  	[spmem:s1] =	stream.linear.scatter [tilespmem:s17], [sflag:$0x11], $0x800, $0x38;
	[tilespmem:$0x1F000] =	vst v63  }
0x148: {  	s9 =	sld [smem:$0x7F0]  }
0x149: {  	[spmem:s6] =	stream.linear.scatter [tilespmem:s17], [sflag:$0x11], $0x800, $0x38;
	[tilespmem:$0x1F000] =	vst v63  }
0x14a: {  	s10 =	sld [smem:$0x7F1]  }
0x14b: {  	[spmem:s9] =	stream.linear.scatter [tilespmem:s17], [sflag:$0x11], $0x800, $0x38;
	[tilespmem:$0x1F000] =	vst v63  }
0x14c: {  	s11 =	sld [smem:$0x7F2]  }
0x14d: {  	[spmem:s10] =	stream.linear.scatter [tilespmem:s17], [sflag:$0x11], $0x800, $0x38;
	[tilespmem:$0x1F000] =	vst v63  }
0x14e: {  	s15 =	sld [smem:$0x7F3]  }
0x14f: {  	[spmem:s11] =	stream.linear.scatter [tilespmem:s17], [sflag:$0x11], $0x800, $0x38;
	[tilespmem:$0x1F000] =	vst v63  }
0x150: {  	s18 =	sld [smem:$0x7F4]  }
0x151: {  	[spmem:s15] =	stream.linear.scatter [tilespmem:s17], [sflag:$0x11], $0x800, $0x38;
	[tilespmem:$0x1F000] =	vst v63  }
0x152: {  	s30 =	sld [smem:$0x7F5]  }
0x153: {  	[spmem:s18] =	stream.linear.scatter [tilespmem:s17], [sflag:$0x11], $0x800, $0x38;
	[tilespmem:$0x1F000] =	vst v63  }
0x154: {  	s31 =	sld [smem:$0x7F6]  }
0x155: {  	[spmem:s30] =	stream.linear.scatter [tilespmem:s17], [sflag:$0x11], $0x800, $0x38;
	[tilespmem:$0x1F000] =	vst v63  }
0x156: {  	s1 =	sld [smem:$0x7F7]  }
0x157: {  	[spmem:s31] =	stream.linear.scatter [tilespmem:s17], [sflag:$0x11], $0x800, $0x38;
	[tilespmem:$0x1F000] =	vst v63  }
0x158: {  	s6 =	sld [smem:$0x7F8]  }
0x159: {  	[spmem:s1] =	stream.linear.scatter [tilespmem:s17], [sflag:$0x11], $0x800, $0x38;
	[tilespmem:$0x1F000] =	vst v63  }
0x15a: {  	s9 =	sld [smem:$0x7F9]  }
0x15b: {  	[spmem:s6] =	stream.linear.scatter [tilespmem:s17], [sflag:$0x11], $0x800, $0x38;
	[tilespmem:$0x1F000] =	vst v63  }
0x15c: {  	s10 =	sld [smem:$0x7FA]  }
0x15d: {  	[spmem:s9] =	stream.linear.scatter [tilespmem:s17], [sflag:$0x11], $0x800, $0x38;
	[tilespmem:$0x1F000] =	vst v63  }
0x15e: {  	s11 =	sld [smem:$0x7FB]  }
0x15f: {  	[spmem:s10] =	stream.linear.scatter [tilespmem:s17], [sflag:$0x11], $0x800, $0x38;
	[tilespmem:$0x1F000] =	vst v63  }
0x160: {  	s15 =	sld [smem:$0x7FC]  }
0x161: {  	[spmem:s11] =	stream.linear.scatter [tilespmem:s17], [sflag:$0x11], $0x800, $0x38;
	[tilespmem:$0x1F000] =	vst v63  }
0x162: {  	_ = 	snop  }
0x163: {  	[spmem:s15] =	stream.linear.scatter [tilespmem:s17], [sflag:$0x11], $0x800, $0x38;
	[tilespmem:$0x1F000] =	vst v63  }
0x164: {  	s17 =	simm.s32 $0x11  }
0x165: {  	_ =	swait.ge [sflag:s17], $0x800  }
0x166: {  	[sflag:s17] =	ssyncset.done $0x0  }
0x167: {  	[sflag:s17] =	ssyncadd.s32 $0xFFFFF800  }
0x168: {  	_ =	swait.ge [sflag:s17], $0x800  }
0x169: {  	[sflag:s17] =	ssyncset.done $0x0  }
0x16a: {  	[sflag:s17] =	ssyncadd.s32 $0xFFFFF800  }
0x16b: {  	_ =	swait.ge [sflag:s17], $0x800  }
0x16c: {  	[sflag:s17] =	ssyncset.done $0x0  }
0x16d: {  	[sflag:s17] =	ssyncadd.s32 $0xFFFFF800  }
0x16e: {  	_ =	swait.ge [sflag:s17], $0x800  }
0x16f: {  	[sflag:s17] =	ssyncset.done $0x0  }
0x170: {  	[sflag:s17] =	ssyncadd.s32 $0xFFFFF800  }
0x171: {  	_ =	swait.ge [sflag:s17], $0x800  }
0x172: {  	[sflag:s17] =	ssyncset.done $0x0  }
0x173: {  	[sflag:s17] =	ssyncadd.s32 $0xFFFFF800  }
0x174: {  	_ =	swait.ge [sflag:s17], $0x800  }
0x175: {  	[sflag:s17] =	ssyncset.done $0x0  }
0x176: {  	[sflag:s17] =	ssyncadd.s32 $0xFFFFF800  }
0x177: {  	_ =	swait.ge [sflag:s17], $0x800  }
0x178: {  	[sflag:s17] =	ssyncset.done $0x0  }
0x179: {  	[sflag:s17] =	ssyncadd.s32 $0xFFFFF800  }
0x17a: {  	_ =	swait.ge [sflag:s17], $0x800  }
0x17b: {  	[sflag:s17] =	ssyncset.done $0x0  }
0x17c: {  	[sflag:s17] =	ssyncadd.s32 $0xFFFFF800  }
0x17d: {  	_ =	swait.ge [sflag:s17], $0x800  }
0x17e: {  	[sflag:s17] =	ssyncset.done $0x0  }
0x17f: {  	[sflag:s17] =	ssyncadd.s32 $0xFFFFF800  }
0x180: {  	_ =	swait.ge [sflag:s17], $0x800  }
0x181: {  	[sflag:s17] =	ssyncset.done $0x0  }
0x182: {  	[sflag:s17] =	ssyncadd.s32 $0xFFFFF800  }
0x183: {  	_ =	swait.ge [sflag:s17], $0x800  }
0x184: {  	[sflag:s17] =	ssyncset.done $0x0  }
0x185: {  	[sflag:s17] =	ssyncadd.s32 $0xFFFFF800  }
0x186: {  	_ =	swait.ge [sflag:s17], $0x800  }
0x187: {  	[sflag:s17] =	ssyncset.done $0x0  }
0x188: {  	[sflag:s17] =	ssyncadd.s32 $0xFFFFF800  }
0x189: {  	_ =	swait.ge [sflag:s17], $0x800  }
0x18a: {  	[sflag:s17] =	ssyncset.done $0x0  }
0x18b: {  	[sflag:s17] =	ssyncadd.s32 $0xFFFFF800  }
0x18c: {  	_ =	swait.ge [sflag:s17], $0x800  }
0x18d: {  	[sflag:s17] =	ssyncset.done $0x0  }
0x18e: {  	[sflag:s17] =	ssyncadd.s32 $0xFFFFF800  }
0x18f: {  	_ =	swait.ge [sflag:s17], $0x800  }
0x190: {  	[sflag:s17] =	ssyncset.done $0x0  }
0x191: {  	[sflag:s17] =	ssyncadd.s32 $0xFFFFF800  }
0x192: {  	_ =	swait.ge [sflag:s17], $0x800  }
0x193: {  	[sflag:s17] =	ssyncset.done $0x0  }
0x194: {  	[sflag:s17] =	ssyncadd.s32 $0xFFFFF800  }
0x195: {  	_ =	swait.ge [sflag:s17], $0x800  }
0x196: {  	[sflag:s17] =	ssyncset.done $0x0  }
0x197: {  	[sflag:s17] =	ssyncadd.s32 $0xFFFFF800  }
0x198: {  	_ =	swait.ge [sflag:s17], $0x800  }
0x199: {  	[sflag:s17] =	ssyncset.done $0x0  }
0x19a: {  	[sflag:s17] =	ssyncadd.s32 $0xFFFFF800  }
0x19b: {  	_ =	swait.ge [sflag:s17], $0x800  }
0x19c: {  	[sflag:s17] =	ssyncset.done $0x0  }
0x19d: {  	[sflag:s17] =	ssyncadd.s32 $0xFFFFF800  }
0x19e: {  	_ =	swait.ge [sflag:s17], $0x800  }
0x19f: {  	[sflag:s17] =	ssyncset.done $0x0  }
0x1a0: {  	[sflag:s17] =	ssyncadd.s32 $0xFFFFF800  }
0x1a1: {  	_ =	swait.ge [sflag:s17], $0x800  }
0x1a2: {  	[sflag:s17] =	ssyncset.done $0x0  }
0x1a3: {  	[sflag:s17] =	ssyncadd.s32 $0xFFFFF800  }
0x1a4: {  	_ =	swait.ge [sflag:s17], $0x800  }
0x1a5: {  	[sflag:s17] =	ssyncset.done $0x0  }
0x1a6: {  	[sflag:s17] =	ssyncadd.s32 $0xFFFFF800  }
0x1a7: {  	_ =	swait.ge [sflag:s17], $0x800  }
0x1a8: {  	[sflag:s17] =	ssyncset.done $0x0  }
0x1a9: {  	[sflag:s17] =	ssyncadd.s32 $0xFFFFF800  }
0x1aa: {  	_ =	swait.ge [sflag:s17], $0x800  }
0x1ab: {  	[sflag:s17] =	ssyncset.done $0x0  }
0x1ac: {  	[sflag:s17] =	ssyncadd.s32 $0xFFFFF800  }
0x1ad: {  	_ =	swait.ge [sflag:s17], $0x800  }
0x1ae: {  	[sflag:s17] =	ssyncset.done $0x0  }
0x1af: {  	[sflag:s17] =	ssyncadd.s32 $0xFFFFF800  }
0x1b0: {  	_ =	swait.ge [sflag:s17], $0x800  }
0x1b1: {  	[sflag:s17] =	ssyncset.done $0x0  }
0x1b2: {  	[sflag:s17] =	ssyncadd.s32 $0xFFFFF800  }
0x1b3: {  	_ =	swait.ge [sflag:s17], $0x800  }
0x1b4: {  	[sflag:s17] =	ssyncset.done $0x0  }
0x1b5: {  	[sflag:s17] =	ssyncadd.s32 $0xFFFFF800  }
0x1b6: {  	_ =	swait.ge [sflag:s17], $0x800  }
0x1b7: {  	[sflag:s17] =	ssyncset.done $0x0  }
0x1b8: {  	[sflag:s17] =	ssyncadd.s32 $0xFFFFF800  }
0x1b9: {  	_ =	swait.ge [sflag:s17], $0x800  }
0x1ba: {  	[sflag:s17] =	ssyncset.done $0x0  }
0x1bb: {  	[sflag:s17] =	ssyncadd.s32 $0xFFFFF800  }
0x1bc: {  	_ =	swait.ge [sflag:s17], $0x800  }
0x1bd: {  	[sflag:s17] =	ssyncset.done $0x0  }
0x1be: {  	[sflag:s17] =	ssyncadd.s32 $0xFFFFF800  }
0x1bf: {  	_ =	swait.ge [sflag:s17], $0x800  }
0x1c0: {  	[sflag:s17] =	ssyncset.done $0x0  }
0x1c1: {  	[sflag:s17] =	ssyncadd.s32 $0xFFFFF800  }
0x1c2: {  	_ =	swait.ge [sflag:s17], $0x800  }
0x1c3: {  	[sflag:s17] =	ssyncset.done $0x0  }
0x1c4: {  	[sflag:s17] =	ssyncadd.s32 $0xFFFFF800  }
0x1c5: {  	_ =	swait.ge [sflag:s17], $0x800  }
0x1c6: {  	[sflag:s17] =	ssyncset.done $0x0  }
0x1c7: {  	[sflag:s17] =	ssyncadd.s32 $0xFFFFF800  }
0x1c8: {  	_ =	swait.ge [sflag:s17], $0x800  }
0x1c9: {  	[sflag:s17] =	ssyncset.done $0x0  }
0x1ca: {  	[sflag:s17] =	ssyncadd.s32 $0xFFFFF800  }
0x1cb: {  	_ =	swait.ge [sflag:s17], $0x800  }
0x1cc: {  	[sflag:s17] =	ssyncset.done $0x0  }
0x1cd: {  	[sflag:s17] =	ssyncadd.s32 $0xFFFFF800  }
0x1ce: {  	_ =	swait.ge [sflag:s17], $0x800  }
0x1cf: {  	[sflag:s17] =	ssyncset.done $0x0  }
0x1d0: {  	[sflag:s17] =	ssyncadd.s32 $0xFFFFF800  }
0x1d1: {  	_ =	swait.ge [sflag:s17], $0x800  }
0x1d2: {  	[sflag:s17] =	ssyncset.done $0x0  }
0x1d3: {  	[sflag:s17] =	ssyncadd.s32 $0xFFFFF800  }
0x1d4: {  	_ =	swait.ge [sflag:s17], $0x800  }
0x1d5: {  	[sflag:s17] =	ssyncset.done $0x0  }
0x1d6: {  	[sflag:s17] =	ssyncadd.s32 $0xFFFFF800  }
0x1d7: {  	_ =	swait.ge [sflag:s17], $0x800  }
0x1d8: {  	[sflag:s17] =	ssyncset.done $0x0  }
0x1d9: {  	[sflag:s17] =	ssyncadd.s32 $0xFFFFF800  }
0x1da: {  	_ =	swait.ge [sflag:s17], $0x800  }
0x1db: {  	[sflag:s17] =	ssyncset.done $0x0  }
0x1dc: {  	[sflag:s17] =	ssyncadd.s32 $0xFFFFF800  }
0x1dd: {  	s10 =	simm.s32 $0x9;
	[bflag:$0x0] =	sbarrier.arrive $0xFFFF  }
0x1de: {  	_ =	swait.ge [sflag:s10], $0x2800  }
0x1df: {  	[sflag:s10] =	ssyncset.done $0x0  }
0x1e0: {  	[sflag:s10] =	ssyncadd.s32 $0xFFFFD800  }
0x1e1: {  	s30 =	simm.s32 $0xD;
	s6 =	rddreg [dreg:$0x2]  }
0x1e2: {  	[spmem:s6] =	stream.indirect.scatter.add.f32 [tilespmem:s20], [sflag:$0xD], $0x80, s19, s7, $0xb8;
	[tilespmem:$0x1F000] =	vst v63  }
0x1e3: {  	_ =	swait.ge [sflag:s30], $0x2800  }
0x1e4: {  	s8 =	sld [smem:$0x7D5];
	_ =	sdelay $0x2  }
0x1e5: {  	[sflag:s30] =	ssyncset.done $0x0;
	s18 =	sshrl.u32 s8, $0x3  }
0x1e6: {  	s31 =	rddreg [dreg:$0x12];
	[sflag:s30] =	ssyncadd.s32 $0xFFFFD800;
	s17 =	sadd.s32 s21, s18  }
0x1e7: {  	[tilespmem:s4], [sflag:$0x1] =	stream.linear.gather [hbm4b:s17+s4], $0x50, $0x38;
	[tilespmem:$0x1F000] =	vst v63  }
0x1e8: {  	s15 =	simm.s32 $0x5;
	s1 =	sadd.s32 $0x0, s31  }
0x1e9: {  	[tilespmem:s19], [sflag:$0x1] =	stream.linear.gather [hbm4b:s1+s4], $0x50, $0x38;
	[tilespmem:$0x1F000] =	vst v63  }
0x1ea: {  	_ =	swait.ge [sflag:s15], $0x50  }
0x1eb: {  	[sflag:s15] =	ssyncset.done $0x0  }
0x1ec: {  	[sflag:s15] =	ssyncadd.s32 $0xFFFFFFB0  }
0x1ed: {  	_ =	swait.ge [sflag:s15], $0x50  }
0x1ee: {  	[sflag:s15] =	ssyncset.done $0x0  }
0x1ef: {  	s1 =	simm.s32 $0x200;
	s19 =	simm.s32 $0xA;
	[sflag:s15] =	ssyncadd.s32 $0xFFFFFFB0  }
0x1f0: {  	[tilespmem:s20], [sflag:$0x9] =	stream.indirect.gather [hbm4b:s5+s7], $0x80, s1, s7, $0xb8;
	[tilespmem:$0x1F000] =	vst v63  }
0x1f1: {  	_ =	swait.ge [sflag:s19], $0x2800  }
0x1f2: {  	[sflag:s19] =	ssyncset.done $0x0  }
0x1f3: {  	s31 =	simm.s32 $0xE;
	[sflag:s19] =	ssyncadd.s32 $0xFFFFD800  }
0x1f4: {  	[spmem:s6] =	stream.indirect.scatter.add.f32 [tilespmem:s26], [sflag:$0xE], $0x80, s14, s7, $0xb8;
	[tilespmem:$0x1F000] =	vst v63  }
0x1f5: {  	_ =	swait.ge [sflag:s31], $0x2800  }
0x1f6: {  	s18 =	rddreg [dreg:$0x10];
	[sflag:s31] =	ssyncset.done $0x0  }
0x1f7: {  	s15 =	rddreg [dreg:$0x11];
	[sflag:s31] =	ssyncadd.s32 $0xFFFFD800;
	s17 =	sadd.s32 $0x0, s18  }
0x1f8: {  	[tilespmem:s12], [sflag:$0x2] =	stream.linear.gather [hbm4b:s17+s4], $0x50, $0x38;
	[tilespmem:$0x1F000] =	vst v63  }
0x1f9: {  	s15 =	sadd.s32 $0x0, s15;
	s17 =	simm.s32 $0x6  }
0x1fa: {  	[tilespmem:s14], [sflag:$0x2] =	stream.linear.gather [hbm4b:s15+s4], $0x50, $0x38;
	[tilespmem:$0x1F000] =	vst v63  }
0x1fb: {  	_ =	swait.ge [sflag:s17], $0x50  }
0x1fc: {  	[sflag:s17] =	ssyncset.done $0x0  }
0x1fd: {  	[sflag:s17] =	ssyncadd.s32 $0xFFFFFFB0  }
0x1fe: {  	_ =	swait.ge [sflag:s17], $0x50  }
0x1ff: {  	[sflag:s17] =	ssyncset.done $0x0  }
0x200: {  	s14 =	simm.s32 $0xB;
	[sflag:s17] =	ssyncadd.s32 $0xFFFFFFB0  }
0x201: {  	[tilespmem:s26], [sflag:$0xA] =	stream.indirect.gather [hbm4b:s5+s7], $0x80, s22, s7, $0xb8;
	[tilespmem:$0x1F000] =	vst v63  }
0x202: {  	_ =	swait.ge [sflag:s14], $0x2800  }
0x203: {  	[sflag:s14] =	ssyncset.done $0x0  }
0x204: {  	s15 =	simm.s32 $0xF;
	[sflag:s14] =	ssyncadd.s32 $0xFFFFD800  }
0x205: {  	[spmem:s6] =	stream.indirect.scatter.add.f32 [tilespmem:s29], [sflag:$0xF], $0x80, s3, s7, $0xb8;
	[tilespmem:$0x1F000] =	vst v63  }
0x206: {  	_ =	swait.ge [sflag:s15], $0x2800  }
0x207: {  	s9 =	simm.s32 $0x100;
	s18 =	rddreg [dreg:$0xe];
	[sflag:s15] =	ssyncset.done $0x0  }
0x208: {  	s22 =	rddreg [dreg:$0xf];
	[sflag:s15] =	ssyncadd.s32 $0xFFFFD800;
	s17 =	sadd.s32 $0x0, s18  }
0x209: {  	[tilespmem:s9], [sflag:$0x3] =	stream.linear.gather [hbm4b:s17+s4], $0x50, $0x38;
	[tilespmem:$0x1F000] =	vst v63  }
0x20a: {  	s22 =	sadd.s32 $0x0, s22  }
0x20b: {  	[tilespmem:s3], [sflag:$0x3] =	stream.linear.gather [hbm4b:s22+s4], $0x50, $0x38;
	[tilespmem:$0x1F000] =	vst v63  }
0x20c: {  	_ =	swait.ge [sflag:s16], $0x50  }
0x20d: {  	[sflag:s16] =	ssyncset.done $0x0  }
0x20e: {  	[sflag:s16] =	ssyncadd.s32 $0xFFFFFFB0  }
0x20f: {  	_ =	swait.ge [sflag:s16], $0x50  }
0x210: {  	[sflag:s16] =	ssyncset.done $0x0  }
0x211: {  	s3 =	simm.s32 $0xC;
	[sflag:s16] =	ssyncadd.s32 $0xFFFFFFB0  }
0x212: {  	[tilespmem:s29], [sflag:$0xB] =	stream.indirect.gather [hbm4b:s5+s7], $0x80, s24, s7, $0xb8;
	[tilespmem:$0x1F000] =	vst v63  }
0x213: {  	_ =	swait.ge [sflag:s3], $0x2800  }
0x214: {  	s22 =	simm.s32 $0x8000;
	[sflag:s3] =	ssyncset.done $0x0  }
0x215: {  	s16 =	simm.s32 $0x10;
	s24 =	simm.s32 $0x580;
	[sflag:s3] =	ssyncadd.s32 $0xFFFFD800  }
0x216: {  	[spmem:s6] =	stream.indirect.scatter.add.f32 [tilespmem:s22], [sflag:$0x10], $0x80, s24, s7, $0xb8;
	[tilespmem:$0x1F000] =	vst v63  }
0x217: {  	_ =	swait.ge [sflag:s16], $0x2800  }
0x218: {  	s17 =	rddreg [dreg:$0xc];
	[sflag:s16] =	ssyncset.done $0x0  }
0x219: {  	s18 =	rddreg [dreg:$0xd];
	[sflag:s16] =	ssyncadd.s32 $0xFFFFD800;
	s17 =	sadd.s32 $0x0, s17  }
0x21a: {  	[tilespmem:s0], [sflag:$0x4] =	stream.linear.gather [hbm4b:s17+s4], $0x50, $0x38;
	[tilespmem:$0x1F000] =	vst v63  }
0x21b: {  	s18 =	sadd.s32 $0x0, s18  }
0x21c: {  	[tilespmem:s24], [sflag:$0x4] =	stream.linear.gather [hbm4b:s18+s4], $0x50, $0x38;
	[tilespmem:$0x1F000] =	vst v63  }
0x21d: {  	s4 =	simm.s32 $0x8  }
0x21e: {  	_ =	swait.ge [sflag:s4], $0x50  }
0x21f: {  	[sflag:s4] =	ssyncset.done $0x0  }
0x220: {  	[sflag:s4] =	ssyncadd.s32 $0xFFFFFFB0  }
0x221: {  	_ =	swait.ge [sflag:s4], $0x50  }
0x222: {  	[sflag:s4] =	ssyncset.done $0x0  }
0x223: {  	s24 =	simm.s32 $0x380;
	[sflag:s4] =	ssyncadd.s32 $0xFFFFFFB0  }
0x224: {  	[tilespmem:s22], [sflag:$0xC] =	stream.indirect.gather [hbm4b:s5+s7], $0x80, s24, s7, $0xb8;
	[tilespmem:$0x1F000] =	vst v63  }
0x225: {  	_ =	swait.ge [sflag:s10], $0x2800  }
0x226: {  	[sflag:s10] =	ssyncset.done $0x0  }
0x227: {  	[sflag:s10] =	ssyncadd.s32 $0xFFFFD800;
	s10 =	simm.s32 $0x600  }
0x228: {  	[spmem:s6] =	stream.indirect.scatter.add.f32 [tilespmem:s20], [sflag:$0xD], $0x80, s10, s7, $0xb8;
	[tilespmem:$0x1F000] =	vst v63  }
0x229: {  	_ =	swait.ge [sflag:s30], $0x2800  }
0x22a: {  	s0 =	simm.s32 $0x0;
	s18 =	rddreg [dreg:$0xa];
	[sflag:s30] =	ssyncset.done $0x0  }
0x22b: {  	s24 =	rddreg [dreg:$0xb];
	[sflag:s30] =	ssyncadd.s32 $0xFFFFD800;
	s17 =	sadd.s32 $0x0, s18  }
0x22c: {  	[tilespmem:s1], [sflag:$0x5] =	stream.linear.gather [hbm4b:s17+s0], $0x50, $0x38;
	[tilespmem:$0x1F000] =	vst v63  }
0x22d: {  	s30 =	sadd.s32 $0x0, s24  }
0x22e: {  	[tilespmem:s10], [sflag:$0x5] =	stream.linear.gather [hbm4b:s30+s0], $0x50, $0x38;
	[tilespmem:$0x1F000] =	vst v63  }
0x22f: {  	_ =	swait.ge [sflag:s13], $0x50  }
0x230: {  	[sflag:s13] =	ssyncset.done $0x0  }
0x231: {  	[sflag:s13] =	ssyncadd.s32 $0xFFFFFFB0  }
0x232: {  	_ =	swait.ge [sflag:s13], $0x50  }
0x233: {  	[sflag:s13] =	ssyncset.done $0x0  }
0x234: {  	[sflag:s13] =	ssyncadd.s32 $0xFFFFFFB0  }
0x235: {  	[tilespmem:s20], [sflag:$0x9] =	stream.indirect.gather [hbm4b:s5+s7], $0x80, s0, s7, $0xb8;
	[tilespmem:$0x1F000] =	vst v63  }
0x236: {  	_ =	swait.ge [sflag:s19], $0x2800  }
0x237: {  	[sflag:s19] =	ssyncset.done $0x0  }
0x238: {  	p0 =	por $0x0, $0x0;
	[sflag:s19] =	ssyncadd.s32 $0xFFFFD800  }
0x239: {  	[spmem:s6] =	stream.indirect.scatter.add.f32 [tilespmem:s26], [sflag:$0xE], $0x80, s23, s7, $0xb8;
	[tilespmem:$0x1F000] =	vst v63  }
0x23a: {  	s20 =	simm.s32 @!p0 $0x280;
	_ =	swait.ge [sflag:s31], $0x2800  }
0x23b: {  	s19 =	simm.s32 @!p0 $0x0;
	s17 =	rddreg [dreg:$0x4];
	[sflag:s31] =	ssyncset.done $0x0  }
0x23c: {  	s18 =	rddreg [dreg:$0x5];
	[sflag:s31] =	ssyncadd.s32 $0xFFFFD800;
	s17 =	sadd.s32 @!p0 $0x0, s17  }
0x23d: {  	[tilespmem:s20], [sflag:$0x6] =	stream.linear.gather @!p0 [hbm4b:s17+s19], $0x50, $0x38;
	[tilespmem:$0x1F000] =	vst v63  }
0x23e: {  	s18 =	sadd.s32 @!p0 $0x0, s18;
	s17 =	simm.s32 @!p0 $0x680  }
0x23f: {  	[tilespmem:s17], [sflag:$0x6] =	stream.linear.gather @!p0 [hbm4b:s18+s19], $0x50, $0x38;
	[tilespmem:$0x1F000] =	vst v63  }
0x240: {  	_ =	swait.ge [sflag:s25], $0x50  }
0x241: {  	[sflag:s25] =	ssyncset.done $0x0  }
0x242: {  	[sflag:s25] =	ssyncadd.s32 $0xFFFFFFB0  }
0x243: {  	_ =	swait.ge [sflag:s25], $0x50  }
0x244: {  	[sflag:s25] =	ssyncset.done $0x0  }
0x245: {  	[sflag:s25] =	ssyncadd.s32 $0xFFFFFFB0  }
0x246: {  	[tilespmem:s26], [sflag:$0xA] =	stream.indirect.gather [hbm4b:s5+s7], $0x80, s12, s7, $0xb8;
	[tilespmem:$0x1F000] =	vst v63  }
0x247: {  	_ =	swait.ge [sflag:s14], $0x2800  }
0x248: {  	[sflag:s14] =	ssyncset.done $0x0  }
0x249: {  	s11 =	simm.s32 $0x700;
	[sflag:s14] =	ssyncadd.s32 $0xFFFFD800  }
0x24a: {  	[spmem:s6] =	stream.indirect.scatter.add.f32 [tilespmem:s29], [sflag:$0xF], $0x80, s11, s7, $0xb8;
	[tilespmem:$0x1F000] =	vst v63  }
0x24b: {  	_ =	swait.ge [sflag:s15], $0x2800  }
0x24c: {  	s20 =	simm.s32 @!p0 $0x300;
	s17 =	rddreg [dreg:$0x6];
	[sflag:s15] =	ssyncset.done $0x0  }
0x24d: {  	s18 =	rddreg [dreg:$0x7];
	[sflag:s15] =	ssyncadd.s32 $0xFFFFD800;
	s17 =	sadd.s32 @!p0 $0x0, s17  }
0x24e: {  	[tilespmem:s20], [sflag:$0x7] =	stream.linear.gather @!p0 [hbm4b:s17+s19], $0x50, $0x38;
	[tilespmem:$0x1F000] =	vst v63  }
0x24f: {  	s18 =	sadd.s32 @!p0 $0x0, s18;
	s17 =	simm.s32 @!p0 $0x700  }
0x250: {  	[tilespmem:s17], [sflag:$0x7] =	stream.linear.gather @!p0 [hbm4b:s18+s19], $0x50, $0x38;
	[tilespmem:$0x1F000] =	vst v63  }
0x251: {  	_ =	swait.ge [sflag:s2], $0x50  }
0x252: {  	[sflag:s2] =	ssyncset.done $0x0  }
0x253: {  	[sflag:s2] =	ssyncadd.s32 $0xFFFFFFB0  }
0x254: {  	_ =	swait.ge [sflag:s2], $0x50  }
0x255: {  	[sflag:s2] =	ssyncset.done $0x0  }
0x256: {  	[sflag:s2] =	ssyncadd.s32 $0xFFFFFFB0  }
0x257: {  	[tilespmem:s29], [sflag:$0xB] =	stream.indirect.gather [hbm4b:s5+s7], $0x80, s9, s7, $0xb8;
	[tilespmem:$0x1F000] =	vst v63  }
0x258: {  	_ =	swait.ge [sflag:s3], $0x2800  }
0x259: {  	[sflag:s3] =	ssyncset.done $0x0  }
0x25a: {  	s22 =	simm.s32 $0x8000;
	s31 =	simm.s32 $0x780;
	[sflag:s3] =	ssyncadd.s32 $0xFFFFD800  }
0x25b: {  	[spmem:s6] =	stream.indirect.scatter.add.f32 [tilespmem:s22], [sflag:$0x10], $0x80, s31, s7, $0xb8;
	[tilespmem:$0x1F000] =	vst v63  }
0x25c: {  	_ =	swait.ge [sflag:s16], $0x2800  }
0x25d: {  	s20 =	simm.s32 @!p0 $0x380;
	s17 =	rddreg [dreg:$0x8];
	[sflag:s16] =	ssyncset.done $0x0  }
0x25e: {  	s18 =	rddreg [dreg:$0x9];
	[sflag:s16] =	ssyncadd.s32 $0xFFFFD800;
	s17 =	sadd.s32 @!p0 $0x0, s17  }
0x25f: {  	[tilespmem:s20], [sflag:$0x8] =	stream.linear.gather @!p0 [hbm4b:s17+s19], $0x50, $0x38;
	[tilespmem:$0x1F000] =	vst v63  }
0x260: {  	s18 =	sadd.s32 @!p0 $0x0, s18;
	s17 =	simm.s32 @!p0 $0x780  }
0x261: {  	[tilespmem:s17], [sflag:$0x8] =	stream.linear.gather @!p0 [hbm4b:s18+s19], $0x50, $0x38;
	[tilespmem:$0x1F000] =	vst v63  }
0x262: {  	_ =	swait.ge [sflag:s28], $0x50  }
0x263: {  	[sflag:s28] =	ssyncset.done $0x0  }
0x264: {  	[sflag:s28] =	ssyncadd.s32 $0xFFFFFFB0  }
0x265: {  	s6 =	simm.s32 $0x7;
	_ =	swait.ge [sflag:s28], $0x50  }
0x266: {  	s17 =	simm.s32 $0x50;
	s18 =	smov.u32 s8;
	[sflag:s28] =	ssyncset.done $0x0  }
.LBB2_2:
0x267: {  	s30 =	simm.s32 $0x4;
	s23 =	simm.s32 $0x180  }
0x268: {  	s31 =	simm.s32 $0x8000;
	s13 =	simm.s32 $0x9;
	[sflag:s30] =	ssyncadd.s32 $0xFFFFFFB0  }
0x269: {  	[tilespmem:s31], [sflag:$0xC] =	stream.indirect.gather [hbm4b:s5+s7], $0x80, s23, s7, $0xb8;
	[tilespmem:$0x1F000] =	vst v63  }
0x26a: {  	_ =	swait.ge [sflag:s13], $0x2800  }
0x26b: {  	[sflag:s13] =	ssyncset.done $0x0  }
0x26c: {  	s8 =	simm.s32 $0x400;
	[sflag:s13] =	ssyncadd.s32 $0xFFFFD800  }
0x26d: {  	s25 =	simm.s32 $0x800;
	s22 =	simm.s32 $0xD;
	s12 =	rddreg [dreg:$0x2]  }
0x26e: {  	[spmem:s12] =	stream.indirect.scatter.add.f32 [tilespmem:s25], [sflag:$0xD], $0x80, s8, s7, $0xb8;
	[tilespmem:$0x1F000] =	vst v63  }
0x26f: {  	s18 =	sadd.s32 $0x280, s18;
	_ =	swait.ge [sflag:s22], $0x2800  }
0x270: {  	s19 =	smov.u32 s17;
	s20 =	sshrl.u32 s18, $0x3;
	[sflag:s22] =	ssyncset.done $0x0  }
0x271: {  	s20 =	sadd.s32 s21, s20;
	s14 =	rddreg [dreg:$0x12];
	[sflag:s22] =	ssyncadd.s32 $0xFFFFD800  }
0x272: {  	[tilespmem:s0], [sflag:$0x1] =	stream.linear.gather [hbm4b:s20+s0], $0x50, $0x38;
	[tilespmem:$0x1F000] =	vst v63  }
0x273: {  	s1 =	simm.s32 $0x5;
	s15 =	sadd.s32 s19, s14  }
0x274: {  	[tilespmem:s8], [sflag:$0x1] =	stream.linear.gather [hbm4b:s15+s0], $0x50, $0x38;
	[tilespmem:$0x1F000] =	vst v63  }
0x275: {  	_ =	swait.ge [sflag:s1], $0x50  }
0x276: {  	[sflag:s1] =	ssyncset.done $0x0  }
0x277: {  	[sflag:s1] =	ssyncadd.s32 $0xFFFFFFB0  }
0x278: {  	_ =	swait.ge [sflag:s1], $0x50  }
0x279: {  	[sflag:s1] =	ssyncset.done $0x0  }
0x27a: {  	s24 =	simm.s32 $0x200;
	s26 =	simm.s32 $0xA;
	[sflag:s1] =	ssyncadd.s32 $0xFFFFFFB0  }
0x27b: {  	[tilespmem:s25], [sflag:$0x9] =	stream.indirect.gather [hbm4b:s5+s7], $0x80, s24, s7, $0xb8;
	[tilespmem:$0x1F000] =	vst v63  }
0x27c: {  	_ =	swait.ge [sflag:s26], $0x2800  }
0x27d: {  	s16 =	simm.s32 $0x480;
	[sflag:s26] =	ssyncset.done $0x0  }
0x27e: {  	s2 =	simm.s32 $0x3000;
	s29 =	simm.s32 $0xE;
	[sflag:s26] =	ssyncadd.s32 $0xFFFFD800  }
0x27f: {  	[spmem:s12] =	stream.indirect.scatter.add.f32 [tilespmem:s2], [sflag:$0xE], $0x80, s16, s7, $0xb8;
	[tilespmem:$0x1F000] =	vst v63  }
0x280: {  	s10 =	smov.u32 s21;
	_ =	swait.ge [sflag:s29], $0x2800  }
0x281: {  	s11 =	simm.s32 $0x80;
	s21 =	rddreg [dreg:$0x10];
	[sflag:s29] =	ssyncset.done $0x0  }
0x282: {  	s28 =	rddreg [dreg:$0x11];
	[sflag:s29] =	ssyncadd.s32 $0xFFFFD800;
	s20 =	sadd.s32 s19, s21  }
0x283: {  	[tilespmem:s11], [sflag:$0x2] =	stream.linear.gather [hbm4b:s20+s0], $0x50, $0x38;
	[tilespmem:$0x1F000] =	vst v63  }
0x284: {  	s3 =	simm.s32 $0x6;
	s1 =	sadd.s32 s19, s28  }
0x285: {  	[tilespmem:s16], [sflag:$0x2] =	stream.linear.gather [hbm4b:s1+s0], $0x50, $0x38;
	[tilespmem:$0x1F000] =	vst v63  }
0x286: {  	_ =	swait.ge [sflag:s3], $0x50  }
0x287: {  	[sflag:s3] =	ssyncset.done $0x0  }
0x288: {  	[sflag:s3] =	ssyncadd.s32 $0xFFFFFFB0  }
0x289: {  	_ =	swait.ge [sflag:s3], $0x50  }
0x28a: {  	[sflag:s3] =	ssyncset.done $0x0  }
0x28b: {  	s8 =	simm.s32 $0x280;
	s15 =	simm.s32 $0xB;
	[sflag:s3] =	ssyncadd.s32 $0xFFFFFFB0  }
0x28c: {  	[tilespmem:s2], [sflag:$0xA] =	stream.indirect.gather [hbm4b:s5+s7], $0x80, s8, s7, $0xb8;
	[tilespmem:$0x1F000] =	vst v63  }
0x28d: {  	_ =	swait.ge [sflag:s15], $0x2800  }
0x28e: {  	s28 =	simm.s32 $0x5800;
	[sflag:s15] =	ssyncset.done $0x0  }
0x28f: {  	s16 =	simm.s32 $0xF;
	s8 =	simm.s32 $0x500;
	[sflag:s15] =	ssyncadd.s32 $0xFFFFD800  }
0x290: {  	[spmem:s12] =	stream.indirect.scatter.add.f32 [tilespmem:s28], [sflag:$0xF], $0x80, s8, s7, $0xb8;
	[tilespmem:$0x1F000] =	vst v63  }
0x291: {  	_ =	swait.ge [sflag:s16], $0x2800  }
0x292: {  	s1 =	simm.s32 $0x100;
	s9 =	rddreg [dreg:$0xe];
	[sflag:s16] =	ssyncset.done $0x0  }
0x293: {  	s14 =	rddreg [dreg:$0xf];
	[sflag:s16] =	ssyncadd.s32 $0xFFFFD800;
	s20 =	sadd.s32 s19, s9  }
0x294: {  	[tilespmem:s1], [sflag:$0x3] =	stream.linear.gather [hbm4b:s20+s0], $0x50, $0x38;
	[tilespmem:$0x1F000] =	vst v63  }
0x295: {  	s3 =	sadd.s32 s19, s14  }
0x296: {  	[tilespmem:s8], [sflag:$0x3] =	stream.linear.gather [hbm4b:s3+s0], $0x50, $0x38;
	[tilespmem:$0x1F000] =	vst v63  }
0x297: {  	_ =	swait.ge [sflag:s6], $0x50  }
0x298: {  	[sflag:s6] =	ssyncset.done $0x0  }
0x299: {  	[sflag:s6] =	ssyncadd.s32 $0xFFFFFFB0  }
0x29a: {  	_ =	swait.ge [sflag:s6], $0x50  }
0x29b: {  	[sflag:s6] =	ssyncset.done $0x0  }
0x29c: {  	s3 =	simm.s32 $0x300;
	[sflag:s6] =	ssyncadd.s32 $0xFFFFFFB0  }
0x29d: {  	[tilespmem:s28], [sflag:$0xB] =	stream.indirect.gather [hbm4b:s5+s7], $0x80, s3, s7, $0xb8;
	[tilespmem:$0x1F000] =	vst v63  }
0x29e: {  	s3 =	simm.s32 $0xC  }
0x29f: {  	_ =	swait.ge [sflag:s3], $0x2800  }
0x2a0: {  	[sflag:s3] =	ssyncset.done $0x0  }
0x2a1: {  	s14 =	simm.s32 $0x10;
	s8 =	simm.s32 $0x580;
	[sflag:s3] =	ssyncadd.s32 $0xFFFFD800  }
0x2a2: {  	[spmem:s12] =	stream.indirect.scatter.add.f32 [tilespmem:s31], [sflag:$0x10], $0x80, s8, s7, $0xb8;
	[tilespmem:$0x1F000] =	vst v63  }
0x2a3: {  	_ =	swait.ge [sflag:s14], $0x2800  }
0x2a4: {  	s9 =	rddreg [dreg:$0xc];
	[sflag:s14] =	ssyncset.done $0x0  }
0x2a5: {  	s21 =	rddreg [dreg:$0xd];
	[sflag:s14] =	ssyncadd.s32 $0xFFFFD800;
	s20 =	sadd.s32 s19, s9  }
0x2a6: {  	[tilespmem:s23], [sflag:$0x4] =	stream.linear.gather [hbm4b:s20+s0], $0x50, $0x38;
	[tilespmem:$0x1F000] =	vst v63  }
0x2a7: {  	s23 =	sadd.s32 s19, s21  }
0x2a8: {  	[tilespmem:s8], [sflag:$0x4] =	stream.linear.gather [hbm4b:s23+s0], $0x50, $0x38;
	[tilespmem:$0x1F000] =	vst v63  }
0x2a9: {  	_ =	swait.ge [sflag:s4], $0x50  }
0x2aa: {  	[sflag:s4] =	ssyncset.done $0x0  }
0x2ab: {  	[sflag:s4] =	ssyncadd.s32 $0xFFFFFFB0  }
0x2ac: {  	_ =	swait.ge [sflag:s4], $0x50  }
0x2ad: {  	[sflag:s4] =	ssyncset.done $0x0  }
0x2ae: {  	s20 =	simm.s32 $0x380;
	[sflag:s4] =	ssyncadd.s32 $0xFFFFFFB0  }
0x2af: {  	[tilespmem:s31], [sflag:$0xC] =	stream.indirect.gather [hbm4b:s5+s7], $0x80, s20, s7, $0xb8;
	[tilespmem:$0x1F000] =	vst v63  }
0x2b0: {  	_ =	swait.ge [sflag:s13], $0x2800  }
0x2b1: {  	[sflag:s13] =	ssyncset.done $0x0  }
0x2b2: {  	s8 =	simm.s32 $0x600;
	[sflag:s13] =	ssyncadd.s32 $0xFFFFD800  }
0x2b3: {  	[spmem:s12] =	stream.indirect.scatter.add.f32 [tilespmem:s25], [sflag:$0xD], $0x80, s8, s7, $0xb8;
	[tilespmem:$0x1F000] =	vst v63  }
0x2b4: {  	_ =	swait.ge [sflag:s22], $0x2800  }
0x2b5: {  	s21 =	rddreg [dreg:$0xa];
	[sflag:s22] =	ssyncset.done $0x0  }
0x2b6: {  	s23 =	rddreg [dreg:$0xb];
	[sflag:s22] =	ssyncadd.s32 $0xFFFFD800;
	s20 =	sadd.s32 s19, s21  }
0x2b7: {  	[tilespmem:s24], [sflag:$0x5] =	stream.linear.gather [hbm4b:s20+s0], $0x50, $0x38;
	[tilespmem:$0x1F000] =	vst v63  }
0x2b8: {  	s21 =	simm.s32 $0x1;
	s24 =	sadd.s32 s19, s23  }
0x2b9: {  	[tilespmem:s8], [sflag:$0x5] =	stream.linear.gather [hbm4b:s24+s0], $0x50, $0x38;
	[tilespmem:$0x1F000] =	vst v63  }
0x2ba: {  	_ =	swait.ge [sflag:s21], $0x50  }
0x2bb: {  	[sflag:s21] =	ssyncset.done $0x0  }
0x2bc: {  	[sflag:s21] =	ssyncadd.s32 $0xFFFFFFB0  }
0x2bd: {  	_ =	swait.ge [sflag:s21], $0x50  }
0x2be: {  	[sflag:s21] =	ssyncset.done $0x0  }
0x2bf: {  	[sflag:s21] =	ssyncadd.s32 $0xFFFFFFB0  }
0x2c0: {  	[tilespmem:s25], [sflag:$0x9] =	stream.indirect.gather [hbm4b:s5+s7], $0x80, s0, s7, $0xb8;
	[tilespmem:$0x1F000] =	vst v63  }
0x2c1: {  	_ =	swait.ge [sflag:s26], $0x2800  }
0x2c2: {  	[sflag:s26] =	ssyncset.done $0x0  }
0x2c3: {  	p1 =	seq.s32 s19, $0x460;
	s23 =	simm.s32 $0x680;
	[sflag:s26] =	ssyncadd.s32 $0xFFFFD800  }
0x2c4: {  	[spmem:s12] =	stream.indirect.scatter.add.f32 [tilespmem:s2], [sflag:$0xE], $0x80, s23, s7, $0xb8;
	[tilespmem:$0x1F000] =	vst v63  }
0x2c5: {  	s20 =	simm.s32 @!p1 $0x0;
	_ =	swait.ge [sflag:s29], $0x2800  }
0x2c6: {  	s24 =	simm.s32 @!p1 $0x280;
	s21 =	rddreg [dreg:$0x4];
	[sflag:s29] =	ssyncset.done $0x0  }
0x2c7: {  	s23 =	rddreg [dreg:$0x5];
	[sflag:s29] =	ssyncadd.s32 $0xFFFFD800;
	s21 =	sadd.s32 @!p1 s19, s21  }
0x2c8: {  	[tilespmem:s24], [sflag:$0x6] =	stream.linear.gather @!p1 [hbm4b:s21+s20], $0x50, $0x38;
	[tilespmem:$0x1F000] =	vst v63  }
0x2c9: {  	s8 =	simm.s32 @!p1 $0x680;
	s25 =	simm.s32 $0x2;
	s21 =	sadd.s32 @!p1 s19, s23  }
0x2ca: {  	[tilespmem:s8], [sflag:$0x6] =	stream.linear.gather @!p1 [hbm4b:s21+s20], $0x50, $0x38;
	[tilespmem:$0x1F000] =	vst v63  }
0x2cb: {  	_ =	swait.ge [sflag:s25], $0x50  }
0x2cc: {  	[sflag:s25] =	ssyncset.done $0x0  }
0x2cd: {  	[sflag:s25] =	ssyncadd.s32 $0xFFFFFFB0  }
0x2ce: {  	_ =	swait.ge [sflag:s25], $0x50  }
0x2cf: {  	[sflag:s25] =	ssyncset.done $0x0  }
0x2d0: {  	[sflag:s25] =	ssyncadd.s32 $0xFFFFFFB0  }
0x2d1: {  	[tilespmem:s2], [sflag:$0xA] =	stream.indirect.gather [hbm4b:s5+s7], $0x80, s11, s7, $0xb8;
	[tilespmem:$0x1F000] =	vst v63  }
0x2d2: {  	_ =	swait.ge [sflag:s15], $0x2800  }
0x2d3: {  	[sflag:s15] =	ssyncset.done $0x0  }
0x2d4: {  	s24 =	simm.s32 $0x700;
	[sflag:s15] =	ssyncadd.s32 $0xFFFFD800  }
0x2d5: {  	[spmem:s12] =	stream.indirect.scatter.add.f32 [tilespmem:s28], [sflag:$0xF], $0x80, s24, s7, $0xb8;
	[tilespmem:$0x1F000] =	vst v63  }
0x2d6: {  	_ =	swait.ge [sflag:s16], $0x2800  }
0x2d7: {  	s23 =	simm.s32 @!p1 $0x300;
	s8 =	rddreg [dreg:$0x6];
	[sflag:s16] =	ssyncset.done $0x0  }
0x2d8: {  	s21 =	rddreg [dreg:$0x7];
	[sflag:s16] =	ssyncadd.s32 $0xFFFFD800;
	s8 =	sadd.s32 @!p1 s19, s8  }
0x2d9: {  	[tilespmem:s23], [sflag:$0x7] =	stream.linear.gather @!p1 [hbm4b:s8+s20], $0x50, $0x38;
	[tilespmem:$0x1F000] =	vst v63  }
0x2da: {  	s2 =	simm.s32 $0x3;
	s24 =	simm.s32 @!p1 $0x700;
	s8 =	sadd.s32 @!p1 s19, s21  }
0x2db: {  	[tilespmem:s24], [sflag:$0x7] =	stream.linear.gather @!p1 [hbm4b:s8+s20], $0x50, $0x38;
	[tilespmem:$0x1F000] =	vst v63  }
0x2dc: {  	_ =	swait.ge [sflag:s2], $0x50  }
0x2dd: {  	[sflag:s2] =	ssyncset.done $0x0  }
0x2de: {  	[sflag:s2] =	ssyncadd.s32 $0xFFFFFFB0  }
0x2df: {  	_ =	swait.ge [sflag:s2], $0x50  }
0x2e0: {  	[sflag:s2] =	ssyncset.done $0x0  }
0x2e1: {  	[sflag:s2] =	ssyncadd.s32 $0xFFFFFFB0  }
0x2e2: {  	[tilespmem:s28], [sflag:$0xB] =	stream.indirect.gather [hbm4b:s5+s7], $0x80, s1, s7, $0xb8;
	[tilespmem:$0x1F000] =	vst v63  }
0x2e3: {  	_ =	swait.ge [sflag:s3], $0x2800  }
0x2e4: {  	[sflag:s3] =	ssyncset.done $0x0  }
0x2e5: {  	s28 =	simm.s32 $0x780;
	[sflag:s3] =	ssyncadd.s32 $0xFFFFD800  }
0x2e6: {  	[spmem:s12] =	stream.indirect.scatter.add.f32 [tilespmem:s31], [sflag:$0x10], $0x80, s28, s7, $0xb8;
	[tilespmem:$0x1F000] =	vst v63  }
0x2e7: {  	s17 =	sadd.s32 $0x50, s17;
	_ =	swait.ge [sflag:s14], $0x2800  }
0x2e8: {  	s23 =	simm.s32 @!p1 $0x380;
	s8 =	rddreg [dreg:$0x8];
	[sflag:s14] =	ssyncset.done $0x0  }
0x2e9: {  	s21 =	rddreg [dreg:$0x9];
	[sflag:s14] =	ssyncadd.s32 $0xFFFFD800;
	s8 =	sadd.s32 @!p1 s19, s8  }
0x2ea: {  	[tilespmem:s23], [sflag:$0x8] =	stream.linear.gather @!p1 [hbm4b:s8+s20], $0x50, $0x38;
	[tilespmem:$0x1F000] =	vst v63  }
0x2eb: {  	p0 =	sne.s32 s17, $0x4B0;
	s24 =	simm.s32 @!p1 $0x780;
	s8 =	sadd.s32 @!p1 s19, s21  }
0x2ec: {  	[tilespmem:s24], [sflag:$0x8] =	stream.linear.gather @!p1 [hbm4b:s8+s20], $0x50, $0x38;
	[tilespmem:$0x1F000] =	vst v63  }
.Ltmp0:
0x2ed: {  	_ =	swait.ge [sflag:s30], $0x50;
	(pc) =	sbr.rel @p0 .LBB2_2-.Ltmp0, $4  }
0x2ee: {  	s9 =	simm.s32 $0x180;
	[sflag:s30] =	ssyncset.done $0x0  }
0x2ef: {  	s13 =	simm.s32 $0x200;
	s22 =	simm.s32 $0x600;
	[sflag:s30] =	ssyncadd.s32 $0xFFFFFFB0  }
0x2f0: {  	s26 =	simm.s32 $0x3000;
	s29 =	simm.s32 $0x5800;
	_ =	swait.ge [sflag:s30], $0x50  }
0x2f1: {  	s21 =	smov.u32 s10;
	s8 =	simm.s32 $0x4;
	[sflag:s30] =	ssyncset.done $0x0  }
0x2f2: {  	[sflag:s8] =	ssyncadd.s32 $0xFFFFFFB0;
	s14 =	simm.s32 $0x8000;
	s15 =	simm.s32 $0x9  }
0x2f3: {  	[tilespmem:s14], [sflag:$0xC] =	stream.indirect.gather [hbm4b:s5+s7], $0x80, s9, s7, $0xb8;
	[tilespmem:$0x1F000] =	vst v63  }
0x2f4: {  	_ =	swait.ge [sflag:s15], $0x2800  }
0x2f5: {  	[sflag:s15] =	ssyncset.done $0x0  }
0x2f6: {  	s6 =	simm.s32 $0x800;
	[sflag:s15] =	ssyncadd.s32 $0xFFFFD800  }
0x2f7: {  	s0 =	simm.s32 $0x400;
	s10 =	simm.s32 $0xD;
	s3 =	rddreg [dreg:$0x2]  }
0x2f8: {  	[spmem:s3] =	stream.indirect.scatter.add.f32 [tilespmem:s6], [sflag:$0xD], $0x80, s0, s7, $0xb8;
	[tilespmem:$0x1F000] =	vst v63  }
0x2f9: {  	_ =	swait.ge [sflag:s10], $0x2800  }
0x2fa: {  	[sflag:s10] =	ssyncset.done $0x0  }
0x2fb: {  	s12 =	simm.s32 $0x5;
	[sflag:s10] =	ssyncadd.s32 $0xFFFFD800  }
0x2fc: {  	_ =	swait.ge [sflag:s12], $0x50  }
0x2fd: {  	[sflag:s12] =	ssyncset.done $0x0  }
0x2fe: {  	[sflag:s12] =	ssyncadd.s32 $0xFFFFFFB0  }
0x2ff: {  	_ =	swait.ge [sflag:s12], $0x50  }
0x300: {  	[sflag:s12] =	ssyncset.done $0x0  }
0x301: {  	s16 =	simm.s32 $0xA;
	[sflag:s12] =	ssyncadd.s32 $0xFFFFFFB0  }
0x302: {  	[tilespmem:s6], [sflag:$0x9] =	stream.indirect.gather [hbm4b:s5+s7], $0x80, s13, s7, $0xb8;
	[tilespmem:$0x1F000] =	vst v63  }
0x303: {  	_ =	swait.ge [sflag:s16], $0x2800  }
0x304: {  	[sflag:s16] =	ssyncset.done $0x0  }
0x305: {  	s17 =	simm.s32 $0x480;
	s18 =	simm.s32 $0xE;
	[sflag:s16] =	ssyncadd.s32 $0xFFFFD800  }
0x306: {  	[spmem:s3] =	stream.indirect.scatter.add.f32 [tilespmem:s26], [sflag:$0xE], $0x80, s17, s7, $0xb8;
	[tilespmem:$0x1F000] =	vst v63  }
0x307: {  	_ =	swait.ge [sflag:s18], $0x2800  }
0x308: {  	[sflag:s18] =	ssyncset.done $0x0  }
0x309: {  	s19 =	simm.s32 $0xB;
	[sflag:s18] =	ssyncadd.s32 $0xFFFFD800  }
0x30a: {  	_ =	swait.ge [sflag:s19], $0x2800  }
0x30b: {  	[sflag:s19] =	ssyncset.done $0x0  }
0x30c: {  	s20 =	simm.s32 $0x500;
	s23 =	simm.s32 $0xF;
	[sflag:s19] =	ssyncadd.s32 $0xFFFFD800  }
0x30d: {  	[spmem:s3] =	stream.indirect.scatter.add.f32 [tilespmem:s29], [sflag:$0xF], $0x80, s20, s7, $0xb8;
	[tilespmem:$0x1F000] =	vst v63  }
0x30e: {  	_ =	swait.ge [sflag:s23], $0x2800  }
0x30f: {  	[sflag:s23] =	ssyncset.done $0x0  }
0x310: {  	s24 =	simm.s32 $0xC;
	[sflag:s23] =	ssyncadd.s32 $0xFFFFD800  }
0x311: {  	_ =	swait.ge [sflag:s24], $0x2800  }
0x312: {  	[sflag:s24] =	ssyncset.done $0x0  }
0x313: {  	s28 =	simm.s32 $0x10;
	s26 =	simm.s32 $0x580;
	[sflag:s24] =	ssyncadd.s32 $0xFFFFD800  }
0x314: {  	[spmem:s3] =	stream.indirect.scatter.add.f32 [tilespmem:s14], [sflag:$0x10], $0x80, s26, s7, $0xb8;
	[tilespmem:$0x1F000] =	vst v63  }
0x315: {  	_ =	swait.ge [sflag:s28], $0x2800  }
0x316: {  	[sflag:s28] =	ssyncset.done $0x0  }
0x317: {  	[sflag:s28] =	ssyncadd.s32 $0xFFFFD800  }
0x318: {  	_ =	swait.ge [sflag:s15], $0x2800  }
0x319: {  	[sflag:s15] =	ssyncset.done $0x0  }
0x31a: {  	[sflag:s15] =	ssyncadd.s32 $0xFFFFD800  }
0x31b: {  	[spmem:s3] =	stream.indirect.scatter.add.f32 [tilespmem:s6], [sflag:$0xD], $0x80, s22, s7, $0xb8;
	[tilespmem:$0x1F000] =	vst v63  }
0x31c: {  	_ =	swait.ge [sflag:s10], $0x2800  }
0x31d: {  	[sflag:s10] =	ssyncset.done $0x0  }
0x31e: {  	[sflag:s10] =	ssyncadd.s32 $0xFFFFD800  }
0x31f: {  	[bflag:$0x0] =	sbarrier.arrive $0xFFFF  }
0x320: {  	s10 =	sld [smem:$0x7FD]  }
0x321: {  	s29 =	stileid.u32;
	s18 =	sld [smem:$0x7D3]  }
0x322: {  	s8 =	sshll.u32 s29, $0x6  }
0x323: {  	s30 =	simm.s32 $0x12;
	s8 =	sor.u32 $0x1C12, s8;
	s17 =	sshrl.u32 s10, $0x3  }
0x324: {  	[hbm:s18], [sflag:s8] =	dma.local [spmem:s17], $0x2800  }
0x325: {  	_ =	swait.ge [sflag:s30], $0x2800  }
0x326: {  	s1 =	sld [smem:$0x7CF]  }
0x327: {  	s31 =	sld [smem:$0x7D4];
	_ =	sdelay $0x1  }
0x328: {  	s1 =	sadd.s32 $0x1, s1  }
0x329: {  	p0 =	sne.s32 s1, s31  }
.Ltmp1:
0x32a: {  	_ = 	snop;
	(pc) =	sbr.rel @p0 .LBB2_1-.Ltmp1, $4  }
0x32b: {  	s4 =	simm.s32 $0x0  }
0x32c: {  	s12 =	simm.s32 $0x80;
	s16 =	simm.s32 $0x7;
	s23 =	simm.s32 $0x680  }
0x32d: {  	s24 =	simm.s32 $0x300;
	s22 =	simm.s32 $0x280;
	[sflag:s30] =	ssyncset.done $0x0  }
0x32e: {  	s17 =	simm.s32 $0x100;
	s18 =	simm.s32 $0x700;
	[sflag:s30] =	ssyncadd.s32 $0xFFFFD800  }
0x32f: {  	_ =	sfence.sel $0x180000  }
0x330: {  	[bflag:$0x0] =	sbarrier.arrive $0xFFFF  }
0x331: {  	_ =	strace $0x9000004A  }
0x332: {  	s0 =	stileid.u32;
	[bflag:$0x2] =	sbarrier.arrive $0xFFFF  }
0x333: {  	p0 =	sne.s32 s0, $0x0;
	s0 =	rddreg [dreg:$0x3]  }
0x334: {  	s0 =	sadd.s32 @!p0 $0x100000, s0  }
0x335: {  	[sflag:s0] =	ssyncadd.tile.s32 @!p0 $0x1;
	_ =	shalt  }
.Lfunc_end2:
_tile_overlayer_lowered:
.L_overlay_start_2:
0x336: {  	(tag) =	ssettag $0x2  }
0x337: {  	s0 =	rddreg [dreg:$0x0];
	s2 =	stileid.u32  }
0x338: {  	s1 =	rddreg [dreg:$0x1];
	p0 =	sne.s32 s2, $0x0  }
0x339: {  	s3 =	rddreg [dreg:$0x2];
	[bflag:$0x3] =	sbarrier.arrive $0xFFFF;
	s2 =	simm.s32 @!p0 $0x1C12  }
0x33a: {  	[timem:s3], [sflag:s2] =	dma.local @!p0 [hbm:s0], s1  }
0x33b: {  	s0 =	simm.s32 @!p0 $0x12  }
0x33c: {  	_ =	swait.ge @!p0 [sflag:s0], s1  }
0x33d: {  	s1 =	ssub.s32 @!p0 $0x0, s1;
	[sflag:s0] =	ssyncset.done @!p0 $0x0  }
0x33e: {  	[sflag:s0] =	ssyncadd.s32 @!p0 s1  }
0x33f: {  	[bflag:$0x3] =	sbarrier.arrive $0xFFFF  }
0x340: {  	_ =	shalt  }

</sc_bundles>
